<compile_context>
chip_gen: v7x
topology: tpu7x:2x2x1
jax: 0.10.2.dev20260603
libtpu: 0.0.44.dev20260713+nightly
codegen_flags: <defaults>
</compile_context>

<pallas_src>
import dataclasses
import functools

import jax
import jax.numpy as jnp
from jax import lax
from jax.experimental import pallas as pl
from jax.experimental.pallas import tpu as pltpu
from jax.experimental.pallas import tpu_sc as plsc

N = 10000
E = 320000
D_IN = 128
H1 = 256
H2 = 256
OUT = 64

def _sc_compiler_params():
    cp = pltpu.CompilerParams()
    if "needs_layout_passes" in pltpu.CompilerParams.__dataclass_fields__:
        cp = dataclasses.replace(cp, needs_layout_passes=False)
    return cp


IB = 128
NCHUNK = E // IB
NCHUNK_PAD = 2512
NTILES = 16
ROWS_MAIN = 632
ROWS_LAST = N - 15 * ROWS_MAIN
KMAX = (NCHUNK + NTILES - 1) // NTILES


def _pipelined_segsum(table, sd_hbm, idxb, rows_v, isem, gsems, acc,
                      base, nk, nkmax, deg_fn=None):

    ssems = gsems[2:]
    gsems = gsems[:2]

    def issue_gather(kk, pr, pi):
        @pl.when(kk < nk)
        def _():
            pltpu.async_copy(table.at[idxb.at[pi].at[0]], rows_v.at[pr],
                             gsems[pr])

    pltpu.sync_copy(sd_hbm.at[base], idxb.at[0])

    @pl.when(1 < nk)
    def _():
        pltpu.sync_copy(sd_hbm.at[base + 1], idxb.at[1])

    issue_gather(0, 0, 0)

    nphase = 4 * ((nkmax + 1 + 3) // 4)

    @pl.loop(0, nphase // 4)
    def _(q):
        kk0 = q * 4
        for j in range(4):
            kk = kk0 + j
            pr = j % 2
            o = 1 - pr
            pi = j % 4

            @pl.when((kk >= 1) & (kk + 1 < nk))
            def _():
                pltpu.make_async_copy(sd_hbm.at[base + kk + 1],
                                      idxb.at[(pi + 1) % 4], isem).wait()

            @pl.when((kk >= 1) & (kk - 1 < nk))
            def _():
                pltpu.make_async_copy(
                    rows_v.at[o], acc.at[idxb.at[(pi + 3) % 4].at[1]],
                    ssems[o]).wait()

            issue_gather(kk + 1, o, (pi + 1) % 4)

            @pl.when(kk < nk)
            def _():
                pltpu.make_async_copy(table.at[idxb.at[pi].at[0]],
                                      rows_v.at[pr], gsems[pr]).wait()
                pltpu.async_copy(rows_v.at[pr],
                                 acc.at[idxb.at[pi].at[1]], ssems[pr],
                                 add=True)
                if deg_fn is not None:
                    deg_fn(pi)

            @pl.when(kk + 2 < nk)
            def _():
                pltpu.async_copy(sd_hbm.at[base + kk + 2],
                                 idxb.at[(pi + 2) % 4], isem)


def _sc_layer1():
    W = D_IN
    mesh = plsc.VectorSubcoreMesh(core_axis_name="c", subcore_axis_name="s")
    out_types = (jax.ShapeDtypeStruct((2, N, W), jnp.float32),
                 jax.ShapeDtypeStruct((2 * NTILES * N,), jnp.float32))
    half = NCHUNK // 2
    nkmax = half // NTILES + 1
    scratch = [
        pltpu.VMEM((4, 2, IB), jnp.int32),
        pltpu.VMEM((2, IB, W), jnp.float32),
        pltpu.VMEM((N,), jnp.float32),
        pltpu.VMEM_SHARED((N, W), jnp.float32),
        pltpu.SemaphoreType.DMA,
        pltpu.SemaphoreType.DMA,
        pltpu.SemaphoreType.DMA,
        pltpu.SemaphoreType.DMA,
        pltpu.SemaphoreType.DMA,
    ]

    def body(table, sd_hbm, zW_hbm, out, deg_out, idxb, rows_v, degp,
             acc, isem, gsem0, gsem1, ssem0, ssem1):
        c = lax.axis_index("c")
        s = lax.axis_index("s")
        r0 = s * ROWS_MAIN

        def rowcopy(src_ref, dst_ref):
            @pl.when(s < NTILES - 1)
            def _():
                pltpu.sync_copy(src_ref.at[pl.ds(r0, ROWS_MAIN)],
                                dst_ref.at[pl.ds(r0, ROWS_MAIN)])

            @pl.when(s == NTILES - 1)
            def _():
                pltpu.sync_copy(src_ref.at[pl.ds(r0, ROWS_LAST)],
                                dst_ref.at[pl.ds(r0, ROWS_LAST)])

        @pl.loop(0, N // 16)
        def _(i):
            degp[pl.ds(i * 16, 16)] = jnp.zeros((16,), jnp.float32)

        rowcopy(zW_hbm, acc)
        plsc.subcore_barrier()

        base = c * half + s * (half // NTILES) + jnp.minimum(s, 2)
        nk = jnp.where(s < 2, nkmax, nkmax - 1)

        def deg_fn(p):
            @pl.loop(0, IB // 16)
            def _(j):
                idx = idxb[p, 1, pl.ds(j * 16, 16)]
                plsc.addupdate_scatter(degp, [idx],
                                       jnp.ones((16,), jnp.float32))

        _pipelined_segsum(table, sd_hbm, idxb, rows_v, isem,
                          (gsem0, gsem1, ssem0, ssem1), acc, base, nk,
                          nkmax, deg_fn)

        plsc.subcore_barrier()
        rowcopy(acc, out.at[c])
        wid = c * NTILES + s
        pltpu.sync_copy(degp, deg_out.at[pl.ds(wid * N, N)])

    return functools.partial(pl.kernel, mesh=mesh, out_type=out_types,
                             scratch_types=scratch,
                             compiler_params=_sc_compiler_params())(body)


def _sc_layer2():
    W = H1 // 2
    mesh = plsc.VectorSubcoreMesh(core_axis_name="c", subcore_axis_name="s")
    out_types = (jax.ShapeDtypeStruct((N, W), jnp.float32),
                 jax.ShapeDtypeStruct((N, W), jnp.float32))
    nkmax = NCHUNK // NTILES + 1
    scratch = [
        pltpu.VMEM((4, 2, IB), jnp.int32),
        pltpu.VMEM((2, IB, W), jnp.float32),
        pltpu.VMEM_SHARED((N, W), jnp.float32),
        pltpu.SemaphoreType.DMA,
        pltpu.SemaphoreType.DMA,
        pltpu.SemaphoreType.DMA,
        pltpu.SemaphoreType.DMA,
        pltpu.SemaphoreType.DMA,
    ]

    def body(tA, tB, sd_hbm, zW_hbm, outA, outB, idxb, rows_v, acc,
             isem, gsem0, gsem1, ssem0, ssem1):
        c = lax.axis_index("c")
        s = lax.axis_index("s")
        r0 = s * ROWS_MAIN

        def rowcopy(src_ref, dst_ref):
            @pl.when(s < NTILES - 1)
            def _():
                pltpu.sync_copy(src_ref.at[pl.ds(r0, ROWS_MAIN)],
                                dst_ref.at[pl.ds(r0, ROWS_MAIN)])

            @pl.when(s == NTILES - 1)
            def _():
                pltpu.sync_copy(src_ref.at[pl.ds(r0, ROWS_LAST)],
                                dst_ref.at[pl.ds(r0, ROWS_LAST)])

        base = s * (NCHUNK // NTILES) + jnp.minimum(s, 4)
        nk = jnp.where(s < 4, nkmax, nkmax - 1)

        def core_prog(table, out):
            rowcopy(zW_hbm, acc)
            plsc.subcore_barrier()

            _pipelined_segsum(table, sd_hbm, idxb, rows_v, isem,
                              (gsem0, gsem1, ssem0, ssem1), acc,
                              base, nk, nkmax)

            plsc.subcore_barrier()
            rowcopy(acc, out)

        @pl.when(c == 0)
        def _():
            core_prog(tA, outA)

        @pl.when(c == 1)
        def _():
            core_prog(tB, outB)

    return functools.partial(pl.kernel, mesh=mesh, out_type=out_types,
                             scratch_types=scratch,
                             compiler_params=_sc_compiler_params())(body)


def _tc_layer1(x, part, dpart, W1l, W1r, b1):
    RB = 2000

    def body(x_r, p_r, d_r, wl_r, wr_r, b_r, hA_r, hB_r):
        deg = jnp.sum(d_r[...], axis=1, keepdims=True)
        inv = 1.0 / jnp.maximum(deg, 1.0)
        mean = (p_r[0] + p_r[1]) * inv
        h = (jnp.dot(mean, wl_r[...], preferred_element_type=jnp.float32)
             + jnp.dot(x_r[...], wr_r[...], preferred_element_type=jnp.float32)
             + b_r[...])
        h = jnp.maximum(h, 0.0)
        hA_r[...] = h[:, :H1 // 2]
        hB_r[...] = h[:, H1 // 2:]

    grid = (N // RB,)
    row_spec = lambda w: pl.BlockSpec((RB, w), lambda i: (i, 0))
    stk_spec = lambda w: pl.BlockSpec((2, RB, w), lambda i: (0, i, 0))
    full_spec = lambda a, b: pl.BlockSpec((a, b), lambda i: (0, 0))
    return pl.pallas_call(
        body,
        grid=grid,
        in_specs=[row_spec(D_IN), stk_spec(D_IN), row_spec(2 * NTILES),
                  full_spec(D_IN, H1), full_spec(D_IN, H1), full_spec(1, H1)],
        out_specs=[row_spec(H1 // 2), row_spec(H1 // 2)],
        out_shape=[jax.ShapeDtypeStruct((N, H1 // 2), jnp.float32),
                   jax.ShapeDtypeStruct((N, H1 // 2), jnp.float32)],
    )(x, part, dpart, W1l, W1r, b1)


def _tc_layer2_final(hA, hB, aA, aB, dpart, W2l, W2r, b2, Wlin, blin):
    RB = 2000

    def body(hA_r, hB_r, aA_r, aB_r, d_r, wl_r, wr_r, b_r,
             wlin_r, blin_r, out_r):
        deg = jnp.sum(d_r[...], axis=1, keepdims=True)
        inv = 1.0 / jnp.maximum(deg, 1.0)
        mean = jnp.concatenate([aA_r[...], aB_r[...]], axis=1) * inv
        h1 = jnp.concatenate([hA_r[...], hB_r[...]], axis=1)
        h2 = (jnp.dot(mean, wl_r[...], preferred_element_type=jnp.float32)
              + jnp.dot(h1, wr_r[...], preferred_element_type=jnp.float32)
              + b_r[...])
        h2 = jnp.maximum(h2, 0.0)
        o = jnp.dot(h2, wlin_r[...], preferred_element_type=jnp.float32) \
            + blin_r[...]
        m = jnp.max(o, axis=1, keepdims=True)
        lse = m + jnp.log(jnp.sum(jnp.exp(o - m), axis=1, keepdims=True))
        out_r[...] = o - lse

    grid = (N // RB,)
    row_spec = lambda w: pl.BlockSpec((RB, w), lambda i: (i, 0))
    stk_spec = lambda w: pl.BlockSpec((2, RB, w), lambda i: (0, i, 0))
    full_spec = lambda a, b: pl.BlockSpec((a, b), lambda i: (0, 0))
    return pl.pallas_call(
        body,
        grid=grid,
        in_specs=[row_spec(H1 // 2), row_spec(H1 // 2),
                  row_spec(H2 // 2), row_spec(H2 // 2), row_spec(2 * NTILES),
                  full_spec(H1, H2), full_spec(H1, H2), full_spec(1, H2),
                  full_spec(H2, OUT), full_spec(1, OUT)],
        out_specs=row_spec(OUT),
        out_shape=jax.ShapeDtypeStruct((N, OUT), jnp.float32),
    )(hA, hB, aA, aB, dpart, W2l, W2r, b2, Wlin, blin)


def kernel(x, edge_index, W1l, W1r, b1, W2l, W2r, b2, Wlin, blin):
    src = edge_index[0].astype(jnp.int32)
    dst = edge_index[1].astype(jnp.int32)
    sd = jnp.stack([src.reshape(NCHUNK, IB), dst.reshape(NCHUNK, IB)], axis=1)
    sd = jnp.concatenate(
        [sd, jnp.zeros((NCHUNK_PAD - NCHUNK, 2, IB), jnp.int32)], axis=0)

    z128 = jnp.zeros((N, 128), jnp.float32)
    z16 = jnp.zeros((N, 16), jnp.float32)

    part, dego = _sc_layer1()(x, sd, z128)
    dpart = dego.reshape(2 * NTILES, N).T

    hA, hB = _tc_layer1(x, part, dpart, W1l, W1r, b1.reshape(1, H1))

    agg2A, agg2B = _sc_layer2()(hA, hB, sd, z128)

    return _tc_layer2_final(hA, hB, agg2A, agg2B, dpart, W2l, W2r,
                            b2.reshape(1, H2), Wlin, blin.reshape(1, OUT))

# --- scband reference (transcript-rebuilt; emitter-appended) ---
"""Pipeline reference for scband-graph-sagemodel-40355512713799 (READ-ONLY COPY).

The authoritative reference and input builder live on the scoring server;
editing this copy changes nothing except your own understanding.
"""

import jax, jax.numpy as jnp
import numpy as np

N = 10000
E = 320000
D_IN = 128
H1 = 256
H2 = 256
OUT = 64


def setup_inputs(seed: int = 0) -> dict:
    key = jax.random.key(seed)
    ks = jax.random.split(key, 12)
    x = jax.random.normal(ks[0], (N, D_IN), dtype=jnp.float32)
    edge_index = jax.random.randint(ks[1], (2, E), 0, N)
    s1 = 1.0 / np.sqrt(D_IN)
    s2 = 1.0 / np.sqrt(H1)
    s3 = 1.0 / np.sqrt(H2)
    W1l = jax.random.normal(ks[2], (D_IN, H1), dtype=jnp.float32) * s1
    W1r = jax.random.normal(ks[3], (D_IN, H1), dtype=jnp.float32) * s1
    b1 = jax.random.normal(ks[4], (H1,), dtype=jnp.float32) * s1
    W2l = jax.random.normal(ks[5], (H1, H2), dtype=jnp.float32) * s2
    W2r = jax.random.normal(ks[6], (H1, H2), dtype=jnp.float32) * s2
    b2 = jax.random.normal(ks[7], (H2,), dtype=jnp.float32) * s2
    Wlin = jax.random.normal(ks[8], (H2, OUT), dtype=jnp.float32) * s3
    blin = jax.random.normal(ks[9], (OUT,), dtype=jnp.float32) * s3
    return {"x": x, "edge_index": edge_index, "W1l": W1l, "W1r": W1r, "b1": b1,
            "W2l": W2l, "W2r": W2r, "b2": b2, "Wlin": Wlin, "blin": blin}


def _sage_conv(x, edge_index, Wl, b, Wr):
    # PyG SAGEConv (mean aggregation): out = lin_l(mean_neighbors(x)) + lin_r(x)
    src = edge_index[0]
    dst = edge_index[1]
    msgs = jnp.take(x, src, axis=0)
    agg = jax.ops.segment_sum(msgs, dst, num_segments=N)
    deg = jax.ops.segment_sum(jnp.ones((E,), dtype=x.dtype), dst, num_segments=N)
    mean = agg / jnp.clip(deg, 1.0, None)[:, None]
    return mean @ Wl + b + x @ Wr


def reference(x, edge_index, W1l, W1r, b1, W2l, W2r, b2, Wlin, blin):
    # dropout is identity in eval mode (training=False)
    h = jax.nn.relu(_sage_conv(x, edge_index, W1l, b1, W1r))
    h = jax.nn.relu(_sage_conv(h, edge_index, W2l, b2, W2r))
    out = h @ Wlin + blin
    return jax.nn.log_softmax(out, axis=1)

if __name__ == "__main__":
    import jax
    _d = setup_inputs()
    print(jax.jit(kernel)(*tuple(_d.values())))

</pallas_src>

<mosaic_0001>
#map = affine_map<(d0, d1) -> (0, 0)>
#map1 = affine_map<(d0, d1) -> (0, 0, 0)>
#map2 = affine_map<(d0, d1) -> (0)>
module attributes {stable_mosaic.version = 14 : i64} {
  func.func @body(%arg0: i32, %arg1: i32, %arg2: memref<10000x128xf32, #tpu.memory_space<hbm>>, %arg3: memref<2512x2x128xi32, #tpu.memory_space<hbm>>, %arg4: memref<10000x128xf32, #tpu.memory_space<hbm>>, %arg5: memref<2x10000x128xf32, #tpu.memory_space<hbm>>, %arg6: memref<320000xf32, #tpu.memory_space<hbm>>, %arg7: memref<4x2x128xi32, #tpu.memory_space<vmem>>, %arg8: memref<2x128x128xf32, #tpu.memory_space<vmem>>, %arg9: memref<10000xf32, #tpu.memory_space<vmem>>, %arg10: memref<10000x128xf32, #tpu.memory_space<vmem_shared>>, %arg11: memref<!tpu.dma_semaphore, #tpu.memory_space<semaphore_mem>>, %arg12: memref<!tpu.dma_semaphore, #tpu.memory_space<semaphore_mem>>, %arg13: memref<!tpu.dma_semaphore, #tpu.memory_space<semaphore_mem>>, %arg14: memref<!tpu.dma_semaphore, #tpu.memory_space<semaphore_mem>>, %arg15: memref<!tpu.dma_semaphore, #tpu.memory_space<semaphore_mem>>) attributes {dimension_semantics = [#tpu.dimension_semantics<core_parallel>, #tpu.dimension_semantics<subcore_parallel>], iteration_bounds = array<i64: 2, 16>, scalar_prefetch = 0 : i64, scratch_operands = 9 : i64, tpu.core_type = #tpu.core_type<sc_vector_subcore>, window_params = [{transform_indices = #map}, {transform_indices = #map1}, {transform_indices = #map}, {transform_indices = #map1}, {transform_indices = #map2}]} {
    %mul3A = arith.constant 632 : i32
    %mul3A_0 = arith.muli %arg1, %mul3A : i32
    %scan3A = arith.constant 0 : i32
    %scan3A_1 = arith.constant 625 : i32
    %scan3A_2 = arith.addi %scan3A, %scan3A_1 : i32
    %scan3A_3 = arith.constant 1 : i32
    scf.for %scan3A_50 = %scan3A to %scan3A_2 step %scan3A_3  : i32 {
      %mul3A_51 = arith.constant 1 : i32
      %mul3A_52 = arith.muli %scan3A_50, %mul3A_51 : i32
      %add3A_53 = arith.constant 0 : i32
      %add3A_54 = arith.addi %add3A_53, %mul3A_52 : i32
      %broadcast_in_dim3A = arith.constant 0.000000e+00 : f32
      %broadcast_in_dim3A_55 = vector.broadcast %broadcast_in_dim3A : f32 to vector<16xf32>
      %mul3A_56 = arith.constant 16 : i32
      %mul3A_57 = arith.muli %add3A_54, %mul3A_56 : i32
      %swap3A = arith.index_cast %mul3A_57 : i32 to index
      %swap3A_58 = tpu.vector_load %arg9[%swap3A] {strides = array<i32>} : memref<10000xf32, #tpu.memory_space<vmem>>, vector<16xf32>,
      tpu.vector_store %arg9[%swap3A], %broadcast_in_dim3A_55 {strides = array<i32>} : memref<10000xf32, #tpu.memory_space<vmem>>, vector<16xf32>,
    }
    %scan3A_4 = arith.constant 625 : i32
    %lt3A = arith.constant 15 : i32
    %lt3A_5 = arith.cmpi slt, %arg1, %lt3A : i32
    %convert_element_type3A = arith.extui %lt3A_5 : i1 to i32
    %cond3A = arith.constant 0 : i32
    %cond3A_6 = arith.cmpi ne, %convert_element_type3A, %cond3A : i32
    scf.if %cond3A_6 {
      "tpu.region"() ({
        %run_scoped3A_50 = tpu.sem_alloc : memref<!tpu.dma_semaphore, #tpu.memory_space<semaphore_mem>>
        %dma_start3A = arith.constant 0 : i32
        %dma_start3A_51 = tpu.memref_slice %arg10[%mul3A_0, %dma_start3A] : memref<10000x128xf32, #tpu.memory_space<vmem_shared>> -> memref<632x128xf32, #tpu.memory_space<vmem_shared>>
        %dma_start3A_52 = arith.constant 0 : i32
        %dma_start3A_53 = tpu.memref_slice %arg4[%mul3A_0, %dma_start3A_52] : memref<10000x128xf32, #tpu.memory_space<hbm>> -> memref<632x128xf32, #tpu.memory_space<hbm>>
        tpu.enqueue_dma source(%dma_start3A_53 : memref<632x128xf32, #tpu.memory_space<hbm>>) target(%dma_start3A_51 : memref<632x128xf32, #tpu.memory_space<vmem_shared>>) target_semaphore(%run_scoped3A_50 : memref<!tpu.dma_semaphore, #tpu.memory_space<semaphore_mem>>)
        %dma_wait3A = arith.constant 0 : i32
        %dma_wait3A_54 = tpu.memref_slice %arg10[%mul3A_0, %dma_wait3A] : memref<10000x128xf32, #tpu.memory_space<vmem_shared>> -> memref<632x128xf32, #tpu.memory_space<vmem_shared>>
        %dma_wait3A_55 = arith.constant 0 : i32
        %dma_wait3A_56 = tpu.memref_slice %arg4[%mul3A_0, %dma_wait3A_55] : memref<10000x128xf32, #tpu.memory_space<hbm>> -> memref<632x128xf32, #tpu.memory_space<hbm>>
        tpu.wait_dma2 semaphore(%run_scoped3A_50 : memref<!tpu.dma_semaphore, #tpu.memory_space<semaphore_mem>>) src(%dma_wait3A_56 : memref<632x128xf32, #tpu.memory_space<hbm>>) dst(%dma_wait3A_54 : memref<632x128xf32, #tpu.memory_space<vmem_shared>>)
        tpu.yield
      }) : () -> ()
    } else {
    }
    %eq3A = arith.constant 15 : i32
    %eq3A_7 = arith.cmpi eq, %arg1, %eq3A : i32
    %convert_element_type3A_8 = arith.extui %eq3A_7 : i1 to i32
    %cond3A_9 = arith.constant 0 : i32
    %cond3A_10 = arith.cmpi ne, %convert_element_type3A_8, %cond3A_9 : i32
    scf.if %cond3A_10 {
      "tpu.region"() ({
        %run_scoped3A_50 = tpu.sem_alloc : memref<!tpu.dma_semaphore, #tpu.memory_space<semaphore_mem>>
        %dma_start3A = arith.constant 0 : i32
        %dma_start3A_51 = tpu.memref_slice %arg10[%mul3A_0, %dma_start3A] : memref<10000x128xf32, #tpu.memory_space<vmem_shared>> -> memref<520x128xf32, #tpu.memory_space<vmem_shared>>
        %dma_start3A_52 = arith.constant 0 : i32
        %dma_start3A_53 = tpu.memref_slice %arg4[%mul3A_0, %dma_start3A_52] : memref<10000x128xf32, #tpu.memory_space<hbm>> -> memref<520x128xf32, #tpu.memory_space<hbm>>
        tpu.enqueue_dma source(%dma_start3A_53 : memref<520x128xf32, #tpu.memory_space<hbm>>) target(%dma_start3A_51 : memref<520x128xf32, #tpu.memory_space<vmem_shared>>) target_semaphore(%run_scoped3A_50 : memref<!tpu.dma_semaphore, #tpu.memory_space<semaphore_mem>>)
        %dma_wait3A = arith.constant 0 : i32
        %dma_wait3A_54 = tpu.memref_slice %arg10[%mul3A_0, %dma_wait3A] : memref<10000x128xf32, #tpu.memory_space<vmem_shared>> -> memref<520x128xf32, #tpu.memory_space<vmem_shared>>
        %dma_wait3A_55 = arith.constant 0 : i32
        %dma_wait3A_56 = tpu.memref_slice %arg4[%mul3A_0, %dma_wait3A_55] : memref<10000x128xf32, #tpu.memory_space<hbm>> -> memref<520x128xf32, #tpu.memory_space<hbm>>
        tpu.wait_dma2 semaphore(%run_scoped3A_50 : memref<!tpu.dma_semaphore, #tpu.memory_space<semaphore_mem>>) src(%dma_wait3A_56 : memref<520x128xf32, #tpu.memory_space<hbm>>) dst(%dma_wait3A_54 : memref<520x128xf32, #tpu.memory_space<vmem_shared>>)
        tpu.yield
      }) : () -> ()
    } else {
    }
    %barrier3A = arith.constant 0 : index
    tpu.barrier barrier_id(%barrier3A)
    %mul3A_11 = arith.constant 1250 : i32
    %mul3A_12 = arith.muli %arg0, %mul3A_11 : i32
    %mul3A_13 = arith.constant 78 : i32
    %mul3A_14 = arith.muli %arg1, %mul3A_13 : i32
    %add3A = arith.addi %mul3A_12, %mul3A_14 : i32
    %min3A = arith.constant 2 : i32
    %min3A_15 = arith.minsi %arg1, %min3A : i32
    %add3A_16 = arith.addi %add3A, %min3A_15 : i32
    %lt3A_17 = arith.constant 2 : i32
    %lt3A_18 = arith.cmpi slt, %arg1, %lt3A_17 : i32
    %jit3A = arith.constant 79 : i32
    %jit3A_19 = arith.constant 78 : i32
    %select_n3A = arith.select %lt3A_18, %jit3A, %jit3A_19 : i32
    %run_scoped3A = arith.constant 0 : i32
    "tpu.region"() ({
      %run_scoped3A_50 = tpu.sem_alloc : memref<!tpu.dma_semaphore, #tpu.memory_space<semaphore_mem>>
      %dma_start3A = arith.constant 0 : i32
      %dma_start3A_51 = arith.constant 0 : i32
      %dma_start3A_52 = tpu.memref_slice %arg7[%run_scoped3A, %dma_start3A, %dma_start3A_51] : memref<4x2x128xi32, #tpu.memory_space<vmem>> -> memref<1x2x128xi32, #tpu.memory_space<vmem>>
      %dma_start3A_53 = tpu.memref_squeeze %dma_start3A_52 : memref<1x2x128xi32, #tpu.memory_space<vmem>> -> memref<2x128xi32, #tpu.memory_space<vmem>>
      %dma_start3A_54 = arith.constant 0 : i32
      %dma_start3A_55 = arith.constant 0 : i32
      %dma_start3A_56 = tpu.memref_slice %arg3[%add3A_16, %dma_start3A_54, %dma_start3A_55] : memref<2512x2x128xi32, #tpu.memory_space<hbm>> -> memref<1x2x128xi32, #tpu.memory_space<hbm>>
      %dma_start3A_57 = tpu.memref_squeeze %dma_start3A_56 : memref<1x2x128xi32, #tpu.memory_space<hbm>> -> memref<2x128xi32, #tpu.memory_space<hbm>>
      %dma_start3A_58 = arith.constant 0 : i32
      %dma_start3A_59 = arith.constant 0 : i32
      %dma_start3A_60 = tpu.memref_slice %arg7[%run_scoped3A, %dma_start3A_58, %dma_start3A_59] : memref<4x2x128xi32, #tpu.memory_space<vmem>> -> memref<1x2x128xi32, #tpu.memory_space<vmem>>
      %dma_start3A_61 = tpu.memref_squeeze %dma_start3A_60 : memref<1x2x128xi32, #tpu.memory_space<vmem>> -> memref<2x128xi32, #tpu.memory_space<vmem>>
      %dma_start3A_62 = arith.constant 0 : i32
      %dma_start3A_63 = arith.constant 0 : i32
      %dma_start3A_64 = tpu.memref_slice %arg3[%add3A_16, %dma_start3A_62, %dma_start3A_63] : memref<2512x2x128xi32, #tpu.memory_space<hbm>> -> memref<1x2x128xi32, #tpu.memory_space<hbm>>
      %dma_start3A_65 = tpu.memref_squeeze %dma_start3A_64 : memref<1x2x128xi32, #tpu.memory_space<hbm>> -> memref<2x128xi32, #tpu.memory_space<hbm>>
      tpu.enqueue_dma source(%dma_start3A_65 : memref<2x128xi32, #tpu.memory_space<hbm>>) target(%dma_start3A_61 : memref<2x128xi32, #tpu.memory_space<vmem>>) target_semaphore(%run_scoped3A_50 : memref<!tpu.dma_semaphore, #tpu.memory_space<semaphore_mem>>)
      %dma_wait3A = arith.constant 0 : i32
      %dma_wait3A_66 = arith.constant 0 : i32
      %dma_wait3A_67 = tpu.memref_slice %arg7[%run_scoped3A, %dma_wait3A, %dma_wait3A_66] : memref<4x2x128xi32, #tpu.memory_space<vmem>> -> memref<1x2x128xi32, #tpu.memory_space<vmem>>
      %dma_wait3A_68 = tpu.memref_squeeze %dma_wait3A_67 : memref<1x2x128xi32, #tpu.memory_space<vmem>> -> memref<2x128xi32, #tpu.memory_space<vmem>>
      %dma_wait3A_69 = arith.constant 0 : i32
      %dma_wait3A_70 = arith.constant 0 : i32
      %dma_wait3A_71 = tpu.memref_slice %arg3[%add3A_16, %dma_wait3A_69, %dma_wait3A_70] : memref<2512x2x128xi32, #tpu.memory_space<hbm>> -> memref<1x2x128xi32, #tpu.memory_space<hbm>>
      %dma_wait3A_72 = tpu.memref_squeeze %dma_wait3A_71 : memref<1x2x128xi32, #tpu.memory_space<hbm>> -> memref<2x128xi32, #tpu.memory_space<hbm>>
      %dma_wait3A_73 = arith.constant 0 : i32
      %dma_wait3A_74 = arith.constant 0 : i32
      %dma_wait3A_75 = tpu.memref_slice %arg7[%run_scoped3A, %dma_wait3A_73, %dma_wait3A_74] : memref<4x2x128xi32, #tpu.memory_space<vmem>> -> memref<1x2x128xi32, #tpu.memory_space<vmem>>
      %dma_wait3A_76 = tpu.memref_squeeze %dma_wait3A_75 : memref<1x2x128xi32, #tpu.memory_space<vmem>> -> memref<2x128xi32, #tpu.memory_space<vmem>>
      %dma_wait3A_77 = arith.constant 0 : i32
      %dma_wait3A_78 = arith.constant 0 : i32
      %dma_wait3A_79 = tpu.memref_slice %arg3[%add3A_16, %dma_wait3A_77, %dma_wait3A_78] : memref<2512x2x128xi32, #tpu.memory_space<hbm>> -> memref<1x2x128xi32, #tpu.memory_space<hbm>>
      %dma_wait3A_80 = tpu.memref_squeeze %dma_wait3A_79 : memref<1x2x128xi32, #tpu.memory_space<hbm>> -> memref<2x128xi32, #tpu.memory_space<hbm>>
      tpu.wait_dma2 semaphore(%run_scoped3A_50 : memref<!tpu.dma_semaphore, #tpu.memory_space<semaphore_mem>>) src(%dma_wait3A_80 : memref<2x128xi32, #tpu.memory_space<hbm>>) dst(%dma_wait3A_76 : memref<2x128xi32, #tpu.memory_space<vmem>>)
      tpu.yield
    }) : () -> ()
    %gt3A = arith.constant 1 : i32
    %gt3A_20 = arith.cmpi sgt, %select_n3A, %gt3A : i32
    %convert_element_type3A_21 = arith.extui %gt3A_20 : i1 to i32
    %cond3A_22 = arith.constant 0 : i32
    %cond3A_23 = arith.cmpi ne, %convert_element_type3A_21, %cond3A_22 : i32
    scf.if %cond3A_23 {
      %add3A_50 = arith.constant 1 : i32
      %add3A_51 = arith.addi %add3A_16, %add3A_50 : i32
      %run_scoped3A_52 = arith.constant 1 : i32
      "tpu.region"() ({
        %run_scoped3A_53 = tpu.sem_alloc : memref<!tpu.dma_semaphore, #tpu.memory_space<semaphore_mem>>
        %dma_start3A = arith.constant 0 : i32
        %dma_start3A_54 = arith.constant 0 : i32
        %dma_start3A_55 = tpu.memref_slice %arg7[%run_scoped3A_52, %dma_start3A, %dma_start3A_54] : memref<4x2x128xi32, #tpu.memory_space<vmem>> -> memref<1x2x128xi32, #tpu.memory_space<vmem>>
        %dma_start3A_56 = tpu.memref_squeeze %dma_start3A_55 : memref<1x2x128xi32, #tpu.memory_space<vmem>> -> memref<2x128xi32, #tpu.memory_space<vmem>>
        %dma_start3A_57 = arith.constant 0 : i32
        %dma_start3A_58 = arith.constant 0 : i32
        %dma_start3A_59 = tpu.memref_slice %arg3[%add3A_51, %dma_start3A_57, %dma_start3A_58] : memref<2512x2x128xi32, #tpu.memory_space<hbm>> -> memref<1x2x128xi32, #tpu.memory_space<hbm>>
        %dma_start3A_60 = tpu.memref_squeeze %dma_start3A_59 : memref<1x2x128xi32, #tpu.memory_space<hbm>> -> memref<2x128xi32, #tpu.memory_space<hbm>>
        %dma_start3A_61 = arith.constant 0 : i32
        %dma_start3A_62 = arith.constant 0 : i32
        %dma_start3A_63 = tpu.memref_slice %arg7[%run_scoped3A_52, %dma_start3A_61, %dma_start3A_62] : memref<4x2x128xi32, #tpu.memory_space<vmem>> -> memref<1x2x128xi32, #tpu.memory_space<vmem>>
        %dma_start3A_64 = tpu.memref_squeeze %dma_start3A_63 : memref<1x2x128xi32, #tpu.memory_space<vmem>> -> memref<2x128xi32, #tpu.memory_space<vmem>>
        %dma_start3A_65 = arith.constant 0 : i32
        %dma_start3A_66 = arith.constant 0 : i32
        %dma_start3A_67 = tpu.memref_slice %arg3[%add3A_51, %dma_start3A_65, %dma_start3A_66] : memref<2512x2x128xi32, #tpu.memory_space<hbm>> -> memref<1x2x128xi32, #tpu.memory_space<hbm>>
        %dma_start3A_68 = tpu.memref_squeeze %dma_start3A_67 : memref<1x2x128xi32, #tpu.memory_space<hbm>> -> memref<2x128xi32, #tpu.memory_space<hbm>>
        tpu.enqueue_dma source(%dma_start3A_68 : memref<2x128xi32, #tpu.memory_space<hbm>>) target(%dma_start3A_64 : memref<2x128xi32, #tpu.memory_space<vmem>>) target_semaphore(%run_scoped3A_53 : memref<!tpu.dma_semaphore, #tpu.memory_space<semaphore_mem>>)
        %dma_wait3A = arith.constant 0 : i32
        %dma_wait3A_69 = arith.constant 0 : i32
        %dma_wait3A_70 = tpu.memref_slice %arg7[%run_scoped3A_52, %dma_wait3A, %dma_wait3A_69] : memref<4x2x128xi32, #tpu.memory_space<vmem>> -> memref<1x2x128xi32, #tpu.memory_space<vmem>>
        %dma_wait3A_71 = tpu.memref_squeeze %dma_wait3A_70 : memref<1x2x128xi32, #tpu.memory_space<vmem>> -> memref<2x128xi32, #tpu.memory_space<vmem>>
        %dma_wait3A_72 = arith.constant 0 : i32
        %dma_wait3A_73 = arith.constant 0 : i32
        %dma_wait3A_74 = tpu.memref_slice %arg3[%add3A_51, %dma_wait3A_72, %dma_wait3A_73] : memref<2512x2x128xi32, #tpu.memory_space<hbm>> -> memref<1x2x128xi32, #tpu.memory_space<hbm>>
        %dma_wait3A_75 = tpu.memref_squeeze %dma_wait3A_74 : memref<1x2x128xi32, #tpu.memory_space<hbm>> -> memref<2x128xi32, #tpu.memory_space<hbm>>
        %dma_wait3A_76 = arith.constant 0 : i32
        %dma_wait3A_77 = arith.constant 0 : i32
        %dma_wait3A_78 = tpu.memref_slice %arg7[%run_scoped3A_52, %dma_wait3A_76, %dma_wait3A_77] : memref<4x2x128xi32, #tpu.memory_space<vmem>> -> memref<1x2x128xi32, #tpu.memory_space<vmem>>
        %dma_wait3A_79 = tpu.memref_squeeze %dma_wait3A_78 : memref<1x2x128xi32, #tpu.memory_space<vmem>> -> memref<2x128xi32, #tpu.memory_space<vmem>>
        %dma_wait3A_80 = arith.constant 0 : i32
        %dma_wait3A_81 = arith.constant 0 : i32
        %dma_wait3A_82 = tpu.memref_slice %arg3[%add3A_51, %dma_wait3A_80, %dma_wait3A_81] : memref<2512x2x128xi32, #tpu.memory_space<hbm>> -> memref<1x2x128xi32, #tpu.memory_space<hbm>>
        %dma_wait3A_83 = tpu.memref_squeeze %dma_wait3A_82 : memref<1x2x128xi32, #tpu.memory_space<hbm>> -> memref<2x128xi32, #tpu.memory_space<hbm>>
        tpu.wait_dma2 semaphore(%run_scoped3A_53 : memref<!tpu.dma_semaphore, #tpu.memory_space<semaphore_mem>>) src(%dma_wait3A_83 : memref<2x128xi32, #tpu.memory_space<hbm>>) dst(%dma_wait3A_79 : memref<2x128xi32, #tpu.memory_space<vmem>>)
        tpu.yield
      }) : () -> ()
    } else {
    }
    %gt3A_24 = arith.constant 0 : i32
    %gt3A_25 = arith.cmpi sgt, %select_n3A, %gt3A_24 : i32
    %convert_element_type3A_26 = arith.extui %gt3A_25 : i1 to i32
    %cond3A_27 = arith.constant 0 : i32
    %cond3A_28 = arith.cmpi ne, %convert_element_type3A_26, %cond3A_27 : i32
    scf.if %cond3A_28 {
      %dma_start3A = arith.constant 0 : i32
      %dma_start3A_50 = arith.constant 0 : i32
      %dma_start3A_51 = arith.constant 0 : i32
      %dma_start3A_52 = arith.constant 0 : i32
      %dma_start3A_53 = arith.constant 0 : i32
      %dma_start3A_54 = tpu.memref_slice %arg8[%dma_start3A_51, %dma_start3A_52, %dma_start3A_53] : memref<2x128x128xf32, #tpu.memory_space<vmem>> -> memref<1x128x128xf32, #tpu.memory_space<vmem>>
      %dma_start3A_55 = tpu.memref_squeeze %dma_start3A_54 : memref<1x128x128xf32, #tpu.memory_space<vmem>> -> memref<128x128xf32, #tpu.memory_space<vmem>>
      %dma_start3A_56 = arith.constant 0 : i32
      %dma_start3A_57 = arith.constant 0 : i32
      %dma_start3A_58 = tpu.memref_slice %arg7[%dma_start3A, %dma_start3A_56, %dma_start3A_57] : memref<4x2x128xi32, #tpu.memory_space<vmem>> -> memref<1x2x128xi32, #tpu.memory_space<vmem>>
      %dma_start3A_59 = tpu.memref_squeeze %dma_start3A_58 : memref<1x2x128xi32, #tpu.memory_space<vmem>> -> memref<2x128xi32, #tpu.memory_space<vmem>>
      %dma_start3A_60 = arith.constant 0 : i32
      %dma_start3A_61 = tpu.memref_slice %dma_start3A_59[%dma_start3A_50, %dma_start3A_60] : memref<2x128xi32, #tpu.memory_space<vmem>> -> memref<1x128xi32, #tpu.memory_space<vmem>>
      %dma_start3A_62 = tpu.memref_squeeze %dma_start3A_61 : memref<1x128xi32, #tpu.memory_space<vmem>> -> memref<128xi32, #tpu.memory_space<vmem>>
      %dma_start3A_63 = arith.constant 0 : i32
      %dma_start3A_64 = arith.constant 0 : i32
      %dma_start3A_65 = tpu.memref_slice %arg2[%dma_start3A_63, %dma_start3A_64] : memref<10000x128xf32, #tpu.memory_space<hbm>> -> memref<10000x128xf32, #tpu.memory_space<hbm>>
      tpu.enqueue_indirect_dma source(%dma_start3A_65 : memref<10000x128xf32, #tpu.memory_space<hbm>>) target(%dma_start3A_55 : memref<128x128xf32, #tpu.memory_space<vmem>>) offsets(%dma_start3A_62 : memref<128xi32, #tpu.memory_space<vmem>>) semaphore(%arg12 : memref<!tpu.dma_semaphore, #tpu.memory_space<semaphore_mem>>)
    } else {
    }
    %scan3A_29 = arith.constant 0 : i32
    %scan3A_30 = arith.constant 20 : i32
    %scan3A_31 = arith.addi %scan3A_29, %scan3A_30 : i32
    %scan3A_32 = arith.constant 1 : i32
    scf.for %scan3A_50 = %scan3A_29 to %scan3A_31 step %scan3A_32  : i32 {
      %mul3A_51 = arith.constant 1 : i32
      %mul3A_52 = arith.muli %scan3A_50, %mul3A_51 : i32
      %add3A_53 = arith.constant 0 : i32
      %add3A_54 = arith.addi %add3A_53, %mul3A_52 : i32
      %mul3A_55 = arith.constant 4 : i32
      %mul3A_56 = arith.muli %add3A_54, %mul3A_55 : i32
      %add3A_57 = arith.constant 0 : i32
      %add3A_58 = arith.addi %mul3A_56, %add3A_57 : i32
      %ge3A = arith.constant 1 : i32
      %ge3A_59 = arith.cmpi sge, %add3A_58, %ge3A : i32
      %add3A_60 = arith.constant 1 : i32
      %add3A_61 = arith.addi %add3A_58, %add3A_60 : i32
      %lt3A_62 = arith.cmpi slt, %add3A_61, %select_n3A : i32
      %and3A = arith.andi %ge3A_59, %lt3A_62 : i1
      %convert_element_type3A_63 = arith.extui %and3A : i1 to i32
      %cond3A_64 = arith.constant 0 : i32
      %cond3A_65 = arith.cmpi ne, %convert_element_type3A_63, %cond3A_64 : i32
      scf.if %cond3A_65 {
        %add3A_198 = arith.addi %add3A_16, %add3A_58 : i32
        %add3A_199 = arith.constant 1 : i32
        %add3A_200 = arith.addi %add3A_198, %add3A_199 : i32
        %dma_wait3A = arith.constant 1 : i32
        %dma_wait3A_201 = arith.constant 0 : i32
        %dma_wait3A_202 = arith.constant 0 : i32
        %dma_wait3A_203 = tpu.memref_slice %arg7[%dma_wait3A, %dma_wait3A_201, %dma_wait3A_202] : memref<4x2x128xi32, #tpu.memory_space<vmem>> -> memref<1x2x128xi32, #tpu.memory_space<vmem>>
        %dma_wait3A_204 = tpu.memref_squeeze %dma_wait3A_203 : memref<1x2x128xi32, #tpu.memory_space<vmem>> -> memref<2x128xi32, #tpu.memory_space<vmem>>
        %dma_wait3A_205 = arith.constant 0 : i32
        %dma_wait3A_206 = arith.constant 0 : i32
        %dma_wait3A_207 = tpu.memref_slice %arg3[%add3A_200, %dma_wait3A_205, %dma_wait3A_206] : memref<2512x2x128xi32, #tpu.memory_space<hbm>> -> memref<1x2x128xi32, #tpu.memory_space<hbm>>
        %dma_wait3A_208 = tpu.memref_squeeze %dma_wait3A_207 : memref<1x2x128xi32, #tpu.memory_space<hbm>> -> memref<2x128xi32, #tpu.memory_space<hbm>>
        %dma_wait3A_209 = arith.constant 0 : i32
        %dma_wait3A_210 = arith.constant 0 : i32
        %dma_wait3A_211 = tpu.memref_slice %arg7[%dma_wait3A, %dma_wait3A_209, %dma_wait3A_210] : memref<4x2x128xi32, #tpu.memory_space<vmem>> -> memref<1x2x128xi32, #tpu.memory_space<vmem>>
        %dma_wait3A_212 = tpu.memref_squeeze %dma_wait3A_211 : memref<1x2x128xi32, #tpu.memory_space<vmem>> -> memref<2x128xi32, #tpu.memory_space<vmem>>
        %dma_wait3A_213 = arith.constant 0 : i32
        %dma_wait3A_214 = arith.constant 0 : i32
        %dma_wait3A_215 = tpu.memref_slice %arg3[%add3A_200, %dma_wait3A_213, %dma_wait3A_214] : memref<2512x2x128xi32, #tpu.memory_space<hbm>> -> memref<1x2x128xi32, #tpu.memory_space<hbm>>
        %dma_wait3A_216 = tpu.memref_squeeze %dma_wait3A_215 : memref<1x2x128xi32, #tpu.memory_space<hbm>> -> memref<2x128xi32, #tpu.memory_space<hbm>>
        tpu.wait_dma2 semaphore(%arg11 : memref<!tpu.dma_semaphore, #tpu.memory_space<semaphore_mem>>) src(%dma_wait3A_216 : memref<2x128xi32, #tpu.memory_space<hbm>>) dst(%dma_wait3A_212 : memref<2x128xi32, #tpu.memory_space<vmem>>)
      } else {
      }
      %ge3A_66 = arith.constant 1 : i32
      %ge3A_67 = arith.cmpi sge, %add3A_58, %ge3A_66 : i32
      %sub3A = arith.constant 1 : i32
      %sub3A_68 = arith.subi %add3A_58, %sub3A : i32
      %lt3A_69 = arith.cmpi slt, %sub3A_68, %select_n3A : i32
      %and3A_70 = arith.andi %ge3A_67, %lt3A_69 : i1
      %convert_element_type3A_71 = arith.extui %and3A_70 : i1 to i32
      %cond3A_72 = arith.constant 0 : i32
      %cond3A_73 = arith.cmpi ne, %convert_element_type3A_71, %cond3A_72 : i32
      scf.if %cond3A_73 {
        %dma_wait3A = arith.constant 1 : i32
        %dma_wait3A_198 = arith.constant 3 : i32
        %dma_wait3A_199 = arith.constant 1 : i32
        %dma_wait3A_200 = arith.constant 0 : i32
        %dma_wait3A_201 = arith.constant 0 : i32
        %dma_wait3A_202 = tpu.memref_slice %arg8[%dma_wait3A, %dma_wait3A_200, %dma_wait3A_201] : memref<2x128x128xf32, #tpu.memory_space<vmem>> -> memref<1x128x128xf32, #tpu.memory_space<vmem>>
        %dma_wait3A_203 = tpu.memref_squeeze %dma_wait3A_202 : memref<1x128x128xf32, #tpu.memory_space<vmem>> -> memref<128x128xf32, #tpu.memory_space<vmem>>
        %dma_wait3A_204 = arith.constant 0 : i32
        %dma_wait3A_205 = arith.constant 0 : i32
        %dma_wait3A_206 = tpu.memref_slice %arg7[%dma_wait3A_198, %dma_wait3A_204, %dma_wait3A_205] : memref<4x2x128xi32, #tpu.memory_space<vmem>> -> memref<1x2x128xi32, #tpu.memory_space<vmem>>
        %dma_wait3A_207 = tpu.memref_squeeze %dma_wait3A_206 : memref<1x2x128xi32, #tpu.memory_space<vmem>> -> memref<2x128xi32, #tpu.memory_space<vmem>>
        %dma_wait3A_208 = arith.constant 0 : i32
        %dma_wait3A_209 = tpu.memref_slice %dma_wait3A_207[%dma_wait3A_199, %dma_wait3A_208] : memref<2x128xi32, #tpu.memory_space<vmem>> -> memref<1x128xi32, #tpu.memory_space<vmem>>
        %dma_wait3A_210 = tpu.memref_squeeze %dma_wait3A_209 : memref<1x128xi32, #tpu.memory_space<vmem>> -> memref<128xi32, #tpu.memory_space<vmem>>
        %dma_wait3A_211 = arith.constant 0 : i32
        %dma_wait3A_212 = arith.constant 0 : i32
        %dma_wait3A_213 = tpu.memref_slice %arg10[%dma_wait3A_211, %dma_wait3A_212] : memref<10000x128xf32, #tpu.memory_space<vmem_shared>> -> memref<10000x128xf32, #tpu.memory_space<vmem_shared>>
        tpu.wait_indirect_dma semaphore(%arg15 : memref<!tpu.dma_semaphore, #tpu.memory_space<semaphore_mem>>) src(%dma_wait3A_203 : memref<128x128xf32, #tpu.memory_space<vmem>>) dst(%dma_wait3A_213 : memref<10000x128xf32, #tpu.memory_space<vmem_shared>>)
      } else {
      }
      %add3A_74 = arith.constant 1 : i32
      %add3A_75 = arith.addi %add3A_58, %add3A_74 : i32
      %lt3A_76 = arith.cmpi slt, %add3A_75, %select_n3A : i32
      %convert_element_type3A_77 = arith.extui %lt3A_76 : i1 to i32
      %cond3A_78 = arith.constant 0 : i32
      %cond3A_79 = arith.cmpi ne, %convert_element_type3A_77, %cond3A_78 : i32
      scf.if %cond3A_79 {
        %dma_start3A = arith.constant 1 : i32
        %dma_start3A_198 = arith.constant 0 : i32
        %dma_start3A_199 = arith.constant 1 : i32
        %dma_start3A_200 = arith.constant 0 : i32
        %dma_start3A_201 = arith.constant 0 : i32
        %dma_start3A_202 = tpu.memref_slice %arg8[%dma_start3A_199, %dma_start3A_200, %dma_start3A_201] : memref<2x128x128xf32, #tpu.memory_space<vmem>> -> memref<1x128x128xf32, #tpu.memory_space<vmem>>
        %dma_start3A_203 = tpu.memref_squeeze %dma_start3A_202 : memref<1x128x128xf32, #tpu.memory_space<vmem>> -> memref<128x128xf32, #tpu.memory_space<vmem>>
        %dma_start3A_204 = arith.constant 0 : i32
        %dma_start3A_205 = arith.constant 0 : i32
        %dma_start3A_206 = tpu.memref_slice %arg7[%dma_start3A, %dma_start3A_204, %dma_start3A_205] : memref<4x2x128xi32, #tpu.memory_space<vmem>> -> memref<1x2x128xi32, #tpu.memory_space<vmem>>
        %dma_start3A_207 = tpu.memref_squeeze %dma_start3A_206 : memref<1x2x128xi32, #tpu.memory_space<vmem>> -> memref<2x128xi32, #tpu.memory_space<vmem>>
        %dma_start3A_208 = arith.constant 0 : i32
        %dma_start3A_209 = tpu.memref_slice %dma_start3A_207[%dma_start3A_198, %dma_start3A_208] : memref<2x128xi32, #tpu.memory_space<vmem>> -> memref<1x128xi32, #tpu.memory_space<vmem>>
        %dma_start3A_210 = tpu.memref_squeeze %dma_start3A_209 : memref<1x128xi32, #tpu.memory_space<vmem>> -> memref<128xi32, #tpu.memory_space<vmem>>
        %dma_start3A_211 = arith.constant 0 : i32
        %dma_start3A_212 = arith.constant 0 : i32
        %dma_start3A_213 = tpu.memref_slice %arg2[%dma_start3A_211, %dma_start3A_212] : memref<10000x128xf32, #tpu.memory_space<hbm>> -> memref<10000x128xf32, #tpu.memory_space<hbm>>
        tpu.enqueue_indirect_dma source(%dma_start3A_213 : memref<10000x128xf32, #tpu.memory_space<hbm>>) target(%dma_start3A_203 : memref<128x128xf32, #tpu.memory_space<vmem>>) offsets(%dma_start3A_210 : memref<128xi32, #tpu.memory_space<vmem>>) semaphore(%arg13 : memref<!tpu.dma_semaphore, #tpu.memory_space<semaphore_mem>>)
      } else {
      }
      %lt3A_80 = arith.cmpi slt, %add3A_58, %select_n3A : i32
      %convert_element_type3A_81 = arith.extui %lt3A_80 : i1 to i32
      %cond3A_82 = arith.constant 0 : i32
      %cond3A_83 = arith.cmpi ne, %convert_element_type3A_81, %cond3A_82 : i32
      scf.if %cond3A_83 {
        %dma_wait3A = arith.constant 0 : i32
        %dma_wait3A_198 = arith.constant 0 : i32
        %dma_wait3A_199 = arith.constant 0 : i32
        %dma_wait3A_200 = arith.constant 0 : i32
        %dma_wait3A_201 = arith.constant 0 : i32
        %dma_wait3A_202 = tpu.memref_slice %arg8[%dma_wait3A_199, %dma_wait3A_200, %dma_wait3A_201] : memref<2x128x128xf32, #tpu.memory_space<vmem>> -> memref<1x128x128xf32, #tpu.memory_space<vmem>>
        %dma_wait3A_203 = tpu.memref_squeeze %dma_wait3A_202 : memref<1x128x128xf32, #tpu.memory_space<vmem>> -> memref<128x128xf32, #tpu.memory_space<vmem>>
        %dma_wait3A_204 = arith.constant 0 : i32
        %dma_wait3A_205 = arith.constant 0 : i32
        %dma_wait3A_206 = tpu.memref_slice %arg7[%dma_wait3A, %dma_wait3A_204, %dma_wait3A_205] : memref<4x2x128xi32, #tpu.memory_space<vmem>> -> memref<1x2x128xi32, #tpu.memory_space<vmem>>
        %dma_wait3A_207 = tpu.memref_squeeze %dma_wait3A_206 : memref<1x2x128xi32, #tpu.memory_space<vmem>> -> memref<2x128xi32, #tpu.memory_space<vmem>>
        %dma_wait3A_208 = arith.constant 0 : i32
        %dma_wait3A_209 = tpu.memref_slice %dma_wait3A_207[%dma_wait3A_198, %dma_wait3A_208] : memref<2x128xi32, #tpu.memory_space<vmem>> -> memref<1x128xi32, #tpu.memory_space<vmem>>
        %dma_wait3A_210 = tpu.memref_squeeze %dma_wait3A_209 : memref<1x128xi32, #tpu.memory_space<vmem>> -> memref<128xi32, #tpu.memory_space<vmem>>
        %dma_wait3A_211 = arith.constant 0 : i32
        %dma_wait3A_212 = arith.constant 0 : i32
        %dma_wait3A_213 = tpu.memref_slice %arg2[%dma_wait3A_211, %dma_wait3A_212] : memref<10000x128xf32, #tpu.memory_space<hbm>> -> memref<10000x128xf32, #tpu.memory_space<hbm>>
        tpu.wait_indirect_dma semaphore(%arg12 : memref<!tpu.dma_semaphore, #tpu.memory_space<semaphore_mem>>) src(%dma_wait3A_213 : memref<10000x128xf32, #tpu.memory_space<hbm>>) dst(%dma_wait3A_203 : memref<128x128xf32, #tpu.memory_space<vmem>>)
        %dma_start3A = arith.constant 0 : i32
        %dma_start3A_214 = arith.constant 0 : i32
        %dma_start3A_215 = arith.constant 1 : i32
        %dma_start3A_216 = arith.constant 0 : i32
        %dma_start3A_217 = arith.constant 0 : i32
        %dma_start3A_218 = tpu.memref_slice %arg8[%dma_start3A, %dma_start3A_216, %dma_start3A_217] : memref<2x128x128xf32, #tpu.memory_space<vmem>> -> memref<1x128x128xf32, #tpu.memory_space<vmem>>
        %dma_start3A_219 = tpu.memref_squeeze %dma_start3A_218 : memref<1x128x128xf32, #tpu.memory_space<vmem>> -> memref<128x128xf32, #tpu.memory_space<vmem>>
        %dma_start3A_220 = arith.constant 0 : i32
        %dma_start3A_221 = arith.constant 0 : i32
        %dma_start3A_222 = tpu.memref_slice %arg7[%dma_start3A_214, %dma_start3A_220, %dma_start3A_221] : memref<4x2x128xi32, #tpu.memory_space<vmem>> -> memref<1x2x128xi32, #tpu.memory_space<vmem>>
        %dma_start3A_223 = tpu.memref_squeeze %dma_start3A_222 : memref<1x2x128xi32, #tpu.memory_space<vmem>> -> memref<2x128xi32, #tpu.memory_space<vmem>>
        %dma_start3A_224 = arith.constant 0 : i32
        %dma_start3A_225 = tpu.memref_slice %dma_start3A_223[%dma_start3A_215, %dma_start3A_224] : memref<2x128xi32, #tpu.memory_space<vmem>> -> memref<1x128xi32, #tpu.memory_space<vmem>>
        %dma_start3A_226 = tpu.memref_squeeze %dma_start3A_225 : memref<1x128xi32, #tpu.memory_space<vmem>> -> memref<128xi32, #tpu.memory_space<vmem>>
        %dma_start3A_227 = arith.constant 0 : i32
        %dma_start3A_228 = arith.constant 0 : i32
        %dma_start3A_229 = tpu.memref_slice %arg10[%dma_start3A_227, %dma_start3A_228] : memref<10000x128xf32, #tpu.memory_space<vmem_shared>> -> memref<10000x128xf32, #tpu.memory_space<vmem_shared>>
        tpu.enqueue_indirect_dma source(%dma_start3A_219 : memref<128x128xf32, #tpu.memory_space<vmem>>) target(%dma_start3A_229 : memref<10000x128xf32, #tpu.memory_space<vmem_shared>>) offsets(%dma_start3A_226 : memref<128xi32, #tpu.memory_space<vmem>>) semaphore(%arg14 : memref<!tpu.dma_semaphore, #tpu.memory_space<semaphore_mem>>) {add = true}
        %scan3A_230 = arith.constant 0 : i32
        %scan3A_231 = arith.constant 8 : i32
        %scan3A_232 = arith.addi %scan3A_230, %scan3A_231 : i32
        %scan3A_233 = arith.constant 1 : i32
        scf.for %scan3A_235 = %scan3A_230 to %scan3A_232 step %scan3A_233  : i32 {
          %mul3A_236 = arith.constant 1 : i32
          %mul3A_237 = arith.muli %scan3A_235, %mul3A_236 : i32
          %add3A_238 = arith.constant 0 : i32
          %add3A_239 = arith.addi %add3A_238, %mul3A_237 : i32
          %mul3A_240 = arith.constant 16 : i32
          %mul3A_241 = arith.muli %add3A_239, %mul3A_240 : i32
          %get3A = arith.constant 0 : i32
          %get3A_242 = arith.constant 1 : i32
          %get3A_243 = arith.index_cast %get3A : i32 to index
          %get3A_244 = arith.index_cast %get3A_242 : i32 to index
          %get3A_245 = arith.index_cast %mul3A_241 : i32 to index
          %get3A_246 = tpu.vector_load %arg7[%get3A_243, %get3A_244, %get3A_245] {strides = array<i32>} : memref<4x2x128xi32, #tpu.memory_space<vmem>>, vector<16xi32>,
          %broadcast_in_dim3A = arith.constant 1.000000e+00 : f32
          %broadcast_in_dim3A_247 = vector.broadcast %broadcast_in_dim3A : f32 to vector<16xf32>
          tpu.vector_store_idx %arg9[%get3A_246], %broadcast_in_dim3A_247 {add = true} : memref<10000xf32, #tpu.memory_space<vmem>>[vector<16xi32>], vector<16xf32>,
        }
        %scan3A_234 = arith.constant 8 : i32
      } else {
      }
      %add3A_84 = arith.constant 2 : i32
      %add3A_85 = arith.addi %add3A_58, %add3A_84 : i32
      %lt3A_86 = arith.cmpi slt, %add3A_85, %select_n3A : i32
      %convert_element_type3A_87 = arith.extui %lt3A_86 : i1 to i32
      %cond3A_88 = arith.constant 0 : i32
      %cond3A_89 = arith.cmpi ne, %convert_element_type3A_87, %cond3A_88 : i32
      scf.if %cond3A_89 {
        %add3A_198 = arith.addi %add3A_16, %add3A_58 : i32
        %add3A_199 = arith.constant 2 : i32
        %add3A_200 = arith.addi %add3A_198, %add3A_199 : i32
        %dma_start3A = arith.constant 2 : i32
        %dma_start3A_201 = arith.constant 0 : i32
        %dma_start3A_202 = arith.constant 0 : i32
        %dma_start3A_203 = tpu.memref_slice %arg7[%dma_start3A, %dma_start3A_201, %dma_start3A_202] : memref<4x2x128xi32, #tpu.memory_space<vmem>> -> memref<1x2x128xi32, #tpu.memory_space<vmem>>
        %dma_start3A_204 = tpu.memref_squeeze %dma_start3A_203 : memref<1x2x128xi32, #tpu.memory_space<vmem>> -> memref<2x128xi32, #tpu.memory_space<vmem>>
        %dma_start3A_205 = arith.constant 0 : i32
        %dma_start3A_206 = arith.constant 0 : i32
        %dma_start3A_207 = tpu.memref_slice %arg3[%add3A_200, %dma_start3A_205, %dma_start3A_206] : memref<2512x2x128xi32, #tpu.memory_space<hbm>> -> memref<1x2x128xi32, #tpu.memory_space<hbm>>
        %dma_start3A_208 = tpu.memref_squeeze %dma_start3A_207 : memref<1x2x128xi32, #tpu.memory_space<hbm>> -> memref<2x128xi32, #tpu.memory_space<hbm>>
        %dma_start3A_209 = arith.constant 0 : i32
        %dma_start3A_210 = arith.constant 0 : i32
        %dma_start3A_211 = tpu.memref_slice %arg7[%dma_start3A, %dma_start3A_209, %dma_start3A_210] : memref<4x2x128xi32, #tpu.memory_space<vmem>> -> memref<1x2x128xi32, #tpu.memory_space<vmem>>
        %dma_start3A_212 = tpu.memref_squeeze %dma_start3A_211 : memref<1x2x128xi32, #tpu.memory_space<vmem>> -> memref<2x128xi32, #tpu.memory_space<vmem>>
        %dma_start3A_213 = arith.constant 0 : i32
        %dma_start3A_214 = arith.constant 0 : i32
        %dma_start3A_215 = tpu.memref_slice %arg3[%add3A_200, %dma_start3A_213, %dma_start3A_214] : memref<2512x2x128xi32, #tpu.memory_space<hbm>> -> memref<1x2x128xi32, #tpu.memory_space<hbm>>
        %dma_start3A_216 = tpu.memref_squeeze %dma_start3A_215 : memref<1x2x128xi32, #tpu.memory_space<hbm>> -> memref<2x128xi32, #tpu.memory_space<hbm>>
        tpu.enqueue_dma source(%dma_start3A_216 : memref<2x128xi32, #tpu.memory_space<hbm>>) target(%dma_start3A_212 : memref<2x128xi32, #tpu.memory_space<vmem>>) target_semaphore(%arg11 : memref<!tpu.dma_semaphore, #tpu.memory_space<semaphore_mem>>)
      } else {
      }
      %add3A_90 = arith.constant 1 : i32
      %add3A_91 = arith.addi %mul3A_56, %add3A_90 : i32
      %ge3A_92 = arith.constant 1 : i32
      %ge3A_93 = arith.cmpi sge, %add3A_91, %ge3A_92 : i32
      %add3A_94 = arith.constant 1 : i32
      %add3A_95 = arith.addi %add3A_91, %add3A_94 : i32
      %lt3A_96 = arith.cmpi slt, %add3A_95, %select_n3A : i32
      %and3A_97 = arith.andi %ge3A_93, %lt3A_96 : i1
      %convert_element_type3A_98 = arith.extui %and3A_97 : i1 to i32
      %cond3A_99 = arith.constant 0 : i32
      %cond3A_100 = arith.cmpi ne, %convert_element_type3A_98, %cond3A_99 : i32
      scf.if %cond3A_100 {
        %add3A_198 = arith.addi %add3A_16, %add3A_91 : i32
        %add3A_199 = arith.constant 1 : i32
        %add3A_200 = arith.addi %add3A_198, %add3A_199 : i32
        %dma_wait3A = arith.constant 2 : i32
        %dma_wait3A_201 = arith.constant 0 : i32
        %dma_wait3A_202 = arith.constant 0 : i32
        %dma_wait3A_203 = tpu.memref_slice %arg7[%dma_wait3A, %dma_wait3A_201, %dma_wait3A_202] : memref<4x2x128xi32, #tpu.memory_space<vmem>> -> memref<1x2x128xi32, #tpu.memory_space<vmem>>
        %dma_wait3A_204 = tpu.memref_squeeze %dma_wait3A_203 : memref<1x2x128xi32, #tpu.memory_space<vmem>> -> memref<2x128xi32, #tpu.memory_space<vmem>>
        %dma_wait3A_205 = arith.constant 0 : i32
        %dma_wait3A_206 = arith.constant 0 : i32
        %dma_wait3A_207 = tpu.memref_slice %arg3[%add3A_200, %dma_wait3A_205, %dma_wait3A_206] : memref<2512x2x128xi32, #tpu.memory_space<hbm>> -> memref<1x2x128xi32, #tpu.memory_space<hbm>>
        %dma_wait3A_208 = tpu.memref_squeeze %dma_wait3A_207 : memref<1x2x128xi32, #tpu.memory_space<hbm>> -> memref<2x128xi32, #tpu.memory_space<hbm>>
        %dma_wait3A_209 = arith.constant 0 : i32
        %dma_wait3A_210 = arith.constant 0 : i32
        %dma_wait3A_211 = tpu.memref_slice %arg7[%dma_wait3A, %dma_wait3A_209, %dma_wait3A_210] : memref<4x2x128xi32, #tpu.memory_space<vmem>> -> memref<1x2x128xi32, #tpu.memory_space<vmem>>
        %dma_wait3A_212 = tpu.memref_squeeze %dma_wait3A_211 : memref<1x2x128xi32, #tpu.memory_space<vmem>> -> memref<2x128xi32, #tpu.memory_space<vmem>>
        %dma_wait3A_213 = arith.constant 0 : i32
        %dma_wait3A_214 = arith.constant 0 : i32
        %dma_wait3A_215 = tpu.memref_slice %arg3[%add3A_200, %dma_wait3A_213, %dma_wait3A_214] : memref<2512x2x128xi32, #tpu.memory_space<hbm>> -> memref<1x2x128xi32, #tpu.memory_space<hbm>>
        %dma_wait3A_216 = tpu.memref_squeeze %dma_wait3A_215 : memref<1x2x128xi32, #tpu.memory_space<hbm>> -> memref<2x128xi32, #tpu.memory_space<hbm>>
        tpu.wait_dma2 semaphore(%arg11 : memref<!tpu.dma_semaphore, #tpu.memory_space<semaphore_mem>>) src(%dma_wait3A_216 : memref<2x128xi32, #tpu.memory_space<hbm>>) dst(%dma_wait3A_212 : memref<2x128xi32, #tpu.memory_space<vmem>>)
      } else {
      }
      %ge3A_101 = arith.constant 1 : i32
      %ge3A_102 = arith.cmpi sge, %add3A_91, %ge3A_101 : i32
      %sub3A_103 = arith.constant 1 : i32
      %sub3A_104 = arith.subi %add3A_91, %sub3A_103 : i32
      %lt3A_105 = arith.cmpi slt, %sub3A_104, %select_n3A : i32
      %and3A_106 = arith.andi %ge3A_102, %lt3A_105 : i1
      %convert_element_type3A_107 = arith.extui %and3A_106 : i1 to i32
      %cond3A_108 = arith.constant 0 : i32
      %cond3A_109 = arith.cmpi ne, %convert_element_type3A_107, %cond3A_108 : i32
      scf.if %cond3A_109 {
        %dma_wait3A = arith.constant 0 : i32
        %dma_wait3A_198 = arith.constant 0 : i32
        %dma_wait3A_199 = arith.constant 1 : i32
        %dma_wait3A_200 = arith.constant 0 : i32
        %dma_wait3A_201 = arith.constant 0 : i32
        %dma_wait3A_202 = tpu.memref_slice %arg8[%dma_wait3A, %dma_wait3A_200, %dma_wait3A_201] : memref<2x128x128xf32, #tpu.memory_space<vmem>> -> memref<1x128x128xf32, #tpu.memory_space<vmem>>
        %dma_wait3A_203 = tpu.memref_squeeze %dma_wait3A_202 : memref<1x128x128xf32, #tpu.memory_space<vmem>> -> memref<128x128xf32, #tpu.memory_space<vmem>>
        %dma_wait3A_204 = arith.constant 0 : i32
        %dma_wait3A_205 = arith.constant 0 : i32
        %dma_wait3A_206 = tpu.memref_slice %arg7[%dma_wait3A_198, %dma_wait3A_204, %dma_wait3A_205] : memref<4x2x128xi32, #tpu.memory_space<vmem>> -> memref<1x2x128xi32, #tpu.memory_space<vmem>>
        %dma_wait3A_207 = tpu.memref_squeeze %dma_wait3A_206 : memref<1x2x128xi32, #tpu.memory_space<vmem>> -> memref<2x128xi32, #tpu.memory_space<vmem>>
        %dma_wait3A_208 = arith.constant 0 : i32
        %dma_wait3A_209 = tpu.memref_slice %dma_wait3A_207[%dma_wait3A_199, %dma_wait3A_208] : memref<2x128xi32, #tpu.memory_space<vmem>> -> memref<1x128xi32, #tpu.memory_space<vmem>>
        %dma_wait3A_210 = tpu.memref_squeeze %dma_wait3A_209 : memref<1x128xi32, #tpu.memory_space<vmem>> -> memref<128xi32, #tpu.memory_space<vmem>>
        %dma_wait3A_211 = arith.constant 0 : i32
        %dma_wait3A_212 = arith.constant 0 : i32
        %dma_wait3A_213 = tpu.memref_slice %arg10[%dma_wait3A_211, %dma_wait3A_212] : memref<10000x128xf32, #tpu.memory_space<vmem_shared>> -> memref<10000x128xf32, #tpu.memory_space<vmem_shared>>
        tpu.wait_indirect_dma semaphore(%arg14 : memref<!tpu.dma_semaphore, #tpu.memory_space<semaphore_mem>>) src(%dma_wait3A_203 : memref<128x128xf32, #tpu.memory_space<vmem>>) dst(%dma_wait3A_213 : memref<10000x128xf32, #tpu.memory_space<vmem_shared>>)
      } else {
      }
      %add3A_110 = arith.constant 1 : i32
      %add3A_111 = arith.addi %add3A_91, %add3A_110 : i32
      %lt3A_112 = arith.cmpi slt, %add3A_111, %select_n3A : i32
      %convert_element_type3A_113 = arith.extui %lt3A_112 : i1 to i32
      %cond3A_114 = arith.constant 0 : i32
      %cond3A_115 = arith.cmpi ne, %convert_element_type3A_113, %cond3A_114 : i32
      scf.if %cond3A_115 {
        %dma_start3A = arith.constant 2 : i32
        %dma_start3A_198 = arith.constant 0 : i32
        %dma_start3A_199 = arith.constant 0 : i32
        %dma_start3A_200 = arith.constant 0 : i32
        %dma_start3A_201 = arith.constant 0 : i32
        %dma_start3A_202 = tpu.memref_slice %arg8[%dma_start3A_199, %dma_start3A_200, %dma_start3A_201] : memref<2x128x128xf32, #tpu.memory_space<vmem>> -> memref<1x128x128xf32, #tpu.memory_space<vmem>>
        %dma_start3A_203 = tpu.memref_squeeze %dma_start3A_202 : memref<1x128x128xf32, #tpu.memory_space<vmem>> -> memref<128x128xf32, #tpu.memory_space<vmem>>
        %dma_start3A_204 = arith.constant 0 : i32
        %dma_start3A_205 = arith.constant 0 : i32
        %dma_start3A_206 = tpu.memref_slice %arg7[%dma_start3A, %dma_start3A_204, %dma_start3A_205] : memref<4x2x128xi32, #tpu.memory_space<vmem>> -> memref<1x2x128xi32, #tpu.memory_space<vmem>>
        %dma_start3A_207 = tpu.memref_squeeze %dma_start3A_206 : memref<1x2x128xi32, #tpu.memory_space<vmem>> -> memref<2x128xi32, #tpu.memory_space<vmem>>
        %dma_start3A_208 = arith.constant 0 : i32
        %dma_start3A_209 = tpu.memref_slice %dma_start3A_207[%dma_start3A_198, %dma_start3A_208] : memref<2x128xi32, #tpu.memory_space<vmem>> -> memref<1x128xi32, #tpu.memory_space<vmem>>
        %dma_start3A_210 = tpu.memref_squeeze %dma_start3A_209 : memref<1x128xi32, #tpu.memory_space<vmem>> -> memref<128xi32, #tpu.memory_space<vmem>>
        %dma_start3A_211 = arith.constant 0 : i32
        %dma_start3A_212 = arith.constant 0 : i32
        %dma_start3A_213 = tpu.memref_slice %arg2[%dma_start3A_211, %dma_start3A_212] : memref<10000x128xf32, #tpu.memory_space<hbm>> -> memref<10000x128xf32, #tpu.memory_space<hbm>>
        tpu.enqueue_indirect_dma source(%dma_start3A_213 : memref<10000x128xf32, #tpu.memory_space<hbm>>) target(%dma_start3A_203 : memref<128x128xf32, #tpu.memory_space<vmem>>) offsets(%dma_start3A_210 : memref<128xi32, #tpu.memory_space<vmem>>) semaphore(%arg12 : memref<!tpu.dma_semaphore, #tpu.memory_space<semaphore_mem>>)
      } else {
      }
      %lt3A_116 = arith.cmpi slt, %add3A_91, %select_n3A : i32
      %convert_element_type3A_117 = arith.extui %lt3A_116 : i1 to i32
      %cond3A_118 = arith.constant 0 : i32
      %cond3A_119 = arith.cmpi ne, %convert_element_type3A_117, %cond3A_118 : i32
      scf.if %cond3A_119 {
        %dma_wait3A = arith.constant 1 : i32
        %dma_wait3A_198 = arith.constant 0 : i32
        %dma_wait3A_199 = arith.constant 1 : i32
        %dma_wait3A_200 = arith.constant 0 : i32
        %dma_wait3A_201 = arith.constant 0 : i32
        %dma_wait3A_202 = tpu.memref_slice %arg8[%dma_wait3A_199, %dma_wait3A_200, %dma_wait3A_201] : memref<2x128x128xf32, #tpu.memory_space<vmem>> -> memref<1x128x128xf32, #tpu.memory_space<vmem>>
        %dma_wait3A_203 = tpu.memref_squeeze %dma_wait3A_202 : memref<1x128x128xf32, #tpu.memory_space<vmem>> -> memref<128x128xf32, #tpu.memory_space<vmem>>
        %dma_wait3A_204 = arith.constant 0 : i32
        %dma_wait3A_205 = arith.constant 0 : i32
        %dma_wait3A_206 = tpu.memref_slice %arg7[%dma_wait3A, %dma_wait3A_204, %dma_wait3A_205] : memref<4x2x128xi32, #tpu.memory_space<vmem>> -> memref<1x2x128xi32, #tpu.memory_space<vmem>>
        %dma_wait3A_207 = tpu.memref_squeeze %dma_wait3A_206 : memref<1x2x128xi32, #tpu.memory_space<vmem>> -> memref<2x128xi32, #tpu.memory_space<vmem>>
        %dma_wait3A_208 = arith.constant 0 : i32
        %dma_wait3A_209 = tpu.memref_slice %dma_wait3A_207[%dma_wait3A_198, %dma_wait3A_208] : memref<2x128xi32, #tpu.memory_space<vmem>> -> memref<1x128xi32, #tpu.memory_space<vmem>>
        %dma_wait3A_210 = tpu.memref_squeeze %dma_wait3A_209 : memref<1x128xi32, #tpu.memory_space<vmem>> -> memref<128xi32, #tpu.memory_space<vmem>>
        %dma_wait3A_211 = arith.constant 0 : i32
        %dma_wait3A_212 = arith.constant 0 : i32
        %dma_wait3A_213 = tpu.memref_slice %arg2[%dma_wait3A_211, %dma_wait3A_212] : memref<10000x128xf32, #tpu.memory_space<hbm>> -> memref<10000x128xf32, #tpu.memory_space<hbm>>
        tpu.wait_indirect_dma semaphore(%arg13 : memref<!tpu.dma_semaphore, #tpu.memory_space<semaphore_mem>>) src(%dma_wait3A_213 : memref<10000x128xf32, #tpu.memory_space<hbm>>) dst(%dma_wait3A_203 : memref<128x128xf32, #tpu.memory_space<vmem>>)
        %dma_start3A = arith.constant 1 : i32
        %dma_start3A_214 = arith.constant 1 : i32
        %dma_start3A_215 = arith.constant 1 : i32
        %dma_start3A_216 = arith.constant 0 : i32
        %dma_start3A_217 = arith.constant 0 : i32
        %dma_start3A_218 = tpu.memref_slice %arg8[%dma_start3A, %dma_start3A_216, %dma_start3A_217] : memref<2x128x128xf32, #tpu.memory_space<vmem>> -> memref<1x128x128xf32, #tpu.memory_space<vmem>>
        %dma_start3A_219 = tpu.memref_squeeze %dma_start3A_218 : memref<1x128x128xf32, #tpu.memory_space<vmem>> -> memref<128x128xf32, #tpu.memory_space<vmem>>
        %dma_start3A_220 = arith.constant 0 : i32
        %dma_start3A_221 = arith.constant 0 : i32
        %dma_start3A_222 = tpu.memref_slice %arg7[%dma_start3A_214, %dma_start3A_220, %dma_start3A_221] : memref<4x2x128xi32, #tpu.memory_space<vmem>> -> memref<1x2x128xi32, #tpu.memory_space<vmem>>
        %dma_start3A_223 = tpu.memref_squeeze %dma_start3A_222 : memref<1x2x128xi32, #tpu.memory_space<vmem>> -> memref<2x128xi32, #tpu.memory_space<vmem>>
        %dma_start3A_224 = arith.constant 0 : i32
        %dma_start3A_225 = tpu.memref_slice %dma_start3A_223[%dma_start3A_215, %dma_start3A_224] : memref<2x128xi32, #tpu.memory_space<vmem>> -> memref<1x128xi32, #tpu.memory_space<vmem>>
        %dma_start3A_226 = tpu.memref_squeeze %dma_start3A_225 : memref<1x128xi32, #tpu.memory_space<vmem>> -> memref<128xi32, #tpu.memory_space<vmem>>
        %dma_start3A_227 = arith.constant 0 : i32
        %dma_start3A_228 = arith.constant 0 : i32
        %dma_start3A_229 = tpu.memref_slice %arg10[%dma_start3A_227, %dma_start3A_228] : memref<10000x128xf32, #tpu.memory_space<vmem_shared>> -> memref<10000x128xf32, #tpu.memory_space<vmem_shared>>
        tpu.enqueue_indirect_dma source(%dma_start3A_219 : memref<128x128xf32, #tpu.memory_space<vmem>>) target(%dma_start3A_229 : memref<10000x128xf32, #tpu.memory_space<vmem_shared>>) offsets(%dma_start3A_226 : memref<128xi32, #tpu.memory_space<vmem>>) semaphore(%arg15 : memref<!tpu.dma_semaphore, #tpu.memory_space<semaphore_mem>>) {add = true}
        %scan3A_230 = arith.constant 0 : i32
        %scan3A_231 = arith.constant 8 : i32
        %scan3A_232 = arith.addi %scan3A_230, %scan3A_231 : i32
        %scan3A_233 = arith.constant 1 : i32
        scf.for %scan3A_235 = %scan3A_230 to %scan3A_232 step %scan3A_233  : i32 {
          %mul3A_236 = arith.constant 1 : i32
          %mul3A_237 = arith.muli %scan3A_235, %mul3A_236 : i32
          %add3A_238 = arith.constant 0 : i32
          %add3A_239 = arith.addi %add3A_238, %mul3A_237 : i32
          %mul3A_240 = arith.constant 16 : i32
          %mul3A_241 = arith.muli %add3A_239, %mul3A_240 : i32
          %get3A = arith.constant 1 : i32
          %get3A_242 = arith.constant 1 : i32
          %get3A_243 = arith.index_cast %get3A : i32 to index
          %get3A_244 = arith.index_cast %get3A_242 : i32 to index
          %get3A_245 = arith.index_cast %mul3A_241 : i32 to index
          %get3A_246 = tpu.vector_load %arg7[%get3A_243, %get3A_244, %get3A_245] {strides = array<i32>} : memref<4x2x128xi32, #tpu.memory_space<vmem>>, vector<16xi32>,
          %broadcast_in_dim3A = arith.constant 1.000000e+00 : f32
          %broadcast_in_dim3A_247 = vector.broadcast %broadcast_in_dim3A : f32 to vector<16xf32>
          tpu.vector_store_idx %arg9[%get3A_246], %broadcast_in_dim3A_247 {add = true} : memref<10000xf32, #tpu.memory_space<vmem>>[vector<16xi32>], vector<16xf32>,
        }
        %scan3A_234 = arith.constant 8 : i32
      } else {
      }
      %add3A_120 = arith.constant 2 : i32
      %add3A_121 = arith.addi %add3A_91, %add3A_120 : i32
      %lt3A_122 = arith.cmpi slt, %add3A_121, %select_n3A : i32
      %convert_element_type3A_123 = arith.extui %lt3A_122 : i1 to i32
      %cond3A_124 = arith.constant 0 : i32
      %cond3A_125 = arith.cmpi ne, %convert_element_type3A_123, %cond3A_124 : i32
      scf.if %cond3A_125 {
        %add3A_198 = arith.addi %add3A_16, %add3A_91 : i32
        %add3A_199 = arith.constant 2 : i32
        %add3A_200 = arith.addi %add3A_198, %add3A_199 : i32
        %dma_start3A = arith.constant 3 : i32
        %dma_start3A_201 = arith.constant 0 : i32
        %dma_start3A_202 = arith.constant 0 : i32
        %dma_start3A_203 = tpu.memref_slice %arg7[%dma_start3A, %dma_start3A_201, %dma_start3A_202] : memref<4x2x128xi32, #tpu.memory_space<vmem>> -> memref<1x2x128xi32, #tpu.memory_space<vmem>>
        %dma_start3A_204 = tpu.memref_squeeze %dma_start3A_203 : memref<1x2x128xi32, #tpu.memory_space<vmem>> -> memref<2x128xi32, #tpu.memory_space<vmem>>
        %dma_start3A_205 = arith.constant 0 : i32
        %dma_start3A_206 = arith.constant 0 : i32
        %dma_start3A_207 = tpu.memref_slice %arg3[%add3A_200, %dma_start3A_205, %dma_start3A_206] : memref<2512x2x128xi32, #tpu.memory_space<hbm>> -> memref<1x2x128xi32, #tpu.memory_space<hbm>>
        %dma_start3A_208 = tpu.memref_squeeze %dma_start3A_207 : memref<1x2x128xi32, #tpu.memory_space<hbm>> -> memref<2x128xi32, #tpu.memory_space<hbm>>
        %dma_start3A_209 = arith.constant 0 : i32
        %dma_start3A_210 = arith.constant 0 : i32
        %dma_start3A_211 = tpu.memref_slice %arg7[%dma_start3A, %dma_start3A_209, %dma_start3A_210] : memref<4x2x128xi32, #tpu.memory_space<vmem>> -> memref<1x2x128xi32, #tpu.memory_space<vmem>>
        %dma_start3A_212 = tpu.memref_squeeze %dma_start3A_211 : memref<1x2x128xi32, #tpu.memory_space<vmem>> -> memref<2x128xi32, #tpu.memory_space<vmem>>
        %dma_start3A_213 = arith.constant 0 : i32
        %dma_start3A_214 = arith.constant 0 : i32
        %dma_start3A_215 = tpu.memref_slice %arg3[%add3A_200, %dma_start3A_213, %dma_start3A_214] : memref<2512x2x128xi32, #tpu.memory_space<hbm>> -> memref<1x2x128xi32, #tpu.memory_space<hbm>>
        %dma_start3A_216 = tpu.memref_squeeze %dma_start3A_215 : memref<1x2x128xi32, #tpu.memory_space<hbm>> -> memref<2x128xi32, #tpu.memory_space<hbm>>
        tpu.enqueue_dma source(%dma_start3A_216 : memref<2x128xi32, #tpu.memory_space<hbm>>) target(%dma_start3A_212 : memref<2x128xi32, #tpu.memory_space<vmem>>) target_semaphore(%arg11 : memref<!tpu.dma_semaphore, #tpu.memory_space<semaphore_mem>>)
      } else {
      }
      %add3A_126 = arith.constant 2 : i32
      %add3A_127 = arith.addi %mul3A_56, %add3A_126 : i32
      %ge3A_128 = arith.constant 1 : i32
      %ge3A_129 = arith.cmpi sge, %add3A_127, %ge3A_128 : i32
      %add3A_130 = arith.constant 1 : i32
      %add3A_131 = arith.addi %add3A_127, %add3A_130 : i32
      %lt3A_132 = arith.cmpi slt, %add3A_131, %select_n3A : i32
      %and3A_133 = arith.andi %ge3A_129, %lt3A_132 : i1
      %convert_element_type3A_134 = arith.extui %and3A_133 : i1 to i32
      %cond3A_135 = arith.constant 0 : i32
      %cond3A_136 = arith.cmpi ne, %convert_element_type3A_134, %cond3A_135 : i32
      scf.if %cond3A_136 {
        %add3A_198 = arith.addi %add3A_16, %add3A_127 : i32
        %add3A_199 = arith.constant 1 : i32
        %add3A_200 = arith.addi %add3A_198, %add3A_199 : i32
        %dma_wait3A = arith.constant 3 : i32
        %dma_wait3A_201 = arith.constant 0 : i32
        %dma_wait3A_202 = arith.constant 0 : i32
        %dma_wait3A_203 = tpu.memref_slice %arg7[%dma_wait3A, %dma_wait3A_201, %dma_wait3A_202] : memref<4x2x128xi32, #tpu.memory_space<vmem>> -> memref<1x2x128xi32, #tpu.memory_space<vmem>>
        %dma_wait3A_204 = tpu.memref_squeeze %dma_wait3A_203 : memref<1x2x128xi32, #tpu.memory_space<vmem>> -> memref<2x128xi32, #tpu.memory_space<vmem>>
        %dma_wait3A_205 = arith.constant 0 : i32
        %dma_wait3A_206 = arith.constant 0 : i32
        %dma_wait3A_207 = tpu.memref_slice %arg3[%add3A_200, %dma_wait3A_205, %dma_wait3A_206] : memref<2512x2x128xi32, #tpu.memory_space<hbm>> -> memref<1x2x128xi32, #tpu.memory_space<hbm>>
        %dma_wait3A_208 = tpu.memref_squeeze %dma_wait3A_207 : memref<1x2x128xi32, #tpu.memory_space<hbm>> -> memref<2x128xi32, #tpu.memory_space<hbm>>
        %dma_wait3A_209 = arith.constant 0 : i32
        %dma_wait3A_210 = arith.constant 0 : i32
        %dma_wait3A_211 = tpu.memref_slice %arg7[%dma_wait3A, %dma_wait3A_209, %dma_wait3A_210] : memref<4x2x128xi32, #tpu.memory_space<vmem>> -> memref<1x2x128xi32, #tpu.memory_space<vmem>>
        %dma_wait3A_212 = tpu.memref_squeeze %dma_wait3A_211 : memref<1x2x128xi32, #tpu.memory_space<vmem>> -> memref<2x128xi32, #tpu.memory_space<vmem>>
        %dma_wait3A_213 = arith.constant 0 : i32
        %dma_wait3A_214 = arith.constant 0 : i32
        %dma_wait3A_215 = tpu.memref_slice %arg3[%add3A_200, %dma_wait3A_213, %dma_wait3A_214] : memref<2512x2x128xi32, #tpu.memory_space<hbm>> -> memref<1x2x128xi32, #tpu.memory_space<hbm>>
        %dma_wait3A_216 = tpu.memref_squeeze %dma_wait3A_215 : memref<1x2x128xi32, #tpu.memory_space<hbm>> -> memref<2x128xi32, #tpu.memory_space<hbm>>
        tpu.wait_dma2 semaphore(%arg11 : memref<!tpu.dma_semaphore, #tpu.memory_space<semaphore_mem>>) src(%dma_wait3A_216 : memref<2x128xi32, #tpu.memory_space<hbm>>) dst(%dma_wait3A_212 : memref<2x128xi32, #tpu.memory_space<vmem>>)
      } else {
      }
      %ge3A_137 = arith.constant 1 : i32
      %ge3A_138 = arith.cmpi sge, %add3A_127, %ge3A_137 : i32
      %sub3A_139 = arith.constant 1 : i32
      %sub3A_140 = arith.subi %add3A_127, %sub3A_139 : i32
      %lt3A_141 = arith.cmpi slt, %sub3A_140, %select_n3A : i32
      %and3A_142 = arith.andi %ge3A_138, %lt3A_141 : i1
      %convert_element_type3A_143 = arith.extui %and3A_142 : i1 to i32
      %cond3A_144 = arith.constant 0 : i32
      %cond3A_145 = arith.cmpi ne, %convert_element_type3A_143, %cond3A_144 : i32
      scf.if %cond3A_145 {
        %dma_wait3A = arith.constant 1 : i32
        %dma_wait3A_198 = arith.constant 1 : i32
        %dma_wait3A_199 = arith.constant 1 : i32
        %dma_wait3A_200 = arith.constant 0 : i32
        %dma_wait3A_201 = arith.constant 0 : i32
        %dma_wait3A_202 = tpu.memref_slice %arg8[%dma_wait3A, %dma_wait3A_200, %dma_wait3A_201] : memref<2x128x128xf32, #tpu.memory_space<vmem>> -> memref<1x128x128xf32, #tpu.memory_space<vmem>>
        %dma_wait3A_203 = tpu.memref_squeeze %dma_wait3A_202 : memref<1x128x128xf32, #tpu.memory_space<vmem>> -> memref<128x128xf32, #tpu.memory_space<vmem>>
        %dma_wait3A_204 = arith.constant 0 : i32
        %dma_wait3A_205 = arith.constant 0 : i32
        %dma_wait3A_206 = tpu.memref_slice %arg7[%dma_wait3A_198, %dma_wait3A_204, %dma_wait3A_205] : memref<4x2x128xi32, #tpu.memory_space<vmem>> -> memref<1x2x128xi32, #tpu.memory_space<vmem>>
        %dma_wait3A_207 = tpu.memref_squeeze %dma_wait3A_206 : memref<1x2x128xi32, #tpu.memory_space<vmem>> -> memref<2x128xi32, #tpu.memory_space<vmem>>
        %dma_wait3A_208 = arith.constant 0 : i32
        %dma_wait3A_209 = tpu.memref_slice %dma_wait3A_207[%dma_wait3A_199, %dma_wait3A_208] : memref<2x128xi32, #tpu.memory_space<vmem>> -> memref<1x128xi32, #tpu.memory_space<vmem>>
        %dma_wait3A_210 = tpu.memref_squeeze %dma_wait3A_209 : memref<1x128xi32, #tpu.memory_space<vmem>> -> memref<128xi32, #tpu.memory_space<vmem>>
        %dma_wait3A_211 = arith.constant 0 : i32
        %dma_wait3A_212 = arith.constant 0 : i32
        %dma_wait3A_213 = tpu.memref_slice %arg10[%dma_wait3A_211, %dma_wait3A_212] : memref<10000x128xf32, #tpu.memory_space<vmem_shared>> -> memref<10000x128xf32, #tpu.memory_space<vmem_shared>>
        tpu.wait_indirect_dma semaphore(%arg15 : memref<!tpu.dma_semaphore, #tpu.memory_space<semaphore_mem>>) src(%dma_wait3A_203 : memref<128x128xf32, #tpu.memory_space<vmem>>) dst(%dma_wait3A_213 : memref<10000x128xf32, #tpu.memory_space<vmem_shared>>)
      } else {
      }
      %add3A_146 = arith.constant 1 : i32
      %add3A_147 = arith.addi %add3A_127, %add3A_146 : i32
      %lt3A_148 = arith.cmpi slt, %add3A_147, %select_n3A : i32
      %convert_element_type3A_149 = arith.extui %lt3A_148 : i1 to i32
      %cond3A_150 = arith.constant 0 : i32
      %cond3A_151 = arith.cmpi ne, %convert_element_type3A_149, %cond3A_150 : i32
      scf.if %cond3A_151 {
        %dma_start3A = arith.constant 3 : i32
        %dma_start3A_198 = arith.constant 0 : i32
        %dma_start3A_199 = arith.constant 1 : i32
        %dma_start3A_200 = arith.constant 0 : i32
        %dma_start3A_201 = arith.constant 0 : i32
        %dma_start3A_202 = tpu.memref_slice %arg8[%dma_start3A_199, %dma_start3A_200, %dma_start3A_201] : memref<2x128x128xf32, #tpu.memory_space<vmem>> -> memref<1x128x128xf32, #tpu.memory_space<vmem>>
        %dma_start3A_203 = tpu.memref_squeeze %dma_start3A_202 : memref<1x128x128xf32, #tpu.memory_space<vmem>> -> memref<128x128xf32, #tpu.memory_space<vmem>>
        %dma_start3A_204 = arith.constant 0 : i32
        %dma_start3A_205 = arith.constant 0 : i32
        %dma_start3A_206 = tpu.memref_slice %arg7[%dma_start3A, %dma_start3A_204, %dma_start3A_205] : memref<4x2x128xi32, #tpu.memory_space<vmem>> -> memref<1x2x128xi32, #tpu.memory_space<vmem>>
        %dma_start3A_207 = tpu.memref_squeeze %dma_start3A_206 : memref<1x2x128xi32, #tpu.memory_space<vmem>> -> memref<2x128xi32, #tpu.memory_space<vmem>>
        %dma_start3A_208 = arith.constant 0 : i32
        %dma_start3A_209 = tpu.memref_slice %dma_start3A_207[%dma_start3A_198, %dma_start3A_208] : memref<2x128xi32, #tpu.memory_space<vmem>> -> memref<1x128xi32, #tpu.memory_space<vmem>>
        %dma_start3A_210 = tpu.memref_squeeze %dma_start3A_209 : memref<1x128xi32, #tpu.memory_space<vmem>> -> memref<128xi32, #tpu.memory_space<vmem>>
        %dma_start3A_211 = arith.constant 0 : i32
        %dma_start3A_212 = arith.constant 0 : i32
        %dma_start3A_213 = tpu.memref_slice %arg2[%dma_start3A_211, %dma_start3A_212] : memref<10000x128xf32, #tpu.memory_space<hbm>> -> memref<10000x128xf32, #tpu.memory_space<hbm>>
        tpu.enqueue_indirect_dma source(%dma_start3A_213 : memref<10000x128xf32, #tpu.memory_space<hbm>>) target(%dma_start3A_203 : memref<128x128xf32, #tpu.memory_space<vmem>>) offsets(%dma_start3A_210 : memref<128xi32, #tpu.memory_space<vmem>>) semaphore(%arg13 : memref<!tpu.dma_semaphore, #tpu.memory_space<semaphore_mem>>)
      } else {
      }
      %lt3A_152 = arith.cmpi slt, %add3A_127, %select_n3A : i32
      %convert_element_type3A_153 = arith.extui %lt3A_152 : i1 to i32
      %cond3A_154 = arith.constant 0 : i32
      %cond3A_155 = arith.cmpi ne, %convert_element_type3A_153, %cond3A_154 : i32
      scf.if %cond3A_155 {
        %dma_wait3A = arith.constant 2 : i32
        %dma_wait3A_198 = arith.constant 0 : i32
        %dma_wait3A_199 = arith.constant 0 : i32
        %dma_wait3A_200 = arith.constant 0 : i32
        %dma_wait3A_201 = arith.constant 0 : i32
        %dma_wait3A_202 = tpu.memref_slice %arg8[%dma_wait3A_199, %dma_wait3A_200, %dma_wait3A_201] : memref<2x128x128xf32, #tpu.memory_space<vmem>> -> memref<1x128x128xf32, #tpu.memory_space<vmem>>
        %dma_wait3A_203 = tpu.memref_squeeze %dma_wait3A_202 : memref<1x128x128xf32, #tpu.memory_space<vmem>> -> memref<128x128xf32, #tpu.memory_space<vmem>>
        %dma_wait3A_204 = arith.constant 0 : i32
        %dma_wait3A_205 = arith.constant 0 : i32
        %dma_wait3A_206 = tpu.memref_slice %arg7[%dma_wait3A, %dma_wait3A_204, %dma_wait3A_205] : memref<4x2x128xi32, #tpu.memory_space<vmem>> -> memref<1x2x128xi32, #tpu.memory_space<vmem>>
        %dma_wait3A_207 = tpu.memref_squeeze %dma_wait3A_206 : memref<1x2x128xi32, #tpu.memory_space<vmem>> -> memref<2x128xi32, #tpu.memory_space<vmem>>
        %dma_wait3A_208 = arith.constant 0 : i32
        %dma_wait3A_209 = tpu.memref_slice %dma_wait3A_207[%dma_wait3A_198, %dma_wait3A_208] : memref<2x128xi32, #tpu.memory_space<vmem>> -> memref<1x128xi32, #tpu.memory_space<vmem>>
        %dma_wait3A_210 = tpu.memref_squeeze %dma_wait3A_209 : memref<1x128xi32, #tpu.memory_space<vmem>> -> memref<128xi32, #tpu.memory_space<vmem>>
        %dma_wait3A_211 = arith.constant 0 : i32
        %dma_wait3A_212 = arith.constant 0 : i32
        %dma_wait3A_213 = tpu.memref_slice %arg2[%dma_wait3A_211, %dma_wait3A_212] : memref<10000x128xf32, #tpu.memory_space<hbm>> -> memref<10000x128xf32, #tpu.memory_space<hbm>>
        tpu.wait_indirect_dma semaphore(%arg12 : memref<!tpu.dma_semaphore, #tpu.memory_space<semaphore_mem>>) src(%dma_wait3A_213 : memref<10000x128xf32, #tpu.memory_space<hbm>>) dst(%dma_wait3A_203 : memref<128x128xf32, #tpu.memory_space<vmem>>)
        %dma_start3A = arith.constant 0 : i32
        %dma_start3A_214 = arith.constant 2 : i32
        %dma_start3A_215 = arith.constant 1 : i32
        %dma_start3A_216 = arith.constant 0 : i32
        %dma_start3A_217 = arith.constant 0 : i32
        %dma_start3A_218 = tpu.memref_slice %arg8[%dma_start3A, %dma_start3A_216, %dma_start3A_217] : memref<2x128x128xf32, #tpu.memory_space<vmem>> -> memref<1x128x128xf32, #tpu.memory_space<vmem>>
        %dma_start3A_219 = tpu.memref_squeeze %dma_start3A_218 : memref<1x128x128xf32, #tpu.memory_space<vmem>> -> memref<128x128xf32, #tpu.memory_space<vmem>>
        %dma_start3A_220 = arith.constant 0 : i32
        %dma_start3A_221 = arith.constant 0 : i32
        %dma_start3A_222 = tpu.memref_slice %arg7[%dma_start3A_214, %dma_start3A_220, %dma_start3A_221] : memref<4x2x128xi32, #tpu.memory_space<vmem>> -> memref<1x2x128xi32, #tpu.memory_space<vmem>>
        %dma_start3A_223 = tpu.memref_squeeze %dma_start3A_222 : memref<1x2x128xi32, #tpu.memory_space<vmem>> -> memref<2x128xi32, #tpu.memory_space<vmem>>
        %dma_start3A_224 = arith.constant 0 : i32
        %dma_start3A_225 = tpu.memref_slice %dma_start3A_223[%dma_start3A_215, %dma_start3A_224] : memref<2x128xi32, #tpu.memory_space<vmem>> -> memref<1x128xi32, #tpu.memory_space<vmem>>
        %dma_start3A_226 = tpu.memref_squeeze %dma_start3A_225 : memref<1x128xi32, #tpu.memory_space<vmem>> -> memref<128xi32, #tpu.memory_space<vmem>>
        %dma_start3A_227 = arith.constant 0 : i32
        %dma_start3A_228 = arith.constant 0 : i32
        %dma_start3A_229 = tpu.memref_slice %arg10[%dma_start3A_227, %dma_start3A_228] : memref<10000x128xf32, #tpu.memory_space<vmem_shared>> -> memref<10000x128xf32, #tpu.memory_space<vmem_shared>>
        tpu.enqueue_indirect_dma source(%dma_start3A_219 : memref<128x128xf32, #tpu.memory_space<vmem>>) target(%dma_start3A_229 : memref<10000x128xf32, #tpu.memory_space<vmem_shared>>) offsets(%dma_start3A_226 : memref<128xi32, #tpu.memory_space<vmem>>) semaphore(%arg14 : memref<!tpu.dma_semaphore, #tpu.memory_space<semaphore_mem>>) {add = true}
        %scan3A_230 = arith.constant 0 : i32
        %scan3A_231 = arith.constant 8 : i32
        %scan3A_232 = arith.addi %scan3A_230, %scan3A_231 : i32
        %scan3A_233 = arith.constant 1 : i32
        scf.for %scan3A_235 = %scan3A_230 to %scan3A_232 step %scan3A_233  : i32 {
          %mul3A_236 = arith.constant 1 : i32
          %mul3A_237 = arith.muli %scan3A_235, %mul3A_236 : i32
          %add3A_238 = arith.constant 0 : i32
          %add3A_239 = arith.addi %add3A_238, %mul3A_237 : i32
          %mul3A_240 = arith.constant 16 : i32
          %mul3A_241 = arith.muli %add3A_239, %mul3A_240 : i32
          %get3A = arith.constant 2 : i32
          %get3A_242 = arith.constant 1 : i32
          %get3A_243 = arith.index_cast %get3A : i32 to index
          %get3A_244 = arith.index_cast %get3A_242 : i32 to index
          %get3A_245 = arith.index_cast %mul3A_241 : i32 to index
          %get3A_246 = tpu.vector_load %arg7[%get3A_243, %get3A_244, %get3A_245] {strides = array<i32>} : memref<4x2x128xi32, #tpu.memory_space<vmem>>, vector<16xi32>,
          %broadcast_in_dim3A = arith.constant 1.000000e+00 : f32
          %broadcast_in_dim3A_247 = vector.broadcast %broadcast_in_dim3A : f32 to vector<16xf32>
          tpu.vector_store_idx %arg9[%get3A_246], %broadcast_in_dim3A_247 {add = true} : memref<10000xf32, #tpu.memory_space<vmem>>[vector<16xi32>], vector<16xf32>,
        }
        %scan3A_234 = arith.constant 8 : i32
      } else {
      }
      %add3A_156 = arith.constant 2 : i32
      %add3A_157 = arith.addi %add3A_127, %add3A_156 : i32
      %lt3A_158 = arith.cmpi slt, %add3A_157, %select_n3A : i32
      %convert_element_type3A_159 = arith.extui %lt3A_158 : i1 to i32
      %cond3A_160 = arith.constant 0 : i32
      %cond3A_161 = arith.cmpi ne, %convert_element_type3A_159, %cond3A_160 : i32
      scf.if %cond3A_161 {
        %add3A_198 = arith.addi %add3A_16, %add3A_127 : i32
        %add3A_199 = arith.constant 2 : i32
        %add3A_200 = arith.addi %add3A_198, %add3A_199 : i32
        %dma_start3A = arith.constant 0 : i32
        %dma_start3A_201 = arith.constant 0 : i32
        %dma_start3A_202 = arith.constant 0 : i32
        %dma_start3A_203 = tpu.memref_slice %arg7[%dma_start3A, %dma_start3A_201, %dma_start3A_202] : memref<4x2x128xi32, #tpu.memory_space<vmem>> -> memref<1x2x128xi32, #tpu.memory_space<vmem>>
        %dma_start3A_204 = tpu.memref_squeeze %dma_start3A_203 : memref<1x2x128xi32, #tpu.memory_space<vmem>> -> memref<2x128xi32, #tpu.memory_space<vmem>>
        %dma_start3A_205 = arith.constant 0 : i32
        %dma_start3A_206 = arith.constant 0 : i32
        %dma_start3A_207 = tpu.memref_slice %arg3[%add3A_200, %dma_start3A_205, %dma_start3A_206] : memref<2512x2x128xi32, #tpu.memory_space<hbm>> -> memref<1x2x128xi32, #tpu.memory_space<hbm>>
        %dma_start3A_208 = tpu.memref_squeeze %dma_start3A_207 : memref<1x2x128xi32, #tpu.memory_space<hbm>> -> memref<2x128xi32, #tpu.memory_space<hbm>>
        %dma_start3A_209 = arith.constant 0 : i32
        %dma_start3A_210 = arith.constant 0 : i32
        %dma_start3A_211 = tpu.memref_slice %arg7[%dma_start3A, %dma_start3A_209, %dma_start3A_210] : memref<4x2x128xi32, #tpu.memory_space<vmem>> -> memref<1x2x128xi32, #tpu.memory_space<vmem>>
        %dma_start3A_212 = tpu.memref_squeeze %dma_start3A_211 : memref<1x2x128xi32, #tpu.memory_space<vmem>> -> memref<2x128xi32, #tpu.memory_space<vmem>>
        %dma_start3A_213 = arith.constant 0 : i32
        %dma_start3A_214 = arith.constant 0 : i32
        %dma_start3A_215 = tpu.memref_slice %arg3[%add3A_200, %dma_start3A_213, %dma_start3A_214] : memref<2512x2x128xi32, #tpu.memory_space<hbm>> -> memref<1x2x128xi32, #tpu.memory_space<hbm>>
        %dma_start3A_216 = tpu.memref_squeeze %dma_start3A_215 : memref<1x2x128xi32, #tpu.memory_space<hbm>> -> memref<2x128xi32, #tpu.memory_space<hbm>>
        tpu.enqueue_dma source(%dma_start3A_216 : memref<2x128xi32, #tpu.memory_space<hbm>>) target(%dma_start3A_212 : memref<2x128xi32, #tpu.memory_space<vmem>>) target_semaphore(%arg11 : memref<!tpu.dma_semaphore, #tpu.memory_space<semaphore_mem>>)
      } else {
      }
      %add3A_162 = arith.constant 3 : i32
      %add3A_163 = arith.addi %mul3A_56, %add3A_162 : i32
      %ge3A_164 = arith.constant 1 : i32
      %ge3A_165 = arith.cmpi sge, %add3A_163, %ge3A_164 : i32
      %add3A_166 = arith.constant 1 : i32
      %add3A_167 = arith.addi %add3A_163, %add3A_166 : i32
      %lt3A_168 = arith.cmpi slt, %add3A_167, %select_n3A : i32
      %and3A_169 = arith.andi %ge3A_165, %lt3A_168 : i1
      %convert_element_type3A_170 = arith.extui %and3A_169 : i1 to i32
      %cond3A_171 = arith.constant 0 : i32
      %cond3A_172 = arith.cmpi ne, %convert_element_type3A_170, %cond3A_171 : i32
      scf.if %cond3A_172 {
        %add3A_198 = arith.addi %add3A_16, %add3A_163 : i32
        %add3A_199 = arith.constant 1 : i32
        %add3A_200 = arith.addi %add3A_198, %add3A_199 : i32
        %dma_wait3A = arith.constant 0 : i32
        %dma_wait3A_201 = arith.constant 0 : i32
        %dma_wait3A_202 = arith.constant 0 : i32
        %dma_wait3A_203 = tpu.memref_slice %arg7[%dma_wait3A, %dma_wait3A_201, %dma_wait3A_202] : memref<4x2x128xi32, #tpu.memory_space<vmem>> -> memref<1x2x128xi32, #tpu.memory_space<vmem>>
        %dma_wait3A_204 = tpu.memref_squeeze %dma_wait3A_203 : memref<1x2x128xi32, #tpu.memory_space<vmem>> -> memref<2x128xi32, #tpu.memory_space<vmem>>
        %dma_wait3A_205 = arith.constant 0 : i32
        %dma_wait3A_206 = arith.constant 0 : i32
        %dma_wait3A_207 = tpu.memref_slice %arg3[%add3A_200, %dma_wait3A_205, %dma_wait3A_206] : memref<2512x2x128xi32, #tpu.memory_space<hbm>> -> memref<1x2x128xi32, #tpu.memory_space<hbm>>
        %dma_wait3A_208 = tpu.memref_squeeze %dma_wait3A_207 : memref<1x2x128xi32, #tpu.memory_space<hbm>> -> memref<2x128xi32, #tpu.memory_space<hbm>>
        %dma_wait3A_209 = arith.constant 0 : i32
        %dma_wait3A_210 = arith.constant 0 : i32
        %dma_wait3A_211 = tpu.memref_slice %arg7[%dma_wait3A, %dma_wait3A_209, %dma_wait3A_210] : memref<4x2x128xi32, #tpu.memory_space<vmem>> -> memref<1x2x128xi32, #tpu.memory_space<vmem>>
        %dma_wait3A_212 = tpu.memref_squeeze %dma_wait3A_211 : memref<1x2x128xi32, #tpu.memory_space<vmem>> -> memref<2x128xi32, #tpu.memory_space<vmem>>
        %dma_wait3A_213 = arith.constant 0 : i32
        %dma_wait3A_214 = arith.constant 0 : i32
        %dma_wait3A_215 = tpu.memref_slice %arg3[%add3A_200, %dma_wait3A_213, %dma_wait3A_214] : memref<2512x2x128xi32, #tpu.memory_space<hbm>> -> memref<1x2x128xi32, #tpu.memory_space<hbm>>
        %dma_wait3A_216 = tpu.memref_squeeze %dma_wait3A_215 : memref<1x2x128xi32, #tpu.memory_space<hbm>> -> memref<2x128xi32, #tpu.memory_space<hbm>>
        tpu.wait_dma2 semaphore(%arg11 : memref<!tpu.dma_semaphore, #tpu.memory_space<semaphore_mem>>) src(%dma_wait3A_216 : memref<2x128xi32, #tpu.memory_space<hbm>>) dst(%dma_wait3A_212 : memref<2x128xi32, #tpu.memory_space<vmem>>)
      } else {
      }
      %ge3A_173 = arith.constant 1 : i32
      %ge3A_174 = arith.cmpi sge, %add3A_163, %ge3A_173 : i32
      %sub3A_175 = arith.constant 1 : i32
      %sub3A_176 = arith.subi %add3A_163, %sub3A_175 : i32
      %lt3A_177 = arith.cmpi slt, %sub3A_176, %select_n3A : i32
      %and3A_178 = arith.andi %ge3A_174, %lt3A_177 : i1
      %convert_element_type3A_179 = arith.extui %and3A_178 : i1 to i32
      %cond3A_180 = arith.constant 0 : i32
      %cond3A_181 = arith.cmpi ne, %convert_element_type3A_179, %cond3A_180 : i32
      scf.if %cond3A_181 {
        %dma_wait3A = arith.constant 0 : i32
        %dma_wait3A_198 = arith.constant 2 : i32
        %dma_wait3A_199 = arith.constant 1 : i32
        %dma_wait3A_200 = arith.constant 0 : i32
        %dma_wait3A_201 = arith.constant 0 : i32
        %dma_wait3A_202 = tpu.memref_slice %arg8[%dma_wait3A, %dma_wait3A_200, %dma_wait3A_201] : memref<2x128x128xf32, #tpu.memory_space<vmem>> -> memref<1x128x128xf32, #tpu.memory_space<vmem>>
        %dma_wait3A_203 = tpu.memref_squeeze %dma_wait3A_202 : memref<1x128x128xf32, #tpu.memory_space<vmem>> -> memref<128x128xf32, #tpu.memory_space<vmem>>
        %dma_wait3A_204 = arith.constant 0 : i32
        %dma_wait3A_205 = arith.constant 0 : i32
        %dma_wait3A_206 = tpu.memref_slice %arg7[%dma_wait3A_198, %dma_wait3A_204, %dma_wait3A_205] : memref<4x2x128xi32, #tpu.memory_space<vmem>> -> memref<1x2x128xi32, #tpu.memory_space<vmem>>
        %dma_wait3A_207 = tpu.memref_squeeze %dma_wait3A_206 : memref<1x2x128xi32, #tpu.memory_space<vmem>> -> memref<2x128xi32, #tpu.memory_space<vmem>>
        %dma_wait3A_208 = arith.constant 0 : i32
        %dma_wait3A_209 = tpu.memref_slice %dma_wait3A_207[%dma_wait3A_199, %dma_wait3A_208] : memref<2x128xi32, #tpu.memory_space<vmem>> -> memref<1x128xi32, #tpu.memory_space<vmem>>
        %dma_wait3A_210 = tpu.memref_squeeze %dma_wait3A_209 : memref<1x128xi32, #tpu.memory_space<vmem>> -> memref<128xi32, #tpu.memory_space<vmem>>
        %dma_wait3A_211 = arith.constant 0 : i32
        %dma_wait3A_212 = arith.constant 0 : i32
        %dma_wait3A_213 = tpu.memref_slice %arg10[%dma_wait3A_211, %dma_wait3A_212] : memref<10000x128xf32, #tpu.memory_space<vmem_shared>> -> memref<10000x128xf32, #tpu.memory_space<vmem_shared>>
        tpu.wait_indirect_dma semaphore(%arg14 : memref<!tpu.dma_semaphore, #tpu.memory_space<semaphore_mem>>) src(%dma_wait3A_203 : memref<128x128xf32, #tpu.memory_space<vmem>>) dst(%dma_wait3A_213 : memref<10000x128xf32, #tpu.memory_space<vmem_shared>>)
      } else {
      }
      %add3A_182 = arith.constant 1 : i32
      %add3A_183 = arith.addi %add3A_163, %add3A_182 : i32
      %lt3A_184 = arith.cmpi slt, %add3A_183, %select_n3A : i32
      %convert_element_type3A_185 = arith.extui %lt3A_184 : i1 to i32
      %cond3A_186 = arith.constant 0 : i32
      %cond3A_187 = arith.cmpi ne, %convert_element_type3A_185, %cond3A_186 : i32
      scf.if %cond3A_187 {
        %dma_start3A = arith.constant 0 : i32
        %dma_start3A_198 = arith.constant 0 : i32
        %dma_start3A_199 = arith.constant 0 : i32
        %dma_start3A_200 = arith.constant 0 : i32
        %dma_start3A_201 = arith.constant 0 : i32
        %dma_start3A_202 = tpu.memref_slice %arg8[%dma_start3A_199, %dma_start3A_200, %dma_start3A_201] : memref<2x128x128xf32, #tpu.memory_space<vmem>> -> memref<1x128x128xf32, #tpu.memory_space<vmem>>
        %dma_start3A_203 = tpu.memref_squeeze %dma_start3A_202 : memref<1x128x128xf32, #tpu.memory_space<vmem>> -> memref<128x128xf32, #tpu.memory_space<vmem>>
        %dma_start3A_204 = arith.constant 0 : i32
        %dma_start3A_205 = arith.constant 0 : i32
        %dma_start3A_206 = tpu.memref_slice %arg7[%dma_start3A, %dma_start3A_204, %dma_start3A_205] : memref<4x2x128xi32, #tpu.memory_space<vmem>> -> memref<1x2x128xi32, #tpu.memory_space<vmem>>
        %dma_start3A_207 = tpu.memref_squeeze %dma_start3A_206 : memref<1x2x128xi32, #tpu.memory_space<vmem>> -> memref<2x128xi32, #tpu.memory_space<vmem>>
        %dma_start3A_208 = arith.constant 0 : i32
        %dma_start3A_209 = tpu.memref_slice %dma_start3A_207[%dma_start3A_198, %dma_start3A_208] : memref<2x128xi32, #tpu.memory_space<vmem>> -> memref<1x128xi32, #tpu.memory_space<vmem>>
        %dma_start3A_210 = tpu.memref_squeeze %dma_start3A_209 : memref<1x128xi32, #tpu.memory_space<vmem>> -> memref<128xi32, #tpu.memory_space<vmem>>
        %dma_start3A_211 = arith.constant 0 : i32
        %dma_start3A_212 = arith.constant 0 : i32
        %dma_start3A_213 = tpu.memref_slice %arg2[%dma_start3A_211, %dma_start3A_212] : memref<10000x128xf32, #tpu.memory_space<hbm>> -> memref<10000x128xf32, #tpu.memory_space<hbm>>
        tpu.enqueue_indirect_dma source(%dma_start3A_213 : memref<10000x128xf32, #tpu.memory_space<hbm>>) target(%dma_start3A_203 : memref<128x128xf32, #tpu.memory_space<vmem>>) offsets(%dma_start3A_210 : memref<128xi32, #tpu.memory_space<vmem>>) semaphore(%arg12 : memref<!tpu.dma_semaphore, #tpu.memory_space<semaphore_mem>>)
      } else {
      }
      %lt3A_188 = arith.cmpi slt, %add3A_163, %select_n3A : i32
      %convert_element_type3A_189 = arith.extui %lt3A_188 : i1 to i32
      %cond3A_190 = arith.constant 0 : i32
      %cond3A_191 = arith.cmpi ne, %convert_element_type3A_189, %cond3A_190 : i32
      scf.if %cond3A_191 {
        %dma_wait3A = arith.constant 3 : i32
        %dma_wait3A_198 = arith.constant 0 : i32
        %dma_wait3A_199 = arith.constant 1 : i32
        %dma_wait3A_200 = arith.constant 0 : i32
        %dma_wait3A_201 = arith.constant 0 : i32
        %dma_wait3A_202 = tpu.memref_slice %arg8[%dma_wait3A_199, %dma_wait3A_200, %dma_wait3A_201] : memref<2x128x128xf32, #tpu.memory_space<vmem>> -> memref<1x128x128xf32, #tpu.memory_space<vmem>>
        %dma_wait3A_203 = tpu.memref_squeeze %dma_wait3A_202 : memref<1x128x128xf32, #tpu.memory_space<vmem>> -> memref<128x128xf32, #tpu.memory_space<vmem>>
        %dma_wait3A_204 = arith.constant 0 : i32
        %dma_wait3A_205 = arith.constant 0 : i32
        %dma_wait3A_206 = tpu.memref_slice %arg7[%dma_wait3A, %dma_wait3A_204, %dma_wait3A_205] : memref<4x2x128xi32, #tpu.memory_space<vmem>> -> memref<1x2x128xi32, #tpu.memory_space<vmem>>
        %dma_wait3A_207 = tpu.memref_squeeze %dma_wait3A_206 : memref<1x2x128xi32, #tpu.memory_space<vmem>> -> memref<2x128xi32, #tpu.memory_space<vmem>>
        %dma_wait3A_208 = arith.constant 0 : i32
        %dma_wait3A_209 = tpu.memref_slice %dma_wait3A_207[%dma_wait3A_198, %dma_wait3A_208] : memref<2x128xi32, #tpu.memory_space<vmem>> -> memref<1x128xi32, #tpu.memory_space<vmem>>
        %dma_wait3A_210 = tpu.memref_squeeze %dma_wait3A_209 : memref<1x128xi32, #tpu.memory_space<vmem>> -> memref<128xi32, #tpu.memory_space<vmem>>
        %dma_wait3A_211 = arith.constant 0 : i32
        %dma_wait3A_212 = arith.constant 0 : i32
        %dma_wait3A_213 = tpu.memref_slice %arg2[%dma_wait3A_211, %dma_wait3A_212] : memref<10000x128xf32, #tpu.memory_space<hbm>> -> memref<10000x128xf32, #tpu.memory_space<hbm>>
        tpu.wait_indirect_dma semaphore(%arg13 : memref<!tpu.dma_semaphore, #tpu.memory_space<semaphore_mem>>) src(%dma_wait3A_213 : memref<10000x128xf32, #tpu.memory_space<hbm>>) dst(%dma_wait3A_203 : memref<128x128xf32, #tpu.memory_space<vmem>>)
        %dma_start3A = arith.constant 1 : i32
        %dma_start3A_214 = arith.constant 3 : i32
        %dma_start3A_215 = arith.constant 1 : i32
        %dma_start3A_216 = arith.constant 0 : i32
        %dma_start3A_217 = arith.constant 0 : i32
        %dma_start3A_218 = tpu.memref_slice %arg8[%dma_start3A, %dma_start3A_216, %dma_start3A_217] : memref<2x128x128xf32, #tpu.memory_space<vmem>> -> memref<1x128x128xf32, #tpu.memory_space<vmem>>
        %dma_start3A_219 = tpu.memref_squeeze %dma_start3A_218 : memref<1x128x128xf32, #tpu.memory_space<vmem>> -> memref<128x128xf32, #tpu.memory_space<vmem>>
        %dma_start3A_220 = arith.constant 0 : i32
        %dma_start3A_221 = arith.constant 0 : i32
        %dma_start3A_222 = tpu.memref_slice %arg7[%dma_start3A_214, %dma_start3A_220, %dma_start3A_221] : memref<4x2x128xi32, #tpu.memory_space<vmem>> -> memref<1x2x128xi32, #tpu.memory_space<vmem>>
        %dma_start3A_223 = tpu.memref_squeeze %dma_start3A_222 : memref<1x2x128xi32, #tpu.memory_space<vmem>> -> memref<2x128xi32, #tpu.memory_space<vmem>>
        %dma_start3A_224 = arith.constant 0 : i32
        %dma_start3A_225 = tpu.memref_slice %dma_start3A_223[%dma_start3A_215, %dma_start3A_224] : memref<2x128xi32, #tpu.memory_space<vmem>> -> memref<1x128xi32, #tpu.memory_space<vmem>>
        %dma_start3A_226 = tpu.memref_squeeze %dma_start3A_225 : memref<1x128xi32, #tpu.memory_space<vmem>> -> memref<128xi32, #tpu.memory_space<vmem>>
        %dma_start3A_227 = arith.constant 0 : i32
        %dma_start3A_228 = arith.constant 0 : i32
        %dma_start3A_229 = tpu.memref_slice %arg10[%dma_start3A_227, %dma_start3A_228] : memref<10000x128xf32, #tpu.memory_space<vmem_shared>> -> memref<10000x128xf32, #tpu.memory_space<vmem_shared>>
        tpu.enqueue_indirect_dma source(%dma_start3A_219 : memref<128x128xf32, #tpu.memory_space<vmem>>) target(%dma_start3A_229 : memref<10000x128xf32, #tpu.memory_space<vmem_shared>>) offsets(%dma_start3A_226 : memref<128xi32, #tpu.memory_space<vmem>>) semaphore(%arg15 : memref<!tpu.dma_semaphore, #tpu.memory_space<semaphore_mem>>) {add = true}
        %scan3A_230 = arith.constant 0 : i32
        %scan3A_231 = arith.constant 8 : i32
        %scan3A_232 = arith.addi %scan3A_230, %scan3A_231 : i32
        %scan3A_233 = arith.constant 1 : i32
        scf.for %scan3A_235 = %scan3A_230 to %scan3A_232 step %scan3A_233  : i32 {
          %mul3A_236 = arith.constant 1 : i32
          %mul3A_237 = arith.muli %scan3A_235, %mul3A_236 : i32
          %add3A_238 = arith.constant 0 : i32
          %add3A_239 = arith.addi %add3A_238, %mul3A_237 : i32
          %mul3A_240 = arith.constant 16 : i32
          %mul3A_241 = arith.muli %add3A_239, %mul3A_240 : i32
          %get3A = arith.constant 3 : i32
          %get3A_242 = arith.constant 1 : i32
          %get3A_243 = arith.index_cast %get3A : i32 to index
          %get3A_244 = arith.index_cast %get3A_242 : i32 to index
          %get3A_245 = arith.index_cast %mul3A_241 : i32 to index
          %get3A_246 = tpu.vector_load %arg7[%get3A_243, %get3A_244, %get3A_245] {strides = array<i32>} : memref<4x2x128xi32, #tpu.memory_space<vmem>>, vector<16xi32>,
          %broadcast_in_dim3A = arith.constant 1.000000e+00 : f32
          %broadcast_in_dim3A_247 = vector.broadcast %broadcast_in_dim3A : f32 to vector<16xf32>
          tpu.vector_store_idx %arg9[%get3A_246], %broadcast_in_dim3A_247 {add = true} : memref<10000xf32, #tpu.memory_space<vmem>>[vector<16xi32>], vector<16xf32>,
        }
        %scan3A_234 = arith.constant 8 : i32
      } else {
      }
      %add3A_192 = arith.constant 2 : i32
      %add3A_193 = arith.addi %add3A_163, %add3A_192 : i32
      %lt3A_194 = arith.cmpi slt, %add3A_193, %select_n3A : i32
      %convert_element_type3A_195 = arith.extui %lt3A_194 : i1 to i32
      %cond3A_196 = arith.constant 0 : i32
      %cond3A_197 = arith.cmpi ne, %convert_element_type3A_195, %cond3A_196 : i32
      scf.if %cond3A_197 {
        %add3A_198 = arith.addi %add3A_16, %add3A_163 : i32
        %add3A_199 = arith.constant 2 : i32
        %add3A_200 = arith.addi %add3A_198, %add3A_199 : i32
        %dma_start3A = arith.constant 1 : i32
        %dma_start3A_201 = arith.constant 0 : i32
        %dma_start3A_202 = arith.constant 0 : i32
        %dma_start3A_203 = tpu.memref_slice %arg7[%dma_start3A, %dma_start3A_201, %dma_start3A_202] : memref<4x2x128xi32, #tpu.memory_space<vmem>> -> memref<1x2x128xi32, #tpu.memory_space<vmem>>
        %dma_start3A_204 = tpu.memref_squeeze %dma_start3A_203 : memref<1x2x128xi32, #tpu.memory_space<vmem>> -> memref<2x128xi32, #tpu.memory_space<vmem>>
        %dma_start3A_205 = arith.constant 0 : i32
        %dma_start3A_206 = arith.constant 0 : i32
        %dma_start3A_207 = tpu.memref_slice %arg3[%add3A_200, %dma_start3A_205, %dma_start3A_206] : memref<2512x2x128xi32, #tpu.memory_space<hbm>> -> memref<1x2x128xi32, #tpu.memory_space<hbm>>
        %dma_start3A_208 = tpu.memref_squeeze %dma_start3A_207 : memref<1x2x128xi32, #tpu.memory_space<hbm>> -> memref<2x128xi32, #tpu.memory_space<hbm>>
        %dma_start3A_209 = arith.constant 0 : i32
        %dma_start3A_210 = arith.constant 0 : i32
        %dma_start3A_211 = tpu.memref_slice %arg7[%dma_start3A, %dma_start3A_209, %dma_start3A_210] : memref<4x2x128xi32, #tpu.memory_space<vmem>> -> memref<1x2x128xi32, #tpu.memory_space<vmem>>
        %dma_start3A_212 = tpu.memref_squeeze %dma_start3A_211 : memref<1x2x128xi32, #tpu.memory_space<vmem>> -> memref<2x128xi32, #tpu.memory_space<vmem>>
        %dma_start3A_213 = arith.constant 0 : i32
        %dma_start3A_214 = arith.constant 0 : i32
        %dma_start3A_215 = tpu.memref_slice %arg3[%add3A_200, %dma_start3A_213, %dma_start3A_214] : memref<2512x2x128xi32, #tpu.memory_space<hbm>> -> memref<1x2x128xi32, #tpu.memory_space<hbm>>
        %dma_start3A_216 = tpu.memref_squeeze %dma_start3A_215 : memref<1x2x128xi32, #tpu.memory_space<hbm>> -> memref<2x128xi32, #tpu.memory_space<hbm>>
        tpu.enqueue_dma source(%dma_start3A_216 : memref<2x128xi32, #tpu.memory_space<hbm>>) target(%dma_start3A_212 : memref<2x128xi32, #tpu.memory_space<vmem>>) target_semaphore(%arg11 : memref<!tpu.dma_semaphore, #tpu.memory_space<semaphore_mem>>)
      } else {
      }
    }
    %scan3A_33 = arith.constant 20 : i32
    %barrier3A_34 = arith.constant 0 : index
    tpu.barrier barrier_id(%barrier3A_34)
    %lt3A_35 = arith.constant 15 : i32
    %lt3A_36 = arith.cmpi slt, %arg1, %lt3A_35 : i32
    %convert_element_type3A_37 = arith.extui %lt3A_36 : i1 to i32
    %cond3A_38 = arith.constant 0 : i32
    %cond3A_39 = arith.cmpi ne, %convert_element_type3A_37, %cond3A_38 : i32
    scf.if %cond3A_39 {
      "tpu.region"() ({
        %run_scoped3A_50 = tpu.sem_alloc : memref<!tpu.dma_semaphore, #tpu.memory_space<semaphore_mem>>
        %dma_start3A = arith.constant 0 : i32
        %dma_start3A_51 = arith.constant 0 : i32
        %dma_start3A_52 = tpu.memref_slice %arg5[%arg0, %dma_start3A, %dma_start3A_51] : memref<2x10000x128xf32, #tpu.memory_space<hbm>> -> memref<1x10000x128xf32, #tpu.memory_space<hbm>>
        %dma_start3A_53 = tpu.memref_squeeze %dma_start3A_52 : memref<1x10000x128xf32, #tpu.memory_space<hbm>> -> memref<10000x128xf32, #tpu.memory_space<hbm>>
        %dma_start3A_54 = arith.constant 0 : i32
        %dma_start3A_55 = tpu.memref_slice %dma_start3A_53[%mul3A_0, %dma_start3A_54] : memref<10000x128xf32, #tpu.memory_space<hbm>> -> memref<632x128xf32, #tpu.memory_space<hbm>>
        %dma_start3A_56 = arith.constant 0 : i32
        %dma_start3A_57 = tpu.memref_slice %arg10[%mul3A_0, %dma_start3A_56] : memref<10000x128xf32, #tpu.memory_space<vmem_shared>> -> memref<632x128xf32, #tpu.memory_space<vmem_shared>>
        tpu.enqueue_dma source(%dma_start3A_57 : memref<632x128xf32, #tpu.memory_space<vmem_shared>>) target(%dma_start3A_55 : memref<632x128xf32, #tpu.memory_space<hbm>>) target_semaphore(%run_scoped3A_50 : memref<!tpu.dma_semaphore, #tpu.memory_space<semaphore_mem>>)
        %dma_wait3A = arith.constant 0 : i32
        %dma_wait3A_58 = arith.constant 0 : i32
        %dma_wait3A_59 = tpu.memref_slice %arg5[%arg0, %dma_wait3A, %dma_wait3A_58] : memref<2x10000x128xf32, #tpu.memory_space<hbm>> -> memref<1x10000x128xf32, #tpu.memory_space<hbm>>
        %dma_wait3A_60 = tpu.memref_squeeze %dma_wait3A_59 : memref<1x10000x128xf32, #tpu.memory_space<hbm>> -> memref<10000x128xf32, #tpu.memory_space<hbm>>
        %dma_wait3A_61 = arith.constant 0 : i32
        %dma_wait3A_62 = tpu.memref_slice %dma_wait3A_60[%mul3A_0, %dma_wait3A_61] : memref<10000x128xf32, #tpu.memory_space<hbm>> -> memref<632x128xf32, #tpu.memory_space<hbm>>
        %dma_wait3A_63 = arith.constant 0 : i32
        %dma_wait3A_64 = tpu.memref_slice %arg10[%mul3A_0, %dma_wait3A_63] : memref<10000x128xf32, #tpu.memory_space<vmem_shared>> -> memref<632x128xf32, #tpu.memory_space<vmem_shared>>
        tpu.wait_dma2 semaphore(%run_scoped3A_50 : memref<!tpu.dma_semaphore, #tpu.memory_space<semaphore_mem>>) src(%dma_wait3A_64 : memref<632x128xf32, #tpu.memory_space<vmem_shared>>) dst(%dma_wait3A_62 : memref<632x128xf32, #tpu.memory_space<hbm>>)
        tpu.yield
      }) : () -> ()
    } else {
    }
    %eq3A_40 = arith.constant 15 : i32
    %eq3A_41 = arith.cmpi eq, %arg1, %eq3A_40 : i32
    %convert_element_type3A_42 = arith.extui %eq3A_41 : i1 to i32
    %cond3A_43 = arith.constant 0 : i32
    %cond3A_44 = arith.cmpi ne, %convert_element_type3A_42, %cond3A_43 : i32
    scf.if %cond3A_44 {
      "tpu.region"() ({
        %run_scoped3A_50 = tpu.sem_alloc : memref<!tpu.dma_semaphore, #tpu.memory_space<semaphore_mem>>
        %dma_start3A = arith.constant 0 : i32
        %dma_start3A_51 = arith.constant 0 : i32
        %dma_start3A_52 = tpu.memref_slice %arg5[%arg0, %dma_start3A, %dma_start3A_51] : memref<2x10000x128xf32, #tpu.memory_space<hbm>> -> memref<1x10000x128xf32, #tpu.memory_space<hbm>>
        %dma_start3A_53 = tpu.memref_squeeze %dma_start3A_52 : memref<1x10000x128xf32, #tpu.memory_space<hbm>> -> memref<10000x128xf32, #tpu.memory_space<hbm>>
        %dma_start3A_54 = arith.constant 0 : i32
        %dma_start3A_55 = tpu.memref_slice %dma_start3A_53[%mul3A_0, %dma_start3A_54] : memref<10000x128xf32, #tpu.memory_space<hbm>> -> memref<520x128xf32, #tpu.memory_space<hbm>>
        %dma_start3A_56 = arith.constant 0 : i32
        %dma_start3A_57 = tpu.memref_slice %arg10[%mul3A_0, %dma_start3A_56] : memref<10000x128xf32, #tpu.memory_space<vmem_shared>> -> memref<520x128xf32, #tpu.memory_space<vmem_shared>>
        tpu.enqueue_dma source(%dma_start3A_57 : memref<520x128xf32, #tpu.memory_space<vmem_shared>>) target(%dma_start3A_55 : memref<520x128xf32, #tpu.memory_space<hbm>>) target_semaphore(%run_scoped3A_50 : memref<!tpu.dma_semaphore, #tpu.memory_space<semaphore_mem>>)
        %dma_wait3A = arith.constant 0 : i32
        %dma_wait3A_58 = arith.constant 0 : i32
        %dma_wait3A_59 = tpu.memref_slice %arg5[%arg0, %dma_wait3A, %dma_wait3A_58] : memref<2x10000x128xf32, #tpu.memory_space<hbm>> -> memref<1x10000x128xf32, #tpu.memory_space<hbm>>
        %dma_wait3A_60 = tpu.memref_squeeze %dma_wait3A_59 : memref<1x10000x128xf32, #tpu.memory_space<hbm>> -> memref<10000x128xf32, #tpu.memory_space<hbm>>
        %dma_wait3A_61 = arith.constant 0 : i32
        %dma_wait3A_62 = tpu.memref_slice %dma_wait3A_60[%mul3A_0, %dma_wait3A_61] : memref<10000x128xf32, #tpu.memory_space<hbm>> -> memref<520x128xf32, #tpu.memory_space<hbm>>
        %dma_wait3A_63 = arith.constant 0 : i32
        %dma_wait3A_64 = tpu.memref_slice %arg10[%mul3A_0, %dma_wait3A_63] : memref<10000x128xf32, #tpu.memory_space<vmem_shared>> -> memref<520x128xf32, #tpu.memory_space<vmem_shared>>
        tpu.wait_dma2 semaphore(%run_scoped3A_50 : memref<!tpu.dma_semaphore, #tpu.memory_space<semaphore_mem>>) src(%dma_wait3A_64 : memref<520x128xf32, #tpu.memory_space<vmem_shared>>) dst(%dma_wait3A_62 : memref<520x128xf32, #tpu.memory_space<hbm>>)
        tpu.yield
      }) : () -> ()
    } else {
    }
    %mul3A_45 = arith.constant 16 : i32
    %mul3A_46 = arith.muli %arg0, %mul3A_45 : i32
    %add3A_47 = arith.addi %mul3A_46, %arg1 : i32
    %mul3A_48 = arith.constant 10000 : i32
    %mul3A_49 = arith.muli %add3A_47, %mul3A_48 : i32
    "tpu.region"() ({
      %run_scoped3A_50 = tpu.sem_alloc : memref<!tpu.dma_semaphore, #tpu.memory_space<semaphore_mem>>
      %dma_start3A = tpu.memref_slice %arg6[%mul3A_49] : memref<320000xf32, #tpu.memory_space<hbm>> -> memref<10000xf32, #tpu.memory_space<hbm>>
      %dma_start3A_51 = tpu.memref_slice %arg6[%mul3A_49] : memref<320000xf32, #tpu.memory_space<hbm>> -> memref<10000xf32, #tpu.memory_space<hbm>>
      tpu.enqueue_dma source(%arg9 : memref<10000xf32, #tpu.memory_space<vmem>>) target(%dma_start3A_51 : memref<10000xf32, #tpu.memory_space<hbm>>) target_semaphore(%run_scoped3A_50 : memref<!tpu.dma_semaphore, #tpu.memory_space<semaphore_mem>>)
      %dma_wait3A = tpu.memref_slice %arg6[%mul3A_49] : memref<320000xf32, #tpu.memory_space<hbm>> -> memref<10000xf32, #tpu.memory_space<hbm>>
      %dma_wait3A_52 = tpu.memref_slice %arg6[%mul3A_49] : memref<320000xf32, #tpu.memory_space<hbm>> -> memref<10000xf32, #tpu.memory_space<hbm>>
      tpu.wait_dma2 semaphore(%run_scoped3A_50 : memref<!tpu.dma_semaphore, #tpu.memory_space<semaphore_mem>>) src(%arg9 : memref<10000xf32, #tpu.memory_space<vmem>>) dst(%dma_wait3A_52 : memref<10000xf32, #tpu.memory_space<hbm>>)
      tpu.yield
    }) : () -> ()
    return
  }
}

#map = affine_map<(d0, d1) -> (0, 0)>
#map1 = affine_map<(d0, d1) -> (0, 0, 0)>
module attributes {stable_mosaic.version = 14 : i64} {
  func.func @body(%arg0: i32, %arg1: i32, %arg2: memref<10000x128xf32, #tpu.memory_space<hbm>>, %arg3: memref<10000x128xf32, #tpu.memory_space<hbm>>, %arg4: memref<2512x2x128xi32, #tpu.memory_space<hbm>>, %arg5: memref<10000x128xf32, #tpu.memory_space<hbm>>, %arg6: memref<10000x128xf32, #tpu.memory_space<hbm>>, %arg7: memref<10000x128xf32, #tpu.memory_space<hbm>>, %arg8: memref<4x2x128xi32, #tpu.memory_space<vmem>>, %arg9: memref<2x128x128xf32, #tpu.memory_space<vmem>>, %arg10: memref<10000x128xf32, #tpu.memory_space<vmem_shared>>, %arg11: memref<!tpu.dma_semaphore, #tpu.memory_space<semaphore_mem>>, %arg12: memref<!tpu.dma_semaphore, #tpu.memory_space<semaphore_mem>>, %arg13: memref<!tpu.dma_semaphore, #tpu.memory_space<semaphore_mem>>, %arg14: memref<!tpu.dma_semaphore, #tpu.memory_space<semaphore_mem>>, %arg15: memref<!tpu.dma_semaphore, #tpu.memory_space<semaphore_mem>>) attributes {dimension_semantics = [#tpu.dimension_semantics<core_parallel>, #tpu.dimension_semantics<subcore_parallel>], iteration_bounds = array<i64: 2, 16>, scalar_prefetch = 0 : i64, scratch_operands = 8 : i64, tpu.core_type = #tpu.core_type<sc_vector_subcore>, window_params = [{transform_indices = #map}, {transform_indices = #map}, {transform_indices = #map1}, {transform_indices = #map}, {transform_indices = #map}, {transform_indices = #map}]} {
    %mul3A = arith.constant 632 : i32
    %mul3A_0 = arith.muli %arg1, %mul3A : i32
    %mul3A_1 = arith.constant 156 : i32
    %mul3A_2 = arith.muli %arg1, %mul3A_1 : i32
    %min3A = arith.constant 4 : i32
    %min3A_3 = arith.minsi %arg1, %min3A : i32
    %add3A = arith.addi %mul3A_2, %min3A_3 : i32
    %lt3A = arith.constant 4 : i32
    %lt3A_4 = arith.cmpi slt, %arg1, %lt3A : i32
    %jit3A = arith.constant 157 : i32
    %jit3A_5 = arith.constant 156 : i32
    %select_n3A = arith.select %lt3A_4, %jit3A, %jit3A_5 : i32
    %eq3A = arith.constant 0 : i32
    %eq3A_6 = arith.cmpi eq, %arg0, %eq3A : i32
    %convert_element_type3A = arith.extui %eq3A_6 : i1 to i32
    %cond3A = arith.constant 0 : i32
    %cond3A_7 = arith.cmpi ne, %convert_element_type3A, %cond3A : i32
    scf.if %cond3A_7 {
      %lt3A_13 = arith.constant 15 : i32
      %lt3A_14 = arith.cmpi slt, %arg1, %lt3A_13 : i32
      %convert_element_type3A_15 = arith.extui %lt3A_14 : i1 to i32
      %cond3A_16 = arith.constant 0 : i32
      %cond3A_17 = arith.cmpi ne, %convert_element_type3A_15, %cond3A_16 : i32
      scf.if %cond3A_17 {
        "tpu.region"() ({
          %run_scoped3A_47 = tpu.sem_alloc : memref<!tpu.dma_semaphore, #tpu.memory_space<semaphore_mem>>
          %dma_start3A = arith.constant 0 : i32
          %dma_start3A_48 = tpu.memref_slice %arg10[%mul3A_0, %dma_start3A] : memref<10000x128xf32, #tpu.memory_space<vmem_shared>> -> memref<632x128xf32, #tpu.memory_space<vmem_shared>>
          %dma_start3A_49 = arith.constant 0 : i32
          %dma_start3A_50 = tpu.memref_slice %arg5[%mul3A_0, %dma_start3A_49] : memref<10000x128xf32, #tpu.memory_space<hbm>> -> memref<632x128xf32, #tpu.memory_space<hbm>>
          tpu.enqueue_dma source(%dma_start3A_50 : memref<632x128xf32, #tpu.memory_space<hbm>>) target(%dma_start3A_48 : memref<632x128xf32, #tpu.memory_space<vmem_shared>>) target_semaphore(%run_scoped3A_47 : memref<!tpu.dma_semaphore, #tpu.memory_space<semaphore_mem>>)
          %dma_wait3A = arith.constant 0 : i32
          %dma_wait3A_51 = tpu.memref_slice %arg10[%mul3A_0, %dma_wait3A] : memref<10000x128xf32, #tpu.memory_space<vmem_shared>> -> memref<632x128xf32, #tpu.memory_space<vmem_shared>>
          %dma_wait3A_52 = arith.constant 0 : i32
          %dma_wait3A_53 = tpu.memref_slice %arg5[%mul3A_0, %dma_wait3A_52] : memref<10000x128xf32, #tpu.memory_space<hbm>> -> memref<632x128xf32, #tpu.memory_space<hbm>>
          tpu.wait_dma2 semaphore(%run_scoped3A_47 : memref<!tpu.dma_semaphore, #tpu.memory_space<semaphore_mem>>) src(%dma_wait3A_53 : memref<632x128xf32, #tpu.memory_space<hbm>>) dst(%dma_wait3A_51 : memref<632x128xf32, #tpu.memory_space<vmem_shared>>)
          tpu.yield
        }) : () -> ()
      } else {
      }
      %eq3A_18 = arith.constant 15 : i32
      %eq3A_19 = arith.cmpi eq, %arg1, %eq3A_18 : i32
      %convert_element_type3A_20 = arith.extui %eq3A_19 : i1 to i32
      %cond3A_21 = arith.constant 0 : i32
      %cond3A_22 = arith.cmpi ne, %convert_element_type3A_20, %cond3A_21 : i32
      scf.if %cond3A_22 {
        "tpu.region"() ({
          %run_scoped3A_47 = tpu.sem_alloc : memref<!tpu.dma_semaphore, #tpu.memory_space<semaphore_mem>>
          %dma_start3A = arith.constant 0 : i32
          %dma_start3A_48 = tpu.memref_slice %arg10[%mul3A_0, %dma_start3A] : memref<10000x128xf32, #tpu.memory_space<vmem_shared>> -> memref<520x128xf32, #tpu.memory_space<vmem_shared>>
          %dma_start3A_49 = arith.constant 0 : i32
          %dma_start3A_50 = tpu.memref_slice %arg5[%mul3A_0, %dma_start3A_49] : memref<10000x128xf32, #tpu.memory_space<hbm>> -> memref<520x128xf32, #tpu.memory_space<hbm>>
          tpu.enqueue_dma source(%dma_start3A_50 : memref<520x128xf32, #tpu.memory_space<hbm>>) target(%dma_start3A_48 : memref<520x128xf32, #tpu.memory_space<vmem_shared>>) target_semaphore(%run_scoped3A_47 : memref<!tpu.dma_semaphore, #tpu.memory_space<semaphore_mem>>)
          %dma_wait3A = arith.constant 0 : i32
          %dma_wait3A_51 = tpu.memref_slice %arg10[%mul3A_0, %dma_wait3A] : memref<10000x128xf32, #tpu.memory_space<vmem_shared>> -> memref<520x128xf32, #tpu.memory_space<vmem_shared>>
          %dma_wait3A_52 = arith.constant 0 : i32
          %dma_wait3A_53 = tpu.memref_slice %arg5[%mul3A_0, %dma_wait3A_52] : memref<10000x128xf32, #tpu.memory_space<hbm>> -> memref<520x128xf32, #tpu.memory_space<hbm>>
          tpu.wait_dma2 semaphore(%run_scoped3A_47 : memref<!tpu.dma_semaphore, #tpu.memory_space<semaphore_mem>>) src(%dma_wait3A_53 : memref<520x128xf32, #tpu.memory_space<hbm>>) dst(%dma_wait3A_51 : memref<520x128xf32, #tpu.memory_space<vmem_shared>>)
          tpu.yield
        }) : () -> ()
      } else {
      }
      %barrier3A = arith.constant 0 : index
      tpu.barrier barrier_id(%barrier3A)
      %run_scoped3A = arith.constant 0 : i32
      "tpu.region"() ({
        %run_scoped3A_47 = tpu.sem_alloc : memref<!tpu.dma_semaphore, #tpu.memory_space<semaphore_mem>>
        %dma_start3A = arith.constant 0 : i32
        %dma_start3A_48 = arith.constant 0 : i32
        %dma_start3A_49 = tpu.memref_slice %arg8[%run_scoped3A, %dma_start3A, %dma_start3A_48] : memref<4x2x128xi32, #tpu.memory_space<vmem>> -> memref<1x2x128xi32, #tpu.memory_space<vmem>>
        %dma_start3A_50 = tpu.memref_squeeze %dma_start3A_49 : memref<1x2x128xi32, #tpu.memory_space<vmem>> -> memref<2x128xi32, #tpu.memory_space<vmem>>
        %dma_start3A_51 = arith.constant 0 : i32
        %dma_start3A_52 = arith.constant 0 : i32
        %dma_start3A_53 = tpu.memref_slice %arg4[%add3A, %dma_start3A_51, %dma_start3A_52] : memref<2512x2x128xi32, #tpu.memory_space<hbm>> -> memref<1x2x128xi32, #tpu.memory_space<hbm>>
        %dma_start3A_54 = tpu.memref_squeeze %dma_start3A_53 : memref<1x2x128xi32, #tpu.memory_space<hbm>> -> memref<2x128xi32, #tpu.memory_space<hbm>>
        %dma_start3A_55 = arith.constant 0 : i32
        %dma_start3A_56 = arith.constant 0 : i32
        %dma_start3A_57 = tpu.memref_slice %arg8[%run_scoped3A, %dma_start3A_55, %dma_start3A_56] : memref<4x2x128xi32, #tpu.memory_space<vmem>> -> memref<1x2x128xi32, #tpu.memory_space<vmem>>
        %dma_start3A_58 = tpu.memref_squeeze %dma_start3A_57 : memref<1x2x128xi32, #tpu.memory_space<vmem>> -> memref<2x128xi32, #tpu.memory_space<vmem>>
        %dma_start3A_59 = arith.constant 0 : i32
        %dma_start3A_60 = arith.constant 0 : i32
        %dma_start3A_61 = tpu.memref_slice %arg4[%add3A, %dma_start3A_59, %dma_start3A_60] : memref<2512x2x128xi32, #tpu.memory_space<hbm>> -> memref<1x2x128xi32, #tpu.memory_space<hbm>>
        %dma_start3A_62 = tpu.memref_squeeze %dma_start3A_61 : memref<1x2x128xi32, #tpu.memory_space<hbm>> -> memref<2x128xi32, #tpu.memory_space<hbm>>
        tpu.enqueue_dma source(%dma_start3A_62 : memref<2x128xi32, #tpu.memory_space<hbm>>) target(%dma_start3A_58 : memref<2x128xi32, #tpu.memory_space<vmem>>) target_semaphore(%run_scoped3A_47 : memref<!tpu.dma_semaphore, #tpu.memory_space<semaphore_mem>>)
        %dma_wait3A = arith.constant 0 : i32
        %dma_wait3A_63 = arith.constant 0 : i32
        %dma_wait3A_64 = tpu.memref_slice %arg8[%run_scoped3A, %dma_wait3A, %dma_wait3A_63] : memref<4x2x128xi32, #tpu.memory_space<vmem>> -> memref<1x2x128xi32, #tpu.memory_space<vmem>>
        %dma_wait3A_65 = tpu.memref_squeeze %dma_wait3A_64 : memref<1x2x128xi32, #tpu.memory_space<vmem>> -> memref<2x128xi32, #tpu.memory_space<vmem>>
        %dma_wait3A_66 = arith.constant 0 : i32
        %dma_wait3A_67 = arith.constant 0 : i32
        %dma_wait3A_68 = tpu.memref_slice %arg4[%add3A, %dma_wait3A_66, %dma_wait3A_67] : memref<2512x2x128xi32, #tpu.memory_space<hbm>> -> memref<1x2x128xi32, #tpu.memory_space<hbm>>
        %dma_wait3A_69 = tpu.memref_squeeze %dma_wait3A_68 : memref<1x2x128xi32, #tpu.memory_space<hbm>> -> memref<2x128xi32, #tpu.memory_space<hbm>>
        %dma_wait3A_70 = arith.constant 0 : i32
        %dma_wait3A_71 = arith.constant 0 : i32
        %dma_wait3A_72 = tpu.memref_slice %arg8[%run_scoped3A, %dma_wait3A_70, %dma_wait3A_71] : memref<4x2x128xi32, #tpu.memory_space<vmem>> -> memref<1x2x128xi32, #tpu.memory_space<vmem>>
        %dma_wait3A_73 = tpu.memref_squeeze %dma_wait3A_72 : memref<1x2x128xi32, #tpu.memory_space<vmem>> -> memref<2x128xi32, #tpu.memory_space<vmem>>
        %dma_wait3A_74 = arith.constant 0 : i32
        %dma_wait3A_75 = arith.constant 0 : i32
        %dma_wait3A_76 = tpu.memref_slice %arg4[%add3A, %dma_wait3A_74, %dma_wait3A_75] : memref<2512x2x128xi32, #tpu.memory_space<hbm>> -> memref<1x2x128xi32, #tpu.memory_space<hbm>>
        %dma_wait3A_77 = tpu.memref_squeeze %dma_wait3A_76 : memref<1x2x128xi32, #tpu.memory_space<hbm>> -> memref<2x128xi32, #tpu.memory_space<hbm>>
        tpu.wait_dma2 semaphore(%run_scoped3A_47 : memref<!tpu.dma_semaphore, #tpu.memory_space<semaphore_mem>>) src(%dma_wait3A_77 : memref<2x128xi32, #tpu.memory_space<hbm>>) dst(%dma_wait3A_73 : memref<2x128xi32, #tpu.memory_space<vmem>>)
        tpu.yield
      }) : () -> ()
      %gt3A = arith.constant 1 : i32
      %gt3A_23 = arith.cmpi sgt, %select_n3A, %gt3A : i32
      %convert_element_type3A_24 = arith.extui %gt3A_23 : i1 to i32
      %cond3A_25 = arith.constant 0 : i32
      %cond3A_26 = arith.cmpi ne, %convert_element_type3A_24, %cond3A_25 : i32
      scf.if %cond3A_26 {
        %add3A_47 = arith.constant 1 : i32
        %add3A_48 = arith.addi %add3A, %add3A_47 : i32
        %run_scoped3A_49 = arith.constant 1 : i32
        "tpu.region"() ({
          %run_scoped3A_50 = tpu.sem_alloc : memref<!tpu.dma_semaphore, #tpu.memory_space<semaphore_mem>>
          %dma_start3A = arith.constant 0 : i32
          %dma_start3A_51 = arith.constant 0 : i32
          %dma_start3A_52 = tpu.memref_slice %arg8[%run_scoped3A_49, %dma_start3A, %dma_start3A_51] : memref<4x2x128xi32, #tpu.memory_space<vmem>> -> memref<1x2x128xi32, #tpu.memory_space<vmem>>
          %dma_start3A_53 = tpu.memref_squeeze %dma_start3A_52 : memref<1x2x128xi32, #tpu.memory_space<vmem>> -> memref<2x128xi32, #tpu.memory_space<vmem>>
          %dma_start3A_54 = arith.constant 0 : i32
          %dma_start3A_55 = arith.constant 0 : i32
          %dma_start3A_56 = tpu.memref_slice %arg4[%add3A_48, %dma_start3A_54, %dma_start3A_55] : memref<2512x2x128xi32, #tpu.memory_space<hbm>> -> memref<1x2x128xi32, #tpu.memory_space<hbm>>
          %dma_start3A_57 = tpu.memref_squeeze %dma_start3A_56 : memref<1x2x128xi32, #tpu.memory_space<hbm>> -> memref<2x128xi32, #tpu.memory_space<hbm>>
          %dma_start3A_58 = arith.constant 0 : i32
          %dma_start3A_59 = arith.constant 0 : i32
          %dma_start3A_60 = tpu.memref_slice %arg8[%run_scoped3A_49, %dma_start3A_58, %dma_start3A_59] : memref<4x2x128xi32, #tpu.memory_space<vmem>> -> memref<1x2x128xi32, #tpu.memory_space<vmem>>
          %dma_start3A_61 = tpu.memref_squeeze %dma_start3A_60 : memref<1x2x128xi32, #tpu.memory_space<vmem>> -> memref<2x128xi32, #tpu.memory_space<vmem>>
          %dma_start3A_62 = arith.constant 0 : i32
          %dma_start3A_63 = arith.constant 0 : i32
          %dma_start3A_64 = tpu.memref_slice %arg4[%add3A_48, %dma_start3A_62, %dma_start3A_63] : memref<2512x2x128xi32, #tpu.memory_space<hbm>> -> memref<1x2x128xi32, #tpu.memory_space<hbm>>
          %dma_start3A_65 = tpu.memref_squeeze %dma_start3A_64 : memref<1x2x128xi32, #tpu.memory_space<hbm>> -> memref<2x128xi32, #tpu.memory_space<hbm>>
          tpu.enqueue_dma source(%dma_start3A_65 : memref<2x128xi32, #tpu.memory_space<hbm>>) target(%dma_start3A_61 : memref<2x128xi32, #tpu.memory_space<vmem>>) target_semaphore(%run_scoped3A_50 : memref<!tpu.dma_semaphore, #tpu.memory_space<semaphore_mem>>)
          %dma_wait3A = arith.constant 0 : i32
          %dma_wait3A_66 = arith.constant 0 : i32
          %dma_wait3A_67 = tpu.memref_slice %arg8[%run_scoped3A_49, %dma_wait3A, %dma_wait3A_66] : memref<4x2x128xi32, #tpu.memory_space<vmem>> -> memref<1x2x128xi32, #tpu.memory_space<vmem>>
          %dma_wait3A_68 = tpu.memref_squeeze %dma_wait3A_67 : memref<1x2x128xi32, #tpu.memory_space<vmem>> -> memref<2x128xi32, #tpu.memory_space<vmem>>
          %dma_wait3A_69 = arith.constant 0 : i32
          %dma_wait3A_70 = arith.constant 0 : i32
          %dma_wait3A_71 = tpu.memref_slice %arg4[%add3A_48, %dma_wait3A_69, %dma_wait3A_70] : memref<2512x2x128xi32, #tpu.memory_space<hbm>> -> memref<1x2x128xi32, #tpu.memory_space<hbm>>
          %dma_wait3A_72 = tpu.memref_squeeze %dma_wait3A_71 : memref<1x2x128xi32, #tpu.memory_space<hbm>> -> memref<2x128xi32, #tpu.memory_space<hbm>>
          %dma_wait3A_73 = arith.constant 0 : i32
          %dma_wait3A_74 = arith.constant 0 : i32
          %dma_wait3A_75 = tpu.memref_slice %arg8[%run_scoped3A_49, %dma_wait3A_73, %dma_wait3A_74] : memref<4x2x128xi32, #tpu.memory_space<vmem>> -> memref<1x2x128xi32, #tpu.memory_space<vmem>>
          %dma_wait3A_76 = tpu.memref_squeeze %dma_wait3A_75 : memref<1x2x128xi32, #tpu.memory_space<vmem>> -> memref<2x128xi32, #tpu.memory_space<vmem>>
          %dma_wait3A_77 = arith.constant 0 : i32
          %dma_wait3A_78 = arith.constant 0 : i32
          %dma_wait3A_79 = tpu.memref_slice %arg4[%add3A_48, %dma_wait3A_77, %dma_wait3A_78] : memref<2512x2x128xi32, #tpu.memory_space<hbm>> -> memref<1x2x128xi32, #tpu.memory_space<hbm>>
          %dma_wait3A_80 = tpu.memref_squeeze %dma_wait3A_79 : memref<1x2x128xi32, #tpu.memory_space<hbm>> -> memref<2x128xi32, #tpu.memory_space<hbm>>
          tpu.wait_dma2 semaphore(%run_scoped3A_50 : memref<!tpu.dma_semaphore, #tpu.memory_space<semaphore_mem>>) src(%dma_wait3A_80 : memref<2x128xi32, #tpu.memory_space<hbm>>) dst(%dma_wait3A_76 : memref<2x128xi32, #tpu.memory_space<vmem>>)
          tpu.yield
        }) : () -> ()
      } else {
      }
      %gt3A_27 = arith.constant 0 : i32
      %gt3A_28 = arith.cmpi sgt, %select_n3A, %gt3A_27 : i32
      %convert_element_type3A_29 = arith.extui %gt3A_28 : i1 to i32
      %cond3A_30 = arith.constant 0 : i32
      %cond3A_31 = arith.cmpi ne, %convert_element_type3A_29, %cond3A_30 : i32
      scf.if %cond3A_31 {
        %dma_start3A = arith.constant 0 : i32
        %dma_start3A_47 = arith.constant 0 : i32
        %dma_start3A_48 = arith.constant 0 : i32
        %dma_start3A_49 = arith.constant 0 : i32
        %dma_start3A_50 = arith.constant 0 : i32
        %dma_start3A_51 = tpu.memref_slice %arg9[%dma_start3A_48, %dma_start3A_49, %dma_start3A_50] : memref<2x128x128xf32, #tpu.memory_space<vmem>> -> memref<1x128x128xf32, #tpu.memory_space<vmem>>
        %dma_start3A_52 = tpu.memref_squeeze %dma_start3A_51 : memref<1x128x128xf32, #tpu.memory_space<vmem>> -> memref<128x128xf32, #tpu.memory_space<vmem>>
        %dma_start3A_53 = arith.constant 0 : i32
        %dma_start3A_54 = arith.constant 0 : i32
        %dma_start3A_55 = tpu.memref_slice %arg8[%dma_start3A, %dma_start3A_53, %dma_start3A_54] : memref<4x2x128xi32, #tpu.memory_space<vmem>> -> memref<1x2x128xi32, #tpu.memory_space<vmem>>
        %dma_start3A_56 = tpu.memref_squeeze %dma_start3A_55 : memref<1x2x128xi32, #tpu.memory_space<vmem>> -> memref<2x128xi32, #tpu.memory_space<vmem>>
        %dma_start3A_57 = arith.constant 0 : i32
        %dma_start3A_58 = tpu.memref_slice %dma_start3A_56[%dma_start3A_47, %dma_start3A_57] : memref<2x128xi32, #tpu.memory_space<vmem>> -> memref<1x128xi32, #tpu.memory_space<vmem>>
        %dma_start3A_59 = tpu.memref_squeeze %dma_start3A_58 : memref<1x128xi32, #tpu.memory_space<vmem>> -> memref<128xi32, #tpu.memory_space<vmem>>
        %dma_start3A_60 = arith.constant 0 : i32
        %dma_start3A_61 = arith.constant 0 : i32
        %dma_start3A_62 = tpu.memref_slice %arg2[%dma_start3A_60, %dma_start3A_61] : memref<10000x128xf32, #tpu.memory_space<hbm>> -> memref<10000x128xf32, #tpu.memory_space<hbm>>
        tpu.enqueue_indirect_dma source(%dma_start3A_62 : memref<10000x128xf32, #tpu.memory_space<hbm>>) target(%dma_start3A_52 : memref<128x128xf32, #tpu.memory_space<vmem>>) offsets(%dma_start3A_59 : memref<128xi32, #tpu.memory_space<vmem>>) semaphore(%arg12 : memref<!tpu.dma_semaphore, #tpu.memory_space<semaphore_mem>>)
      } else {
      }
      %scan3A = arith.constant 0 : i32
      %scan3A_32 = arith.constant 40 : i32
      %scan3A_33 = arith.addi %scan3A, %scan3A_32 : i32
      %scan3A_34 = arith.constant 1 : i32
      scf.for %scan3A_47 = %scan3A to %scan3A_33 step %scan3A_34  : i32 {
        %mul3A_48 = arith.constant 1 : i32
        %mul3A_49 = arith.muli %scan3A_47, %mul3A_48 : i32
        %add3A_50 = arith.constant 0 : i32
        %add3A_51 = arith.addi %add3A_50, %mul3A_49 : i32
        %mul3A_52 = arith.constant 4 : i32
        %mul3A_53 = arith.muli %add3A_51, %mul3A_52 : i32
        %add3A_54 = arith.constant 0 : i32
        %add3A_55 = arith.addi %mul3A_53, %add3A_54 : i32
        %ge3A = arith.constant 1 : i32
        %ge3A_56 = arith.cmpi sge, %add3A_55, %ge3A : i32
        %add3A_57 = arith.constant 1 : i32
        %add3A_58 = arith.addi %add3A_55, %add3A_57 : i32
        %lt3A_59 = arith.cmpi slt, %add3A_58, %select_n3A : i32
        %and3A = arith.andi %ge3A_56, %lt3A_59 : i1
        %convert_element_type3A_60 = arith.extui %and3A : i1 to i32
        %cond3A_61 = arith.constant 0 : i32
        %cond3A_62 = arith.cmpi ne, %convert_element_type3A_60, %cond3A_61 : i32
        scf.if %cond3A_62 {
          %add3A_195 = arith.addi %add3A, %add3A_55 : i32
          %add3A_196 = arith.constant 1 : i32
          %add3A_197 = arith.addi %add3A_195, %add3A_196 : i32
          %dma_wait3A = arith.constant 1 : i32
          %dma_wait3A_198 = arith.constant 0 : i32
          %dma_wait3A_199 = arith.constant 0 : i32
          %dma_wait3A_200 = tpu.memref_slice %arg8[%dma_wait3A, %dma_wait3A_198, %dma_wait3A_199] : memref<4x2x128xi32, #tpu.memory_space<vmem>> -> memref<1x2x128xi32, #tpu.memory_space<vmem>>
          %dma_wait3A_201 = tpu.memref_squeeze %dma_wait3A_200 : memref<1x2x128xi32, #tpu.memory_space<vmem>> -> memref<2x128xi32, #tpu.memory_space<vmem>>
          %dma_wait3A_202 = arith.constant 0 : i32
          %dma_wait3A_203 = arith.constant 0 : i32
          %dma_wait3A_204 = tpu.memref_slice %arg4[%add3A_197, %dma_wait3A_202, %dma_wait3A_203] : memref<2512x2x128xi32, #tpu.memory_space<hbm>> -> memref<1x2x128xi32, #tpu.memory_space<hbm>>
          %dma_wait3A_205 = tpu.memref_squeeze %dma_wait3A_204 : memref<1x2x128xi32, #tpu.memory_space<hbm>> -> memref<2x128xi32, #tpu.memory_space<hbm>>
          %dma_wait3A_206 = arith.constant 0 : i32
          %dma_wait3A_207 = arith.constant 0 : i32
          %dma_wait3A_208 = tpu.memref_slice %arg8[%dma_wait3A, %dma_wait3A_206, %dma_wait3A_207] : memref<4x2x128xi32, #tpu.memory_space<vmem>> -> memref<1x2x128xi32, #tpu.memory_space<vmem>>
          %dma_wait3A_209 = tpu.memref_squeeze %dma_wait3A_208 : memref<1x2x128xi32, #tpu.memory_space<vmem>> -> memref<2x128xi32, #tpu.memory_space<vmem>>
          %dma_wait3A_210 = arith.constant 0 : i32
          %dma_wait3A_211 = arith.constant 0 : i32
          %dma_wait3A_212 = tpu.memref_slice %arg4[%add3A_197, %dma_wait3A_210, %dma_wait3A_211] : memref<2512x2x128xi32, #tpu.memory_space<hbm>> -> memref<1x2x128xi32, #tpu.memory_space<hbm>>
          %dma_wait3A_213 = tpu.memref_squeeze %dma_wait3A_212 : memref<1x2x128xi32, #tpu.memory_space<hbm>> -> memref<2x128xi32, #tpu.memory_space<hbm>>
          tpu.wait_dma2 semaphore(%arg11 : memref<!tpu.dma_semaphore, #tpu.memory_space<semaphore_mem>>) src(%dma_wait3A_213 : memref<2x128xi32, #tpu.memory_space<hbm>>) dst(%dma_wait3A_209 : memref<2x128xi32, #tpu.memory_space<vmem>>)
        } else {
        }
        %ge3A_63 = arith.constant 1 : i32
        %ge3A_64 = arith.cmpi sge, %add3A_55, %ge3A_63 : i32
        %sub3A = arith.constant 1 : i32
        %sub3A_65 = arith.subi %add3A_55, %sub3A : i32
        %lt3A_66 = arith.cmpi slt, %sub3A_65, %select_n3A : i32
        %and3A_67 = arith.andi %ge3A_64, %lt3A_66 : i1
        %convert_element_type3A_68 = arith.extui %and3A_67 : i1 to i32
        %cond3A_69 = arith.constant 0 : i32
        %cond3A_70 = arith.cmpi ne, %convert_element_type3A_68, %cond3A_69 : i32
        scf.if %cond3A_70 {
          %dma_wait3A = arith.constant 1 : i32
          %dma_wait3A_195 = arith.constant 3 : i32
          %dma_wait3A_196 = arith.constant 1 : i32
          %dma_wait3A_197 = arith.constant 0 : i32
          %dma_wait3A_198 = arith.constant 0 : i32
          %dma_wait3A_199 = tpu.memref_slice %arg9[%dma_wait3A, %dma_wait3A_197, %dma_wait3A_198] : memref<2x128x128xf32, #tpu.memory_space<vmem>> -> memref<1x128x128xf32, #tpu.memory_space<vmem>>
          %dma_wait3A_200 = tpu.memref_squeeze %dma_wait3A_199 : memref<1x128x128xf32, #tpu.memory_space<vmem>> -> memref<128x128xf32, #tpu.memory_space<vmem>>
          %dma_wait3A_201 = arith.constant 0 : i32
          %dma_wait3A_202 = arith.constant 0 : i32
          %dma_wait3A_203 = tpu.memref_slice %arg8[%dma_wait3A_195, %dma_wait3A_201, %dma_wait3A_202] : memref<4x2x128xi32, #tpu.memory_space<vmem>> -> memref<1x2x128xi32, #tpu.memory_space<vmem>>
          %dma_wait3A_204 = tpu.memref_squeeze %dma_wait3A_203 : memref<1x2x128xi32, #tpu.memory_space<vmem>> -> memref<2x128xi32, #tpu.memory_space<vmem>>
          %dma_wait3A_205 = arith.constant 0 : i32
          %dma_wait3A_206 = tpu.memref_slice %dma_wait3A_204[%dma_wait3A_196, %dma_wait3A_205] : memref<2x128xi32, #tpu.memory_space<vmem>> -> memref<1x128xi32, #tpu.memory_space<vmem>>
          %dma_wait3A_207 = tpu.memref_squeeze %dma_wait3A_206 : memref<1x128xi32, #tpu.memory_space<vmem>> -> memref<128xi32, #tpu.memory_space<vmem>>
          %dma_wait3A_208 = arith.constant 0 : i32
          %dma_wait3A_209 = arith.constant 0 : i32
          %dma_wait3A_210 = tpu.memref_slice %arg10[%dma_wait3A_208, %dma_wait3A_209] : memref<10000x128xf32, #tpu.memory_space<vmem_shared>> -> memref<10000x128xf32, #tpu.memory_space<vmem_shared>>
          tpu.wait_indirect_dma semaphore(%arg15 : memref<!tpu.dma_semaphore, #tpu.memory_space<semaphore_mem>>) src(%dma_wait3A_200 : memref<128x128xf32, #tpu.memory_space<vmem>>) dst(%dma_wait3A_210 : memref<10000x128xf32, #tpu.memory_space<vmem_shared>>)
        } else {
        }
        %add3A_71 = arith.constant 1 : i32
        %add3A_72 = arith.addi %add3A_55, %add3A_71 : i32
        %lt3A_73 = arith.cmpi slt, %add3A_72, %select_n3A : i32
        %convert_element_type3A_74 = arith.extui %lt3A_73 : i1 to i32
        %cond3A_75 = arith.constant 0 : i32
        %cond3A_76 = arith.cmpi ne, %convert_element_type3A_74, %cond3A_75 : i32
        scf.if %cond3A_76 {
          %dma_start3A = arith.constant 1 : i32
          %dma_start3A_195 = arith.constant 0 : i32
          %dma_start3A_196 = arith.constant 1 : i32
          %dma_start3A_197 = arith.constant 0 : i32
          %dma_start3A_198 = arith.constant 0 : i32
          %dma_start3A_199 = tpu.memref_slice %arg9[%dma_start3A_196, %dma_start3A_197, %dma_start3A_198] : memref<2x128x128xf32, #tpu.memory_space<vmem>> -> memref<1x128x128xf32, #tpu.memory_space<vmem>>
          %dma_start3A_200 = tpu.memref_squeeze %dma_start3A_199 : memref<1x128x128xf32, #tpu.memory_space<vmem>> -> memref<128x128xf32, #tpu.memory_space<vmem>>
          %dma_start3A_201 = arith.constant 0 : i32
          %dma_start3A_202 = arith.constant 0 : i32
          %dma_start3A_203 = tpu.memref_slice %arg8[%dma_start3A, %dma_start3A_201, %dma_start3A_202] : memref<4x2x128xi32, #tpu.memory_space<vmem>> -> memref<1x2x128xi32, #tpu.memory_space<vmem>>
          %dma_start3A_204 = tpu.memref_squeeze %dma_start3A_203 : memref<1x2x128xi32, #tpu.memory_space<vmem>> -> memref<2x128xi32, #tpu.memory_space<vmem>>
          %dma_start3A_205 = arith.constant 0 : i32
          %dma_start3A_206 = tpu.memref_slice %dma_start3A_204[%dma_start3A_195, %dma_start3A_205] : memref<2x128xi32, #tpu.memory_space<vmem>> -> memref<1x128xi32, #tpu.memory_space<vmem>>
          %dma_start3A_207 = tpu.memref_squeeze %dma_start3A_206 : memref<1x128xi32, #tpu.memory_space<vmem>> -> memref<128xi32, #tpu.memory_space<vmem>>
          %dma_start3A_208 = arith.constant 0 : i32
          %dma_start3A_209 = arith.constant 0 : i32
          %dma_start3A_210 = tpu.memref_slice %arg2[%dma_start3A_208, %dma_start3A_209] : memref<10000x128xf32, #tpu.memory_space<hbm>> -> memref<10000x128xf32, #tpu.memory_space<hbm>>
          tpu.enqueue_indirect_dma source(%dma_start3A_210 : memref<10000x128xf32, #tpu.memory_space<hbm>>) target(%dma_start3A_200 : memref<128x128xf32, #tpu.memory_space<vmem>>) offsets(%dma_start3A_207 : memref<128xi32, #tpu.memory_space<vmem>>) semaphore(%arg13 : memref<!tpu.dma_semaphore, #tpu.memory_space<semaphore_mem>>)
        } else {
        }
        %lt3A_77 = arith.cmpi slt, %add3A_55, %select_n3A : i32
        %convert_element_type3A_78 = arith.extui %lt3A_77 : i1 to i32
        %cond3A_79 = arith.constant 0 : i32
        %cond3A_80 = arith.cmpi ne, %convert_element_type3A_78, %cond3A_79 : i32
        scf.if %cond3A_80 {
          %dma_wait3A = arith.constant 0 : i32
          %dma_wait3A_195 = arith.constant 0 : i32
          %dma_wait3A_196 = arith.constant 0 : i32
          %dma_wait3A_197 = arith.constant 0 : i32
          %dma_wait3A_198 = arith.constant 0 : i32
          %dma_wait3A_199 = tpu.memref_slice %arg9[%dma_wait3A_196, %dma_wait3A_197, %dma_wait3A_198] : memref<2x128x128xf32, #tpu.memory_space<vmem>> -> memref<1x128x128xf32, #tpu.memory_space<vmem>>
          %dma_wait3A_200 = tpu.memref_squeeze %dma_wait3A_199 : memref<1x128x128xf32, #tpu.memory_space<vmem>> -> memref<128x128xf32, #tpu.memory_space<vmem>>
          %dma_wait3A_201 = arith.constant 0 : i32
          %dma_wait3A_202 = arith.constant 0 : i32
          %dma_wait3A_203 = tpu.memref_slice %arg8[%dma_wait3A, %dma_wait3A_201, %dma_wait3A_202] : memref<4x2x128xi32, #tpu.memory_space<vmem>> -> memref<1x2x128xi32, #tpu.memory_space<vmem>>
          %dma_wait3A_204 = tpu.memref_squeeze %dma_wait3A_203 : memref<1x2x128xi32, #tpu.memory_space<vmem>> -> memref<2x128xi32, #tpu.memory_space<vmem>>
          %dma_wait3A_205 = arith.constant 0 : i32
          %dma_wait3A_206 = tpu.memref_slice %dma_wait3A_204[%dma_wait3A_195, %dma_wait3A_205] : memref<2x128xi32, #tpu.memory_space<vmem>> -> memref<1x128xi32, #tpu.memory_space<vmem>>
          %dma_wait3A_207 = tpu.memref_squeeze %dma_wait3A_206 : memref<1x128xi32, #tpu.memory_space<vmem>> -> memref<128xi32, #tpu.memory_space<vmem>>
          %dma_wait3A_208 = arith.constant 0 : i32
          %dma_wait3A_209 = arith.constant 0 : i32
          %dma_wait3A_210 = tpu.memref_slice %arg2[%dma_wait3A_208, %dma_wait3A_209] : memref<10000x128xf32, #tpu.memory_space<hbm>> -> memref<10000x128xf32, #tpu.memory_space<hbm>>
          tpu.wait_indirect_dma semaphore(%arg12 : memref<!tpu.dma_semaphore, #tpu.memory_space<semaphore_mem>>) src(%dma_wait3A_210 : memref<10000x128xf32, #tpu.memory_space<hbm>>) dst(%dma_wait3A_200 : memref<128x128xf32, #tpu.memory_space<vmem>>)
          %dma_start3A = arith.constant 0 : i32
          %dma_start3A_211 = arith.constant 0 : i32
          %dma_start3A_212 = arith.constant 1 : i32
          %dma_start3A_213 = arith.constant 0 : i32
          %dma_start3A_214 = arith.constant 0 : i32
          %dma_start3A_215 = tpu.memref_slice %arg9[%dma_start3A, %dma_start3A_213, %dma_start3A_214] : memref<2x128x128xf32, #tpu.memory_space<vmem>> -> memref<1x128x128xf32, #tpu.memory_space<vmem>>
          %dma_start3A_216 = tpu.memref_squeeze %dma_start3A_215 : memref<1x128x128xf32, #tpu.memory_space<vmem>> -> memref<128x128xf32, #tpu.memory_space<vmem>>
          %dma_start3A_217 = arith.constant 0 : i32
          %dma_start3A_218 = arith.constant 0 : i32
          %dma_start3A_219 = tpu.memref_slice %arg8[%dma_start3A_211, %dma_start3A_217, %dma_start3A_218] : memref<4x2x128xi32, #tpu.memory_space<vmem>> -> memref<1x2x128xi32, #tpu.memory_space<vmem>>
          %dma_start3A_220 = tpu.memref_squeeze %dma_start3A_219 : memref<1x2x128xi32, #tpu.memory_space<vmem>> -> memref<2x128xi32, #tpu.memory_space<vmem>>
          %dma_start3A_221 = arith.constant 0 : i32
          %dma_start3A_222 = tpu.memref_slice %dma_start3A_220[%dma_start3A_212, %dma_start3A_221] : memref<2x128xi32, #tpu.memory_space<vmem>> -> memref<1x128xi32, #tpu.memory_space<vmem>>
          %dma_start3A_223 = tpu.memref_squeeze %dma_start3A_222 : memref<1x128xi32, #tpu.memory_space<vmem>> -> memref<128xi32, #tpu.memory_space<vmem>>
          %dma_start3A_224 = arith.constant 0 : i32
          %dma_start3A_225 = arith.constant 0 : i32
          %dma_start3A_226 = tpu.memref_slice %arg10[%dma_start3A_224, %dma_start3A_225] : memref<10000x128xf32, #tpu.memory_space<vmem_shared>> -> memref<10000x128xf32, #tpu.memory_space<vmem_shared>>
          tpu.enqueue_indirect_dma source(%dma_start3A_216 : memref<128x128xf32, #tpu.memory_space<vmem>>) target(%dma_start3A_226 : memref<10000x128xf32, #tpu.memory_space<vmem_shared>>) offsets(%dma_start3A_223 : memref<128xi32, #tpu.memory_space<vmem>>) semaphore(%arg14 : memref<!tpu.dma_semaphore, #tpu.memory_space<semaphore_mem>>) {add = true}
        } else {
        }
        %add3A_81 = arith.constant 2 : i32
        %add3A_82 = arith.addi %add3A_55, %add3A_81 : i32
        %lt3A_83 = arith.cmpi slt, %add3A_82, %select_n3A : i32
        %convert_element_type3A_84 = arith.extui %lt3A_83 : i1 to i32
        %cond3A_85 = arith.constant 0 : i32
        %cond3A_86 = arith.cmpi ne, %convert_element_type3A_84, %cond3A_85 : i32
        scf.if %cond3A_86 {
          %add3A_195 = arith.addi %add3A, %add3A_55 : i32
          %add3A_196 = arith.constant 2 : i32
          %add3A_197 = arith.addi %add3A_195, %add3A_196 : i32
          %dma_start3A = arith.constant 2 : i32
          %dma_start3A_198 = arith.constant 0 : i32
          %dma_start3A_199 = arith.constant 0 : i32
          %dma_start3A_200 = tpu.memref_slice %arg8[%dma_start3A, %dma_start3A_198, %dma_start3A_199] : memref<4x2x128xi32, #tpu.memory_space<vmem>> -> memref<1x2x128xi32, #tpu.memory_space<vmem>>
          %dma_start3A_201 = tpu.memref_squeeze %dma_start3A_200 : memref<1x2x128xi32, #tpu.memory_space<vmem>> -> memref<2x128xi32, #tpu.memory_space<vmem>>
          %dma_start3A_202 = arith.constant 0 : i32
          %dma_start3A_203 = arith.constant 0 : i32
          %dma_start3A_204 = tpu.memref_slice %arg4[%add3A_197, %dma_start3A_202, %dma_start3A_203] : memref<2512x2x128xi32, #tpu.memory_space<hbm>> -> memref<1x2x128xi32, #tpu.memory_space<hbm>>
          %dma_start3A_205 = tpu.memref_squeeze %dma_start3A_204 : memref<1x2x128xi32, #tpu.memory_space<hbm>> -> memref<2x128xi32, #tpu.memory_space<hbm>>
          %dma_start3A_206 = arith.constant 0 : i32
          %dma_start3A_207 = arith.constant 0 : i32
          %dma_start3A_208 = tpu.memref_slice %arg8[%dma_start3A, %dma_start3A_206, %dma_start3A_207] : memref<4x2x128xi32, #tpu.memory_space<vmem>> -> memref<1x2x128xi32, #tpu.memory_space<vmem>>
          %dma_start3A_209 = tpu.memref_squeeze %dma_start3A_208 : memref<1x2x128xi32, #tpu.memory_space<vmem>> -> memref<2x128xi32, #tpu.memory_space<vmem>>
          %dma_start3A_210 = arith.constant 0 : i32
          %dma_start3A_211 = arith.constant 0 : i32
          %dma_start3A_212 = tpu.memref_slice %arg4[%add3A_197, %dma_start3A_210, %dma_start3A_211] : memref<2512x2x128xi32, #tpu.memory_space<hbm>> -> memref<1x2x128xi32, #tpu.memory_space<hbm>>
          %dma_start3A_213 = tpu.memref_squeeze %dma_start3A_212 : memref<1x2x128xi32, #tpu.memory_space<hbm>> -> memref<2x128xi32, #tpu.memory_space<hbm>>
          tpu.enqueue_dma source(%dma_start3A_213 : memref<2x128xi32, #tpu.memory_space<hbm>>) target(%dma_start3A_209 : memref<2x128xi32, #tpu.memory_space<vmem>>) target_semaphore(%arg11 : memref<!tpu.dma_semaphore, #tpu.memory_space<semaphore_mem>>)
        } else {
        }
        %add3A_87 = arith.constant 1 : i32
        %add3A_88 = arith.addi %mul3A_53, %add3A_87 : i32
        %ge3A_89 = arith.constant 1 : i32
        %ge3A_90 = arith.cmpi sge, %add3A_88, %ge3A_89 : i32
        %add3A_91 = arith.constant 1 : i32
        %add3A_92 = arith.addi %add3A_88, %add3A_91 : i32
        %lt3A_93 = arith.cmpi slt, %add3A_92, %select_n3A : i32
        %and3A_94 = arith.andi %ge3A_90, %lt3A_93 : i1
        %convert_element_type3A_95 = arith.extui %and3A_94 : i1 to i32
        %cond3A_96 = arith.constant 0 : i32
        %cond3A_97 = arith.cmpi ne, %convert_element_type3A_95, %cond3A_96 : i32
        scf.if %cond3A_97 {
          %add3A_195 = arith.addi %add3A, %add3A_88 : i32
          %add3A_196 = arith.constant 1 : i32
          %add3A_197 = arith.addi %add3A_195, %add3A_196 : i32
          %dma_wait3A = arith.constant 2 : i32
          %dma_wait3A_198 = arith.constant 0 : i32
          %dma_wait3A_199 = arith.constant 0 : i32
          %dma_wait3A_200 = tpu.memref_slice %arg8[%dma_wait3A, %dma_wait3A_198, %dma_wait3A_199] : memref<4x2x128xi32, #tpu.memory_space<vmem>> -> memref<1x2x128xi32, #tpu.memory_space<vmem>>
          %dma_wait3A_201 = tpu.memref_squeeze %dma_wait3A_200 : memref<1x2x128xi32, #tpu.memory_space<vmem>> -> memref<2x128xi32, #tpu.memory_space<vmem>>
          %dma_wait3A_202 = arith.constant 0 : i32
          %dma_wait3A_203 = arith.constant 0 : i32
          %dma_wait3A_204 = tpu.memref_slice %arg4[%add3A_197, %dma_wait3A_202, %dma_wait3A_203] : memref<2512x2x128xi32, #tpu.memory_space<hbm>> -> memref<1x2x128xi32, #tpu.memory_space<hbm>>
          %dma_wait3A_205 = tpu.memref_squeeze %dma_wait3A_204 : memref<1x2x128xi32, #tpu.memory_space<hbm>> -> memref<2x128xi32, #tpu.memory_space<hbm>>
          %dma_wait3A_206 = arith.constant 0 : i32
          %dma_wait3A_207 = arith.constant 0 : i32
          %dma_wait3A_208 = tpu.memref_slice %arg8[%dma_wait3A, %dma_wait3A_206, %dma_wait3A_207] : memref<4x2x128xi32, #tpu.memory_space<vmem>> -> memref<1x2x128xi32, #tpu.memory_space<vmem>>
          %dma_wait3A_209 = tpu.memref_squeeze %dma_wait3A_208 : memref<1x2x128xi32, #tpu.memory_space<vmem>> -> memref<2x128xi32, #tpu.memory_space<vmem>>
          %dma_wait3A_210 = arith.constant 0 : i32
          %dma_wait3A_211 = arith.constant 0 : i32
          %dma_wait3A_212 = tpu.memref_slice %arg4[%add3A_197, %dma_wait3A_210, %dma_wait3A_211] : memref<2512x2x128xi32, #tpu.memory_space<hbm>> -> memref<1x2x128xi32, #tpu.memory_space<hbm>>
          %dma_wait3A_213 = tpu.memref_squeeze %dma_wait3A_212 : memref<1x2x128xi32, #tpu.memory_space<hbm>> -> memref<2x128xi32, #tpu.memory_space<hbm>>
          tpu.wait_dma2 semaphore(%arg11 : memref<!tpu.dma_semaphore, #tpu.memory_space<semaphore_mem>>) src(%dma_wait3A_213 : memref<2x128xi32, #tpu.memory_space<hbm>>) dst(%dma_wait3A_209 : memref<2x128xi32, #tpu.memory_space<vmem>>)
        } else {
        }
        %ge3A_98 = arith.constant 1 : i32
        %ge3A_99 = arith.cmpi sge, %add3A_88, %ge3A_98 : i32
        %sub3A_100 = arith.constant 1 : i32
        %sub3A_101 = arith.subi %add3A_88, %sub3A_100 : i32
        %lt3A_102 = arith.cmpi slt, %sub3A_101, %select_n3A : i32
        %and3A_103 = arith.andi %ge3A_99, %lt3A_102 : i1
        %convert_element_type3A_104 = arith.extui %and3A_103 : i1 to i32
        %cond3A_105 = arith.constant 0 : i32
        %cond3A_106 = arith.cmpi ne, %convert_element_type3A_104, %cond3A_105 : i32
        scf.if %cond3A_106 {
          %dma_wait3A = arith.constant 0 : i32
          %dma_wait3A_195 = arith.constant 0 : i32
          %dma_wait3A_196 = arith.constant 1 : i32
          %dma_wait3A_197 = arith.constant 0 : i32
          %dma_wait3A_198 = arith.constant 0 : i32
          %dma_wait3A_199 = tpu.memref_slice %arg9[%dma_wait3A, %dma_wait3A_197, %dma_wait3A_198] : memref<2x128x128xf32, #tpu.memory_space<vmem>> -> memref<1x128x128xf32, #tpu.memory_space<vmem>>
          %dma_wait3A_200 = tpu.memref_squeeze %dma_wait3A_199 : memref<1x128x128xf32, #tpu.memory_space<vmem>> -> memref<128x128xf32, #tpu.memory_space<vmem>>
          %dma_wait3A_201 = arith.constant 0 : i32
          %dma_wait3A_202 = arith.constant 0 : i32
          %dma_wait3A_203 = tpu.memref_slice %arg8[%dma_wait3A_195, %dma_wait3A_201, %dma_wait3A_202] : memref<4x2x128xi32, #tpu.memory_space<vmem>> -> memref<1x2x128xi32, #tpu.memory_space<vmem>>
          %dma_wait3A_204 = tpu.memref_squeeze %dma_wait3A_203 : memref<1x2x128xi32, #tpu.memory_space<vmem>> -> memref<2x128xi32, #tpu.memory_space<vmem>>
          %dma_wait3A_205 = arith.constant 0 : i32
          %dma_wait3A_206 = tpu.memref_slice %dma_wait3A_204[%dma_wait3A_196, %dma_wait3A_205] : memref<2x128xi32, #tpu.memory_space<vmem>> -> memref<1x128xi32, #tpu.memory_space<vmem>>
          %dma_wait3A_207 = tpu.memref_squeeze %dma_wait3A_206 : memref<1x128xi32, #tpu.memory_space<vmem>> -> memref<128xi32, #tpu.memory_space<vmem>>
          %dma_wait3A_208 = arith.constant 0 : i32
          %dma_wait3A_209 = arith.constant 0 : i32
          %dma_wait3A_210 = tpu.memref_slice %arg10[%dma_wait3A_208, %dma_wait3A_209] : memref<10000x128xf32, #tpu.memory_space<vmem_shared>> -> memref<10000x128xf32, #tpu.memory_space<vmem_shared>>
          tpu.wait_indirect_dma semaphore(%arg14 : memref<!tpu.dma_semaphore, #tpu.memory_space<semaphore_mem>>) src(%dma_wait3A_200 : memref<128x128xf32, #tpu.memory_space<vmem>>) dst(%dma_wait3A_210 : memref<10000x128xf32, #tpu.memory_space<vmem_shared>>)
        } else {
        }
        %add3A_107 = arith.constant 1 : i32
        %add3A_108 = arith.addi %add3A_88, %add3A_107 : i32
        %lt3A_109 = arith.cmpi slt, %add3A_108, %select_n3A : i32
        %convert_element_type3A_110 = arith.extui %lt3A_109 : i1 to i32
        %cond3A_111 = arith.constant 0 : i32
        %cond3A_112 = arith.cmpi ne, %convert_element_type3A_110, %cond3A_111 : i32
        scf.if %cond3A_112 {
          %dma_start3A = arith.constant 2 : i32
          %dma_start3A_195 = arith.constant 0 : i32
          %dma_start3A_196 = arith.constant 0 : i32
          %dma_start3A_197 = arith.constant 0 : i32
          %dma_start3A_198 = arith.constant 0 : i32
          %dma_start3A_199 = tpu.memref_slice %arg9[%dma_start3A_196, %dma_start3A_197, %dma_start3A_198] : memref<2x128x128xf32, #tpu.memory_space<vmem>> -> memref<1x128x128xf32, #tpu.memory_space<vmem>>
          %dma_start3A_200 = tpu.memref_squeeze %dma_start3A_199 : memref<1x128x128xf32, #tpu.memory_space<vmem>> -> memref<128x128xf32, #tpu.memory_space<vmem>>
          %dma_start3A_201 = arith.constant 0 : i32
          %dma_start3A_202 = arith.constant 0 : i32
          %dma_start3A_203 = tpu.memref_slice %arg8[%dma_start3A, %dma_start3A_201, %dma_start3A_202] : memref<4x2x128xi32, #tpu.memory_space<vmem>> -> memref<1x2x128xi32, #tpu.memory_space<vmem>>
          %dma_start3A_204 = tpu.memref_squeeze %dma_start3A_203 : memref<1x2x128xi32, #tpu.memory_space<vmem>> -> memref<2x128xi32, #tpu.memory_space<vmem>>
          %dma_start3A_205 = arith.constant 0 : i32
          %dma_start3A_206 = tpu.memref_slice %dma_start3A_204[%dma_start3A_195, %dma_start3A_205] : memref<2x128xi32, #tpu.memory_space<vmem>> -> memref<1x128xi32, #tpu.memory_space<vmem>>
          %dma_start3A_207 = tpu.memref_squeeze %dma_start3A_206 : memref<1x128xi32, #tpu.memory_space<vmem>> -> memref<128xi32, #tpu.memory_space<vmem>>
          %dma_start3A_208 = arith.constant 0 : i32
          %dma_start3A_209 = arith.constant 0 : i32
          %dma_start3A_210 = tpu.memref_slice %arg2[%dma_start3A_208, %dma_start3A_209] : memref<10000x128xf32, #tpu.memory_space<hbm>> -> memref<10000x128xf32, #tpu.memory_space<hbm>>
          tpu.enqueue_indirect_dma source(%dma_start3A_210 : memref<10000x128xf32, #tpu.memory_space<hbm>>) target(%dma_start3A_200 : memref<128x128xf32, #tpu.memory_space<vmem>>) offsets(%dma_start3A_207 : memref<128xi32, #tpu.memory_space<vmem>>) semaphore(%arg12 : memref<!tpu.dma_semaphore, #tpu.memory_space<semaphore_mem>>)
        } else {
        }
        %lt3A_113 = arith.cmpi slt, %add3A_88, %select_n3A : i32
        %convert_element_type3A_114 = arith.extui %lt3A_113 : i1 to i32
        %cond3A_115 = arith.constant 0 : i32
        %cond3A_116 = arith.cmpi ne, %convert_element_type3A_114, %cond3A_115 : i32
        scf.if %cond3A_116 {
          %dma_wait3A = arith.constant 1 : i32
          %dma_wait3A_195 = arith.constant 0 : i32
          %dma_wait3A_196 = arith.constant 1 : i32
          %dma_wait3A_197 = arith.constant 0 : i32
          %dma_wait3A_198 = arith.constant 0 : i32
          %dma_wait3A_199 = tpu.memref_slice %arg9[%dma_wait3A_196, %dma_wait3A_197, %dma_wait3A_198] : memref<2x128x128xf32, #tpu.memory_space<vmem>> -> memref<1x128x128xf32, #tpu.memory_space<vmem>>
          %dma_wait3A_200 = tpu.memref_squeeze %dma_wait3A_199 : memref<1x128x128xf32, #tpu.memory_space<vmem>> -> memref<128x128xf32, #tpu.memory_space<vmem>>
          %dma_wait3A_201 = arith.constant 0 : i32
          %dma_wait3A_202 = arith.constant 0 : i32
          %dma_wait3A_203 = tpu.memref_slice %arg8[%dma_wait3A, %dma_wait3A_201, %dma_wait3A_202] : memref<4x2x128xi32, #tpu.memory_space<vmem>> -> memref<1x2x128xi32, #tpu.memory_space<vmem>>
          %dma_wait3A_204 = tpu.memref_squeeze %dma_wait3A_203 : memref<1x2x128xi32, #tpu.memory_space<vmem>> -> memref<2x128xi32, #tpu.memory_space<vmem>>
          %dma_wait3A_205 = arith.constant 0 : i32
          %dma_wait3A_206 = tpu.memref_slice %dma_wait3A_204[%dma_wait3A_195, %dma_wait3A_205] : memref<2x128xi32, #tpu.memory_space<vmem>> -> memref<1x128xi32, #tpu.memory_space<vmem>>
          %dma_wait3A_207 = tpu.memref_squeeze %dma_wait3A_206 : memref<1x128xi32, #tpu.memory_space<vmem>> -> memref<128xi32, #tpu.memory_space<vmem>>
          %dma_wait3A_208 = arith.constant 0 : i32
          %dma_wait3A_209 = arith.constant 0 : i32
          %dma_wait3A_210 = tpu.memref_slice %arg2[%dma_wait3A_208, %dma_wait3A_209] : memref<10000x128xf32, #tpu.memory_space<hbm>> -> memref<10000x128xf32, #tpu.memory_space<hbm>>
          tpu.wait_indirect_dma semaphore(%arg13 : memref<!tpu.dma_semaphore, #tpu.memory_space<semaphore_mem>>) src(%dma_wait3A_210 : memref<10000x128xf32, #tpu.memory_space<hbm>>) dst(%dma_wait3A_200 : memref<128x128xf32, #tpu.memory_space<vmem>>)
          %dma_start3A = arith.constant 1 : i32
          %dma_start3A_211 = arith.constant 1 : i32
          %dma_start3A_212 = arith.constant 1 : i32
          %dma_start3A_213 = arith.constant 0 : i32
          %dma_start3A_214 = arith.constant 0 : i32
          %dma_start3A_215 = tpu.memref_slice %arg9[%dma_start3A, %dma_start3A_213, %dma_start3A_214] : memref<2x128x128xf32, #tpu.memory_space<vmem>> -> memref<1x128x128xf32, #tpu.memory_space<vmem>>
          %dma_start3A_216 = tpu.memref_squeeze %dma_start3A_215 : memref<1x128x128xf32, #tpu.memory_space<vmem>> -> memref<128x128xf32, #tpu.memory_space<vmem>>
          %dma_start3A_217 = arith.constant 0 : i32
          %dma_start3A_218 = arith.constant 0 : i32
          %dma_start3A_219 = tpu.memref_slice %arg8[%dma_start3A_211, %dma_start3A_217, %dma_start3A_218] : memref<4x2x128xi32, #tpu.memory_space<vmem>> -> memref<1x2x128xi32, #tpu.memory_space<vmem>>
          %dma_start3A_220 = tpu.memref_squeeze %dma_start3A_219 : memref<1x2x128xi32, #tpu.memory_space<vmem>> -> memref<2x128xi32, #tpu.memory_space<vmem>>
          %dma_start3A_221 = arith.constant 0 : i32
          %dma_start3A_222 = tpu.memref_slice %dma_start3A_220[%dma_start3A_212, %dma_start3A_221] : memref<2x128xi32, #tpu.memory_space<vmem>> -> memref<1x128xi32, #tpu.memory_space<vmem>>
          %dma_start3A_223 = tpu.memref_squeeze %dma_start3A_222 : memref<1x128xi32, #tpu.memory_space<vmem>> -> memref<128xi32, #tpu.memory_space<vmem>>
          %dma_start3A_224 = arith.constant 0 : i32
          %dma_start3A_225 = arith.constant 0 : i32
          %dma_start3A_226 = tpu.memref_slice %arg10[%dma_start3A_224, %dma_start3A_225] : memref<10000x128xf32, #tpu.memory_space<vmem_shared>> -> memref<10000x128xf32, #tpu.memory_space<vmem_shared>>
          tpu.enqueue_indirect_dma source(%dma_start3A_216 : memref<128x128xf32, #tpu.memory_space<vmem>>) target(%dma_start3A_226 : memref<10000x128xf32, #tpu.memory_space<vmem_shared>>) offsets(%dma_start3A_223 : memref<128xi32, #tpu.memory_space<vmem>>) semaphore(%arg15 : memref<!tpu.dma_semaphore, #tpu.memory_space<semaphore_mem>>) {add = true}
        } else {
        }
        %add3A_117 = arith.constant 2 : i32
        %add3A_118 = arith.addi %add3A_88, %add3A_117 : i32
        %lt3A_119 = arith.cmpi slt, %add3A_118, %select_n3A : i32
        %convert_element_type3A_120 = arith.extui %lt3A_119 : i1 to i32
        %cond3A_121 = arith.constant 0 : i32
        %cond3A_122 = arith.cmpi ne, %convert_element_type3A_120, %cond3A_121 : i32
        scf.if %cond3A_122 {
          %add3A_195 = arith.addi %add3A, %add3A_88 : i32
          %add3A_196 = arith.constant 2 : i32
          %add3A_197 = arith.addi %add3A_195, %add3A_196 : i32
          %dma_start3A = arith.constant 3 : i32
          %dma_start3A_198 = arith.constant 0 : i32
          %dma_start3A_199 = arith.constant 0 : i32
          %dma_start3A_200 = tpu.memref_slice %arg8[%dma_start3A, %dma_start3A_198, %dma_start3A_199] : memref<4x2x128xi32, #tpu.memory_space<vmem>> -> memref<1x2x128xi32, #tpu.memory_space<vmem>>
          %dma_start3A_201 = tpu.memref_squeeze %dma_start3A_200 : memref<1x2x128xi32, #tpu.memory_space<vmem>> -> memref<2x128xi32, #tpu.memory_space<vmem>>
          %dma_start3A_202 = arith.constant 0 : i32
          %dma_start3A_203 = arith.constant 0 : i32
          %dma_start3A_204 = tpu.memref_slice %arg4[%add3A_197, %dma_start3A_202, %dma_start3A_203] : memref<2512x2x128xi32, #tpu.memory_space<hbm>> -> memref<1x2x128xi32, #tpu.memory_space<hbm>>
          %dma_start3A_205 = tpu.memref_squeeze %dma_start3A_204 : memref<1x2x128xi32, #tpu.memory_space<hbm>> -> memref<2x128xi32, #tpu.memory_space<hbm>>
          %dma_start3A_206 = arith.constant 0 : i32
          %dma_start3A_207 = arith.constant 0 : i32
          %dma_start3A_208 = tpu.memref_slice %arg8[%dma_start3A, %dma_start3A_206, %dma_start3A_207] : memref<4x2x128xi32, #tpu.memory_space<vmem>> -> memref<1x2x128xi32, #tpu.memory_space<vmem>>
          %dma_start3A_209 = tpu.memref_squeeze %dma_start3A_208 : memref<1x2x128xi32, #tpu.memory_space<vmem>> -> memref<2x128xi32, #tpu.memory_space<vmem>>
          %dma_start3A_210 = arith.constant 0 : i32
          %dma_start3A_211 = arith.constant 0 : i32
          %dma_start3A_212 = tpu.memref_slice %arg4[%add3A_197, %dma_start3A_210, %dma_start3A_211] : memref<2512x2x128xi32, #tpu.memory_space<hbm>> -> memref<1x2x128xi32, #tpu.memory_space<hbm>>
          %dma_start3A_213 = tpu.memref_squeeze %dma_start3A_212 : memref<1x2x128xi32, #tpu.memory_space<hbm>> -> memref<2x128xi32, #tpu.memory_space<hbm>>
          tpu.enqueue_dma source(%dma_start3A_213 : memref<2x128xi32, #tpu.memory_space<hbm>>) target(%dma_start3A_209 : memref<2x128xi32, #tpu.memory_space<vmem>>) target_semaphore(%arg11 : memref<!tpu.dma_semaphore, #tpu.memory_space<semaphore_mem>>)
        } else {
        }
        %add3A_123 = arith.constant 2 : i32
        %add3A_124 = arith.addi %mul3A_53, %add3A_123 : i32
        %ge3A_125 = arith.constant 1 : i32
        %ge3A_126 = arith.cmpi sge, %add3A_124, %ge3A_125 : i32
        %add3A_127 = arith.constant 1 : i32
        %add3A_128 = arith.addi %add3A_124, %add3A_127 : i32
        %lt3A_129 = arith.cmpi slt, %add3A_128, %select_n3A : i32
        %and3A_130 = arith.andi %ge3A_126, %lt3A_129 : i1
        %convert_element_type3A_131 = arith.extui %and3A_130 : i1 to i32
        %cond3A_132 = arith.constant 0 : i32
        %cond3A_133 = arith.cmpi ne, %convert_element_type3A_131, %cond3A_132 : i32
        scf.if %cond3A_133 {
          %add3A_195 = arith.addi %add3A, %add3A_124 : i32
          %add3A_196 = arith.constant 1 : i32
          %add3A_197 = arith.addi %add3A_195, %add3A_196 : i32
          %dma_wait3A = arith.constant 3 : i32
          %dma_wait3A_198 = arith.constant 0 : i32
          %dma_wait3A_199 = arith.constant 0 : i32
          %dma_wait3A_200 = tpu.memref_slice %arg8[%dma_wait3A, %dma_wait3A_198, %dma_wait3A_199] : memref<4x2x128xi32, #tpu.memory_space<vmem>> -> memref<1x2x128xi32, #tpu.memory_space<vmem>>
          %dma_wait3A_201 = tpu.memref_squeeze %dma_wait3A_200 : memref<1x2x128xi32, #tpu.memory_space<vmem>> -> memref<2x128xi32, #tpu.memory_space<vmem>>
          %dma_wait3A_202 = arith.constant 0 : i32
          %dma_wait3A_203 = arith.constant 0 : i32
          %dma_wait3A_204 = tpu.memref_slice %arg4[%add3A_197, %dma_wait3A_202, %dma_wait3A_203] : memref<2512x2x128xi32, #tpu.memory_space<hbm>> -> memref<1x2x128xi32, #tpu.memory_space<hbm>>
          %dma_wait3A_205 = tpu.memref_squeeze %dma_wait3A_204 : memref<1x2x128xi32, #tpu.memory_space<hbm>> -> memref<2x128xi32, #tpu.memory_space<hbm>>
          %dma_wait3A_206 = arith.constant 0 : i32
          %dma_wait3A_207 = arith.constant 0 : i32
          %dma_wait3A_208 = tpu.memref_slice %arg8[%dma_wait3A, %dma_wait3A_206, %dma_wait3A_207] : memref<4x2x128xi32, #tpu.memory_space<vmem>> -> memref<1x2x128xi32, #tpu.memory_space<vmem>>
          %dma_wait3A_209 = tpu.memref_squeeze %dma_wait3A_208 : memref<1x2x128xi32, #tpu.memory_space<vmem>> -> memref<2x128xi32, #tpu.memory_space<vmem>>
          %dma_wait3A_210 = arith.constant 0 : i32
          %dma_wait3A_211 = arith.constant 0 : i32
          %dma_wait3A_212 = tpu.memref_slice %arg4[%add3A_197, %dma_wait3A_210, %dma_wait3A_211] : memref<2512x2x128xi32, #tpu.memory_space<hbm>> -> memref<1x2x128xi32, #tpu.memory_space<hbm>>
          %dma_wait3A_213 = tpu.memref_squeeze %dma_wait3A_212 : memref<1x2x128xi32, #tpu.memory_space<hbm>> -> memref<2x128xi32, #tpu.memory_space<hbm>>
          tpu.wait_dma2 semaphore(%arg11 : memref<!tpu.dma_semaphore, #tpu.memory_space<semaphore_mem>>) src(%dma_wait3A_213 : memref<2x128xi32, #tpu.memory_space<hbm>>) dst(%dma_wait3A_209 : memref<2x128xi32, #tpu.memory_space<vmem>>)
        } else {
        }
        %ge3A_134 = arith.constant 1 : i32
        %ge3A_135 = arith.cmpi sge, %add3A_124, %ge3A_134 : i32
        %sub3A_136 = arith.constant 1 : i32
        %sub3A_137 = arith.subi %add3A_124, %sub3A_136 : i32
        %lt3A_138 = arith.cmpi slt, %sub3A_137, %select_n3A : i32
        %and3A_139 = arith.andi %ge3A_135, %lt3A_138 : i1
        %convert_element_type3A_140 = arith.extui %and3A_139 : i1 to i32
        %cond3A_141 = arith.constant 0 : i32
        %cond3A_142 = arith.cmpi ne, %convert_element_type3A_140, %cond3A_141 : i32
        scf.if %cond3A_142 {
          %dma_wait3A = arith.constant 1 : i32
          %dma_wait3A_195 = arith.constant 1 : i32
          %dma_wait3A_196 = arith.constant 1 : i32
          %dma_wait3A_197 = arith.constant 0 : i32
          %dma_wait3A_198 = arith.constant 0 : i32
          %dma_wait3A_199 = tpu.memref_slice %arg9[%dma_wait3A, %dma_wait3A_197, %dma_wait3A_198] : memref<2x128x128xf32, #tpu.memory_space<vmem>> -> memref<1x128x128xf32, #tpu.memory_space<vmem>>
          %dma_wait3A_200 = tpu.memref_squeeze %dma_wait3A_199 : memref<1x128x128xf32, #tpu.memory_space<vmem>> -> memref<128x128xf32, #tpu.memory_space<vmem>>
          %dma_wait3A_201 = arith.constant 0 : i32
          %dma_wait3A_202 = arith.constant 0 : i32
          %dma_wait3A_203 = tpu.memref_slice %arg8[%dma_wait3A_195, %dma_wait3A_201, %dma_wait3A_202] : memref<4x2x128xi32, #tpu.memory_space<vmem>> -> memref<1x2x128xi32, #tpu.memory_space<vmem>>
          %dma_wait3A_204 = tpu.memref_squeeze %dma_wait3A_203 : memref<1x2x128xi32, #tpu.memory_space<vmem>> -> memref<2x128xi32, #tpu.memory_space<vmem>>
          %dma_wait3A_205 = arith.constant 0 : i32
          %dma_wait3A_206 = tpu.memref_slice %dma_wait3A_204[%dma_wait3A_196, %dma_wait3A_205] : memref<2x128xi32, #tpu.memory_space<vmem>> -> memref<1x128xi32, #tpu.memory_space<vmem>>
          %dma_wait3A_207 = tpu.memref_squeeze %dma_wait3A_206 : memref<1x128xi32, #tpu.memory_space<vmem>> -> memref<128xi32, #tpu.memory_space<vmem>>
          %dma_wait3A_208 = arith.constant 0 : i32
          %dma_wait3A_209 = arith.constant 0 : i32
          %dma_wait3A_210 = tpu.memref_slice %arg10[%dma_wait3A_208, %dma_wait3A_209] : memref<10000x128xf32, #tpu.memory_space<vmem_shared>> -> memref<10000x128xf32, #tpu.memory_space<vmem_shared>>
          tpu.wait_indirect_dma semaphore(%arg15 : memref<!tpu.dma_semaphore, #tpu.memory_space<semaphore_mem>>) src(%dma_wait3A_200 : memref<128x128xf32, #tpu.memory_space<vmem>>) dst(%dma_wait3A_210 : memref<10000x128xf32, #tpu.memory_space<vmem_shared>>)
        } else {
        }
        %add3A_143 = arith.constant 1 : i32
        %add3A_144 = arith.addi %add3A_124, %add3A_143 : i32
        %lt3A_145 = arith.cmpi slt, %add3A_144, %select_n3A : i32
        %convert_element_type3A_146 = arith.extui %lt3A_145 : i1 to i32
        %cond3A_147 = arith.constant 0 : i32
        %cond3A_148 = arith.cmpi ne, %convert_element_type3A_146, %cond3A_147 : i32
        scf.if %cond3A_148 {
          %dma_start3A = arith.constant 3 : i32
          %dma_start3A_195 = arith.constant 0 : i32
          %dma_start3A_196 = arith.constant 1 : i32
          %dma_start3A_197 = arith.constant 0 : i32
          %dma_start3A_198 = arith.constant 0 : i32
          %dma_start3A_199 = tpu.memref_slice %arg9[%dma_start3A_196, %dma_start3A_197, %dma_start3A_198] : memref<2x128x128xf32, #tpu.memory_space<vmem>> -> memref<1x128x128xf32, #tpu.memory_space<vmem>>
          %dma_start3A_200 = tpu.memref_squeeze %dma_start3A_199 : memref<1x128x128xf32, #tpu.memory_space<vmem>> -> memref<128x128xf32, #tpu.memory_space<vmem>>
          %dma_start3A_201 = arith.constant 0 : i32
          %dma_start3A_202 = arith.constant 0 : i32
          %dma_start3A_203 = tpu.memref_slice %arg8[%dma_start3A, %dma_start3A_201, %dma_start3A_202] : memref<4x2x128xi32, #tpu.memory_space<vmem>> -> memref<1x2x128xi32, #tpu.memory_space<vmem>>
          %dma_start3A_204 = tpu.memref_squeeze %dma_start3A_203 : memref<1x2x128xi32, #tpu.memory_space<vmem>> -> memref<2x128xi32, #tpu.memory_space<vmem>>
          %dma_start3A_205 = arith.constant 0 : i32
          %dma_start3A_206 = tpu.memref_slice %dma_start3A_204[%dma_start3A_195, %dma_start3A_205] : memref<2x128xi32, #tpu.memory_space<vmem>> -> memref<1x128xi32, #tpu.memory_space<vmem>>
          %dma_start3A_207 = tpu.memref_squeeze %dma_start3A_206 : memref<1x128xi32, #tpu.memory_space<vmem>> -> memref<128xi32, #tpu.memory_space<vmem>>
          %dma_start3A_208 = arith.constant 0 : i32
          %dma_start3A_209 = arith.constant 0 : i32
          %dma_start3A_210 = tpu.memref_slice %arg2[%dma_start3A_208, %dma_start3A_209] : memref<10000x128xf32, #tpu.memory_space<hbm>> -> memref<10000x128xf32, #tpu.memory_space<hbm>>
          tpu.enqueue_indirect_dma source(%dma_start3A_210 : memref<10000x128xf32, #tpu.memory_space<hbm>>) target(%dma_start3A_200 : memref<128x128xf32, #tpu.memory_space<vmem>>) offsets(%dma_start3A_207 : memref<128xi32, #tpu.memory_space<vmem>>) semaphore(%arg13 : memref<!tpu.dma_semaphore, #tpu.memory_space<semaphore_mem>>)
        } else {
        }
        %lt3A_149 = arith.cmpi slt, %add3A_124, %select_n3A : i32
        %convert_element_type3A_150 = arith.extui %lt3A_149 : i1 to i32
        %cond3A_151 = arith.constant 0 : i32
        %cond3A_152 = arith.cmpi ne, %convert_element_type3A_150, %cond3A_151 : i32
        scf.if %cond3A_152 {
          %dma_wait3A = arith.constant 2 : i32
          %dma_wait3A_195 = arith.constant 0 : i32
          %dma_wait3A_196 = arith.constant 0 : i32
          %dma_wait3A_197 = arith.constant 0 : i32
          %dma_wait3A_198 = arith.constant 0 : i32
          %dma_wait3A_199 = tpu.memref_slice %arg9[%dma_wait3A_196, %dma_wait3A_197, %dma_wait3A_198] : memref<2x128x128xf32, #tpu.memory_space<vmem>> -> memref<1x128x128xf32, #tpu.memory_space<vmem>>
          %dma_wait3A_200 = tpu.memref_squeeze %dma_wait3A_199 : memref<1x128x128xf32, #tpu.memory_space<vmem>> -> memref<128x128xf32, #tpu.memory_space<vmem>>
          %dma_wait3A_201 = arith.constant 0 : i32
          %dma_wait3A_202 = arith.constant 0 : i32
          %dma_wait3A_203 = tpu.memref_slice %arg8[%dma_wait3A, %dma_wait3A_201, %dma_wait3A_202] : memref<4x2x128xi32, #tpu.memory_space<vmem>> -> memref<1x2x128xi32, #tpu.memory_space<vmem>>
          %dma_wait3A_204 = tpu.memref_squeeze %dma_wait3A_203 : memref<1x2x128xi32, #tpu.memory_space<vmem>> -> memref<2x128xi32, #tpu.memory_space<vmem>>
          %dma_wait3A_205 = arith.constant 0 : i32
          %dma_wait3A_206 = tpu.memref_slice %dma_wait3A_204[%dma_wait3A_195, %dma_wait3A_205] : memref<2x128xi32, #tpu.memory_space<vmem>> -> memref<1x128xi32, #tpu.memory_space<vmem>>
          %dma_wait3A_207 = tpu.memref_squeeze %dma_wait3A_206 : memref<1x128xi32, #tpu.memory_space<vmem>> -> memref<128xi32, #tpu.memory_space<vmem>>
          %dma_wait3A_208 = arith.constant 0 : i32
          %dma_wait3A_209 = arith.constant 0 : i32
          %dma_wait3A_210 = tpu.memref_slice %arg2[%dma_wait3A_208, %dma_wait3A_209] : memref<10000x128xf32, #tpu.memory_space<hbm>> -> memref<10000x128xf32, #tpu.memory_space<hbm>>
          tpu.wait_indirect_dma semaphore(%arg12 : memref<!tpu.dma_semaphore, #tpu.memory_space<semaphore_mem>>) src(%dma_wait3A_210 : memref<10000x128xf32, #tpu.memory_space<hbm>>) dst(%dma_wait3A_200 : memref<128x128xf32, #tpu.memory_space<vmem>>)
          %dma_start3A = arith.constant 0 : i32
          %dma_start3A_211 = arith.constant 2 : i32
          %dma_start3A_212 = arith.constant 1 : i32
          %dma_start3A_213 = arith.constant 0 : i32
          %dma_start3A_214 = arith.constant 0 : i32
          %dma_start3A_215 = tpu.memref_slice %arg9[%dma_start3A, %dma_start3A_213, %dma_start3A_214] : memref<2x128x128xf32, #tpu.memory_space<vmem>> -> memref<1x128x128xf32, #tpu.memory_space<vmem>>
          %dma_start3A_216 = tpu.memref_squeeze %dma_start3A_215 : memref<1x128x128xf32, #tpu.memory_space<vmem>> -> memref<128x128xf32, #tpu.memory_space<vmem>>
          %dma_start3A_217 = arith.constant 0 : i32
          %dma_start3A_218 = arith.constant 0 : i32
          %dma_start3A_219 = tpu.memref_slice %arg8[%dma_start3A_211, %dma_start3A_217, %dma_start3A_218] : memref<4x2x128xi32, #tpu.memory_space<vmem>> -> memref<1x2x128xi32, #tpu.memory_space<vmem>>
          %dma_start3A_220 = tpu.memref_squeeze %dma_start3A_219 : memref<1x2x128xi32, #tpu.memory_space<vmem>> -> memref<2x128xi32, #tpu.memory_space<vmem>>
          %dma_start3A_221 = arith.constant 0 : i32
          %dma_start3A_222 = tpu.memref_slice %dma_start3A_220[%dma_start3A_212, %dma_start3A_221] : memref<2x128xi32, #tpu.memory_space<vmem>> -> memref<1x128xi32, #tpu.memory_space<vmem>>
          %dma_start3A_223 = tpu.memref_squeeze %dma_start3A_222 : memref<1x128xi32, #tpu.memory_space<vmem>> -> memref<128xi32, #tpu.memory_space<vmem>>
          %dma_start3A_224 = arith.constant 0 : i32
          %dma_start3A_225 = arith.constant 0 : i32
          %dma_start3A_226 = tpu.memref_slice %arg10[%dma_start3A_224, %dma_start3A_225] : memref<10000x128xf32, #tpu.memory_space<vmem_shared>> -> memref<10000x128xf32, #tpu.memory_space<vmem_shared>>
          tpu.enqueue_indirect_dma source(%dma_start3A_216 : memref<128x128xf32, #tpu.memory_space<vmem>>) target(%dma_start3A_226 : memref<10000x128xf32, #tpu.memory_space<vmem_shared>>) offsets(%dma_start3A_223 : memref<128xi32, #tpu.memory_space<vmem>>) semaphore(%arg14 : memref<!tpu.dma_semaphore, #tpu.memory_space<semaphore_mem>>) {add = true}
        } else {
        }
        %add3A_153 = arith.constant 2 : i32
        %add3A_154 = arith.addi %add3A_124, %add3A_153 : i32
        %lt3A_155 = arith.cmpi slt, %add3A_154, %select_n3A : i32
        %convert_element_type3A_156 = arith.extui %lt3A_155 : i1 to i32
        %cond3A_157 = arith.constant 0 : i32
        %cond3A_158 = arith.cmpi ne, %convert_element_type3A_156, %cond3A_157 : i32
        scf.if %cond3A_158 {
          %add3A_195 = arith.addi %add3A, %add3A_124 : i32
          %add3A_196 = arith.constant 2 : i32
          %add3A_197 = arith.addi %add3A_195, %add3A_196 : i32
          %dma_start3A = arith.constant 0 : i32
          %dma_start3A_198 = arith.constant 0 : i32
          %dma_start3A_199 = arith.constant 0 : i32
          %dma_start3A_200 = tpu.memref_slice %arg8[%dma_start3A, %dma_start3A_198, %dma_start3A_199] : memref<4x2x128xi32, #tpu.memory_space<vmem>> -> memref<1x2x128xi32, #tpu.memory_space<vmem>>
          %dma_start3A_201 = tpu.memref_squeeze %dma_start3A_200 : memref<1x2x128xi32, #tpu.memory_space<vmem>> -> memref<2x128xi32, #tpu.memory_space<vmem>>
          %dma_start3A_202 = arith.constant 0 : i32
          %dma_start3A_203 = arith.constant 0 : i32
          %dma_start3A_204 = tpu.memref_slice %arg4[%add3A_197, %dma_start3A_202, %dma_start3A_203] : memref<2512x2x128xi32, #tpu.memory_space<hbm>> -> memref<1x2x128xi32, #tpu.memory_space<hbm>>
          %dma_start3A_205 = tpu.memref_squeeze %dma_start3A_204 : memref<1x2x128xi32, #tpu.memory_space<hbm>> -> memref<2x128xi32, #tpu.memory_space<hbm>>
          %dma_start3A_206 = arith.constant 0 : i32
          %dma_start3A_207 = arith.constant 0 : i32
          %dma_start3A_208 = tpu.memref_slice %arg8[%dma_start3A, %dma_start3A_206, %dma_start3A_207] : memref<4x2x128xi32, #tpu.memory_space<vmem>> -> memref<1x2x128xi32, #tpu.memory_space<vmem>>
          %dma_start3A_209 = tpu.memref_squeeze %dma_start3A_208 : memref<1x2x128xi32, #tpu.memory_space<vmem>> -> memref<2x128xi32, #tpu.memory_space<vmem>>
          %dma_start3A_210 = arith.constant 0 : i32
          %dma_start3A_211 = arith.constant 0 : i32
          %dma_start3A_212 = tpu.memref_slice %arg4[%add3A_197, %dma_start3A_210, %dma_start3A_211] : memref<2512x2x128xi32, #tpu.memory_space<hbm>> -> memref<1x2x128xi32, #tpu.memory_space<hbm>>
          %dma_start3A_213 = tpu.memref_squeeze %dma_start3A_212 : memref<1x2x128xi32, #tpu.memory_space<hbm>> -> memref<2x128xi32, #tpu.memory_space<hbm>>
          tpu.enqueue_dma source(%dma_start3A_213 : memref<2x128xi32, #tpu.memory_space<hbm>>) target(%dma_start3A_209 : memref<2x128xi32, #tpu.memory_space<vmem>>) target_semaphore(%arg11 : memref<!tpu.dma_semaphore, #tpu.memory_space<semaphore_mem>>)
        } else {
        }
        %add3A_159 = arith.constant 3 : i32
        %add3A_160 = arith.addi %mul3A_53, %add3A_159 : i32
        %ge3A_161 = arith.constant 1 : i32
        %ge3A_162 = arith.cmpi sge, %add3A_160, %ge3A_161 : i32
        %add3A_163 = arith.constant 1 : i32
        %add3A_164 = arith.addi %add3A_160, %add3A_163 : i32
        %lt3A_165 = arith.cmpi slt, %add3A_164, %select_n3A : i32
        %and3A_166 = arith.andi %ge3A_162, %lt3A_165 : i1
        %convert_element_type3A_167 = arith.extui %and3A_166 : i1 to i32
        %cond3A_168 = arith.constant 0 : i32
        %cond3A_169 = arith.cmpi ne, %convert_element_type3A_167, %cond3A_168 : i32
        scf.if %cond3A_169 {
          %add3A_195 = arith.addi %add3A, %add3A_160 : i32
          %add3A_196 = arith.constant 1 : i32
          %add3A_197 = arith.addi %add3A_195, %add3A_196 : i32
          %dma_wait3A = arith.constant 0 : i32
          %dma_wait3A_198 = arith.constant 0 : i32
          %dma_wait3A_199 = arith.constant 0 : i32
          %dma_wait3A_200 = tpu.memref_slice %arg8[%dma_wait3A, %dma_wait3A_198, %dma_wait3A_199] : memref<4x2x128xi32, #tpu.memory_space<vmem>> -> memref<1x2x128xi32, #tpu.memory_space<vmem>>
          %dma_wait3A_201 = tpu.memref_squeeze %dma_wait3A_200 : memref<1x2x128xi32, #tpu.memory_space<vmem>> -> memref<2x128xi32, #tpu.memory_space<vmem>>
          %dma_wait3A_202 = arith.constant 0 : i32
          %dma_wait3A_203 = arith.constant 0 : i32
          %dma_wait3A_204 = tpu.memref_slice %arg4[%add3A_197, %dma_wait3A_202, %dma_wait3A_203] : memref<2512x2x128xi32, #tpu.memory_space<hbm>> -> memref<1x2x128xi32, #tpu.memory_space<hbm>>
          %dma_wait3A_205 = tpu.memref_squeeze %dma_wait3A_204 : memref<1x2x128xi32, #tpu.memory_space<hbm>> -> memref<2x128xi32, #tpu.memory_space<hbm>>
          %dma_wait3A_206 = arith.constant 0 : i32
          %dma_wait3A_207 = arith.constant 0 : i32
          %dma_wait3A_208 = tpu.memref_slice %arg8[%dma_wait3A, %dma_wait3A_206, %dma_wait3A_207] : memref<4x2x128xi32, #tpu.memory_space<vmem>> -> memref<1x2x128xi32, #tpu.memory_space<vmem>>
          %dma_wait3A_209 = tpu.memref_squeeze %dma_wait3A_208 : memref<1x2x128xi32, #tpu.memory_space<vmem>> -> memref<2x128xi32, #tpu.memory_space<vmem>>
          %dma_wait3A_210 = arith.constant 0 : i32
          %dma_wait3A_211 = arith.constant 0 : i32
          %dma_wait3A_212 = tpu.memref_slice %arg4[%add3A_197, %dma_wait3A_210, %dma_wait3A_211] : memref<2512x2x128xi32, #tpu.memory_space<hbm>> -> memref<1x2x128xi32, #tpu.memory_space<hbm>>
          %dma_wait3A_213 = tpu.memref_squeeze %dma_wait3A_212 : memref<1x2x128xi32, #tpu.memory_space<hbm>> -> memref<2x128xi32, #tpu.memory_space<hbm>>
          tpu.wait_dma2 semaphore(%arg11 : memref<!tpu.dma_semaphore, #tpu.memory_space<semaphore_mem>>) src(%dma_wait3A_213 : memref<2x128xi32, #tpu.memory_space<hbm>>) dst(%dma_wait3A_209 : memref<2x128xi32, #tpu.memory_space<vmem>>)
        } else {
        }
        %ge3A_170 = arith.constant 1 : i32
        %ge3A_171 = arith.cmpi sge, %add3A_160, %ge3A_170 : i32
        %sub3A_172 = arith.constant 1 : i32
        %sub3A_173 = arith.subi %add3A_160, %sub3A_172 : i32
        %lt3A_174 = arith.cmpi slt, %sub3A_173, %select_n3A : i32
        %and3A_175 = arith.andi %ge3A_171, %lt3A_174 : i1
        %convert_element_type3A_176 = arith.extui %and3A_175 : i1 to i32
        %cond3A_177 = arith.constant 0 : i32
        %cond3A_178 = arith.cmpi ne, %convert_element_type3A_176, %cond3A_177 : i32
        scf.if %cond3A_178 {
          %dma_wait3A = arith.constant 0 : i32
          %dma_wait3A_195 = arith.constant 2 : i32
          %dma_wait3A_196 = arith.constant 1 : i32
          %dma_wait3A_197 = arith.constant 0 : i32
          %dma_wait3A_198 = arith.constant 0 : i32
          %dma_wait3A_199 = tpu.memref_slice %arg9[%dma_wait3A, %dma_wait3A_197, %dma_wait3A_198] : memref<2x128x128xf32, #tpu.memory_space<vmem>> -> memref<1x128x128xf32, #tpu.memory_space<vmem>>
          %dma_wait3A_200 = tpu.memref_squeeze %dma_wait3A_199 : memref<1x128x128xf32, #tpu.memory_space<vmem>> -> memref<128x128xf32, #tpu.memory_space<vmem>>
          %dma_wait3A_201 = arith.constant 0 : i32
          %dma_wait3A_202 = arith.constant 0 : i32
          %dma_wait3A_203 = tpu.memref_slice %arg8[%dma_wait3A_195, %dma_wait3A_201, %dma_wait3A_202] : memref<4x2x128xi32, #tpu.memory_space<vmem>> -> memref<1x2x128xi32, #tpu.memory_space<vmem>>
          %dma_wait3A_204 = tpu.memref_squeeze %dma_wait3A_203 : memref<1x2x128xi32, #tpu.memory_space<vmem>> -> memref<2x128xi32, #tpu.memory_space<vmem>>
          %dma_wait3A_205 = arith.constant 0 : i32
          %dma_wait3A_206 = tpu.memref_slice %dma_wait3A_204[%dma_wait3A_196, %dma_wait3A_205] : memref<2x128xi32, #tpu.memory_space<vmem>> -> memref<1x128xi32, #tpu.memory_space<vmem>>
          %dma_wait3A_207 = tpu.memref_squeeze %dma_wait3A_206 : memref<1x128xi32, #tpu.memory_space<vmem>> -> memref<128xi32, #tpu.memory_space<vmem>>
          %dma_wait3A_208 = arith.constant 0 : i32
          %dma_wait3A_209 = arith.constant 0 : i32
          %dma_wait3A_210 = tpu.memref_slice %arg10[%dma_wait3A_208, %dma_wait3A_209] : memref<10000x128xf32, #tpu.memory_space<vmem_shared>> -> memref<10000x128xf32, #tpu.memory_space<vmem_shared>>
          tpu.wait_indirect_dma semaphore(%arg14 : memref<!tpu.dma_semaphore, #tpu.memory_space<semaphore_mem>>) src(%dma_wait3A_200 : memref<128x128xf32, #tpu.memory_space<vmem>>) dst(%dma_wait3A_210 : memref<10000x128xf32, #tpu.memory_space<vmem_shared>>)
        } else {
        }
        %add3A_179 = arith.constant 1 : i32
        %add3A_180 = arith.addi %add3A_160, %add3A_179 : i32
        %lt3A_181 = arith.cmpi slt, %add3A_180, %select_n3A : i32
        %convert_element_type3A_182 = arith.extui %lt3A_181 : i1 to i32
        %cond3A_183 = arith.constant 0 : i32
        %cond3A_184 = arith.cmpi ne, %convert_element_type3A_182, %cond3A_183 : i32
        scf.if %cond3A_184 {
          %dma_start3A = arith.constant 0 : i32
          %dma_start3A_195 = arith.constant 0 : i32
          %dma_start3A_196 = arith.constant 0 : i32
          %dma_start3A_197 = arith.constant 0 : i32
          %dma_start3A_198 = arith.constant 0 : i32
          %dma_start3A_199 = tpu.memref_slice %arg9[%dma_start3A_196, %dma_start3A_197, %dma_start3A_198] : memref<2x128x128xf32, #tpu.memory_space<vmem>> -> memref<1x128x128xf32, #tpu.memory_space<vmem>>
          %dma_start3A_200 = tpu.memref_squeeze %dma_start3A_199 : memref<1x128x128xf32, #tpu.memory_space<vmem>> -> memref<128x128xf32, #tpu.memory_space<vmem>>
          %dma_start3A_201 = arith.constant 0 : i32
          %dma_start3A_202 = arith.constant 0 : i32
          %dma_start3A_203 = tpu.memref_slice %arg8[%dma_start3A, %dma_start3A_201, %dma_start3A_202] : memref<4x2x128xi32, #tpu.memory_space<vmem>> -> memref<1x2x128xi32, #tpu.memory_space<vmem>>
          %dma_start3A_204 = tpu.memref_squeeze %dma_start3A_203 : memref<1x2x128xi32, #tpu.memory_space<vmem>> -> memref<2x128xi32, #tpu.memory_space<vmem>>
          %dma_start3A_205 = arith.constant 0 : i32
          %dma_start3A_206 = tpu.memref_slice %dma_start3A_204[%dma_start3A_195, %dma_start3A_205] : memref<2x128xi32, #tpu.memory_space<vmem>> -> memref<1x128xi32, #tpu.memory_space<vmem>>
          %dma_start3A_207 = tpu.memref_squeeze %dma_start3A_206 : memref<1x128xi32, #tpu.memory_space<vmem>> -> memref<128xi32, #tpu.memory_space<vmem>>
          %dma_start3A_208 = arith.constant 0 : i32
          %dma_start3A_209 = arith.constant 0 : i32
          %dma_start3A_210 = tpu.memref_slice %arg2[%dma_start3A_208, %dma_start3A_209] : memref<10000x128xf32, #tpu.memory_space<hbm>> -> memref<10000x128xf32, #tpu.memory_space<hbm>>
          tpu.enqueue_indirect_dma source(%dma_start3A_210 : memref<10000x128xf32, #tpu.memory_space<hbm>>) target(%dma_start3A_200 : memref<128x128xf32, #tpu.memory_space<vmem>>) offsets(%dma_start3A_207 : memref<128xi32, #tpu.memory_space<vmem>>) semaphore(%arg12 : memref<!tpu.dma_semaphore, #tpu.memory_space<semaphore_mem>>)
        } else {
        }
        %lt3A_185 = arith.cmpi slt, %add3A_160, %select_n3A : i32
        %convert_element_type3A_186 = arith.extui %lt3A_185 : i1 to i32
        %cond3A_187 = arith.constant 0 : i32
        %cond3A_188 = arith.cmpi ne, %convert_element_type3A_186, %cond3A_187 : i32
        scf.if %cond3A_188 {
          %dma_wait3A = arith.constant 3 : i32
          %dma_wait3A_195 = arith.constant 0 : i32
          %dma_wait3A_196 = arith.constant 1 : i32
          %dma_wait3A_197 = arith.constant 0 : i32
          %dma_wait3A_198 = arith.constant 0 : i32
          %dma_wait3A_199 = tpu.memref_slice %arg9[%dma_wait3A_196, %dma_wait3A_197, %dma_wait3A_198] : memref<2x128x128xf32, #tpu.memory_space<vmem>> -> memref<1x128x128xf32, #tpu.memory_space<vmem>>
          %dma_wait3A_200 = tpu.memref_squeeze %dma_wait3A_199 : memref<1x128x128xf32, #tpu.memory_space<vmem>> -> memref<128x128xf32, #tpu.memory_space<vmem>>
          %dma_wait3A_201 = arith.constant 0 : i32
          %dma_wait3A_202 = arith.constant 0 : i32
          %dma_wait3A_203 = tpu.memref_slice %arg8[%dma_wait3A, %dma_wait3A_201, %dma_wait3A_202] : memref<4x2x128xi32, #tpu.memory_space<vmem>> -> memref<1x2x128xi32, #tpu.memory_space<vmem>>
          %dma_wait3A_204 = tpu.memref_squeeze %dma_wait3A_203 : memref<1x2x128xi32, #tpu.memory_space<vmem>> -> memref<2x128xi32, #tpu.memory_space<vmem>>
          %dma_wait3A_205 = arith.constant 0 : i32
          %dma_wait3A_206 = tpu.memref_slice %dma_wait3A_204[%dma_wait3A_195, %dma_wait3A_205] : memref<2x128xi32, #tpu.memory_space<vmem>> -> memref<1x128xi32, #tpu.memory_space<vmem>>
          %dma_wait3A_207 = tpu.memref_squeeze %dma_wait3A_206 : memref<1x128xi32, #tpu.memory_space<vmem>> -> memref<128xi32, #tpu.memory_space<vmem>>
          %dma_wait3A_208 = arith.constant 0 : i32
          %dma_wait3A_209 = arith.constant 0 : i32
          %dma_wait3A_210 = tpu.memref_slice %arg2[%dma_wait3A_208, %dma_wait3A_209] : memref<10000x128xf32, #tpu.memory_space<hbm>> -> memref<10000x128xf32, #tpu.memory_space<hbm>>
          tpu.wait_indirect_dma semaphore(%arg13 : memref<!tpu.dma_semaphore, #tpu.memory_space<semaphore_mem>>) src(%dma_wait3A_210 : memref<10000x128xf32, #tpu.memory_space<hbm>>) dst(%dma_wait3A_200 : memref<128x128xf32, #tpu.memory_space<vmem>>)
          %dma_start3A = arith.constant 1 : i32
          %dma_start3A_211 = arith.constant 3 : i32
          %dma_start3A_212 = arith.constant 1 : i32
          %dma_start3A_213 = arith.constant 0 : i32
          %dma_start3A_214 = arith.constant 0 : i32
          %dma_start3A_215 = tpu.memref_slice %arg9[%dma_start3A, %dma_start3A_213, %dma_start3A_214] : memref<2x128x128xf32, #tpu.memory_space<vmem>> -> memref<1x128x128xf32, #tpu.memory_space<vmem>>
          %dma_start3A_216 = tpu.memref_squeeze %dma_start3A_215 : memref<1x128x128xf32, #tpu.memory_space<vmem>> -> memref<128x128xf32, #tpu.memory_space<vmem>>
          %dma_start3A_217 = arith.constant 0 : i32
          %dma_start3A_218 = arith.constant 0 : i32
          %dma_start3A_219 = tpu.memref_slice %arg8[%dma_start3A_211, %dma_start3A_217, %dma_start3A_218] : memref<4x2x128xi32, #tpu.memory_space<vmem>> -> memref<1x2x128xi32, #tpu.memory_space<vmem>>
          %dma_start3A_220 = tpu.memref_squeeze %dma_start3A_219 : memref<1x2x128xi32, #tpu.memory_space<vmem>> -> memref<2x128xi32, #tpu.memory_space<vmem>>
          %dma_start3A_221 = arith.constant 0 : i32
          %dma_start3A_222 = tpu.memref_slice %dma_start3A_220[%dma_start3A_212, %dma_start3A_221] : memref<2x128xi32, #tpu.memory_space<vmem>> -> memref<1x128xi32, #tpu.memory_space<vmem>>
          %dma_start3A_223 = tpu.memref_squeeze %dma_start3A_222 : memref<1x128xi32, #tpu.memory_space<vmem>> -> memref<128xi32, #tpu.memory_space<vmem>>
          %dma_start3A_224 = arith.constant 0 : i32
          %dma_start3A_225 = arith.constant 0 : i32
          %dma_start3A_226 = tpu.memref_slice %arg10[%dma_start3A_224, %dma_start3A_225] : memref<10000x128xf32, #tpu.memory_space<vmem_shared>> -> memref<10000x128xf32, #tpu.memory_space<vmem_shared>>
          tpu.enqueue_indirect_dma source(%dma_start3A_216 : memref<128x128xf32, #tpu.memory_space<vmem>>) target(%dma_start3A_226 : memref<10000x128xf32, #tpu.memory_space<vmem_shared>>) offsets(%dma_start3A_223 : memref<128xi32, #tpu.memory_space<vmem>>) semaphore(%arg15 : memref<!tpu.dma_semaphore, #tpu.memory_space<semaphore_mem>>) {add = true}
        } else {
        }
        %add3A_189 = arith.constant 2 : i32
        %add3A_190 = arith.addi %add3A_160, %add3A_189 : i32
        %lt3A_191 = arith.cmpi slt, %add3A_190, %select_n3A : i32
        %convert_element_type3A_192 = arith.extui %lt3A_191 : i1 to i32
        %cond3A_193 = arith.constant 0 : i32
        %cond3A_194 = arith.cmpi ne, %convert_element_type3A_192, %cond3A_193 : i32
        scf.if %cond3A_194 {
          %add3A_195 = arith.addi %add3A, %add3A_160 : i32
          %add3A_196 = arith.constant 2 : i32
          %add3A_197 = arith.addi %add3A_195, %add3A_196 : i32
          %dma_start3A = arith.constant 1 : i32
          %dma_start3A_198 = arith.constant 0 : i32
          %dma_start3A_199 = arith.constant 0 : i32
          %dma_start3A_200 = tpu.memref_slice %arg8[%dma_start3A, %dma_start3A_198, %dma_start3A_199] : memref<4x2x128xi32, #tpu.memory_space<vmem>> -> memref<1x2x128xi32, #tpu.memory_space<vmem>>
          %dma_start3A_201 = tpu.memref_squeeze %dma_start3A_200 : memref<1x2x128xi32, #tpu.memory_space<vmem>> -> memref<2x128xi32, #tpu.memory_space<vmem>>
          %dma_start3A_202 = arith.constant 0 : i32
          %dma_start3A_203 = arith.constant 0 : i32
          %dma_start3A_204 = tpu.memref_slice %arg4[%add3A_197, %dma_start3A_202, %dma_start3A_203] : memref<2512x2x128xi32, #tpu.memory_space<hbm>> -> memref<1x2x128xi32, #tpu.memory_space<hbm>>
          %dma_start3A_205 = tpu.memref_squeeze %dma_start3A_204 : memref<1x2x128xi32, #tpu.memory_space<hbm>> -> memref<2x128xi32, #tpu.memory_space<hbm>>
          %dma_start3A_206 = arith.constant 0 : i32
          %dma_start3A_207 = arith.constant 0 : i32
          %dma_start3A_208 = tpu.memref_slice %arg8[%dma_start3A, %dma_start3A_206, %dma_start3A_207] : memref<4x2x128xi32, #tpu.memory_space<vmem>> -> memref<1x2x128xi32, #tpu.memory_space<vmem>>
          %dma_start3A_209 = tpu.memref_squeeze %dma_start3A_208 : memref<1x2x128xi32, #tpu.memory_space<vmem>> -> memref<2x128xi32, #tpu.memory_space<vmem>>
          %dma_start3A_210 = arith.constant 0 : i32
          %dma_start3A_211 = arith.constant 0 : i32
          %dma_start3A_212 = tpu.memref_slice %arg4[%add3A_197, %dma_start3A_210, %dma_start3A_211] : memref<2512x2x128xi32, #tpu.memory_space<hbm>> -> memref<1x2x128xi32, #tpu.memory_space<hbm>>
          %dma_start3A_213 = tpu.memref_squeeze %dma_start3A_212 : memref<1x2x128xi32, #tpu.memory_space<hbm>> -> memref<2x128xi32, #tpu.memory_space<hbm>>
          tpu.enqueue_dma source(%dma_start3A_213 : memref<2x128xi32, #tpu.memory_space<hbm>>) target(%dma_start3A_209 : memref<2x128xi32, #tpu.memory_space<vmem>>) target_semaphore(%arg11 : memref<!tpu.dma_semaphore, #tpu.memory_space<semaphore_mem>>)
        } else {
        }
      }
      %scan3A_35 = arith.constant 40 : i32
      %barrier3A_36 = arith.constant 0 : index
      tpu.barrier barrier_id(%barrier3A_36)
      %lt3A_37 = arith.constant 15 : i32
      %lt3A_38 = arith.cmpi slt, %arg1, %lt3A_37 : i32
      %convert_element_type3A_39 = arith.extui %lt3A_38 : i1 to i32
      %cond3A_40 = arith.constant 0 : i32
      %cond3A_41 = arith.cmpi ne, %convert_element_type3A_39, %cond3A_40 : i32
      scf.if %cond3A_41 {
        "tpu.region"() ({
          %run_scoped3A_47 = tpu.sem_alloc : memref<!tpu.dma_semaphore, #tpu.memory_space<semaphore_mem>>
          %dma_start3A = arith.constant 0 : i32
          %dma_start3A_48 = tpu.memref_slice %arg6[%mul3A_0, %dma_start3A] : memref<10000x128xf32, #tpu.memory_space<hbm>> -> memref<632x128xf32, #tpu.memory_space<hbm>>
          %dma_start3A_49 = arith.constant 0 : i32
          %dma_start3A_50 = tpu.memref_slice %arg10[%mul3A_0, %dma_start3A_49] : memref<10000x128xf32, #tpu.memory_space<vmem_shared>> -> memref<632x128xf32, #tpu.memory_space<vmem_shared>>
          tpu.enqueue_dma source(%dma_start3A_50 : memref<632x128xf32, #tpu.memory_space<vmem_shared>>) target(%dma_start3A_48 : memref<632x128xf32, #tpu.memory_space<hbm>>) target_semaphore(%run_scoped3A_47 : memref<!tpu.dma_semaphore, #tpu.memory_space<semaphore_mem>>)
          %dma_wait3A = arith.constant 0 : i32
          %dma_wait3A_51 = tpu.memref_slice %arg6[%mul3A_0, %dma_wait3A] : memref<10000x128xf32, #tpu.memory_space<hbm>> -> memref<632x128xf32, #tpu.memory_space<hbm>>
          %dma_wait3A_52 = arith.constant 0 : i32
          %dma_wait3A_53 = tpu.memref_slice %arg10[%mul3A_0, %dma_wait3A_52] : memref<10000x128xf32, #tpu.memory_space<vmem_shared>> -> memref<632x128xf32, #tpu.memory_space<vmem_shared>>
          tpu.wait_dma2 semaphore(%run_scoped3A_47 : memref<!tpu.dma_semaphore, #tpu.memory_space<semaphore_mem>>) src(%dma_wait3A_53 : memref<632x128xf32, #tpu.memory_space<vmem_shared>>) dst(%dma_wait3A_51 : memref<632x128xf32, #tpu.memory_space<hbm>>)
          tpu.yield
        }) : () -> ()
      } else {
      }
      %eq3A_42 = arith.constant 15 : i32
      %eq3A_43 = arith.cmpi eq, %arg1, %eq3A_42 : i32
      %convert_element_type3A_44 = arith.extui %eq3A_43 : i1 to i32
      %cond3A_45 = arith.constant 0 : i32
      %cond3A_46 = arith.cmpi ne, %convert_element_type3A_44, %cond3A_45 : i32
      scf.if %cond3A_46 {
        "tpu.region"() ({
          %run_scoped3A_47 = tpu.sem_alloc : memref<!tpu.dma_semaphore, #tpu.memory_space<semaphore_mem>>
          %dma_start3A = arith.constant 0 : i32
          %dma_start3A_48 = tpu.memref_slice %arg6[%mul3A_0, %dma_start3A] : memref<10000x128xf32, #tpu.memory_space<hbm>> -> memref<520x128xf32, #tpu.memory_space<hbm>>
          %dma_start3A_49 = arith.constant 0 : i32
          %dma_start3A_50 = tpu.memref_slice %arg10[%mul3A_0, %dma_start3A_49] : memref<10000x128xf32, #tpu.memory_space<vmem_shared>> -> memref<520x128xf32, #tpu.memory_space<vmem_shared>>
          tpu.enqueue_dma source(%dma_start3A_50 : memref<520x128xf32, #tpu.memory_space<vmem_shared>>) target(%dma_start3A_48 : memref<520x128xf32, #tpu.memory_space<hbm>>) target_semaphore(%run_scoped3A_47 : memref<!tpu.dma_semaphore, #tpu.memory_space<semaphore_mem>>)
          %dma_wait3A = arith.constant 0 : i32
          %dma_wait3A_51 = tpu.memref_slice %arg6[%mul3A_0, %dma_wait3A] : memref<10000x128xf32, #tpu.memory_space<hbm>> -> memref<520x128xf32, #tpu.memory_space<hbm>>
          %dma_wait3A_52 = arith.constant 0 : i32
          %dma_wait3A_53 = tpu.memref_slice %arg10[%mul3A_0, %dma_wait3A_52] : memref<10000x128xf32, #tpu.memory_space<vmem_shared>> -> memref<520x128xf32, #tpu.memory_space<vmem_shared>>
          tpu.wait_dma2 semaphore(%run_scoped3A_47 : memref<!tpu.dma_semaphore, #tpu.memory_space<semaphore_mem>>) src(%dma_wait3A_53 : memref<520x128xf32, #tpu.memory_space<vmem_shared>>) dst(%dma_wait3A_51 : memref<520x128xf32, #tpu.memory_space<hbm>>)
          tpu.yield
        }) : () -> ()
      } else {
      }
    } else {
    }
    %eq3A_8 = arith.constant 1 : i32
    %eq3A_9 = arith.cmpi eq, %arg0, %eq3A_8 : i32
    %convert_element_type3A_10 = arith.extui %eq3A_9 : i1 to i32
    %cond3A_11 = arith.constant 0 : i32
    %cond3A_12 = arith.cmpi ne, %convert_element_type3A_10, %cond3A_11 : i32
    scf.if %cond3A_12 {
      %lt3A_13 = arith.constant 15 : i32
      %lt3A_14 = arith.cmpi slt, %arg1, %lt3A_13 : i32
      %convert_element_type3A_15 = arith.extui %lt3A_14 : i1 to i32
      %cond3A_16 = arith.constant 0 : i32
      %cond3A_17 = arith.cmpi ne, %convert_element_type3A_15, %cond3A_16 : i32
      scf.if %cond3A_17 {
        "tpu.region"() ({
          %run_scoped3A_47 = tpu.sem_alloc : memref<!tpu.dma_semaphore, #tpu.memory_space<semaphore_mem>>
          %dma_start3A = arith.constant 0 : i32
          %dma_start3A_48 = tpu.memref_slice %arg10[%mul3A_0, %dma_start3A] : memref<10000x128xf32, #tpu.memory_space<vmem_shared>> -> memref<632x128xf32, #tpu.memory_space<vmem_shared>>
          %dma_start3A_49 = arith.constant 0 : i32
          %dma_start3A_50 = tpu.memref_slice %arg5[%mul3A_0, %dma_start3A_49] : memref<10000x128xf32, #tpu.memory_space<hbm>> -> memref<632x128xf32, #tpu.memory_space<hbm>>
          tpu.enqueue_dma source(%dma_start3A_50 : memref<632x128xf32, #tpu.memory_space<hbm>>) target(%dma_start3A_48 : memref<632x128xf32, #tpu.memory_space<vmem_shared>>) target_semaphore(%run_scoped3A_47 : memref<!tpu.dma_semaphore, #tpu.memory_space<semaphore_mem>>)
          %dma_wait3A = arith.constant 0 : i32
          %dma_wait3A_51 = tpu.memref_slice %arg10[%mul3A_0, %dma_wait3A] : memref<10000x128xf32, #tpu.memory_space<vmem_shared>> -> memref<632x128xf32, #tpu.memory_space<vmem_shared>>
          %dma_wait3A_52 = arith.constant 0 : i32
          %dma_wait3A_53 = tpu.memref_slice %arg5[%mul3A_0, %dma_wait3A_52] : memref<10000x128xf32, #tpu.memory_space<hbm>> -> memref<632x128xf32, #tpu.memory_space<hbm>>
          tpu.wait_dma2 semaphore(%run_scoped3A_47 : memref<!tpu.dma_semaphore, #tpu.memory_space<semaphore_mem>>) src(%dma_wait3A_53 : memref<632x128xf32, #tpu.memory_space<hbm>>) dst(%dma_wait3A_51 : memref<632x128xf32, #tpu.memory_space<vmem_shared>>)
          tpu.yield
        }) : () -> ()
      } else {
      }
      %eq3A_18 = arith.constant 15 : i32
      %eq3A_19 = arith.cmpi eq, %arg1, %eq3A_18 : i32
      %convert_element_type3A_20 = arith.extui %eq3A_19 : i1 to i32
      %cond3A_21 = arith.constant 0 : i32
      %cond3A_22 = arith.cmpi ne, %convert_element_type3A_20, %cond3A_21 : i32
      scf.if %cond3A_22 {
        "tpu.region"() ({
          %run_scoped3A_47 = tpu.sem_alloc : memref<!tpu.dma_semaphore, #tpu.memory_space<semaphore_mem>>
          %dma_start3A = arith.constant 0 : i32
          %dma_start3A_48 = tpu.memref_slice %arg10[%mul3A_0, %dma_start3A] : memref<10000x128xf32, #tpu.memory_space<vmem_shared>> -> memref<520x128xf32, #tpu.memory_space<vmem_shared>>
          %dma_start3A_49 = arith.constant 0 : i32
          %dma_start3A_50 = tpu.memref_slice %arg5[%mul3A_0, %dma_start3A_49] : memref<10000x128xf32, #tpu.memory_space<hbm>> -> memref<520x128xf32, #tpu.memory_space<hbm>>
          tpu.enqueue_dma source(%dma_start3A_50 : memref<520x128xf32, #tpu.memory_space<hbm>>) target(%dma_start3A_48 : memref<520x128xf32, #tpu.memory_space<vmem_shared>>) target_semaphore(%run_scoped3A_47 : memref<!tpu.dma_semaphore, #tpu.memory_space<semaphore_mem>>)
          %dma_wait3A = arith.constant 0 : i32
          %dma_wait3A_51 = tpu.memref_slice %arg10[%mul3A_0, %dma_wait3A] : memref<10000x128xf32, #tpu.memory_space<vmem_shared>> -> memref<520x128xf32, #tpu.memory_space<vmem_shared>>
          %dma_wait3A_52 = arith.constant 0 : i32
          %dma_wait3A_53 = tpu.memref_slice %arg5[%mul3A_0, %dma_wait3A_52] : memref<10000x128xf32, #tpu.memory_space<hbm>> -> memref<520x128xf32, #tpu.memory_space<hbm>>
          tpu.wait_dma2 semaphore(%run_scoped3A_47 : memref<!tpu.dma_semaphore, #tpu.memory_space<semaphore_mem>>) src(%dma_wait3A_53 : memref<520x128xf32, #tpu.memory_space<hbm>>) dst(%dma_wait3A_51 : memref<520x128xf32, #tpu.memory_space<vmem_shared>>)
          tpu.yield
        }) : () -> ()
      } else {
      }
      %barrier3A = arith.constant 0 : index
      tpu.barrier barrier_id(%barrier3A)
      %run_scoped3A = arith.constant 0 : i32
      "tpu.region"() ({
        %run_scoped3A_47 = tpu.sem_alloc : memref<!tpu.dma_semaphore, #tpu.memory_space<semaphore_mem>>
        %dma_start3A = arith.constant 0 : i32
        %dma_start3A_48 = arith.constant 0 : i32
        %dma_start3A_49 = tpu.memref_slice %arg8[%run_scoped3A, %dma_start3A, %dma_start3A_48] : memref<4x2x128xi32, #tpu.memory_space<vmem>> -> memref<1x2x128xi32, #tpu.memory_space<vmem>>
        %dma_start3A_50 = tpu.memref_squeeze %dma_start3A_49 : memref<1x2x128xi32, #tpu.memory_space<vmem>> -> memref<2x128xi32, #tpu.memory_space<vmem>>
        %dma_start3A_51 = arith.constant 0 : i32
        %dma_start3A_52 = arith.constant 0 : i32
        %dma_start3A_53 = tpu.memref_slice %arg4[%add3A, %dma_start3A_51, %dma_start3A_52] : memref<2512x2x128xi32, #tpu.memory_space<hbm>> -> memref<1x2x128xi32, #tpu.memory_space<hbm>>
        %dma_start3A_54 = tpu.memref_squeeze %dma_start3A_53 : memref<1x2x128xi32, #tpu.memory_space<hbm>> -> memref<2x128xi32, #tpu.memory_space<hbm>>
        %dma_start3A_55 = arith.constant 0 : i32
        %dma_start3A_56 = arith.constant 0 : i32
        %dma_start3A_57 = tpu.memref_slice %arg8[%run_scoped3A, %dma_start3A_55, %dma_start3A_56] : memref<4x2x128xi32, #tpu.memory_space<vmem>> -> memref<1x2x128xi32, #tpu.memory_space<vmem>>
        %dma_start3A_58 = tpu.memref_squeeze %dma_start3A_57 : memref<1x2x128xi32, #tpu.memory_space<vmem>> -> memref<2x128xi32, #tpu.memory_space<vmem>>
        %dma_start3A_59 = arith.constant 0 : i32
        %dma_start3A_60 = arith.constant 0 : i32
        %dma_start3A_61 = tpu.memref_slice %arg4[%add3A, %dma_start3A_59, %dma_start3A_60] : memref<2512x2x128xi32, #tpu.memory_space<hbm>> -> memref<1x2x128xi32, #tpu.memory_space<hbm>>
        %dma_start3A_62 = tpu.memref_squeeze %dma_start3A_61 : memref<1x2x128xi32, #tpu.memory_space<hbm>> -> memref<2x128xi32, #tpu.memory_space<hbm>>
        tpu.enqueue_dma source(%dma_start3A_62 : memref<2x128xi32, #tpu.memory_space<hbm>>) target(%dma_start3A_58 : memref<2x128xi32, #tpu.memory_space<vmem>>) target_semaphore(%run_scoped3A_47 : memref<!tpu.dma_semaphore, #tpu.memory_space<semaphore_mem>>)
        %dma_wait3A = arith.constant 0 : i32
        %dma_wait3A_63 = arith.constant 0 : i32
        %dma_wait3A_64 = tpu.memref_slice %arg8[%run_scoped3A, %dma_wait3A, %dma_wait3A_63] : memref<4x2x128xi32, #tpu.memory_space<vmem>> -> memref<1x2x128xi32, #tpu.memory_space<vmem>>
        %dma_wait3A_65 = tpu.memref_squeeze %dma_wait3A_64 : memref<1x2x128xi32, #tpu.memory_space<vmem>> -> memref<2x128xi32, #tpu.memory_space<vmem>>
        %dma_wait3A_66 = arith.constant 0 : i32
        %dma_wait3A_67 = arith.constant 0 : i32
        %dma_wait3A_68 = tpu.memref_slice %arg4[%add3A, %dma_wait3A_66, %dma_wait3A_67] : memref<2512x2x128xi32, #tpu.memory_space<hbm>> -> memref<1x2x128xi32, #tpu.memory_space<hbm>>
        %dma_wait3A_69 = tpu.memref_squeeze %dma_wait3A_68 : memref<1x2x128xi32, #tpu.memory_space<hbm>> -> memref<2x128xi32, #tpu.memory_space<hbm>>
        %dma_wait3A_70 = arith.constant 0 : i32
        %dma_wait3A_71 = arith.constant 0 : i32
        %dma_wait3A_72 = tpu.memref_slice %arg8[%run_scoped3A, %dma_wait3A_70, %dma_wait3A_71] : memref<4x2x128xi32, #tpu.memory_space<vmem>> -> memref<1x2x128xi32, #tpu.memory_space<vmem>>
        %dma_wait3A_73 = tpu.memref_squeeze %dma_wait3A_72 : memref<1x2x128xi32, #tpu.memory_space<vmem>> -> memref<2x128xi32, #tpu.memory_space<vmem>>
        %dma_wait3A_74 = arith.constant 0 : i32
        %dma_wait3A_75 = arith.constant 0 : i32
        %dma_wait3A_76 = tpu.memref_slice %arg4[%add3A, %dma_wait3A_74, %dma_wait3A_75] : memref<2512x2x128xi32, #tpu.memory_space<hbm>> -> memref<1x2x128xi32, #tpu.memory_space<hbm>>
        %dma_wait3A_77 = tpu.memref_squeeze %dma_wait3A_76 : memref<1x2x128xi32, #tpu.memory_space<hbm>> -> memref<2x128xi32, #tpu.memory_space<hbm>>
        tpu.wait_dma2 semaphore(%run_scoped3A_47 : memref<!tpu.dma_semaphore, #tpu.memory_space<semaphore_mem>>) src(%dma_wait3A_77 : memref<2x128xi32, #tpu.memory_space<hbm>>) dst(%dma_wait3A_73 : memref<2x128xi32, #tpu.memory_space<vmem>>)
        tpu.yield
      }) : () -> ()
      %gt3A = arith.constant 1 : i32
      %gt3A_23 = arith.cmpi sgt, %select_n3A, %gt3A : i32
      %convert_element_type3A_24 = arith.extui %gt3A_23 : i1 to i32
      %cond3A_25 = arith.constant 0 : i32
      %cond3A_26 = arith.cmpi ne, %convert_element_type3A_24, %cond3A_25 : i32
      scf.if %cond3A_26 {
        %add3A_47 = arith.constant 1 : i32
        %add3A_48 = arith.addi %add3A, %add3A_47 : i32
        %run_scoped3A_49 = arith.constant 1 : i32
        "tpu.region"() ({
          %run_scoped3A_50 = tpu.sem_alloc : memref<!tpu.dma_semaphore, #tpu.memory_space<semaphore_mem>>
          %dma_start3A = arith.constant 0 : i32
          %dma_start3A_51 = arith.constant 0 : i32
          %dma_start3A_52 = tpu.memref_slice %arg8[%run_scoped3A_49, %dma_start3A, %dma_start3A_51] : memref<4x2x128xi32, #tpu.memory_space<vmem>> -> memref<1x2x128xi32, #tpu.memory_space<vmem>>
          %dma_start3A_53 = tpu.memref_squeeze %dma_start3A_52 : memref<1x2x128xi32, #tpu.memory_space<vmem>> -> memref<2x128xi32, #tpu.memory_space<vmem>>
          %dma_start3A_54 = arith.constant 0 : i32
          %dma_start3A_55 = arith.constant 0 : i32
          %dma_start3A_56 = tpu.memref_slice %arg4[%add3A_48, %dma_start3A_54, %dma_start3A_55] : memref<2512x2x128xi32, #tpu.memory_space<hbm>> -> memref<1x2x128xi32, #tpu.memory_space<hbm>>
          %dma_start3A_57 = tpu.memref_squeeze %dma_start3A_56 : memref<1x2x128xi32, #tpu.memory_space<hbm>> -> memref<2x128xi32, #tpu.memory_space<hbm>>
          %dma_start3A_58 = arith.constant 0 : i32
          %dma_start3A_59 = arith.constant 0 : i32
          %dma_start3A_60 = tpu.memref_slice %arg8[%run_scoped3A_49, %dma_start3A_58, %dma_start3A_59] : memref<4x2x128xi32, #tpu.memory_space<vmem>> -> memref<1x2x128xi32, #tpu.memory_space<vmem>>
          %dma_start3A_61 = tpu.memref_squeeze %dma_start3A_60 : memref<1x2x128xi32, #tpu.memory_space<vmem>> -> memref<2x128xi32, #tpu.memory_space<vmem>>
          %dma_start3A_62 = arith.constant 0 : i32
          %dma_start3A_63 = arith.constant 0 : i32
          %dma_start3A_64 = tpu.memref_slice %arg4[%add3A_48, %dma_start3A_62, %dma_start3A_63] : memref<2512x2x128xi32, #tpu.memory_space<hbm>> -> memref<1x2x128xi32, #tpu.memory_space<hbm>>
          %dma_start3A_65 = tpu.memref_squeeze %dma_start3A_64 : memref<1x2x128xi32, #tpu.memory_space<hbm>> -> memref<2x128xi32, #tpu.memory_space<hbm>>
          tpu.enqueue_dma source(%dma_start3A_65 : memref<2x128xi32, #tpu.memory_space<hbm>>) target(%dma_start3A_61 : memref<2x128xi32, #tpu.memory_space<vmem>>) target_semaphore(%run_scoped3A_50 : memref<!tpu.dma_semaphore, #tpu.memory_space<semaphore_mem>>)
          %dma_wait3A = arith.constant 0 : i32
          %dma_wait3A_66 = arith.constant 0 : i32
          %dma_wait3A_67 = tpu.memref_slice %arg8[%run_scoped3A_49, %dma_wait3A, %dma_wait3A_66] : memref<4x2x128xi32, #tpu.memory_space<vmem>> -> memref<1x2x128xi32, #tpu.memory_space<vmem>>
          %dma_wait3A_68 = tpu.memref_squeeze %dma_wait3A_67 : memref<1x2x128xi32, #tpu.memory_space<vmem>> -> memref<2x128xi32, #tpu.memory_space<vmem>>
          %dma_wait3A_69 = arith.constant 0 : i32
          %dma_wait3A_70 = arith.constant 0 : i32
          %dma_wait3A_71 = tpu.memref_slice %arg4[%add3A_48, %dma_wait3A_69, %dma_wait3A_70] : memref<2512x2x128xi32, #tpu.memory_space<hbm>> -> memref<1x2x128xi32, #tpu.memory_space<hbm>>
          %dma_wait3A_72 = tpu.memref_squeeze %dma_wait3A_71 : memref<1x2x128xi32, #tpu.memory_space<hbm>> -> memref<2x128xi32, #tpu.memory_space<hbm>>
          %dma_wait3A_73 = arith.constant 0 : i32
          %dma_wait3A_74 = arith.constant 0 : i32
          %dma_wait3A_75 = tpu.memref_slice %arg8[%run_scoped3A_49, %dma_wait3A_73, %dma_wait3A_74] : memref<4x2x128xi32, #tpu.memory_space<vmem>> -> memref<1x2x128xi32, #tpu.memory_space<vmem>>
          %dma_wait3A_76 = tpu.memref_squeeze %dma_wait3A_75 : memref<1x2x128xi32, #tpu.memory_space<vmem>> -> memref<2x128xi32, #tpu.memory_space<vmem>>
          %dma_wait3A_77 = arith.constant 0 : i32
          %dma_wait3A_78 = arith.constant 0 : i32
          %dma_wait3A_79 = tpu.memref_slice %arg4[%add3A_48, %dma_wait3A_77, %dma_wait3A_78] : memref<2512x2x128xi32, #tpu.memory_space<hbm>> -> memref<1x2x128xi32, #tpu.memory_space<hbm>>
          %dma_wait3A_80 = tpu.memref_squeeze %dma_wait3A_79 : memref<1x2x128xi32, #tpu.memory_space<hbm>> -> memref<2x128xi32, #tpu.memory_space<hbm>>
          tpu.wait_dma2 semaphore(%run_scoped3A_50 : memref<!tpu.dma_semaphore, #tpu.memory_space<semaphore_mem>>) src(%dma_wait3A_80 : memref<2x128xi32, #tpu.memory_space<hbm>>) dst(%dma_wait3A_76 : memref<2x128xi32, #tpu.memory_space<vmem>>)
          tpu.yield
        }) : () -> ()
      } else {
      }
      %gt3A_27 = arith.constant 0 : i32
      %gt3A_28 = arith.cmpi sgt, %select_n3A, %gt3A_27 : i32
      %convert_element_type3A_29 = arith.extui %gt3A_28 : i1 to i32
      %cond3A_30 = arith.constant 0 : i32
      %cond3A_31 = arith.cmpi ne, %convert_element_type3A_29, %cond3A_30 : i32
      scf.if %cond3A_31 {
        %dma_start3A = arith.constant 0 : i32
        %dma_start3A_47 = arith.constant 0 : i32
        %dma_start3A_48 = arith.constant 0 : i32
        %dma_start3A_49 = arith.constant 0 : i32
        %dma_start3A_50 = arith.constant 0 : i32
        %dma_start3A_51 = tpu.memref_slice %arg9[%dma_start3A_48, %dma_start3A_49, %dma_start3A_50] : memref<2x128x128xf32, #tpu.memory_space<vmem>> -> memref<1x128x128xf32, #tpu.memory_space<vmem>>
        %dma_start3A_52 = tpu.memref_squeeze %dma_start3A_51 : memref<1x128x128xf32, #tpu.memory_space<vmem>> -> memref<128x128xf32, #tpu.memory_space<vmem>>
        %dma_start3A_53 = arith.constant 0 : i32
        %dma_start3A_54 = arith.constant 0 : i32
        %dma_start3A_55 = tpu.memref_slice %arg8[%dma_start3A, %dma_start3A_53, %dma_start3A_54] : memref<4x2x128xi32, #tpu.memory_space<vmem>> -> memref<1x2x128xi32, #tpu.memory_space<vmem>>
        %dma_start3A_56 = tpu.memref_squeeze %dma_start3A_55 : memref<1x2x128xi32, #tpu.memory_space<vmem>> -> memref<2x128xi32, #tpu.memory_space<vmem>>
        %dma_start3A_57 = arith.constant 0 : i32
        %dma_start3A_58 = tpu.memref_slice %dma_start3A_56[%dma_start3A_47, %dma_start3A_57] : memref<2x128xi32, #tpu.memory_space<vmem>> -> memref<1x128xi32, #tpu.memory_space<vmem>>
        %dma_start3A_59 = tpu.memref_squeeze %dma_start3A_58 : memref<1x128xi32, #tpu.memory_space<vmem>> -> memref<128xi32, #tpu.memory_space<vmem>>
        %dma_start3A_60 = arith.constant 0 : i32
        %dma_start3A_61 = arith.constant 0 : i32
        %dma_start3A_62 = tpu.memref_slice %arg3[%dma_start3A_60, %dma_start3A_61] : memref<10000x128xf32, #tpu.memory_space<hbm>> -> memref<10000x128xf32, #tpu.memory_space<hbm>>
        tpu.enqueue_indirect_dma source(%dma_start3A_62 : memref<10000x128xf32, #tpu.memory_space<hbm>>) target(%dma_start3A_52 : memref<128x128xf32, #tpu.memory_space<vmem>>) offsets(%dma_start3A_59 : memref<128xi32, #tpu.memory_space<vmem>>) semaphore(%arg12 : memref<!tpu.dma_semaphore, #tpu.memory_space<semaphore_mem>>)
      } else {
      }
      %scan3A = arith.constant 0 : i32
      %scan3A_32 = arith.constant 40 : i32
      %scan3A_33 = arith.addi %scan3A, %scan3A_32 : i32
      %scan3A_34 = arith.constant 1 : i32
      scf.for %scan3A_47 = %scan3A to %scan3A_33 step %scan3A_34  : i32 {
        %mul3A_48 = arith.constant 1 : i32
        %mul3A_49 = arith.muli %scan3A_47, %mul3A_48 : i32
        %add3A_50 = arith.constant 0 : i32
        %add3A_51 = arith.addi %add3A_50, %mul3A_49 : i32
        %mul3A_52 = arith.constant 4 : i32
        %mul3A_53 = arith.muli %add3A_51, %mul3A_52 : i32
        %add3A_54 = arith.constant 0 : i32
        %add3A_55 = arith.addi %mul3A_53, %add3A_54 : i32
        %ge3A = arith.constant 1 : i32
        %ge3A_56 = arith.cmpi sge, %add3A_55, %ge3A : i32
        %add3A_57 = arith.constant 1 : i32
        %add3A_58 = arith.addi %add3A_55, %add3A_57 : i32
        %lt3A_59 = arith.cmpi slt, %add3A_58, %select_n3A : i32
        %and3A = arith.andi %ge3A_56, %lt3A_59 : i1
        %convert_element_type3A_60 = arith.extui %and3A : i1 to i32
        %cond3A_61 = arith.constant 0 : i32
        %cond3A_62 = arith.cmpi ne, %convert_element_type3A_60, %cond3A_61 : i32
        scf.if %cond3A_62 {
          %add3A_195 = arith.addi %add3A, %add3A_55 : i32
          %add3A_196 = arith.constant 1 : i32
          %add3A_197 = arith.addi %add3A_195, %add3A_196 : i32
          %dma_wait3A = arith.constant 1 : i32
          %dma_wait3A_198 = arith.constant 0 : i32
          %dma_wait3A_199 = arith.constant 0 : i32
          %dma_wait3A_200 = tpu.memref_slice %arg8[%dma_wait3A, %dma_wait3A_198, %dma_wait3A_199] : memref<4x2x128xi32, #tpu.memory_space<vmem>> -> memref<1x2x128xi32, #tpu.memory_space<vmem>>
          %dma_wait3A_201 = tpu.memref_squeeze %dma_wait3A_200 : memref<1x2x128xi32, #tpu.memory_space<vmem>> -> memref<2x128xi32, #tpu.memory_space<vmem>>
          %dma_wait3A_202 = arith.constant 0 : i32
          %dma_wait3A_203 = arith.constant 0 : i32
          %dma_wait3A_204 = tpu.memref_slice %arg4[%add3A_197, %dma_wait3A_202, %dma_wait3A_203] : memref<2512x2x128xi32, #tpu.memory_space<hbm>> -> memref<1x2x128xi32, #tpu.memory_space<hbm>>
          %dma_wait3A_205 = tpu.memref_squeeze %dma_wait3A_204 : memref<1x2x128xi32, #tpu.memory_space<hbm>> -> memref<2x128xi32, #tpu.memory_space<hbm>>
          %dma_wait3A_206 = arith.constant 0 : i32
          %dma_wait3A_207 = arith.constant 0 : i32
          %dma_wait3A_208 = tpu.memref_slice %arg8[%dma_wait3A, %dma_wait3A_206, %dma_wait3A_207] : memref<4x2x128xi32, #tpu.memory_space<vmem>> -> memref<1x2x128xi32, #tpu.memory_space<vmem>>
          %dma_wait3A_209 = tpu.memref_squeeze %dma_wait3A_208 : memref<1x2x128xi32, #tpu.memory_space<vmem>> -> memref<2x128xi32, #tpu.memory_space<vmem>>
          %dma_wait3A_210 = arith.constant 0 : i32
          %dma_wait3A_211 = arith.constant 0 : i32
          %dma_wait3A_212 = tpu.memref_slice %arg4[%add3A_197, %dma_wait3A_210, %dma_wait3A_211] : memref<2512x2x128xi32, #tpu.memory_space<hbm>> -> memref<1x2x128xi32, #tpu.memory_space<hbm>>
          %dma_wait3A_213 = tpu.memref_squeeze %dma_wait3A_212 : memref<1x2x128xi32, #tpu.memory_space<hbm>> -> memref<2x128xi32, #tpu.memory_space<hbm>>
          tpu.wait_dma2 semaphore(%arg11 : memref<!tpu.dma_semaphore, #tpu.memory_space<semaphore_mem>>) src(%dma_wait3A_213 : memref<2x128xi32, #tpu.memory_space<hbm>>) dst(%dma_wait3A_209 : memref<2x128xi32, #tpu.memory_space<vmem>>)
        } else {
        }
        %ge3A_63 = arith.constant 1 : i32
        %ge3A_64 = arith.cmpi sge, %add3A_55, %ge3A_63 : i32
        %sub3A = arith.constant 1 : i32
        %sub3A_65 = arith.subi %add3A_55, %sub3A : i32
        %lt3A_66 = arith.cmpi slt, %sub3A_65, %select_n3A : i32
        %and3A_67 = arith.andi %ge3A_64, %lt3A_66 : i1
        %convert_element_type3A_68 = arith.extui %and3A_67 : i1 to i32
        %cond3A_69 = arith.constant 0 : i32
        %cond3A_70 = arith.cmpi ne, %convert_element_type3A_68, %cond3A_69 : i32
        scf.if %cond3A_70 {
          %dma_wait3A = arith.constant 1 : i32
          %dma_wait3A_195 = arith.constant 3 : i32
          %dma_wait3A_196 = arith.constant 1 : i32
          %dma_wait3A_197 = arith.constant 0 : i32
          %dma_wait3A_198 = arith.constant 0 : i32
          %dma_wait3A_199 = tpu.memref_slice %arg9[%dma_wait3A, %dma_wait3A_197, %dma_wait3A_198] : memref<2x128x128xf32, #tpu.memory_space<vmem>> -> memref<1x128x128xf32, #tpu.memory_space<vmem>>
          %dma_wait3A_200 = tpu.memref_squeeze %dma_wait3A_199 : memref<1x128x128xf32, #tpu.memory_space<vmem>> -> memref<128x128xf32, #tpu.memory_space<vmem>>
          %dma_wait3A_201 = arith.constant 0 : i32
          %dma_wait3A_202 = arith.constant 0 : i32
          %dma_wait3A_203 = tpu.memref_slice %arg8[%dma_wait3A_195, %dma_wait3A_201, %dma_wait3A_202] : memref<4x2x128xi32, #tpu.memory_space<vmem>> -> memref<1x2x128xi32, #tpu.memory_space<vmem>>
          %dma_wait3A_204 = tpu.memref_squeeze %dma_wait3A_203 : memref<1x2x128xi32, #tpu.memory_space<vmem>> -> memref<2x128xi32, #tpu.memory_space<vmem>>
          %dma_wait3A_205 = arith.constant 0 : i32
          %dma_wait3A_206 = tpu.memref_slice %dma_wait3A_204[%dma_wait3A_196, %dma_wait3A_205] : memref<2x128xi32, #tpu.memory_space<vmem>> -> memref<1x128xi32, #tpu.memory_space<vmem>>
          %dma_wait3A_207 = tpu.memref_squeeze %dma_wait3A_206 : memref<1x128xi32, #tpu.memory_space<vmem>> -> memref<128xi32, #tpu.memory_space<vmem>>
          %dma_wait3A_208 = arith.constant 0 : i32
          %dma_wait3A_209 = arith.constant 0 : i32
          %dma_wait3A_210 = tpu.memref_slice %arg10[%dma_wait3A_208, %dma_wait3A_209] : memref<10000x128xf32, #tpu.memory_space<vmem_shared>> -> memref<10000x128xf32, #tpu.memory_space<vmem_shared>>
          tpu.wait_indirect_dma semaphore(%arg15 : memref<!tpu.dma_semaphore, #tpu.memory_space<semaphore_mem>>) src(%dma_wait3A_200 : memref<128x128xf32, #tpu.memory_space<vmem>>) dst(%dma_wait3A_210 : memref<10000x128xf32, #tpu.memory_space<vmem_shared>>)
        } else {
        }
        %add3A_71 = arith.constant 1 : i32
        %add3A_72 = arith.addi %add3A_55, %add3A_71 : i32
        %lt3A_73 = arith.cmpi slt, %add3A_72, %select_n3A : i32
        %convert_element_type3A_74 = arith.extui %lt3A_73 : i1 to i32
        %cond3A_75 = arith.constant 0 : i32
        %cond3A_76 = arith.cmpi ne, %convert_element_type3A_74, %cond3A_75 : i32
        scf.if %cond3A_76 {
          %dma_start3A = arith.constant 1 : i32
          %dma_start3A_195 = arith.constant 0 : i32
          %dma_start3A_196 = arith.constant 1 : i32
          %dma_start3A_197 = arith.constant 0 : i32
          %dma_start3A_198 = arith.constant 0 : i32
          %dma_start3A_199 = tpu.memref_slice %arg9[%dma_start3A_196, %dma_start3A_197, %dma_start3A_198] : memref<2x128x128xf32, #tpu.memory_space<vmem>> -> memref<1x128x128xf32, #tpu.memory_space<vmem>>
          %dma_start3A_200 = tpu.memref_squeeze %dma_start3A_199 : memref<1x128x128xf32, #tpu.memory_space<vmem>> -> memref<128x128xf32, #tpu.memory_space<vmem>>
          %dma_start3A_201 = arith.constant 0 : i32
          %dma_start3A_202 = arith.constant 0 : i32
          %dma_start3A_203 = tpu.memref_slice %arg8[%dma_start3A, %dma_start3A_201, %dma_start3A_202] : memref<4x2x128xi32, #tpu.memory_space<vmem>> -> memref<1x2x128xi32, #tpu.memory_space<vmem>>
          %dma_start3A_204 = tpu.memref_squeeze %dma_start3A_203 : memref<1x2x128xi32, #tpu.memory_space<vmem>> -> memref<2x128xi32, #tpu.memory_space<vmem>>
          %dma_start3A_205 = arith.constant 0 : i32
          %dma_start3A_206 = tpu.memref_slice %dma_start3A_204[%dma_start3A_195, %dma_start3A_205] : memref<2x128xi32, #tpu.memory_space<vmem>> -> memref<1x128xi32, #tpu.memory_space<vmem>>
          %dma_start3A_207 = tpu.memref_squeeze %dma_start3A_206 : memref<1x128xi32, #tpu.memory_space<vmem>> -> memref<128xi32, #tpu.memory_space<vmem>>
          %dma_start3A_208 = arith.constant 0 : i32
          %dma_start3A_209 = arith.constant 0 : i32
          %dma_start3A_210 = tpu.memref_slice %arg3[%dma_start3A_208, %dma_start3A_209] : memref<10000x128xf32, #tpu.memory_space<hbm>> -> memref<10000x128xf32, #tpu.memory_space<hbm>>
          tpu.enqueue_indirect_dma source(%dma_start3A_210 : memref<10000x128xf32, #tpu.memory_space<hbm>>) target(%dma_start3A_200 : memref<128x128xf32, #tpu.memory_space<vmem>>) offsets(%dma_start3A_207 : memref<128xi32, #tpu.memory_space<vmem>>) semaphore(%arg13 : memref<!tpu.dma_semaphore, #tpu.memory_space<semaphore_mem>>)
        } else {
        }
        %lt3A_77 = arith.cmpi slt, %add3A_55, %select_n3A : i32
        %convert_element_type3A_78 = arith.extui %lt3A_77 : i1 to i32
        %cond3A_79 = arith.constant 0 : i32
        %cond3A_80 = arith.cmpi ne, %convert_element_type3A_78, %cond3A_79 : i32
        scf.if %cond3A_80 {
          %dma_wait3A = arith.constant 0 : i32
          %dma_wait3A_195 = arith.constant 0 : i32
          %dma_wait3A_196 = arith.constant 0 : i32
          %dma_wait3A_197 = arith.constant 0 : i32
          %dma_wait3A_198 = arith.constant 0 : i32
          %dma_wait3A_199 = tpu.memref_slice %arg9[%dma_wait3A_196, %dma_wait3A_197, %dma_wait3A_198] : memref<2x128x128xf32, #tpu.memory_space<vmem>> -> memref<1x128x128xf32, #tpu.memory_space<vmem>>
          %dma_wait3A_200 = tpu.memref_squeeze %dma_wait3A_199 : memref<1x128x128xf32, #tpu.memory_space<vmem>> -> memref<128x128xf32, #tpu.memory_space<vmem>>
          %dma_wait3A_201 = arith.constant 0 : i32
          %dma_wait3A_202 = arith.constant 0 : i32
          %dma_wait3A_203 = tpu.memref_slice %arg8[%dma_wait3A, %dma_wait3A_201, %dma_wait3A_202] : memref<4x2x128xi32, #tpu.memory_space<vmem>> -> memref<1x2x128xi32, #tpu.memory_space<vmem>>
          %dma_wait3A_204 = tpu.memref_squeeze %dma_wait3A_203 : memref<1x2x128xi32, #tpu.memory_space<vmem>> -> memref<2x128xi32, #tpu.memory_space<vmem>>
          %dma_wait3A_205 = arith.constant 0 : i32
          %dma_wait3A_206 = tpu.memref_slice %dma_wait3A_204[%dma_wait3A_195, %dma_wait3A_205] : memref<2x128xi32, #tpu.memory_space<vmem>> -> memref<1x128xi32, #tpu.memory_space<vmem>>
          %dma_wait3A_207 = tpu.memref_squeeze %dma_wait3A_206 : memref<1x128xi32, #tpu.memory_space<vmem>> -> memref<128xi32, #tpu.memory_space<vmem>>
          %dma_wait3A_208 = arith.constant 0 : i32
          %dma_wait3A_209 = arith.constant 0 : i32
          %dma_wait3A_210 = tpu.memref_slice %arg3[%dma_wait3A_208, %dma_wait3A_209] : memref<10000x128xf32, #tpu.memory_space<hbm>> -> memref<10000x128xf32, #tpu.memory_space<hbm>>
          tpu.wait_indirect_dma semaphore(%arg12 : memref<!tpu.dma_semaphore, #tpu.memory_space<semaphore_mem>>) src(%dma_wait3A_210 : memref<10000x128xf32, #tpu.memory_space<hbm>>) dst(%dma_wait3A_200 : memref<128x128xf32, #tpu.memory_space<vmem>>)
          %dma_start3A = arith.constant 0 : i32
          %dma_start3A_211 = arith.constant 0 : i32
          %dma_start3A_212 = arith.constant 1 : i32
          %dma_start3A_213 = arith.constant 0 : i32
          %dma_start3A_214 = arith.constant 0 : i32
          %dma_start3A_215 = tpu.memref_slice %arg9[%dma_start3A, %dma_start3A_213, %dma_start3A_214] : memref<2x128x128xf32, #tpu.memory_space<vmem>> -> memref<1x128x128xf32, #tpu.memory_space<vmem>>
          %dma_start3A_216 = tpu.memref_squeeze %dma_start3A_215 : memref<1x128x128xf32, #tpu.memory_space<vmem>> -> memref<128x128xf32, #tpu.memory_space<vmem>>
          %dma_start3A_217 = arith.constant 0 : i32
          %dma_start3A_218 = arith.constant 0 : i32
          %dma_start3A_219 = tpu.memref_slice %arg8[%dma_start3A_211, %dma_start3A_217, %dma_start3A_218] : memref<4x2x128xi32, #tpu.memory_space<vmem>> -> memref<1x2x128xi32, #tpu.memory_space<vmem>>
          %dma_start3A_220 = tpu.memref_squeeze %dma_start3A_219 : memref<1x2x128xi32, #tpu.memory_space<vmem>> -> memref<2x128xi32, #tpu.memory_space<vmem>>
          %dma_start3A_221 = arith.constant 0 : i32
          %dma_start3A_222 = tpu.memref_slice %dma_start3A_220[%dma_start3A_212, %dma_start3A_221] : memref<2x128xi32, #tpu.memory_space<vmem>> -> memref<1x128xi32, #tpu.memory_space<vmem>>
          %dma_start3A_223 = tpu.memref_squeeze %dma_start3A_222 : memref<1x128xi32, #tpu.memory_space<vmem>> -> memref<128xi32, #tpu.memory_space<vmem>>
          %dma_start3A_224 = arith.constant 0 : i32
          %dma_start3A_225 = arith.constant 0 : i32
          %dma_start3A_226 = tpu.memref_slice %arg10[%dma_start3A_224, %dma_start3A_225] : memref<10000x128xf32, #tpu.memory_space<vmem_shared>> -> memref<10000x128xf32, #tpu.memory_space<vmem_shared>>
          tpu.enqueue_indirect_dma source(%dma_start3A_216 : memref<128x128xf32, #tpu.memory_space<vmem>>) target(%dma_start3A_226 : memref<10000x128xf32, #tpu.memory_space<vmem_shared>>) offsets(%dma_start3A_223 : memref<128xi32, #tpu.memory_space<vmem>>) semaphore(%arg14 : memref<!tpu.dma_semaphore, #tpu.memory_space<semaphore_mem>>) {add = true}
        } else {
        }
        %add3A_81 = arith.constant 2 : i32
        %add3A_82 = arith.addi %add3A_55, %add3A_81 : i32
        %lt3A_83 = arith.cmpi slt, %add3A_82, %select_n3A : i32
        %convert_element_type3A_84 = arith.extui %lt3A_83 : i1 to i32
        %cond3A_85 = arith.constant 0 : i32
        %cond3A_86 = arith.cmpi ne, %convert_element_type3A_84, %cond3A_85 : i32
        scf.if %cond3A_86 {
          %add3A_195 = arith.addi %add3A, %add3A_55 : i32
          %add3A_196 = arith.constant 2 : i32
          %add3A_197 = arith.addi %add3A_195, %add3A_196 : i32
          %dma_start3A = arith.constant 2 : i32
          %dma_start3A_198 = arith.constant 0 : i32
          %dma_start3A_199 = arith.constant 0 : i32
          %dma_start3A_200 = tpu.memref_slice %arg8[%dma_start3A, %dma_start3A_198, %dma_start3A_199] : memref<4x2x128xi32, #tpu.memory_space<vmem>> -> memref<1x2x128xi32, #tpu.memory_space<vmem>>
          %dma_start3A_201 = tpu.memref_squeeze %dma_start3A_200 : memref<1x2x128xi32, #tpu.memory_space<vmem>> -> memref<2x128xi32, #tpu.memory_space<vmem>>
          %dma_start3A_202 = arith.constant 0 : i32
          %dma_start3A_203 = arith.constant 0 : i32
          %dma_start3A_204 = tpu.memref_slice %arg4[%add3A_197, %dma_start3A_202, %dma_start3A_203] : memref<2512x2x128xi32, #tpu.memory_space<hbm>> -> memref<1x2x128xi32, #tpu.memory_space<hbm>>
          %dma_start3A_205 = tpu.memref_squeeze %dma_start3A_204 : memref<1x2x128xi32, #tpu.memory_space<hbm>> -> memref<2x128xi32, #tpu.memory_space<hbm>>
          %dma_start3A_206 = arith.constant 0 : i32
          %dma_start3A_207 = arith.constant 0 : i32
          %dma_start3A_208 = tpu.memref_slice %arg8[%dma_start3A, %dma_start3A_206, %dma_start3A_207] : memref<4x2x128xi32, #tpu.memory_space<vmem>> -> memref<1x2x128xi32, #tpu.memory_space<vmem>>
          %dma_start3A_209 = tpu.memref_squeeze %dma_start3A_208 : memref<1x2x128xi32, #tpu.memory_space<vmem>> -> memref<2x128xi32, #tpu.memory_space<vmem>>
          %dma_start3A_210 = arith.constant 0 : i32
          %dma_start3A_211 = arith.constant 0 : i32
          %dma_start3A_212 = tpu.memref_slice %arg4[%add3A_197, %dma_start3A_210, %dma_start3A_211] : memref<2512x2x128xi32, #tpu.memory_space<hbm>> -> memref<1x2x128xi32, #tpu.memory_space<hbm>>
          %dma_start3A_213 = tpu.memref_squeeze %dma_start3A_212 : memref<1x2x128xi32, #tpu.memory_space<hbm>> -> memref<2x128xi32, #tpu.memory_space<hbm>>
          tpu.enqueue_dma source(%dma_start3A_213 : memref<2x128xi32, #tpu.memory_space<hbm>>) target(%dma_start3A_209 : memref<2x128xi32, #tpu.memory_space<vmem>>) target_semaphore(%arg11 : memref<!tpu.dma_semaphore, #tpu.memory_space<semaphore_mem>>)
        } else {
        }
        %add3A_87 = arith.constant 1 : i32
        %add3A_88 = arith.addi %mul3A_53, %add3A_87 : i32
        %ge3A_89 = arith.constant 1 : i32
        %ge3A_90 = arith.cmpi sge, %add3A_88, %ge3A_89 : i32
        %add3A_91 = arith.constant 1 : i32
        %add3A_92 = arith.addi %add3A_88, %add3A_91 : i32
        %lt3A_93 = arith.cmpi slt, %add3A_92, %select_n3A : i32
        %and3A_94 = arith.andi %ge3A_90, %lt3A_93 : i1
        %convert_element_type3A_95 = arith.extui %and3A_94 : i1 to i32
        %cond3A_96 = arith.constant 0 : i32
        %cond3A_97 = arith.cmpi ne, %convert_element_type3A_95, %cond3A_96 : i32
        scf.if %cond3A_97 {
          %add3A_195 = arith.addi %add3A, %add3A_88 : i32
          %add3A_196 = arith.constant 1 : i32
          %add3A_197 = arith.addi %add3A_195, %add3A_196 : i32
          %dma_wait3A = arith.constant 2 : i32
          %dma_wait3A_198 = arith.constant 0 : i32
          %dma_wait3A_199 = arith.constant 0 : i32
          %dma_wait3A_200 = tpu.memref_slice %arg8[%dma_wait3A, %dma_wait3A_198, %dma_wait3A_199] : memref<4x2x128xi32, #tpu.memory_space<vmem>> -> memref<1x2x128xi32, #tpu.memory_space<vmem>>
          %dma_wait3A_201 = tpu.memref_squeeze %dma_wait3A_200 : memref<1x2x128xi32, #tpu.memory_space<vmem>> -> memref<2x128xi32, #tpu.memory_space<vmem>>
          %dma_wait3A_202 = arith.constant 0 : i32
          %dma_wait3A_203 = arith.constant 0 : i32
          %dma_wait3A_204 = tpu.memref_slice %arg4[%add3A_197, %dma_wait3A_202, %dma_wait3A_203] : memref<2512x2x128xi32, #tpu.memory_space<hbm>> -> memref<1x2x128xi32, #tpu.memory_space<hbm>>
          %dma_wait3A_205 = tpu.memref_squeeze %dma_wait3A_204 : memref<1x2x128xi32, #tpu.memory_space<hbm>> -> memref<2x128xi32, #tpu.memory_space<hbm>>
          %dma_wait3A_206 = arith.constant 0 : i32
          %dma_wait3A_207 = arith.constant 0 : i32
          %dma_wait3A_208 = tpu.memref_slice %arg8[%dma_wait3A, %dma_wait3A_206, %dma_wait3A_207] : memref<4x2x128xi32, #tpu.memory_space<vmem>> -> memref<1x2x128xi32, #tpu.memory_space<vmem>>
          %dma_wait3A_209 = tpu.memref_squeeze %dma_wait3A_208 : memref<1x2x128xi32, #tpu.memory_space<vmem>> -> memref<2x128xi32, #tpu.memory_space<vmem>>
          %dma_wait3A_210 = arith.constant 0 : i32
          %dma_wait3A_211 = arith.constant 0 : i32
          %dma_wait3A_212 = tpu.memref_slice %arg4[%add3A_197, %dma_wait3A_210, %dma_wait3A_211] : memref<2512x2x128xi32, #tpu.memory_space<hbm>> -> memref<1x2x128xi32, #tpu.memory_space<hbm>>
          %dma_wait3A_213 = tpu.memref_squeeze %dma_wait3A_212 : memref<1x2x128xi32, #tpu.memory_space<hbm>> -> memref<2x128xi32, #tpu.memory_space<hbm>>
          tpu.wait_dma2 semaphore(%arg11 : memref<!tpu.dma_semaphore, #tpu.memory_space<semaphore_mem>>) src(%dma_wait3A_213 : memref<2x128xi32, #tpu.memory_space<hbm>>) dst(%dma_wait3A_209 : memref<2x128xi32, #tpu.memory_space<vmem>>)
        } else {
        }
        %ge3A_98 = arith.constant 1 : i32
        %ge3A_99 = arith.cmpi sge, %add3A_88, %ge3A_98 : i32
        %sub3A_100 = arith.constant 1 : i32
        %sub3A_101 = arith.subi %add3A_88, %sub3A_100 : i32
        %lt3A_102 = arith.cmpi slt, %sub3A_101, %select_n3A : i32
        %and3A_103 = arith.andi %ge3A_99, %lt3A_102 : i1
        %convert_element_type3A_104 = arith.extui %and3A_103 : i1 to i32
        %cond3A_105 = arith.constant 0 : i32
        %cond3A_106 = arith.cmpi ne, %convert_element_type3A_104, %cond3A_105 : i32
        scf.if %cond3A_106 {
          %dma_wait3A = arith.constant 0 : i32
          %dma_wait3A_195 = arith.constant 0 : i32
          %dma_wait3A_196 = arith.constant 1 : i32
          %dma_wait3A_197 = arith.constant 0 : i32
          %dma_wait3A_198 = arith.constant 0 : i32
          %dma_wait3A_199 = tpu.memref_slice %arg9[%dma_wait3A, %dma_wait3A_197, %dma_wait3A_198] : memref<2x128x128xf32, #tpu.memory_space<vmem>> -> memref<1x128x128xf32, #tpu.memory_space<vmem>>
          %dma_wait3A_200 = tpu.memref_squeeze %dma_wait3A_199 : memref<1x128x128xf32, #tpu.memory_space<vmem>> -> memref<128x128xf32, #tpu.memory_space<vmem>>
          %dma_wait3A_201 = arith.constant 0 : i32
          %dma_wait3A_202 = arith.constant 0 : i32
          %dma_wait3A_203 = tpu.memref_slice %arg8[%dma_wait3A_195, %dma_wait3A_201, %dma_wait3A_202] : memref<4x2x128xi32, #tpu.memory_space<vmem>> -> memref<1x2x128xi32, #tpu.memory_space<vmem>>
          %dma_wait3A_204 = tpu.memref_squeeze %dma_wait3A_203 : memref<1x2x128xi32, #tpu.memory_space<vmem>> -> memref<2x128xi32, #tpu.memory_space<vmem>>
          %dma_wait3A_205 = arith.constant 0 : i32
          %dma_wait3A_206 = tpu.memref_slice %dma_wait3A_204[%dma_wait3A_196, %dma_wait3A_205] : memref<2x128xi32, #tpu.memory_space<vmem>> -> memref<1x128xi32, #tpu.memory_space<vmem>>
          %dma_wait3A_207 = tpu.memref_squeeze %dma_wait3A_206 : memref<1x128xi32, #tpu.memory_space<vmem>> -> memref<128xi32, #tpu.memory_space<vmem>>
          %dma_wait3A_208 = arith.constant 0 : i32
          %dma_wait3A_209 = arith.constant 0 : i32
          %dma_wait3A_210 = tpu.memref_slice %arg10[%dma_wait3A_208, %dma_wait3A_209] : memref<10000x128xf32, #tpu.memory_space<vmem_shared>> -> memref<10000x128xf32, #tpu.memory_space<vmem_shared>>
          tpu.wait_indirect_dma semaphore(%arg14 : memref<!tpu.dma_semaphore, #tpu.memory_space<semaphore_mem>>) src(%dma_wait3A_200 : memref<128x128xf32, #tpu.memory_space<vmem>>) dst(%dma_wait3A_210 : memref<10000x128xf32, #tpu.memory_space<vmem_shared>>)
        } else {
        }
        %add3A_107 = arith.constant 1 : i32
        %add3A_108 = arith.addi %add3A_88, %add3A_107 : i32
        %lt3A_109 = arith.cmpi slt, %add3A_108, %select_n3A : i32
        %convert_element_type3A_110 = arith.extui %lt3A_109 : i1 to i32
        %cond3A_111 = arith.constant 0 : i32
        %cond3A_112 = arith.cmpi ne, %convert_element_type3A_110, %cond3A_111 : i32
        scf.if %cond3A_112 {
          %dma_start3A = arith.constant 2 : i32
          %dma_start3A_195 = arith.constant 0 : i32
          %dma_start3A_196 = arith.constant 0 : i32
          %dma_start3A_197 = arith.constant 0 : i32
          %dma_start3A_198 = arith.constant 0 : i32
          %dma_start3A_199 = tpu.memref_slice %arg9[%dma_start3A_196, %dma_start3A_197, %dma_start3A_198] : memref<2x128x128xf32, #tpu.memory_space<vmem>> -> memref<1x128x128xf32, #tpu.memory_space<vmem>>
          %dma_start3A_200 = tpu.memref_squeeze %dma_start3A_199 : memref<1x128x128xf32, #tpu.memory_space<vmem>> -> memref<128x128xf32, #tpu.memory_space<vmem>>
          %dma_start3A_201 = arith.constant 0 : i32
          %dma_start3A_202 = arith.constant 0 : i32
          %dma_start3A_203 = tpu.memref_slice %arg8[%dma_start3A, %dma_start3A_201, %dma_start3A_202] : memref<4x2x128xi32, #tpu.memory_space<vmem>> -> memref<1x2x128xi32, #tpu.memory_space<vmem>>
          %dma_start3A_204 = tpu.memref_squeeze %dma_start3A_203 : memref<1x2x128xi32, #tpu.memory_space<vmem>> -> memref<2x128xi32, #tpu.memory_space<vmem>>
          %dma_start3A_205 = arith.constant 0 : i32
          %dma_start3A_206 = tpu.memref_slice %dma_start3A_204[%dma_start3A_195, %dma_start3A_205] : memref<2x128xi32, #tpu.memory_space<vmem>> -> memref<1x128xi32, #tpu.memory_space<vmem>>
          %dma_start3A_207 = tpu.memref_squeeze %dma_start3A_206 : memref<1x128xi32, #tpu.memory_space<vmem>> -> memref<128xi32, #tpu.memory_space<vmem>>
          %dma_start3A_208 = arith.constant 0 : i32
          %dma_start3A_209 = arith.constant 0 : i32
          %dma_start3A_210 = tpu.memref_slice %arg3[%dma_start3A_208, %dma_start3A_209] : memref<10000x128xf32, #tpu.memory_space<hbm>> -> memref<10000x128xf32, #tpu.memory_space<hbm>>
          tpu.enqueue_indirect_dma source(%dma_start3A_210 : memref<10000x128xf32, #tpu.memory_space<hbm>>) target(%dma_start3A_200 : memref<128x128xf32, #tpu.memory_space<vmem>>) offsets(%dma_start3A_207 : memref<128xi32, #tpu.memory_space<vmem>>) semaphore(%arg12 : memref<!tpu.dma_semaphore, #tpu.memory_space<semaphore_mem>>)
        } else {
        }
        %lt3A_113 = arith.cmpi slt, %add3A_88, %select_n3A : i32
        %convert_element_type3A_114 = arith.extui %lt3A_113 : i1 to i32
        %cond3A_115 = arith.constant 0 : i32
        %cond3A_116 = arith.cmpi ne, %convert_element_type3A_114, %cond3A_115 : i32
        scf.if %cond3A_116 {
          %dma_wait3A = arith.constant 1 : i32
          %dma_wait3A_195 = arith.constant 0 : i32
          %dma_wait3A_196 = arith.constant 1 : i32
          %dma_wait3A_197 = arith.constant 0 : i32
          %dma_wait3A_198 = arith.constant 0 : i32
          %dma_wait3A_199 = tpu.memref_slice %arg9[%dma_wait3A_196, %dma_wait3A_197, %dma_wait3A_198] : memref<2x128x128xf32, #tpu.memory_space<vmem>> -> memref<1x128x128xf32, #tpu.memory_space<vmem>>
          %dma_wait3A_200 = tpu.memref_squeeze %dma_wait3A_199 : memref<1x128x128xf32, #tpu.memory_space<vmem>> -> memref<128x128xf32, #tpu.memory_space<vmem>>
          %dma_wait3A_201 = arith.constant 0 : i32
          %dma_wait3A_202 = arith.constant 0 : i32
          %dma_wait3A_203 = tpu.memref_slice %arg8[%dma_wait3A, %dma_wait3A_201, %dma_wait3A_202] : memref<4x2x128xi32, #tpu.memory_space<vmem>> -> memref<1x2x128xi32, #tpu.memory_space<vmem>>
          %dma_wait3A_204 = tpu.memref_squeeze %dma_wait3A_203 : memref<1x2x128xi32, #tpu.memory_space<vmem>> -> memref<2x128xi32, #tpu.memory_space<vmem>>
          %dma_wait3A_205 = arith.constant 0 : i32
          %dma_wait3A_206 = tpu.memref_slice %dma_wait3A_204[%dma_wait3A_195, %dma_wait3A_205] : memref<2x128xi32, #tpu.memory_space<vmem>> -> memref<1x128xi32, #tpu.memory_space<vmem>>
          %dma_wait3A_207 = tpu.memref_squeeze %dma_wait3A_206 : memref<1x128xi32, #tpu.memory_space<vmem>> -> memref<128xi32, #tpu.memory_space<vmem>>
          %dma_wait3A_208 = arith.constant 0 : i32
          %dma_wait3A_209 = arith.constant 0 : i32
          %dma_wait3A_210 = tpu.memref_slice %arg3[%dma_wait3A_208, %dma_wait3A_209] : memref<10000x128xf32, #tpu.memory_space<hbm>> -> memref<10000x128xf32, #tpu.memory_space<hbm>>
          tpu.wait_indirect_dma semaphore(%arg13 : memref<!tpu.dma_semaphore, #tpu.memory_space<semaphore_mem>>) src(%dma_wait3A_210 : memref<10000x128xf32, #tpu.memory_space<hbm>>) dst(%dma_wait3A_200 : memref<128x128xf32, #tpu.memory_space<vmem>>)
          %dma_start3A = arith.constant 1 : i32
          %dma_start3A_211 = arith.constant 1 : i32
          %dma_start3A_212 = arith.constant 1 : i32
          %dma_start3A_213 = arith.constant 0 : i32
          %dma_start3A_214 = arith.constant 0 : i32
          %dma_start3A_215 = tpu.memref_slice %arg9[%dma_start3A, %dma_start3A_213, %dma_start3A_214] : memref<2x128x128xf32, #tpu.memory_space<vmem>> -> memref<1x128x128xf32, #tpu.memory_space<vmem>>
          %dma_start3A_216 = tpu.memref_squeeze %dma_start3A_215 : memref<1x128x128xf32, #tpu.memory_space<vmem>> -> memref<128x128xf32, #tpu.memory_space<vmem>>
          %dma_start3A_217 = arith.constant 0 : i32
          %dma_start3A_218 = arith.constant 0 : i32
          %dma_start3A_219 = tpu.memref_slice %arg8[%dma_start3A_211, %dma_start3A_217, %dma_start3A_218] : memref<4x2x128xi32, #tpu.memory_space<vmem>> -> memref<1x2x128xi32, #tpu.memory_space<vmem>>
          %dma_start3A_220 = tpu.memref_squeeze %dma_start3A_219 : memref<1x2x128xi32, #tpu.memory_space<vmem>> -> memref<2x128xi32, #tpu.memory_space<vmem>>
          %dma_start3A_221 = arith.constant 0 : i32
          %dma_start3A_222 = tpu.memref_slice %dma_start3A_220[%dma_start3A_212, %dma_start3A_221] : memref<2x128xi32, #tpu.memory_space<vmem>> -> memref<1x128xi32, #tpu.memory_space<vmem>>
          %dma_start3A_223 = tpu.memref_squeeze %dma_start3A_222 : memref<1x128xi32, #tpu.memory_space<vmem>> -> memref<128xi32, #tpu.memory_space<vmem>>
          %dma_start3A_224 = arith.constant 0 : i32
          %dma_start3A_225 = arith.constant 0 : i32
          %dma_start3A_226 = tpu.memref_slice %arg10[%dma_start3A_224, %dma_start3A_225] : memref<10000x128xf32, #tpu.memory_space<vmem_shared>> -> memref<10000x128xf32, #tpu.memory_space<vmem_shared>>
          tpu.enqueue_indirect_dma source(%dma_start3A_216 : memref<128x128xf32, #tpu.memory_space<vmem>>) target(%dma_start3A_226 : memref<10000x128xf32, #tpu.memory_space<vmem_shared>>) offsets(%dma_start3A_223 : memref<128xi32, #tpu.memory_space<vmem>>) semaphore(%arg15 : memref<!tpu.dma_semaphore, #tpu.memory_space<semaphore_mem>>) {add = true}
        } else {
        }
        %add3A_117 = arith.constant 2 : i32
        %add3A_118 = arith.addi %add3A_88, %add3A_117 : i32
        %lt3A_119 = arith.cmpi slt, %add3A_118, %select_n3A : i32
        %convert_element_type3A_120 = arith.extui %lt3A_119 : i1 to i32
        %cond3A_121 = arith.constant 0 : i32
        %cond3A_122 = arith.cmpi ne, %convert_element_type3A_120, %cond3A_121 : i32
        scf.if %cond3A_122 {
          %add3A_195 = arith.addi %add3A, %add3A_88 : i32
          %add3A_196 = arith.constant 2 : i32
          %add3A_197 = arith.addi %add3A_195, %add3A_196 : i32
          %dma_start3A = arith.constant 3 : i32
          %dma_start3A_198 = arith.constant 0 : i32
          %dma_start3A_199 = arith.constant 0 : i32
          %dma_start3A_200 = tpu.memref_slice %arg8[%dma_start3A, %dma_start3A_198, %dma_start3A_199] : memref<4x2x128xi32, #tpu.memory_space<vmem>> -> memref<1x2x128xi32, #tpu.memory_space<vmem>>
          %dma_start3A_201 = tpu.memref_squeeze %dma_start3A_200 : memref<1x2x128xi32, #tpu.memory_space<vmem>> -> memref<2x128xi32, #tpu.memory_space<vmem>>
          %dma_start3A_202 = arith.constant 0 : i32
          %dma_start3A_203 = arith.constant 0 : i32
          %dma_start3A_204 = tpu.memref_slice %arg4[%add3A_197, %dma_start3A_202, %dma_start3A_203] : memref<2512x2x128xi32, #tpu.memory_space<hbm>> -> memref<1x2x128xi32, #tpu.memory_space<hbm>>
          %dma_start3A_205 = tpu.memref_squeeze %dma_start3A_204 : memref<1x2x128xi32, #tpu.memory_space<hbm>> -> memref<2x128xi32, #tpu.memory_space<hbm>>
          %dma_start3A_206 = arith.constant 0 : i32
          %dma_start3A_207 = arith.constant 0 : i32
          %dma_start3A_208 = tpu.memref_slice %arg8[%dma_start3A, %dma_start3A_206, %dma_start3A_207] : memref<4x2x128xi32, #tpu.memory_space<vmem>> -> memref<1x2x128xi32, #tpu.memory_space<vmem>>
          %dma_start3A_209 = tpu.memref_squeeze %dma_start3A_208 : memref<1x2x128xi32, #tpu.memory_space<vmem>> -> memref<2x128xi32, #tpu.memory_space<vmem>>
          %dma_start3A_210 = arith.constant 0 : i32
          %dma_start3A_211 = arith.constant 0 : i32
          %dma_start3A_212 = tpu.memref_slice %arg4[%add3A_197, %dma_start3A_210, %dma_start3A_211] : memref<2512x2x128xi32, #tpu.memory_space<hbm>> -> memref<1x2x128xi32, #tpu.memory_space<hbm>>
          %dma_start3A_213 = tpu.memref_squeeze %dma_start3A_212 : memref<1x2x128xi32, #tpu.memory_space<hbm>> -> memref<2x128xi32, #tpu.memory_space<hbm>>
          tpu.enqueue_dma source(%dma_start3A_213 : memref<2x128xi32, #tpu.memory_space<hbm>>) target(%dma_start3A_209 : memref<2x128xi32, #tpu.memory_space<vmem>>) target_semaphore(%arg11 : memref<!tpu.dma_semaphore, #tpu.memory_space<semaphore_mem>>)
        } else {
        }
        %add3A_123 = arith.constant 2 : i32
        %add3A_124 = arith.addi %mul3A_53, %add3A_123 : i32
        %ge3A_125 = arith.constant 1 : i32
        %ge3A_126 = arith.cmpi sge, %add3A_124, %ge3A_125 : i32
        %add3A_127 = arith.constant 1 : i32
        %add3A_128 = arith.addi %add3A_124, %add3A_127 : i32
        %lt3A_129 = arith.cmpi slt, %add3A_128, %select_n3A : i32
        %and3A_130 = arith.andi %ge3A_126, %lt3A_129 : i1
        %convert_element_type3A_131 = arith.extui %and3A_130 : i1 to i32
        %cond3A_132 = arith.constant 0 : i32
        %cond3A_133 = arith.cmpi ne, %convert_element_type3A_131, %cond3A_132 : i32
        scf.if %cond3A_133 {
          %add3A_195 = arith.addi %add3A, %add3A_124 : i32
          %add3A_196 = arith.constant 1 : i32
          %add3A_197 = arith.addi %add3A_195, %add3A_196 : i32
          %dma_wait3A = arith.constant 3 : i32
          %dma_wait3A_198 = arith.constant 0 : i32
          %dma_wait3A_199 = arith.constant 0 : i32
          %dma_wait3A_200 = tpu.memref_slice %arg8[%dma_wait3A, %dma_wait3A_198, %dma_wait3A_199] : memref<4x2x128xi32, #tpu.memory_space<vmem>> -> memref<1x2x128xi32, #tpu.memory_space<vmem>>
          %dma_wait3A_201 = tpu.memref_squeeze %dma_wait3A_200 : memref<1x2x128xi32, #tpu.memory_space<vmem>> -> memref<2x128xi32, #tpu.memory_space<vmem>>
          %dma_wait3A_202 = arith.constant 0 : i32
          %dma_wait3A_203 = arith.constant 0 : i32
          %dma_wait3A_204 = tpu.memref_slice %arg4[%add3A_197, %dma_wait3A_202, %dma_wait3A_203] : memref<2512x2x128xi32, #tpu.memory_space<hbm>> -> memref<1x2x128xi32, #tpu.memory_space<hbm>>
          %dma_wait3A_205 = tpu.memref_squeeze %dma_wait3A_204 : memref<1x2x128xi32, #tpu.memory_space<hbm>> -> memref<2x128xi32, #tpu.memory_space<hbm>>
          %dma_wait3A_206 = arith.constant 0 : i32
          %dma_wait3A_207 = arith.constant 0 : i32
          %dma_wait3A_208 = tpu.memref_slice %arg8[%dma_wait3A, %dma_wait3A_206, %dma_wait3A_207] : memref<4x2x128xi32, #tpu.memory_space<vmem>> -> memref<1x2x128xi32, #tpu.memory_space<vmem>>
          %dma_wait3A_209 = tpu.memref_squeeze %dma_wait3A_208 : memref<1x2x128xi32, #tpu.memory_space<vmem>> -> memref<2x128xi32, #tpu.memory_space<vmem>>
          %dma_wait3A_210 = arith.constant 0 : i32
          %dma_wait3A_211 = arith.constant 0 : i32
          %dma_wait3A_212 = tpu.memref_slice %arg4[%add3A_197, %dma_wait3A_210, %dma_wait3A_211] : memref<2512x2x128xi32, #tpu.memory_space<hbm>> -> memref<1x2x128xi32, #tpu.memory_space<hbm>>
          %dma_wait3A_213 = tpu.memref_squeeze %dma_wait3A_212 : memref<1x2x128xi32, #tpu.memory_space<hbm>> -> memref<2x128xi32, #tpu.memory_space<hbm>>
          tpu.wait_dma2 semaphore(%arg11 : memref<!tpu.dma_semaphore, #tpu.memory_space<semaphore_mem>>) src(%dma_wait3A_213 : memref<2x128xi32, #tpu.memory_space<hbm>>) dst(%dma_wait3A_209 : memref<2x128xi32, #tpu.memory_space<vmem>>)
        } else {
        }
        %ge3A_134 = arith.constant 1 : i32
        %ge3A_135 = arith.cmpi sge, %add3A_124, %ge3A_134 : i32
        %sub3A_136 = arith.constant 1 : i32
        %sub3A_137 = arith.subi %add3A_124, %sub3A_136 : i32
        %lt3A_138 = arith.cmpi slt, %sub3A_137, %select_n3A : i32
        %and3A_139 = arith.andi %ge3A_135, %lt3A_138 : i1
        %convert_element_type3A_140 = arith.extui %and3A_139 : i1 to i32
        %cond3A_141 = arith.constant 0 : i32
        %cond3A_142 = arith.cmpi ne, %convert_element_type3A_140, %cond3A_141 : i32
        scf.if %cond3A_142 {
          %dma_wait3A = arith.constant 1 : i32
          %dma_wait3A_195 = arith.constant 1 : i32
          %dma_wait3A_196 = arith.constant 1 : i32
          %dma_wait3A_197 = arith.constant 0 : i32
          %dma_wait3A_198 = arith.constant 0 : i32
          %dma_wait3A_199 = tpu.memref_slice %arg9[%dma_wait3A, %dma_wait3A_197, %dma_wait3A_198] : memref<2x128x128xf32, #tpu.memory_space<vmem>> -> memref<1x128x128xf32, #tpu.memory_space<vmem>>
          %dma_wait3A_200 = tpu.memref_squeeze %dma_wait3A_199 : memref<1x128x128xf32, #tpu.memory_space<vmem>> -> memref<128x128xf32, #tpu.memory_space<vmem>>
          %dma_wait3A_201 = arith.constant 0 : i32
          %dma_wait3A_202 = arith.constant 0 : i32
          %dma_wait3A_203 = tpu.memref_slice %arg8[%dma_wait3A_195, %dma_wait3A_201, %dma_wait3A_202] : memref<4x2x128xi32, #tpu.memory_space<vmem>> -> memref<1x2x128xi32, #tpu.memory_space<vmem>>
          %dma_wait3A_204 = tpu.memref_squeeze %dma_wait3A_203 : memref<1x2x128xi32, #tpu.memory_space<vmem>> -> memref<2x128xi32, #tpu.memory_space<vmem>>
          %dma_wait3A_205 = arith.constant 0 : i32
          %dma_wait3A_206 = tpu.memref_slice %dma_wait3A_204[%dma_wait3A_196, %dma_wait3A_205] : memref<2x128xi32, #tpu.memory_space<vmem>> -> memref<1x128xi32, #tpu.memory_space<vmem>>
          %dma_wait3A_207 = tpu.memref_squeeze %dma_wait3A_206 : memref<1x128xi32, #tpu.memory_space<vmem>> -> memref<128xi32, #tpu.memory_space<vmem>>
          %dma_wait3A_208 = arith.constant 0 : i32
          %dma_wait3A_209 = arith.constant 0 : i32
          %dma_wait3A_210 = tpu.memref_slice %arg10[%dma_wait3A_208, %dma_wait3A_209] : memref<10000x128xf32, #tpu.memory_space<vmem_shared>> -> memref<10000x128xf32, #tpu.memory_space<vmem_shared>>
          tpu.wait_indirect_dma semaphore(%arg15 : memref<!tpu.dma_semaphore, #tpu.memory_space<semaphore_mem>>) src(%dma_wait3A_200 : memref<128x128xf32, #tpu.memory_space<vmem>>) dst(%dma_wait3A_210 : memref<10000x128xf32, #tpu.memory_space<vmem_shared>>)
        } else {
        }
        %add3A_143 = arith.constant 1 : i32
        %add3A_144 = arith.addi %add3A_124, %add3A_143 : i32
        %lt3A_145 = arith.cmpi slt, %add3A_144, %select_n3A : i32
        %convert_element_type3A_146 = arith.extui %lt3A_145 : i1 to i32
        %cond3A_147 = arith.constant 0 : i32
        %cond3A_148 = arith.cmpi ne, %convert_element_type3A_146, %cond3A_147 : i32
        scf.if %cond3A_148 {
          %dma_start3A = arith.constant 3 : i32
          %dma_start3A_195 = arith.constant 0 : i32
          %dma_start3A_196 = arith.constant 1 : i32
          %dma_start3A_197 = arith.constant 0 : i32
          %dma_start3A_198 = arith.constant 0 : i32
          %dma_start3A_199 = tpu.memref_slice %arg9[%dma_start3A_196, %dma_start3A_197, %dma_start3A_198] : memref<2x128x128xf32, #tpu.memory_space<vmem>> -> memref<1x128x128xf32, #tpu.memory_space<vmem>>
          %dma_start3A_200 = tpu.memref_squeeze %dma_start3A_199 : memref<1x128x128xf32, #tpu.memory_space<vmem>> -> memref<128x128xf32, #tpu.memory_space<vmem>>
          %dma_start3A_201 = arith.constant 0 : i32
          %dma_start3A_202 = arith.constant 0 : i32
          %dma_start3A_203 = tpu.memref_slice %arg8[%dma_start3A, %dma_start3A_201, %dma_start3A_202] : memref<4x2x128xi32, #tpu.memory_space<vmem>> -> memref<1x2x128xi32, #tpu.memory_space<vmem>>
          %dma_start3A_204 = tpu.memref_squeeze %dma_start3A_203 : memref<1x2x128xi32, #tpu.memory_space<vmem>> -> memref<2x128xi32, #tpu.memory_space<vmem>>
          %dma_start3A_205 = arith.constant 0 : i32
          %dma_start3A_206 = tpu.memref_slice %dma_start3A_204[%dma_start3A_195, %dma_start3A_205] : memref<2x128xi32, #tpu.memory_space<vmem>> -> memref<1x128xi32, #tpu.memory_space<vmem>>
          %dma_start3A_207 = tpu.memref_squeeze %dma_start3A_206 : memref<1x128xi32, #tpu.memory_space<vmem>> -> memref<128xi32, #tpu.memory_space<vmem>>
          %dma_start3A_208 = arith.constant 0 : i32
          %dma_start3A_209 = arith.constant 0 : i32
          %dma_start3A_210 = tpu.memref_slice %arg3[%dma_start3A_208, %dma_start3A_209] : memref<10000x128xf32, #tpu.memory_space<hbm>> -> memref<10000x128xf32, #tpu.memory_space<hbm>>
          tpu.enqueue_indirect_dma source(%dma_start3A_210 : memref<10000x128xf32, #tpu.memory_space<hbm>>) target(%dma_start3A_200 : memref<128x128xf32, #tpu.memory_space<vmem>>) offsets(%dma_start3A_207 : memref<128xi32, #tpu.memory_space<vmem>>) semaphore(%arg13 : memref<!tpu.dma_semaphore, #tpu.memory_space<semaphore_mem>>)
        } else {
        }
        %lt3A_149 = arith.cmpi slt, %add3A_124, %select_n3A : i32
        %convert_element_type3A_150 = arith.extui %lt3A_149 : i1 to i32
        %cond3A_151 = arith.constant 0 : i32
        %cond3A_152 = arith.cmpi ne, %convert_element_type3A_150, %cond3A_151 : i32
        scf.if %cond3A_152 {
          %dma_wait3A = arith.constant 2 : i32
          %dma_wait3A_195 = arith.constant 0 : i32
          %dma_wait3A_196 = arith.constant 0 : i32
          %dma_wait3A_197 = arith.constant 0 : i32
          %dma_wait3A_198 = arith.constant 0 : i32
          %dma_wait3A_199 = tpu.memref_slice %arg9[%dma_wait3A_196, %dma_wait3A_197, %dma_wait3A_198] : memref<2x128x128xf32, #tpu.memory_space<vmem>> -> memref<1x128x128xf32, #tpu.memory_space<vmem>>
          %dma_wait3A_200 = tpu.memref_squeeze %dma_wait3A_199 : memref<1x128x128xf32, #tpu.memory_space<vmem>> -> memref<128x128xf32, #tpu.memory_space<vmem>>
          %dma_wait3A_201 = arith.constant 0 : i32
          %dma_wait3A_202 = arith.constant 0 : i32
          %dma_wait3A_203 = tpu.memref_slice %arg8[%dma_wait3A, %dma_wait3A_201, %dma_wait3A_202] : memref<4x2x128xi32, #tpu.memory_space<vmem>> -> memref<1x2x128xi32, #tpu.memory_space<vmem>>
          %dma_wait3A_204 = tpu.memref_squeeze %dma_wait3A_203 : memref<1x2x128xi32, #tpu.memory_space<vmem>> -> memref<2x128xi32, #tpu.memory_space<vmem>>
          %dma_wait3A_205 = arith.constant 0 : i32
          %dma_wait3A_206 = tpu.memref_slice %dma_wait3A_204[%dma_wait3A_195, %dma_wait3A_205] : memref<2x128xi32, #tpu.memory_space<vmem>> -> memref<1x128xi32, #tpu.memory_space<vmem>>
          %dma_wait3A_207 = tpu.memref_squeeze %dma_wait3A_206 : memref<1x128xi32, #tpu.memory_space<vmem>> -> memref<128xi32, #tpu.memory_space<vmem>>
          %dma_wait3A_208 = arith.constant 0 : i32
          %dma_wait3A_209 = arith.constant 0 : i32
          %dma_wait3A_210 = tpu.memref_slice %arg3[%dma_wait3A_208, %dma_wait3A_209] : memref<10000x128xf32, #tpu.memory_space<hbm>> -> memref<10000x128xf32, #tpu.memory_space<hbm>>
          tpu.wait_indirect_dma semaphore(%arg12 : memref<!tpu.dma_semaphore, #tpu.memory_space<semaphore_mem>>) src(%dma_wait3A_210 : memref<10000x128xf32, #tpu.memory_space<hbm>>) dst(%dma_wait3A_200 : memref<128x128xf32, #tpu.memory_space<vmem>>)
          %dma_start3A = arith.constant 0 : i32
          %dma_start3A_211 = arith.constant 2 : i32
          %dma_start3A_212 = arith.constant 1 : i32
          %dma_start3A_213 = arith.constant 0 : i32
          %dma_start3A_214 = arith.constant 0 : i32
          %dma_start3A_215 = tpu.memref_slice %arg9[%dma_start3A, %dma_start3A_213, %dma_start3A_214] : memref<2x128x128xf32, #tpu.memory_space<vmem>> -> memref<1x128x128xf32, #tpu.memory_space<vmem>>
          %dma_start3A_216 = tpu.memref_squeeze %dma_start3A_215 : memref<1x128x128xf32, #tpu.memory_space<vmem>> -> memref<128x128xf32, #tpu.memory_space<vmem>>
          %dma_start3A_217 = arith.constant 0 : i32
          %dma_start3A_218 = arith.constant 0 : i32
          %dma_start3A_219 = tpu.memref_slice %arg8[%dma_start3A_211, %dma_start3A_217, %dma_start3A_218] : memref<4x2x128xi32, #tpu.memory_space<vmem>> -> memref<1x2x128xi32, #tpu.memory_space<vmem>>
          %dma_start3A_220 = tpu.memref_squeeze %dma_start3A_219 : memref<1x2x128xi32, #tpu.memory_space<vmem>> -> memref<2x128xi32, #tpu.memory_space<vmem>>
          %dma_start3A_221 = arith.constant 0 : i32
          %dma_start3A_222 = tpu.memref_slice %dma_start3A_220[%dma_start3A_212, %dma_start3A_221] : memref<2x128xi32, #tpu.memory_space<vmem>> -> memref<1x128xi32, #tpu.memory_space<vmem>>
          %dma_start3A_223 = tpu.memref_squeeze %dma_start3A_222 : memref<1x128xi32, #tpu.memory_space<vmem>> -> memref<128xi32, #tpu.memory_space<vmem>>
          %dma_start3A_224 = arith.constant 0 : i32
          %dma_start3A_225 = arith.constant 0 : i32
          %dma_start3A_226 = tpu.memref_slice %arg10[%dma_start3A_224, %dma_start3A_225] : memref<10000x128xf32, #tpu.memory_space<vmem_shared>> -> memref<10000x128xf32, #tpu.memory_space<vmem_shared>>
          tpu.enqueue_indirect_dma source(%dma_start3A_216 : memref<128x128xf32, #tpu.memory_space<vmem>>) target(%dma_start3A_226 : memref<10000x128xf32, #tpu.memory_space<vmem_shared>>) offsets(%dma_start3A_223 : memref<128xi32, #tpu.memory_space<vmem>>) semaphore(%arg14 : memref<!tpu.dma_semaphore, #tpu.memory_space<semaphore_mem>>) {add = true}
        } else {
        }
        %add3A_153 = arith.constant 2 : i32
        %add3A_154 = arith.addi %add3A_124, %add3A_153 : i32
        %lt3A_155 = arith.cmpi slt, %add3A_154, %select_n3A : i32
        %convert_element_type3A_156 = arith.extui %lt3A_155 : i1 to i32
        %cond3A_157 = arith.constant 0 : i32
        %cond3A_158 = arith.cmpi ne, %convert_element_type3A_156, %cond3A_157 : i32
        scf.if %cond3A_158 {
          %add3A_195 = arith.addi %add3A, %add3A_124 : i32
          %add3A_196 = arith.constant 2 : i32
          %add3A_197 = arith.addi %add3A_195, %add3A_196 : i32
          %dma_start3A = arith.constant 0 : i32
          %dma_start3A_198 = arith.constant 0 : i32
          %dma_start3A_199 = arith.constant 0 : i32
          %dma_start3A_200 = tpu.memref_slice %arg8[%dma_start3A, %dma_start3A_198, %dma_start3A_199] : memref<4x2x128xi32, #tpu.memory_space<vmem>> -> memref<1x2x128xi32, #tpu.memory_space<vmem>>
          %dma_start3A_201 = tpu.memref_squeeze %dma_start3A_200 : memref<1x2x128xi32, #tpu.memory_space<vmem>> -> memref<2x128xi32, #tpu.memory_space<vmem>>
          %dma_start3A_202 = arith.constant 0 : i32
          %dma_start3A_203 = arith.constant 0 : i32
          %dma_start3A_204 = tpu.memref_slice %arg4[%add3A_197, %dma_start3A_202, %dma_start3A_203] : memref<2512x2x128xi32, #tpu.memory_space<hbm>> -> memref<1x2x128xi32, #tpu.memory_space<hbm>>
          %dma_start3A_205 = tpu.memref_squeeze %dma_start3A_204 : memref<1x2x128xi32, #tpu.memory_space<hbm>> -> memref<2x128xi32, #tpu.memory_space<hbm>>
          %dma_start3A_206 = arith.constant 0 : i32
          %dma_start3A_207 = arith.constant 0 : i32
          %dma_start3A_208 = tpu.memref_slice %arg8[%dma_start3A, %dma_start3A_206, %dma_start3A_207] : memref<4x2x128xi32, #tpu.memory_space<vmem>> -> memref<1x2x128xi32, #tpu.memory_space<vmem>>
          %dma_start3A_209 = tpu.memref_squeeze %dma_start3A_208 : memref<1x2x128xi32, #tpu.memory_space<vmem>> -> memref<2x128xi32, #tpu.memory_space<vmem>>
          %dma_start3A_210 = arith.constant 0 : i32
          %dma_start3A_211 = arith.constant 0 : i32
          %dma_start3A_212 = tpu.memref_slice %arg4[%add3A_197, %dma_start3A_210, %dma_start3A_211] : memref<2512x2x128xi32, #tpu.memory_space<hbm>> -> memref<1x2x128xi32, #tpu.memory_space<hbm>>
          %dma_start3A_213 = tpu.memref_squeeze %dma_start3A_212 : memref<1x2x128xi32, #tpu.memory_space<hbm>> -> memref<2x128xi32, #tpu.memory_space<hbm>>
          tpu.enqueue_dma source(%dma_start3A_213 : memref<2x128xi32, #tpu.memory_space<hbm>>) target(%dma_start3A_209 : memref<2x128xi32, #tpu.memory_space<vmem>>) target_semaphore(%arg11 : memref<!tpu.dma_semaphore, #tpu.memory_space<semaphore_mem>>)
        } else {
        }
        %add3A_159 = arith.constant 3 : i32
        %add3A_160 = arith.addi %mul3A_53, %add3A_159 : i32
        %ge3A_161 = arith.constant 1 : i32
        %ge3A_162 = arith.cmpi sge, %add3A_160, %ge3A_161 : i32
        %add3A_163 = arith.constant 1 : i32
        %add3A_164 = arith.addi %add3A_160, %add3A_163 : i32
        %lt3A_165 = arith.cmpi slt, %add3A_164, %select_n3A : i32
        %and3A_166 = arith.andi %ge3A_162, %lt3A_165 : i1
        %convert_element_type3A_167 = arith.extui %and3A_166 : i1 to i32
        %cond3A_168 = arith.constant 0 : i32
        %cond3A_169 = arith.cmpi ne, %convert_element_type3A_167, %cond3A_168 : i32
        scf.if %cond3A_169 {
          %add3A_195 = arith.addi %add3A, %add3A_160 : i32
          %add3A_196 = arith.constant 1 : i32
          %add3A_197 = arith.addi %add3A_195, %add3A_196 : i32
          %dma_wait3A = arith.constant 0 : i32
          %dma_wait3A_198 = arith.constant 0 : i32
          %dma_wait3A_199 = arith.constant 0 : i32
          %dma_wait3A_200 = tpu.memref_slice %arg8[%dma_wait3A, %dma_wait3A_198, %dma_wait3A_199] : memref<4x2x128xi32, #tpu.memory_space<vmem>> -> memref<1x2x128xi32, #tpu.memory_space<vmem>>
          %dma_wait3A_201 = tpu.memref_squeeze %dma_wait3A_200 : memref<1x2x128xi32, #tpu.memory_space<vmem>> -> memref<2x128xi32, #tpu.memory_space<vmem>>
          %dma_wait3A_202 = arith.constant 0 : i32
          %dma_wait3A_203 = arith.constant 0 : i32
          %dma_wait3A_204 = tpu.memref_slice %arg4[%add3A_197, %dma_wait3A_202, %dma_wait3A_203] : memref<2512x2x128xi32, #tpu.memory_space<hbm>> -> memref<1x2x128xi32, #tpu.memory_space<hbm>>
          %dma_wait3A_205 = tpu.memref_squeeze %dma_wait3A_204 : memref<1x2x128xi32, #tpu.memory_space<hbm>> -> memref<2x128xi32, #tpu.memory_space<hbm>>
          %dma_wait3A_206 = arith.constant 0 : i32
          %dma_wait3A_207 = arith.constant 0 : i32
          %dma_wait3A_208 = tpu.memref_slice %arg8[%dma_wait3A, %dma_wait3A_206, %dma_wait3A_207] : memref<4x2x128xi32, #tpu.memory_space<vmem>> -> memref<1x2x128xi32, #tpu.memory_space<vmem>>
          %dma_wait3A_209 = tpu.memref_squeeze %dma_wait3A_208 : memref<1x2x128xi32, #tpu.memory_space<vmem>> -> memref<2x128xi32, #tpu.memory_space<vmem>>
          %dma_wait3A_210 = arith.constant 0 : i32
          %dma_wait3A_211 = arith.constant 0 : i32
          %dma_wait3A_212 = tpu.memref_slice %arg4[%add3A_197, %dma_wait3A_210, %dma_wait3A_211] : memref<2512x2x128xi32, #tpu.memory_space<hbm>> -> memref<1x2x128xi32, #tpu.memory_space<hbm>>
          %dma_wait3A_213 = tpu.memref_squeeze %dma_wait3A_212 : memref<1x2x128xi32, #tpu.memory_space<hbm>> -> memref<2x128xi32, #tpu.memory_space<hbm>>
          tpu.wait_dma2 semaphore(%arg11 : memref<!tpu.dma_semaphore, #tpu.memory_space<semaphore_mem>>) src(%dma_wait3A_213 : memref<2x128xi32, #tpu.memory_space<hbm>>) dst(%dma_wait3A_209 : memref<2x128xi32, #tpu.memory_space<vmem>>)
        } else {
        }
        %ge3A_170 = arith.constant 1 : i32
        %ge3A_171 = arith.cmpi sge, %add3A_160, %ge3A_170 : i32
        %sub3A_172 = arith.constant 1 : i32
        %sub3A_173 = arith.subi %add3A_160, %sub3A_172 : i32
        %lt3A_174 = arith.cmpi slt, %sub3A_173, %select_n3A : i32
        %and3A_175 = arith.andi %ge3A_171, %lt3A_174 : i1
        %convert_element_type3A_176 = arith.extui %and3A_175 : i1 to i32
        %cond3A_177 = arith.constant 0 : i32
        %cond3A_178 = arith.cmpi ne, %convert_element_type3A_176, %cond3A_177 : i32
        scf.if %cond3A_178 {
          %dma_wait3A = arith.constant 0 : i32
          %dma_wait3A_195 = arith.constant 2 : i32
          %dma_wait3A_196 = arith.constant 1 : i32
          %dma_wait3A_197 = arith.constant 0 : i32
          %dma_wait3A_198 = arith.constant 0 : i32
          %dma_wait3A_199 = tpu.memref_slice %arg9[%dma_wait3A, %dma_wait3A_197, %dma_wait3A_198] : memref<2x128x128xf32, #tpu.memory_space<vmem>> -> memref<1x128x128xf32, #tpu.memory_space<vmem>>
          %dma_wait3A_200 = tpu.memref_squeeze %dma_wait3A_199 : memref<1x128x128xf32, #tpu.memory_space<vmem>> -> memref<128x128xf32, #tpu.memory_space<vmem>>
          %dma_wait3A_201 = arith.constant 0 : i32
          %dma_wait3A_202 = arith.constant 0 : i32
          %dma_wait3A_203 = tpu.memref_slice %arg8[%dma_wait3A_195, %dma_wait3A_201, %dma_wait3A_202] : memref<4x2x128xi32, #tpu.memory_space<vmem>> -> memref<1x2x128xi32, #tpu.memory_space<vmem>>
          %dma_wait3A_204 = tpu.memref_squeeze %dma_wait3A_203 : memref<1x2x128xi32, #tpu.memory_space<vmem>> -> memref<2x128xi32, #tpu.memory_space<vmem>>
          %dma_wait3A_205 = arith.constant 0 : i32
          %dma_wait3A_206 = tpu.memref_slice %dma_wait3A_204[%dma_wait3A_196, %dma_wait3A_205] : memref<2x128xi32, #tpu.memory_space<vmem>> -> memref<1x128xi32, #tpu.memory_space<vmem>>
          %dma_wait3A_207 = tpu.memref_squeeze %dma_wait3A_206 : memref<1x128xi32, #tpu.memory_space<vmem>> -> memref<128xi32, #tpu.memory_space<vmem>>
          %dma_wait3A_208 = arith.constant 0 : i32
          %dma_wait3A_209 = arith.constant 0 : i32
          %dma_wait3A_210 = tpu.memref_slice %arg10[%dma_wait3A_208, %dma_wait3A_209] : memref<10000x128xf32, #tpu.memory_space<vmem_shared>> -> memref<10000x128xf32, #tpu.memory_space<vmem_shared>>
          tpu.wait_indirect_dma semaphore(%arg14 : memref<!tpu.dma_semaphore, #tpu.memory_space<semaphore_mem>>) src(%dma_wait3A_200 : memref<128x128xf32, #tpu.memory_space<vmem>>) dst(%dma_wait3A_210 : memref<10000x128xf32, #tpu.memory_space<vmem_shared>>)
        } else {
        }
        %add3A_179 = arith.constant 1 : i32
        %add3A_180 = arith.addi %add3A_160, %add3A_179 : i32
        %lt3A_181 = arith.cmpi slt, %add3A_180, %select_n3A : i32
        %convert_element_type3A_182 = arith.extui %lt3A_181 : i1 to i32
        %cond3A_183 = arith.constant 0 : i32
        %cond3A_184 = arith.cmpi ne, %convert_element_type3A_182, %cond3A_183 : i32
        scf.if %cond3A_184 {
          %dma_start3A = arith.constant 0 : i32
          %dma_start3A_195 = arith.constant 0 : i32
          %dma_start3A_196 = arith.constant 0 : i32
          %dma_start3A_197 = arith.constant 0 : i32
          %dma_start3A_198 = arith.constant 0 : i32
          %dma_start3A_199 = tpu.memref_slice %arg9[%dma_start3A_196, %dma_start3A_197, %dma_start3A_198] : memref<2x128x128xf32, #tpu.memory_space<vmem>> -> memref<1x128x128xf32, #tpu.memory_space<vmem>>
          %dma_start3A_200 = tpu.memref_squeeze %dma_start3A_199 : memref<1x128x128xf32, #tpu.memory_space<vmem>> -> memref<128x128xf32, #tpu.memory_space<vmem>>
          %dma_start3A_201 = arith.constant 0 : i32
          %dma_start3A_202 = arith.constant 0 : i32
          %dma_start3A_203 = tpu.memref_slice %arg8[%dma_start3A, %dma_start3A_201, %dma_start3A_202] : memref<4x2x128xi32, #tpu.memory_space<vmem>> -> memref<1x2x128xi32, #tpu.memory_space<vmem>>
          %dma_start3A_204 = tpu.memref_squeeze %dma_start3A_203 : memref<1x2x128xi32, #tpu.memory_space<vmem>> -> memref<2x128xi32, #tpu.memory_space<vmem>>
          %dma_start3A_205 = arith.constant 0 : i32
          %dma_start3A_206 = tpu.memref_slice %dma_start3A_204[%dma_start3A_195, %dma_start3A_205] : memref<2x128xi32, #tpu.memory_space<vmem>> -> memref<1x128xi32, #tpu.memory_space<vmem>>
          %dma_start3A_207 = tpu.memref_squeeze %dma_start3A_206 : memref<1x128xi32, #tpu.memory_space<vmem>> -> memref<128xi32, #tpu.memory_space<vmem>>
          %dma_start3A_208 = arith.constant 0 : i32
          %dma_start3A_209 = arith.constant 0 : i32
          %dma_start3A_210 = tpu.memref_slice %arg3[%dma_start3A_208, %dma_start3A_209] : memref<10000x128xf32, #tpu.memory_space<hbm>> -> memref<10000x128xf32, #tpu.memory_space<hbm>>
          tpu.enqueue_indirect_dma source(%dma_start3A_210 : memref<10000x128xf32, #tpu.memory_space<hbm>>) target(%dma_start3A_200 : memref<128x128xf32, #tpu.memory_space<vmem>>) offsets(%dma_start3A_207 : memref<128xi32, #tpu.memory_space<vmem>>) semaphore(%arg12 : memref<!tpu.dma_semaphore, #tpu.memory_space<semaphore_mem>>)
        } else {
        }
        %lt3A_185 = arith.cmpi slt, %add3A_160, %select_n3A : i32
        %convert_element_type3A_186 = arith.extui %lt3A_185 : i1 to i32
        %cond3A_187 = arith.constant 0 : i32
        %cond3A_188 = arith.cmpi ne, %convert_element_type3A_186, %cond3A_187 : i32
        scf.if %cond3A_188 {
          %dma_wait3A = arith.constant 3 : i32
          %dma_wait3A_195 = arith.constant 0 : i32
          %dma_wait3A_196 = arith.constant 1 : i32
          %dma_wait3A_197 = arith.constant 0 : i32
          %dma_wait3A_198 = arith.constant 0 : i32
          %dma_wait3A_199 = tpu.memref_slice %arg9[%dma_wait3A_196, %dma_wait3A_197, %dma_wait3A_198] : memref<2x128x128xf32, #tpu.memory_space<vmem>> -> memref<1x128x128xf32, #tpu.memory_space<vmem>>
          %dma_wait3A_200 = tpu.memref_squeeze %dma_wait3A_199 : memref<1x128x128xf32, #tpu.memory_space<vmem>> -> memref<128x128xf32, #tpu.memory_space<vmem>>
          %dma_wait3A_201 = arith.constant 0 : i32
          %dma_wait3A_202 = arith.constant 0 : i32
          %dma_wait3A_203 = tpu.memref_slice %arg8[%dma_wait3A, %dma_wait3A_201, %dma_wait3A_202] : memref<4x2x128xi32, #tpu.memory_space<vmem>> -> memref<1x2x128xi32, #tpu.memory_space<vmem>>
          %dma_wait3A_204 = tpu.memref_squeeze %dma_wait3A_203 : memref<1x2x128xi32, #tpu.memory_space<vmem>> -> memref<2x128xi32, #tpu.memory_space<vmem>>
          %dma_wait3A_205 = arith.constant 0 : i32
          %dma_wait3A_206 = tpu.memref_slice %dma_wait3A_204[%dma_wait3A_195, %dma_wait3A_205] : memref<2x128xi32, #tpu.memory_space<vmem>> -> memref<1x128xi32, #tpu.memory_space<vmem>>
          %dma_wait3A_207 = tpu.memref_squeeze %dma_wait3A_206 : memref<1x128xi32, #tpu.memory_space<vmem>> -> memref<128xi32, #tpu.memory_space<vmem>>
          %dma_wait3A_208 = arith.constant 0 : i32
          %dma_wait3A_209 = arith.constant 0 : i32
          %dma_wait3A_210 = tpu.memref_slice %arg3[%dma_wait3A_208, %dma_wait3A_209] : memref<10000x128xf32, #tpu.memory_space<hbm>> -> memref<10000x128xf32, #tpu.memory_space<hbm>>
          tpu.wait_indirect_dma semaphore(%arg13 : memref<!tpu.dma_semaphore, #tpu.memory_space<semaphore_mem>>) src(%dma_wait3A_210 : memref<10000x128xf32, #tpu.memory_space<hbm>>) dst(%dma_wait3A_200 : memref<128x128xf32, #tpu.memory_space<vmem>>)
          %dma_start3A = arith.constant 1 : i32
          %dma_start3A_211 = arith.constant 3 : i32
          %dma_start3A_212 = arith.constant 1 : i32
          %dma_start3A_213 = arith.constant 0 : i32
          %dma_start3A_214 = arith.constant 0 : i32
          %dma_start3A_215 = tpu.memref_slice %arg9[%dma_start3A, %dma_start3A_213, %dma_start3A_214] : memref<2x128x128xf32, #tpu.memory_space<vmem>> -> memref<1x128x128xf32, #tpu.memory_space<vmem>>
          %dma_start3A_216 = tpu.memref_squeeze %dma_start3A_215 : memref<1x128x128xf32, #tpu.memory_space<vmem>> -> memref<128x128xf32, #tpu.memory_space<vmem>>
          %dma_start3A_217 = arith.constant 0 : i32
          %dma_start3A_218 = arith.constant 0 : i32
          %dma_start3A_219 = tpu.memref_slice %arg8[%dma_start3A_211, %dma_start3A_217, %dma_start3A_218] : memref<4x2x128xi32, #tpu.memory_space<vmem>> -> memref<1x2x128xi32, #tpu.memory_space<vmem>>
          %dma_start3A_220 = tpu.memref_squeeze %dma_start3A_219 : memref<1x2x128xi32, #tpu.memory_space<vmem>> -> memref<2x128xi32, #tpu.memory_space<vmem>>
          %dma_start3A_221 = arith.constant 0 : i32
          %dma_start3A_222 = tpu.memref_slice %dma_start3A_220[%dma_start3A_212, %dma_start3A_221] : memref<2x128xi32, #tpu.memory_space<vmem>> -> memref<1x128xi32, #tpu.memory_space<vmem>>
          %dma_start3A_223 = tpu.memref_squeeze %dma_start3A_222 : memref<1x128xi32, #tpu.memory_space<vmem>> -> memref<128xi32, #tpu.memory_space<vmem>>
          %dma_start3A_224 = arith.constant 0 : i32
          %dma_start3A_225 = arith.constant 0 : i32
          %dma_start3A_226 = tpu.memref_slice %arg10[%dma_start3A_224, %dma_start3A_225] : memref<10000x128xf32, #tpu.memory_space<vmem_shared>> -> memref<10000x128xf32, #tpu.memory_space<vmem_shared>>
          tpu.enqueue_indirect_dma source(%dma_start3A_216 : memref<128x128xf32, #tpu.memory_space<vmem>>) target(%dma_start3A_226 : memref<10000x128xf32, #tpu.memory_space<vmem_shared>>) offsets(%dma_start3A_223 : memref<128xi32, #tpu.memory_space<vmem>>) semaphore(%arg15 : memref<!tpu.dma_semaphore, #tpu.memory_space<semaphore_mem>>) {add = true}
        } else {
        }
        %add3A_189 = arith.constant 2 : i32
        %add3A_190 = arith.addi %add3A_160, %add3A_189 : i32
        %lt3A_191 = arith.cmpi slt, %add3A_190, %select_n3A : i32
        %convert_element_type3A_192 = arith.extui %lt3A_191 : i1 to i32
        %cond3A_193 = arith.constant 0 : i32
        %cond3A_194 = arith.cmpi ne, %convert_element_type3A_192, %cond3A_193 : i32
        scf.if %cond3A_194 {
          %add3A_195 = arith.addi %add3A, %add3A_160 : i32
          %add3A_196 = arith.constant 2 : i32
          %add3A_197 = arith.addi %add3A_195, %add3A_196 : i32
          %dma_start3A = arith.constant 1 : i32
          %dma_start3A_198 = arith.constant 0 : i32
          %dma_start3A_199 = arith.constant 0 : i32
          %dma_start3A_200 = tpu.memref_slice %arg8[%dma_start3A, %dma_start3A_198, %dma_start3A_199] : memref<4x2x128xi32, #tpu.memory_space<vmem>> -> memref<1x2x128xi32, #tpu.memory_space<vmem>>
          %dma_start3A_201 = tpu.memref_squeeze %dma_start3A_200 : memref<1x2x128xi32, #tpu.memory_space<vmem>> -> memref<2x128xi32, #tpu.memory_space<vmem>>
          %dma_start3A_202 = arith.constant 0 : i32
          %dma_start3A_203 = arith.constant 0 : i32
          %dma_start3A_204 = tpu.memref_slice %arg4[%add3A_197, %dma_start3A_202, %dma_start3A_203] : memref<2512x2x128xi32, #tpu.memory_space<hbm>> -> memref<1x2x128xi32, #tpu.memory_space<hbm>>
          %dma_start3A_205 = tpu.memref_squeeze %dma_start3A_204 : memref<1x2x128xi32, #tpu.memory_space<hbm>> -> memref<2x128xi32, #tpu.memory_space<hbm>>
          %dma_start3A_206 = arith.constant 0 : i32
          %dma_start3A_207 = arith.constant 0 : i32
          %dma_start3A_208 = tpu.memref_slice %arg8[%dma_start3A, %dma_start3A_206, %dma_start3A_207] : memref<4x2x128xi32, #tpu.memory_space<vmem>> -> memref<1x2x128xi32, #tpu.memory_space<vmem>>
          %dma_start3A_209 = tpu.memref_squeeze %dma_start3A_208 : memref<1x2x128xi32, #tpu.memory_space<vmem>> -> memref<2x128xi32, #tpu.memory_space<vmem>>
          %dma_start3A_210 = arith.constant 0 : i32
          %dma_start3A_211 = arith.constant 0 : i32
          %dma_start3A_212 = tpu.memref_slice %arg4[%add3A_197, %dma_start3A_210, %dma_start3A_211] : memref<2512x2x128xi32, #tpu.memory_space<hbm>> -> memref<1x2x128xi32, #tpu.memory_space<hbm>>
          %dma_start3A_213 = tpu.memref_squeeze %dma_start3A_212 : memref<1x2x128xi32, #tpu.memory_space<hbm>> -> memref<2x128xi32, #tpu.memory_space<hbm>>
          tpu.enqueue_dma source(%dma_start3A_213 : memref<2x128xi32, #tpu.memory_space<hbm>>) target(%dma_start3A_209 : memref<2x128xi32, #tpu.memory_space<vmem>>) target_semaphore(%arg11 : memref<!tpu.dma_semaphore, #tpu.memory_space<semaphore_mem>>)
        } else {
        }
      }
      %scan3A_35 = arith.constant 40 : i32
      %barrier3A_36 = arith.constant 0 : index
      tpu.barrier barrier_id(%barrier3A_36)
      %lt3A_37 = arith.constant 15 : i32
      %lt3A_38 = arith.cmpi slt, %arg1, %lt3A_37 : i32
      %convert_element_type3A_39 = arith.extui %lt3A_38 : i1 to i32
      %cond3A_40 = arith.constant 0 : i32
      %cond3A_41 = arith.cmpi ne, %convert_element_type3A_39, %cond3A_40 : i32
      scf.if %cond3A_41 {
        "tpu.region"() ({
          %run_scoped3A_47 = tpu.sem_alloc : memref<!tpu.dma_semaphore, #tpu.memory_space<semaphore_mem>>
          %dma_start3A = arith.constant 0 : i32
          %dma_start3A_48 = tpu.memref_slice %arg7[%mul3A_0, %dma_start3A] : memref<10000x128xf32, #tpu.memory_space<hbm>> -> memref<632x128xf32, #tpu.memory_space<hbm>>
          %dma_start3A_49 = arith.constant 0 : i32
          %dma_start3A_50 = tpu.memref_slice %arg10[%mul3A_0, %dma_start3A_49] : memref<10000x128xf32, #tpu.memory_space<vmem_shared>> -> memref<632x128xf32, #tpu.memory_space<vmem_shared>>
          tpu.enqueue_dma source(%dma_start3A_50 : memref<632x128xf32, #tpu.memory_space<vmem_shared>>) target(%dma_start3A_48 : memref<632x128xf32, #tpu.memory_space<hbm>>) target_semaphore(%run_scoped3A_47 : memref<!tpu.dma_semaphore, #tpu.memory_space<semaphore_mem>>)
          %dma_wait3A = arith.constant 0 : i32
          %dma_wait3A_51 = tpu.memref_slice %arg7[%mul3A_0, %dma_wait3A] : memref<10000x128xf32, #tpu.memory_space<hbm>> -> memref<632x128xf32, #tpu.memory_space<hbm>>
          %dma_wait3A_52 = arith.constant 0 : i32
          %dma_wait3A_53 = tpu.memref_slice %arg10[%mul3A_0, %dma_wait3A_52] : memref<10000x128xf32, #tpu.memory_space<vmem_shared>> -> memref<632x128xf32, #tpu.memory_space<vmem_shared>>
          tpu.wait_dma2 semaphore(%run_scoped3A_47 : memref<!tpu.dma_semaphore, #tpu.memory_space<semaphore_mem>>) src(%dma_wait3A_53 : memref<632x128xf32, #tpu.memory_space<vmem_shared>>) dst(%dma_wait3A_51 : memref<632x128xf32, #tpu.memory_space<hbm>>)
          tpu.yield
        }) : () -> ()
      } else {
      }
      %eq3A_42 = arith.constant 15 : i32
      %eq3A_43 = arith.cmpi eq, %arg1, %eq3A_42 : i32
      %convert_element_type3A_44 = arith.extui %eq3A_43 : i1 to i32
      %cond3A_45 = arith.constant 0 : i32
      %cond3A_46 = arith.cmpi ne, %convert_element_type3A_44, %cond3A_45 : i32
      scf.if %cond3A_46 {
        "tpu.region"() ({
          %run_scoped3A_47 = tpu.sem_alloc : memref<!tpu.dma_semaphore, #tpu.memory_space<semaphore_mem>>
          %dma_start3A = arith.constant 0 : i32
          %dma_start3A_48 = tpu.memref_slice %arg7[%mul3A_0, %dma_start3A] : memref<10000x128xf32, #tpu.memory_space<hbm>> -> memref<520x128xf32, #tpu.memory_space<hbm>>
          %dma_start3A_49 = arith.constant 0 : i32
          %dma_start3A_50 = tpu.memref_slice %arg10[%mul3A_0, %dma_start3A_49] : memref<10000x128xf32, #tpu.memory_space<vmem_shared>> -> memref<520x128xf32, #tpu.memory_space<vmem_shared>>
          tpu.enqueue_dma source(%dma_start3A_50 : memref<520x128xf32, #tpu.memory_space<vmem_shared>>) target(%dma_start3A_48 : memref<520x128xf32, #tpu.memory_space<hbm>>) target_semaphore(%run_scoped3A_47 : memref<!tpu.dma_semaphore, #tpu.memory_space<semaphore_mem>>)
          %dma_wait3A = arith.constant 0 : i32
          %dma_wait3A_51 = tpu.memref_slice %arg7[%mul3A_0, %dma_wait3A] : memref<10000x128xf32, #tpu.memory_space<hbm>> -> memref<520x128xf32, #tpu.memory_space<hbm>>
          %dma_wait3A_52 = arith.constant 0 : i32
          %dma_wait3A_53 = tpu.memref_slice %arg10[%mul3A_0, %dma_wait3A_52] : memref<10000x128xf32, #tpu.memory_space<vmem_shared>> -> memref<520x128xf32, #tpu.memory_space<vmem_shared>>
          tpu.wait_dma2 semaphore(%run_scoped3A_47 : memref<!tpu.dma_semaphore, #tpu.memory_space<semaphore_mem>>) src(%dma_wait3A_53 : memref<520x128xf32, #tpu.memory_space<vmem_shared>>) dst(%dma_wait3A_51 : memref<520x128xf32, #tpu.memory_space<hbm>>)
          tpu.yield
        }) : () -> ()
      } else {
      }
    } else {
    }
    return
  }
}

module attributes {stable_mosaic.version = 14 : i64} {
  func.func @body(%arg0: i32, %arg1: memref<2000x128xf32, #tpu.memory_space<vmem>>, %arg2: memref<2x2000x128xf32, #tpu.memory_space<vmem>>, %arg3: memref<2000x32xf32, #tpu.memory_space<vmem>>, %arg4: memref<128x256xf32, #tpu.memory_space<vmem>>, %arg5: memref<128x256xf32, #tpu.memory_space<vmem>>, %arg6: memref<1x256xf32, #tpu.memory_space<vmem>>, %arg7: memref<2000x128xf32, #tpu.memory_space<vmem>>, %arg8: memref<2000x128xf32, #tpu.memory_space<vmem>>) attributes {dimension_semantics = [#tpu.dimension_semantics<arbitrary>], iteration_bounds = array<i64: 5>, scalar_prefetch = 0 : i64, scratch_operands = 0 : i64, tpu.core_type = #tpu.core_type<tc>, window_params = [{transform_indices = @transform_0, window_bounds = array<i64: 2000, 128>}, {transform_indices = @transform_1, window_bounds = array<i64: 2, 2000, 128>}, {transform_indices = @transform_2, window_bounds = array<i64: 2000, 32>}, {pipeline_mode = #tpu.pipeline_mode<synchronous>, transform_indices = @transform_3, window_bounds = array<i64: 128, 256>}, {pipeline_mode = #tpu.pipeline_mode<synchronous>, transform_indices = @transform_4, window_bounds = array<i64: 128, 256>}, {pipeline_mode = #tpu.pipeline_mode<synchronous>, transform_indices = @transform_5, window_bounds = array<i64: 1, 256>}, {transform_indices = @transform_6, window_bounds = array<i64: 2000, 128>}, {transform_indices = @transform_7, window_bounds = array<i64: 2000, 128>}]} {
    %get3A = arith.constant 0 : index
    %get3A_0 = arith.constant 0 : index
    %get3A_1 = vector.load %arg3[%get3A, %get3A_0] : memref<2000x32xf32, #tpu.memory_space<vmem>>, vector<2000x32xf32>
    %reduce_sum3A = arith.constant dense<0.000000e+00> : vector<2000xf32>
    %reduce_sum3A_2 = vector.multi_reduction <add>, %get3A_1, %reduce_sum3A [1] : vector<2000x32xf32> to vector<2000xf32>
    %broadcast_in_dim3A = vector.shape_cast %reduce_sum3A_2 : vector<2000xf32> to vector<2000x1xf32>
    %max3A = arith.constant 1.000000e+00 : f32
    %max3A_3 = vector.broadcast %max3A : f32 to vector<2000x1xf32>
    %max3A_4 = arith.maximumf %broadcast_in_dim3A, %max3A_3 : vector<2000x1xf32>
    %div3A = arith.constant 1.000000e+00 : f32
    %div3A_5 = vector.broadcast %div3A : f32 to vector<2000x1xf32>
    %div3A_6 = arith.divf %div3A_5, %max3A_4 : vector<2000x1xf32>
    %get3A_7 = arith.constant 0 : index
    %get3A_8 = arith.constant 0 : index
    %get3A_9 = arith.constant 0 : index
    %get3A_10 = vector.load %arg2[%get3A_7, %get3A_8, %get3A_9] : memref<2x2000x128xf32, #tpu.memory_space<vmem>>, vector<1x2000x128xf32>
    %get3A_11 = vector.shape_cast %get3A_10 : vector<1x2000x128xf32> to vector<2000x128xf32>
    %get3A_12 = arith.constant 1 : index
    %get3A_13 = arith.constant 0 : index
    %get3A_14 = arith.constant 0 : index
    %get3A_15 = vector.load %arg2[%get3A_12, %get3A_13, %get3A_14] : memref<2x2000x128xf32, #tpu.memory_space<vmem>>, vector<1x2000x128xf32>
    %get3A_16 = vector.shape_cast %get3A_15 : vector<1x2000x128xf32> to vector<2000x128xf32>
    %add3A = arith.addf %get3A_11, %get3A_16 : vector<2000x128xf32>
    %mul3A = vector.broadcast %div3A_6 : vector<2000x1xf32> to vector<2000x128xf32>
    %mul3A_17 = arith.mulf %add3A, %mul3A : vector<2000x128xf32>
    %get3A_18 = arith.constant 0 : index
    %get3A_19 = arith.constant 0 : index
    %get3A_20 = vector.load %arg4[%get3A_18, %get3A_19] : memref<128x256xf32, #tpu.memory_space<vmem>>, vector<128x256xf32>
    %dot_general3A = arith.constant dense<0.000000e+00> : vector<2000x256xf32>
    %dot_general3A_21 = tpu.matmul %mul3A_17, %get3A_20, %dot_general3A {dimension_numbers = #tpu.dot_dimension_numbers<[1], [0], [0], [1], [0, 0, 1, 1], [], []>, transpose_lhs_hint = false} : vector<2000x128xf32>, vector<128x256xf32>, vector<2000x256xf32> -> vector<2000x256xf32>
    %get3A_22 = arith.constant 0 : index
    %get3A_23 = arith.constant 0 : index
    %get3A_24 = vector.load %arg1[%get3A_22, %get3A_23] : memref<2000x128xf32, #tpu.memory_space<vmem>>, vector<2000x128xf32>
    %get3A_25 = arith.constant 0 : index
    %get3A_26 = arith.constant 0 : index
    %get3A_27 = vector.load %arg5[%get3A_25, %get3A_26] : memref<128x256xf32, #tpu.memory_space<vmem>>, vector<128x256xf32>
    %dot_general3A_28 = arith.constant dense<0.000000e+00> : vector<2000x256xf32>
    %dot_general3A_29 = tpu.matmul %get3A_24, %get3A_27, %dot_general3A_28 {dimension_numbers = #tpu.dot_dimension_numbers<[1], [0], [0], [1], [0, 0, 1, 1], [], []>, transpose_lhs_hint = false} : vector<2000x128xf32>, vector<128x256xf32>, vector<2000x256xf32> -> vector<2000x256xf32>
    %add3A_30 = arith.addf %dot_general3A_21, %dot_general3A_29 : vector<2000x256xf32>
    %get3A_31 = arith.constant 0 : index
    %get3A_32 = arith.constant 0 : index
    %get3A_33 = vector.load %arg6[%get3A_31, %get3A_32] : memref<1x256xf32, #tpu.memory_space<vmem>>, vector<1x256xf32>
    %add3A_34 = vector.broadcast %get3A_33 : vector<1x256xf32> to vector<2000x256xf32>
    %add3A_35 = arith.addf %add3A_30, %add3A_34 : vector<2000x256xf32>
    %max3A_36 = arith.constant 0.000000e+00 : f32
    %max3A_37 = vector.broadcast %max3A_36 : f32 to vector<2000x256xf32>
    %max3A_38 = arith.maximumf %add3A_35, %max3A_37 : vector<2000x256xf32>
    %slice3A = vector.extract_strided_slice %max3A_38 {offsets = [0, 0], sizes = [2000, 128], strides = [1, 1]} : vector<2000x256xf32> to vector<2000x128xf32>
    %swap3A = arith.constant 0 : index
    %swap3A_39 = arith.constant 0 : index
    %swap3A_40 = vector.load %arg7[%swap3A, %swap3A_39] : memref<2000x128xf32, #tpu.memory_space<vmem>>, vector<2000x128xf32>
    tpu.vector_store %arg7[%swap3A, %swap3A_39], %slice3A {strides = array<i32>} : memref<2000x128xf32, #tpu.memory_space<vmem>>, vector<2000x128xf32>,
    %slice3A_41 = vector.extract_strided_slice %max3A_38 {offsets = [0, 128], sizes = [2000, 128], strides = [1, 1]} : vector<2000x256xf32> to vector<2000x128xf32>
    %swap3A_42 = arith.constant 0 : index
    %swap3A_43 = arith.constant 0 : index
    %swap3A_44 = vector.load %arg8[%swap3A_42, %swap3A_43] : memref<2000x128xf32, #tpu.memory_space<vmem>>, vector<2000x128xf32>
    tpu.vector_store %arg8[%swap3A_42, %swap3A_43], %slice3A_41 {strides = array<i32>} : memref<2000x128xf32, #tpu.memory_space<vmem>>, vector<2000x128xf32>,
    return
  }
  func.func @transform_0(%arg0: i32) -> (i32, i32) {
    %c0_i32 = arith.constant 0 : i32
    %c0_i32_0 = arith.constant 0 : i32
    return %arg0, %c0_i32 : i32, i32
  }
  func.func @transform_1(%arg0: i32) -> (i32, i32, i32) {
    %c0_i32 = arith.constant 0 : i32
    %c0_i32_0 = arith.constant 0 : i32
    %c0_i32_1 = arith.constant 0 : i32
    return %c0_i32, %arg0, %c0_i32_0 : i32, i32, i32
  }
  func.func @transform_2(%arg0: i32) -> (i32, i32) {
    %c0_i32 = arith.constant 0 : i32
    %c0_i32_0 = arith.constant 0 : i32
    return %arg0, %c0_i32 : i32, i32
  }
  func.func @transform_3(%arg0: i32) -> (i32, i32) {
    %c0_i32 = arith.constant 0 : i32
    %c0_i32_0 = arith.constant 0 : i32
    %c0_i32_1 = arith.constant 0 : i32
    return %c0_i32, %c0_i32_0 : i32, i32
  }
  func.func @transform_4(%arg0: i32) -> (i32, i32) {
    %c0_i32 = arith.constant 0 : i32
    %c0_i32_0 = arith.constant 0 : i32
    %c0_i32_1 = arith.constant 0 : i32
    return %c0_i32, %c0_i32_0 : i32, i32
  }
  func.func @transform_5(%arg0: i32) -> (i32, i32) {
    %c0_i32 = arith.constant 0 : i32
    %c0_i32_0 = arith.constant 0 : i32
    %c0_i32_1 = arith.constant 0 : i32
    return %c0_i32, %c0_i32_0 : i32, i32
  }
  func.func @transform_6(%arg0: i32) -> (i32, i32) {
    %c0_i32 = arith.constant 0 : i32
    %c0_i32_0 = arith.constant 0 : i32
    return %arg0, %c0_i32 : i32, i32
  }
  func.func @transform_7(%arg0: i32) -> (i32, i32) {
    %c0_i32 = arith.constant 0 : i32
    %c0_i32_0 = arith.constant 0 : i32
    return %arg0, %c0_i32 : i32, i32
  }
}

module attributes {stable_mosaic.version = 14 : i64} {
  func.func @body(%arg0: i32, %arg1: memref<2000x128xf32, #tpu.memory_space<vmem>>, %arg2: memref<2000x128xf32, #tpu.memory_space<vmem>>, %arg3: memref<2000x128xf32, #tpu.memory_space<vmem>>, %arg4: memref<2000x128xf32, #tpu.memory_space<vmem>>, %arg5: memref<2000x32xf32, #tpu.memory_space<vmem>>, %arg6: memref<256x256xf32, #tpu.memory_space<vmem>>, %arg7: memref<256x256xf32, #tpu.memory_space<vmem>>, %arg8: memref<1x256xf32, #tpu.memory_space<vmem>>, %arg9: memref<256x64xf32, #tpu.memory_space<vmem>>, %arg10: memref<1x64xf32, #tpu.memory_space<vmem>>, %arg11: memref<2000x64xf32, #tpu.memory_space<vmem>>) attributes {dimension_semantics = [#tpu.dimension_semantics<arbitrary>], iteration_bounds = array<i64: 5>, scalar_prefetch = 0 : i64, scratch_operands = 0 : i64, tpu.core_type = #tpu.core_type<tc>, window_params = [{transform_indices = @transform_0, window_bounds = array<i64: 2000, 128>}, {transform_indices = @transform_1, window_bounds = array<i64: 2000, 128>}, {transform_indices = @transform_2, window_bounds = array<i64: 2000, 128>}, {transform_indices = @transform_3, window_bounds = array<i64: 2000, 128>}, {transform_indices = @transform_4, window_bounds = array<i64: 2000, 32>}, {pipeline_mode = #tpu.pipeline_mode<synchronous>, transform_indices = @transform_5, window_bounds = array<i64: 256, 256>}, {pipeline_mode = #tpu.pipeline_mode<synchronous>, transform_indices = @transform_6, window_bounds = array<i64: 256, 256>}, {pipeline_mode = #tpu.pipeline_mode<synchronous>, transform_indices = @transform_7, window_bounds = array<i64: 1, 256>}, {pipeline_mode = #tpu.pipeline_mode<synchronous>, transform_indices = @transform_8, window_bounds = array<i64: 256, 64>}, {pipeline_mode = #tpu.pipeline_mode<synchronous>, transform_indices = @transform_9, window_bounds = array<i64: 1, 64>}, {transform_indices = @transform_10, window_bounds = array<i64: 2000, 64>}]} {
    %get3A = arith.constant 0 : index
    %get3A_0 = arith.constant 0 : index
    %get3A_1 = vector.load %arg5[%get3A, %get3A_0] : memref<2000x32xf32, #tpu.memory_space<vmem>>, vector<2000x32xf32>
    %reduce_sum3A = arith.constant dense<0.000000e+00> : vector<2000xf32>
    %reduce_sum3A_2 = vector.multi_reduction <add>, %get3A_1, %reduce_sum3A [1] : vector<2000x32xf32> to vector<2000xf32>
    %broadcast_in_dim3A = vector.shape_cast %reduce_sum3A_2 : vector<2000xf32> to vector<2000x1xf32>
    %max3A = arith.constant 1.000000e+00 : f32
    %max3A_3 = vector.broadcast %max3A : f32 to vector<2000x1xf32>
    %max3A_4 = arith.maximumf %broadcast_in_dim3A, %max3A_3 : vector<2000x1xf32>
    %div3A = arith.constant 1.000000e+00 : f32
    %div3A_5 = vector.broadcast %div3A : f32 to vector<2000x1xf32>
    %div3A_6 = arith.divf %div3A_5, %max3A_4 : vector<2000x1xf32>
    %get3A_7 = arith.constant 0 : index
    %get3A_8 = arith.constant 0 : index
    %get3A_9 = vector.load %arg3[%get3A_7, %get3A_8] : memref<2000x128xf32, #tpu.memory_space<vmem>>, vector<2000x128xf32>
    %get3A_10 = arith.constant 0 : index
    %get3A_11 = arith.constant 0 : index
    %get3A_12 = vector.load %arg4[%get3A_10, %get3A_11] : memref<2000x128xf32, #tpu.memory_space<vmem>>, vector<2000x128xf32>
    %concatenate3A = tpu.concatenate %get3A_9, %get3A_12 in 1 : vector<2000x128xf32>, vector<2000x128xf32> -> vector<2000x256xf32>
    %mul3A = vector.broadcast %div3A_6 : vector<2000x1xf32> to vector<2000x256xf32>
    %mul3A_13 = arith.mulf %concatenate3A, %mul3A : vector<2000x256xf32>
    %get3A_14 = arith.constant 0 : index
    %get3A_15 = arith.constant 0 : index
    %get3A_16 = vector.load %arg1[%get3A_14, %get3A_15] : memref<2000x128xf32, #tpu.memory_space<vmem>>, vector<2000x128xf32>
    %get3A_17 = arith.constant 0 : index
    %get3A_18 = arith.constant 0 : index
    %get3A_19 = vector.load %arg2[%get3A_17, %get3A_18] : memref<2000x128xf32, #tpu.memory_space<vmem>>, vector<2000x128xf32>
    %concatenate3A_20 = tpu.concatenate %get3A_16, %get3A_19 in 1 : vector<2000x128xf32>, vector<2000x128xf32> -> vector<2000x256xf32>
    %get3A_21 = arith.constant 0 : index
    %get3A_22 = arith.constant 0 : index
    %get3A_23 = vector.load %arg6[%get3A_21, %get3A_22] : memref<256x256xf32, #tpu.memory_space<vmem>>, vector<256x256xf32>
    %dot_general3A = arith.constant dense<0.000000e+00> : vector<2000x256xf32>
    %dot_general3A_24 = tpu.matmul %mul3A_13, %get3A_23, %dot_general3A {dimension_numbers = #tpu.dot_dimension_numbers<[1], [0], [0], [1], [0, 0, 1, 1], [], []>, transpose_lhs_hint = false} : vector<2000x256xf32>, vector<256x256xf32>, vector<2000x256xf32> -> vector<2000x256xf32>
    %get3A_25 = arith.constant 0 : index
    %get3A_26 = arith.constant 0 : index
    %get3A_27 = vector.load %arg7[%get3A_25, %get3A_26] : memref<256x256xf32, #tpu.memory_space<vmem>>, vector<256x256xf32>
    %dot_general3A_28 = arith.constant dense<0.000000e+00> : vector<2000x256xf32>
    %dot_general3A_29 = tpu.matmul %concatenate3A_20, %get3A_27, %dot_general3A_28 {dimension_numbers = #tpu.dot_dimension_numbers<[1], [0], [0], [1], [0, 0, 1, 1], [], []>, transpose_lhs_hint = false} : vector<2000x256xf32>, vector<256x256xf32>, vector<2000x256xf32> -> vector<2000x256xf32>
    %add3A = arith.addf %dot_general3A_24, %dot_general3A_29 : vector<2000x256xf32>
    %get3A_30 = arith.constant 0 : index
    %get3A_31 = arith.constant 0 : index
    %get3A_32 = vector.load %arg8[%get3A_30, %get3A_31] : memref<1x256xf32, #tpu.memory_space<vmem>>, vector<1x256xf32>
    %add3A_33 = vector.broadcast %get3A_32 : vector<1x256xf32> to vector<2000x256xf32>
    %add3A_34 = arith.addf %add3A, %add3A_33 : vector<2000x256xf32>
    %max3A_35 = arith.constant 0.000000e+00 : f32
    %max3A_36 = vector.broadcast %max3A_35 : f32 to vector<2000x256xf32>
    %max3A_37 = arith.maximumf %add3A_34, %max3A_36 : vector<2000x256xf32>
    %get3A_38 = arith.constant 0 : index
    %get3A_39 = arith.constant 0 : index
    %get3A_40 = vector.load %arg9[%get3A_38, %get3A_39] : memref<256x64xf32, #tpu.memory_space<vmem>>, vector<256x64xf32>
    %dot_general3A_41 = arith.constant dense<0.000000e+00> : vector<2000x64xf32>
    %dot_general3A_42 = tpu.matmul %max3A_37, %get3A_40, %dot_general3A_41 {dimension_numbers = #tpu.dot_dimension_numbers<[1], [0], [0], [1], [0, 0, 1, 1], [], []>, transpose_lhs_hint = false} : vector<2000x256xf32>, vector<256x64xf32>, vector<2000x64xf32> -> vector<2000x64xf32>
    %get3A_43 = arith.constant 0 : index
    %get3A_44 = arith.constant 0 : index
    %get3A_45 = vector.load %arg10[%get3A_43, %get3A_44] : memref<1x64xf32, #tpu.memory_space<vmem>>, vector<1x64xf32>
    %add3A_46 = vector.broadcast %get3A_45 : vector<1x64xf32> to vector<2000x64xf32>
    %add3A_47 = arith.addf %dot_general3A_42, %add3A_46 : vector<2000x64xf32>
    %reduce_max3A = arith.constant dense<0xFF800000> : vector<2000xf32>
    %reduce_max3A_48 = vector.multi_reduction <maximumf>, %add3A_47, %reduce_max3A [1] : vector<2000x64xf32> to vector<2000xf32>
    %broadcast_in_dim3A_49 = vector.shape_cast %reduce_max3A_48 : vector<2000xf32> to vector<2000x1xf32>
    %sub3A = vector.broadcast %broadcast_in_dim3A_49 : vector<2000x1xf32> to vector<2000x64xf32>
    %sub3A_50 = arith.subf %add3A_47, %sub3A : vector<2000x64xf32>
    %exp3A = math.exp %sub3A_50 : vector<2000x64xf32>
    %reduce_sum3A_51 = arith.constant dense<0.000000e+00> : vector<2000xf32>
    %reduce_sum3A_52 = vector.multi_reduction <add>, %exp3A, %reduce_sum3A_51 [1] : vector<2000x64xf32> to vector<2000xf32>
    %broadcast_in_dim3A_53 = vector.shape_cast %reduce_sum3A_52 : vector<2000xf32> to vector<2000x1xf32>
    %log3A = math.log %broadcast_in_dim3A_53 : vector<2000x1xf32>
    %add3A_54 = arith.addf %broadcast_in_dim3A_49, %log3A : vector<2000x1xf32>
    %sub3A_55 = vector.broadcast %add3A_54 : vector<2000x1xf32> to vector<2000x64xf32>
    %sub3A_56 = arith.subf %add3A_47, %sub3A_55 : vector<2000x64xf32>
    %swap3A = arith.constant 0 : index
    %swap3A_57 = arith.constant 0 : index
    %swap3A_58 = vector.load %arg11[%swap3A, %swap3A_57] : memref<2000x64xf32, #tpu.memory_space<vmem>>, vector<2000x64xf32>
    tpu.vector_store %arg11[%swap3A, %swap3A_57], %sub3A_56 {strides = array<i32>} : memref<2000x64xf32, #tpu.memory_space<vmem>>, vector<2000x64xf32>,
    return
  }
  func.func @transform_0(%arg0: i32) -> (i32, i32) {
    %c0_i32 = arith.constant 0 : i32
    %c0_i32_0 = arith.constant 0 : i32
    return %arg0, %c0_i32 : i32, i32
  }
  func.func @transform_1(%arg0: i32) -> (i32, i32) {
    %c0_i32 = arith.constant 0 : i32
    %c0_i32_0 = arith.constant 0 : i32
    return %arg0, %c0_i32 : i32, i32
  }
  func.func @transform_2(%arg0: i32) -> (i32, i32) {
    %c0_i32 = arith.constant 0 : i32
    %c0_i32_0 = arith.constant 0 : i32
    return %arg0, %c0_i32 : i32, i32
  }
  func.func @transform_3(%arg0: i32) -> (i32, i32) {
    %c0_i32 = arith.constant 0 : i32
    %c0_i32_0 = arith.constant 0 : i32
    return %arg0, %c0_i32 : i32, i32
  }
  func.func @transform_4(%arg0: i32) -> (i32, i32) {
    %c0_i32 = arith.constant 0 : i32
    %c0_i32_0 = arith.constant 0 : i32
    return %arg0, %c0_i32 : i32, i32
  }
  func.func @transform_5(%arg0: i32) -> (i32, i32) {
    %c0_i32 = arith.constant 0 : i32
    %c0_i32_0 = arith.constant 0 : i32
    %c0_i32_1 = arith.constant 0 : i32
    return %c0_i32, %c0_i32_0 : i32, i32
  }
  func.func @transform_6(%arg0: i32) -> (i32, i32) {
    %c0_i32 = arith.constant 0 : i32
    %c0_i32_0 = arith.constant 0 : i32
    %c0_i32_1 = arith.constant 0 : i32
    return %c0_i32, %c0_i32_0 : i32, i32
  }
  func.func @transform_7(%arg0: i32) -> (i32, i32) {
    %c0_i32 = arith.constant 0 : i32
    %c0_i32_0 = arith.constant 0 : i32
    %c0_i32_1 = arith.constant 0 : i32
    return %c0_i32, %c0_i32_0 : i32, i32
  }
  func.func @transform_8(%arg0: i32) -> (i32, i32) {
    %c0_i32 = arith.constant 0 : i32
    %c0_i32_0 = arith.constant 0 : i32
    %c0_i32_1 = arith.constant 0 : i32
    return %c0_i32, %c0_i32_0 : i32, i32
  }
  func.func @transform_9(%arg0: i32) -> (i32, i32) {
    %c0_i32 = arith.constant 0 : i32
    %c0_i32_0 = arith.constant 0 : i32
    %c0_i32_1 = arith.constant 0 : i32
    return %c0_i32, %c0_i32_0 : i32, i32
  }
  func.func @transform_10(%arg0: i32) -> (i32, i32) {
    %c0_i32 = arith.constant 0 : i32
    %c0_i32_0 = arith.constant 0 : i32
    return %arg0, %c0_i32 : i32, i32
  }
}

</mosaic_0001>

<sc_bundles>
// kernel: kernel.6.cloned.1.call-start
scs
__scs_entry_jumppad:
0x0: {  	(pc) =	sbr.rel $0x88, $3  }
0x1: {  	(tag) =	ssettag $0x0;
	lr =	simm.s32 $0x1  }
0x2: {  	[smem:$0x3F97] =	sst lr;
	_ =	strace $0xD0000000  }
0x3: {  	_ = 	snop  }
0x4: {  	_ = 	snop  }
0x5: {  	_ = 	snop  }
0x6: {  	_ = 	snop  }
0x7: {  	_ = 	snop  }
__scs_overlays_trampoline_lowered:
0x8: {  	[smem:$0x3FA6] =	sst s0  }
0x9: {  	[smem:$0x3FA7] =	sst s1  }
0xa: {  	[smem:$0x3FA8] =	sst s2  }
0xb: {  	[smem:$0x3FA9] =	sst s3  }
0xc: {  	[smem:$0x3FAA] =	sst s4  }
0xd: {  	[smem:$0x3FAB] =	sst s5  }
0xe: {  	[smem:$0x3FAC] =	sst s6  }
0xf: {  	[smem:$0x3FAD] =	sst s7  }
0x10: {  	[smem:$0x3FAE] =	sst s8  }
0x11: {  	[smem:$0x3FAF] =	sst s9;
	s0 =	simm.s32 @!p0 $0x0  }
0x12: {  	s1 =	sld [smem:$0x3F95];
	s0 =	simm.s32 @p0 $0x1  }
0x13: {  	[smem:$0x3FB0] =	sst s0;
	s0 =	simm.s32 @!p1 $0x0  }
0x14: {  	s2 =	sld [smem:$0x3F94];
	s0 =	simm.s32 @p1 $0x1  }
0x15: {  	[smem:$0x3FB1] =	sst s0;
	s0 =	simm.s32 @!p2 $0x0  }
0x16: {  	s3 =	sld [smem:$0x3FDB];
	s0 =	simm.s32 @p2 $0x1  }
0x17: {  	s4 =	simm.s32 $0x1BF5;
	[smem:$0x3FB3] =	sst s0  }
0x18: {  	s0 =	sld [smem:$0x3F96];
	_ =	swait.ge [sflag:s4], $0x0  }
0x19: {  	s7 =	sld [smem:$0x3F97]  }
0x1a: {  	s8 =	sadd.s32 $0xFFFFE003, lr  }
0x1b: {  	s9 =	sadd.s32 $0xFFFFFEF7, lr;
	s5 =	simm.s32 $0xFFFFFFFF;
	p2 =	slt.u32 s8, $0xFFFFF086  }
0x1c: {  	p1 =	slt.u32 s9, $0xF7A;
	s5 =	simm.s32 @!p2 $0x0  }
0x1d: {  	s5 =	simm.s32 @p1 $0x1;
	p0 =	seq.s32 s7, s2  }
0x1e: {  	s7 =	smul.u32 @!p0 $0xF7A, s2;
	p2 =	seq.s32 @!p0 s5, $0x0  }
0x1f: {  	s9 =	smul.u32 $0xF7A, s1;
	s8 =	simm.s32 @!p0 $0x1BF5;
	p2 =	por !p2, p0  }
0x20: {  	[sflag:s8] =	ssyncset.s32 @!p0 $0xFFFFF086;
	s6 =	sadd.s32 @!p0 s3, s7;
	s7 =	simm.s32 @!p0 $0x108  }
0x21: {  	s3 =	sadd.s32 s3, s9;
	s6 =	sadd.s32 @!p0 $0x88, s6;
	s7 =	simm.s32 @p2 $0x1082  }
0x22: {  	[simem:s7], [sflag:s8] =	dma.local @!p0 [hbm:s6], $0xF7A  }
0x23: {  	s9 =	sor.u32 $0xD0000000, s2;
	s6 =	simm.s32 $0x108;
	_ =	swait.ge @!p0 [sflag:s8], $0x0  }
0x24: {  	s3 =	sadd.s32 $0x88, s3;
	s6 =	simm.s32 @!p1 $0x1082;
	[sflag:s4] =	ssyncset.s32 $0xFFFFF086  }
0x25: {  	[simem:s6], [sflag:s4] =	dma.local [hbm:s3], $0xF7A  }
0x26: {  	[smem:$0x3F97] =	sst s1;
	(tag) =	ssettag s2;
	_ =	strace s9  }
0x27: {  	s1 =	sld [smem:$0x3FA7]  }
0x28: {  	s2 =	sld [smem:$0x3FA8]  }
0x29: {  	s4 =	sld [smem:$0x3FAA]  }
0x2a: {  	p0 =	seq.s32 s5, $0x0;
	s5 =	sld [smem:$0x3FAB]  }
0x2b: {  	s6 =	sld [smem:$0x3FAC]  }
0x2c: {  	s7 =	sld [smem:$0x3FAD]  }
0x2d: {  	s3 =	simm.s32 $0x108;
	s8 =	sld [smem:$0x3FAE]  }
0x2e: {  	s3 =	simm.s32 @!p0 $0x1082;
	s9 =	sld [smem:$0x3FAF]  }
0x2f: {  	lr =	sadd.s32 s0, s3;
	s0 =	sld [smem:$0x3FA6]  }
0x30: {  	s3 =	sld [smem:$0x3FA9]  }
0x31: {  	[smem:$0x3FB2] =	sst s10  }
0x32: {  	s10 =	sld [smem:$0x3FB0];
	_ =	sdelay $0x3  }
0x33: {  	p0 =	seq.s32 s10, $0x1;
	s10 =	sld [smem:$0x3FB2];
	_ =	sdelay $0x3  }
0x34: {  	[smem:$0x3FB2] =	sst s10  }
0x35: {  	s10 =	sld [smem:$0x3FB1];
	_ =	sdelay $0x3  }
0x36: {  	p1 =	seq.s32 s10, $0x1;
	s10 =	sld [smem:$0x3FB2];
	_ =	sdelay $0x3  }
0x37: {  	[smem:$0x3FB2] =	sst s10  }
0x38: {  	s10 =	sld [smem:$0x3FB3]  }
0x39: {  	_ = 	snop;
	(pc) =	sbr.ind lr, $3  }
0x3a: {  	_ = 	snop  }
0x3b: {  	_ = 	snop  }
0x3c: {  	p2 =	seq.s32 s10, $0x1;
	s10 =	sld [smem:$0x3FB2]  }
0x3d: {  	_ =	shalt  }
0x3e: {  	_ =	shalt  }
0x3f: {  	_ =	shalt  }
0x40: {  	_ =	shalt  }
0x41: {  	_ =	shalt  }
0x42: {  	_ =	shalt  }
0x43: {  	_ =	shalt  }
0x44: {  	_ =	shalt  }
0x45: {  	_ =	shalt  }
0x46: {  	_ =	shalt  }
0x47: {  	_ =	shalt  }
0x48: {  	_ =	shalt  }
0x49: {  	_ =	shalt  }
0x4a: {  	_ =	shalt  }
0x4b: {  	_ =	shalt  }
0x4c: {  	_ =	shalt  }
0x4d: {  	_ =	shalt  }
0x4e: {  	_ =	shalt  }
0x4f: {  	_ =	shalt  }
0x50: {  	_ =	shalt  }
0x51: {  	_ =	shalt  }
0x52: {  	_ =	shalt  }
0x53: {  	_ =	shalt  }
0x54: {  	_ =	shalt  }
0x55: {  	_ =	shalt  }
0x56: {  	_ =	shalt  }
0x57: {  	_ =	shalt  }
0x58: {  	_ =	shalt  }
0x59: {  	_ =	shalt  }
0x5a: {  	_ =	shalt  }
0x5b: {  	_ =	shalt  }
0x5c: {  	_ =	shalt  }
0x5d: {  	_ =	shalt  }
0x5e: {  	_ =	shalt  }
0x5f: {  	_ =	shalt  }
0x60: {  	_ =	shalt  }
0x61: {  	_ =	shalt  }
0x62: {  	_ =	shalt  }
0x63: {  	_ =	shalt  }
0x64: {  	_ =	shalt  }
0x65: {  	_ =	shalt  }
0x66: {  	_ =	shalt  }
0x67: {  	_ =	shalt  }
0x68: {  	_ =	shalt  }
0x69: {  	_ =	shalt  }
0x6a: {  	_ =	shalt  }
0x6b: {  	_ =	shalt  }
0x6c: {  	_ =	shalt  }
0x6d: {  	_ =	shalt  }
0x6e: {  	_ =	shalt  }
0x6f: {  	_ =	shalt  }
0x70: {  	_ =	shalt  }
0x71: {  	_ =	shalt  }
0x72: {  	_ =	shalt  }
0x73: {  	_ =	shalt  }
0x74: {  	_ =	shalt  }
0x75: {  	_ =	shalt  }
0x76: {  	_ =	shalt  }
0x77: {  	_ =	shalt  }
0x78: {  	_ =	shalt  }
0x79: {  	_ =	shalt  }
0x7a: {  	_ =	shalt  }
0x7b: {  	_ =	shalt  }
0x7c: {  	_ =	shalt  }
0x7d: {  	_ =	shalt  }
0x7e: {  	_ =	shalt  }
0x7f: {  	_ =	shalt  }
0x80: {  	_ =	shalt  }
0x81: {  	_ =	shalt  }
0x82: {  	_ =	shalt  }
0x83: {  	_ =	shalt  }
0x84: {  	_ =	shalt  }
0x85: {  	_ =	shalt  }
0x86: {  	_ =	shalt  }
0x87: {  	_ =	shalt  }
.Lfunc_end0:
.L_simem_size_0:
called_computation_lowered:
.L_overlay_start_0:
0x88: {  	s2 =	sld [smem:$0x3FD9]  }
0x89: {  	s3 =	sld [smem:$0x3FFE];
	_ =	sdelay $0x1  }
0x8a: {  	s1 =	srdreg.scid  }
0x8b: {  	s0 =	sand.u32 $0x1, s1  }
0x8c: {  	s17 =	sshll.u32 s0, $0xA;
	s2 =	sadd.s32 s3, s2  }
0x8d: {  	s2 =	sadd.s32 s2, s17  }
0x8e: {  	[smem:$0x3FBE] =	sst s2  }
0x8f: {  	_ = 	snop  }
0x90: {  	s2 =	sld [smem:$0x3FC9]  }
0x91: {  	s18 =	sld [smem:$0x3FD0];
	(tm) =	ssettm $0x1  }
0x92: {  	s4 =	sld [smem:$0x3FFB];
	_ =	sdelay $0x3  }
0x93: {  	_ =	strace s4  }
0x94: {  	s4 =	sld [smem:$0x3FFC];
	_ =	sdelay $0x3  }
0x95: {  	_ =	strace s4  }
0x96: {  	s4 =	sld [smem:$0x3FFD];
	_ =	sdelay $0x3  }
0x97: {  	_ =	strace s4  }
0x98: {  	_ =	strace $0x8FFFFFFF  }
0x99: {  	s19 =	sld [smem:$0x3FDB];
	_ =	sdelay $0x1  }
0x9a: {  	s5 =	simm.s32 $_scs_section_size  }
0x9b: {  	s6 =	simm.s32 $_size__tile_overlayer_lowered;
	s7 =	simm.s32 $_tile_overlayer_lowered  }
0x9c: {  	s22 =	simm.s32 $0x1BFF;
	s21 =	sshll.u32 s7, $0x1;
	s4 =	sadd.s32 s5, s19  }
0x9d: {  	s8 =	simm.s32 $0x0;
	s20 =	sshll.u32 s6, $0x1;
	s6 =	sadd.s32 s21, s4  }
0x9e: {  	[timem:s8], [sflag:s22] =	dma.local [hbm:s6], s20  }
0x9f: {  	_ =	swait.ge [sflag:s22], s20  }
0xa0: {  	s5 =	ssub.s32 $0x0, s20;
	[sflag:s22] =	ssyncset.done $0x0  }
0xa1: {  	[sflag:s22] =	ssyncadd.s32 s5;
	_ =	sdelay $0x1  }
0xa2: {  	s23 =	simm.s32 $0x1B8B  }
0xa3: {  	_ =	swait.ge [sflag:s23], $0x1  }
0xa4: {  	[sflag:s23] =	ssyncset.done $0x0  }
0xa5: {  	s25 =	simm.s32 $0x1B8E;
	s24 =	sld [smem:$0x3FFE];
	[sflag:s23] =	ssyncadd.s32 $0xFFFFFFFF  }
0xa6: {  	s26 =	simm.s32 $execute0_lowered;
	[smem:$0x3FD2] =	sst s25  }
0xa7: {  	s6 =	sshll.u32 s26, $0x1;
	_ =	strace $0x80000046;
	[dreg:$0x1] =	wrdreg $0xFFFFFFFF  }
0xa8: {  	s28 =	simm.s32 $_size_execute0_lowered;
	s4 =	sadd.s32 s4, s6;
	[dreg:$0x0] =	wrdreg $0x0  }
0xa9: {  	s6 =	sshll.u32 s28, $0x1;
	[dreg:$0x2] =	wrdreg s4  }
0xaa: {  	[dreg:$0x3] =	wrdreg s6  }
0xab: {  	[dreg:$0x4] =	wrdreg $0xC0  }
0xac: {  	_ =	task [dreg:s8], $0x5FFFF  }
0xad: {  	[dreg:$0x1] =	wrdreg $0xFFFFFFFF  }
0xae: {  	[dreg:$0x0] =	wrdreg $0x60  }
0xaf: {  	[dreg:$0x2] =	wrdreg s2  }
0xb0: {  	[dreg:$0x3] =	wrdreg s18  }
0xb1: {  	[dreg:$0x4] =	wrdreg s24  }
0xb2: {  	[dreg:$0x5] =	wrdreg $0xAB800  }
0xb3: {  	[dreg:$0x6] =	wrdreg $0x9  }
0xb4: {  	_ =	task.clear_ibuf [dreg:s8], $0x7FFFF;
	_ =	strace $0x90000046  }
0xb5: {  	s29 =	simm.s32 $0x9;
	_ =	strace $0x80000048  }
0xb6: {  	_ =	swait.ge [sflag:s29], $0x1  }
0xb7: {  	[sflag:s29] =	ssyncadd.s32 $0xFFFFFFFF  }
0xb8: {  	_ =	strace $0x90000048  }
0xb9: {  	_ =	sfence  }
0xba: {  	s30 =	sld [smem:$0x0];
	_ =	sdelay $0x2  }
0xbb: {  	s31 =	sshll.u32 s1, $0xD;
	s1 =	sshrl.u32 s1, $0x2  }
0xbc: {  	s3 =	sand.u32 $0x4000, s31;
	s1 =	sadd.s32 s1, s30  }
0xbd: {  	s0 =	sor.u32 s3, s0;
	s1 =	sshll.u32 s1, $0x11  }
0xbe: {  	s0 =	sor.u32 s1, s0  }
0xbf: {  	s0 =	sadd.s32 $0x8F2B, s0  }
0xc0: {  	[sflag:s0] =	ssyncadd.remote.s32 $0x1  }
0xc1: {  	_ =	sfence.sel $0xFFFF  }
0xc2: {  	[dreg:$0x0] =	wrdreg $0xFFFFFFFF;
	(pc) =	sbr.abs _section_cstart, $3  }
0xc3: {  	[dreg:$0x1] =	wrdreg $0xFFFFFFFF  }
0xc4: {  	_ =	task.clear_ibuf [dreg:s8], $0x2FFFF;
	_ =	strace $0x9FFFFFFF  }
0xc5: {  	(tm) =	ssettm $0x7FFFFFFF  }
tec
execute0_lowered:
.L_overlay_start_1:
0x0: {  	(tag) =	ssettag $0x1  }
0x1: {  	s0 =	rddreg [dreg:$0x0]  }
0x2: {  	s14 =	rddreg [dreg:$0x1]  }
0x3: {  	s8 =	rddreg [dreg:$0x2]  }
0x4: {  	s1 =	srdreg.scid;
	s2 =	stileid.u32  }
0x5: {  	s3 =	rddreg [dreg:$0x3];
	s4 =	smul.u32 $0x2780, s2  }
0x6: {  	s22 =	simm.s32 $0x0;
	s11 =	sand.u32 $0x1, s1;
	s9 =	smul.u32 $0x4F000, s2  }
0x7: {  	[smem:$0x7FF] =	sst s22;
	s16 =	smul.u32 $0x4E, s2;
	s26 =	smin.u32 s2, $0x2  }
0x8: {  	p0 =	slt.u32 s2, $0x2;
	s20 =	sadd.s32 $0x128400, s3;
	s30 =	smul.u32 $0x9C0, s2  }
0x9: {  	s22 =	simm.s32 $0x4400;
	s6 =	sshll.u32 s11, $0x4;
	s7 =	smul.u32 $0x27100, s11  }
0xa: {  	_ =	strace $0x80000047;
	s12 =	ssub.s32 $0x2, s11;
	s13 =	smul.u32 $0x4E2, s11  }
0xb: {  	s21 =	smul.u32 $0x9C40, s11;
	s31 =	sshll.u32 s26, $0x5;
	s6 =	sor.u32 s2, s6  }
0xc: {  	s10 =	sadd.s32 s4, s8;
	s23 =	sshrl.u32 s12, $0x1;
	s24 =	sshrl.u32 s9, $0x2  }
0xd: {  	s6 =	smul.u32 $0x4E2, s6;
	s15 =	sadd.s32 s7, s8;
	s18 =	ssub.s32 s12, s23  }
0xe: {  	s19 =	sadd.s32 s24, s3;
	s25 =	sadd.s32 s16, s13;
	s7 =	simm.s32 $0x4F  }
0xf: {  	s23 =	simm.s32 $0x2;
	s24 =	simm.s32 $0x8400;
	s9 =	sadd.s32 s26, s25  }
0x10: {  	s7 =	simm.s32 @!p0 $0x4E;
	s11 =	sadd.s32 $0x35400, s15;
	s13 =	smax.u32 s18, $0x1  }
0x11: {  	p0 =	seq.s32 s2, $0xF;
	s18 =	simm.s32 $0x6;
	s25 =	simm.s32 $0x180  }
0x12: {  	s26 =	simm.s32 $0x0;
	s17 =	sadd.s32 s6, s8;
	s6 =	sadd.s32 $0x4400, s10  }
0x13: {  	s8 =	sadd.s32 $0x29480, s8;
	s9 =	sshll.u32 s9, $0x5;
	s28 =	sadd.s32 $0xFFFFFFFC, s7  }
0x14: {  	s29 =	sadd.s32 $0xFFFFFFFB, s7;
	s16 =	sshll.u32 @!p0 s2, $0x6;
	[dreg:$0x5] =	wrdreg s25  }
0x15: {  	s15 =	sshrl.u32 @p0 s20, $0x3;
	s20 =	simm.s32 $0x80;
	[dreg:$0x6] =	wrdreg s28  }
0x16: {  	s25 =	simm.s32 $0x3;
	s9 =	sadd.s32 s14, s9;
	[dreg:$0x7] =	wrdreg s29  }
0x17: {  	s12 =	sadd.s32 $0x2B600, s17;
	s14 =	sadd.s32 s21, s14;
	s16 =	sor.u32 @!p0 $0x1C06, s16  }
0x18: {  	s17 =	sshrl.u32 @!p0 s19, $0x3;
	s19 =	simm.s32 $0x100;
	s14 =	sadd.s32 s30, s14  }
0x19: {  	v0 =	vimm.f32 $0.0e+00;
	v1 =	vimm.f32 $1.000000000e+00;
	s21 =	simm.s32 $0x400;
	s10 =	sadd.s32 $0x20, s9;
	s14 =	sadd.s32 s31, s14  }
.LBB2_1:
0x1a: {  	s28 =	simm.s32 $0x40;
	s29 =	simm.s32 $0x0  }
.LBB2_2:
0x1b: {  	p1 =	sne.s32 s28, $0x9C00;
	[tilespmem:s29+$0x8400] =	vst v0;
	s29 =	smov.u32 s28;
	s28 =	sadd.s32 $0x40, s28  }
.Ltmp0:
0x1c: {  	(pc) =	sbr.rel @p1 .LBB2_2-.Ltmp0, $2  }
0x1d: {  	_ =	sdelay $0x2  }
0x1e: {  	s29 =	sshra.s32 s29, $0x2  }
0x1f: {  	[tilespmem:s29+$0x8400] =	vst v0;
	s28 =	simm.s32 @p0 $0x1FC6  }
0x20: {  	[spmem:s15], [sflag:s28] =	dma.local @p0 [hbm:s8], $0x2080  }
0x21: {  	s28 =	simm.s32 @p0 $0x6  }
0x22: {  	_ =	swait.ge @p0 [sflag:s28], $0x2080  }
0x23: {  	[sflag:s28] =	ssyncset.done @p0 $0x0  }
0x24: {  	[sflag:s28] =	ssyncadd.s32 @p0 $0xFFFFDF80;
	s28 =	simm.s32 @!p0 $0x6  }
0x25: {  	[spmem:s17], [sflag:s16] =	dma.local @!p0 [hbm:s6], $0x2780  }
0x26: {  	_ =	swait.ge @!p0 [sflag:s28], $0x2780  }
0x27: {  	[sflag:s28] =	ssyncset.done @!p0 $0x0  }
0x28: {  	[sflag:s28] =	ssyncadd.s32 @!p0 $0xFFFFD880  }
0x29: {  	s28 =	simm.s32 $0x0;
	[bflag:$0x0] =	sbarrier.arrive $0xFFFF  }
0x2a: {  	[tilespmem:s28], [sflag:$0x6] =	stream.linear.gather [hbm4b:s9+s28], $0x100, $0x38;
	[tilespmem:$0x1E400] =	vst v63  }
0x2b: {  	_ =	swait.ge [sflag:s18], $0x100  }
0x2c: {  	[sflag:s18] =	ssyncset.done $0x0  }
0x2d: {  	[sflag:s18] =	ssyncadd.s32 $0xFFFFFF00  }
0x2e: {  	[tilespmem:s19], [sflag:$0x6] =	stream.linear.gather [hbm4b:s10+s28], $0x100, $0x38;
	[tilespmem:$0x1E400] =	vst v63  }
0x2f: {  	_ =	swait.ge [sflag:s18], $0x100  }
0x30: {  	[sflag:s18] =	ssyncset.done $0x0  }
0x31: {  	s29 =	simm.s32 $0x0;
	[sflag:s18] =	ssyncadd.s32 $0xFFFFFF00  }
0x32: {  	[tilespmem:s21], [sflag:$0x2] =	stream.indirect.gather [hbm4b:s0+s20], $0x80, s28, s20, $0xb8;
	[tilespmem:$0x1E400] =	vst v63  }
.LBB2_4:
0x33: {  	p1 =	seq.s32 s29, $0x0  }
0x34: {  	s30 =	simm.s32 @!p1 $0x1  }
0x35: {  	_ =	swait.ge @!p1 [sflag:s30], $0x100  }
0x36: {  	[sflag:s30] =	ssyncset.done @!p1 $0x0  }
0x37: {  	[sflag:s30] =	ssyncadd.s32 @!p1 $0xFFFFFF00;
	s30 =	simm.s32 @!p1 $0x5  }
0x38: {  	_ =	swait.ge @!p1 [sflag:s30], $0x4000  }
0x39: {  	[sflag:s30] =	ssyncset.done @!p1 $0x0  }
0x3a: {  	[sflag:s30] =	ssyncadd.s32 @!p1 $0xFFFFC000  }
0x3b: {  	[tilespmem:s22], [sflag:$0x3] =	stream.indirect.gather [hbm4b:s0+s20], $0x80, s19, s20, $0xb8;
	[tilespmem:$0x1E400] =	vst v63  }
0x3c: {  	_ =	swait.ge [sflag:s23], $0x4000  }
0x3d: {  	[sflag:s23] =	ssyncset.done $0x0  }
0x3e: {  	[sflag:s23] =	ssyncadd.s32 $0xFFFFC000  }
0x3f: {  	[spmem:s3] =	stream.indirect.scatter.add.f32 [tilespmem:s21], [sflag:$0x4], $0x80, s20, s20, $0xb8;
	[tilespmem:$0x1E400] =	vst v63  }
0x40: {  	v2 =	vld [tilespmem:$0x80];
	_ =	sdelay $0x7  }
0x41: {  	[tilespmem:v2+s24+$0x0] =	vst.idx.add.f32.msk $0xffff, v1  }
0x42: {  	v2 =	vld [tilespmem:$0x90];
	_ =	sdelay $0x7  }
0x43: {  	[tilespmem:v2+s24+$0x0] =	vst.idx.add.f32.msk $0xffff, v1  }
0x44: {  	v2 =	vld [tilespmem:$0xA0];
	_ =	sdelay $0x7  }
0x45: {  	[tilespmem:v2+s24+$0x0] =	vst.idx.add.f32.msk $0xffff, v1  }
0x46: {  	v2 =	vld [tilespmem:$0xB0];
	_ =	sdelay $0x7  }
0x47: {  	[tilespmem:v2+s24+$0x0] =	vst.idx.add.f32.msk $0xffff, v1  }
0x48: {  	v2 =	vld [tilespmem:$0xC0];
	_ =	sdelay $0x7  }
0x49: {  	[tilespmem:v2+s24+$0x0] =	vst.idx.add.f32.msk $0xffff, v1  }
0x4a: {  	v2 =	vld [tilespmem:$0xD0];
	_ =	sdelay $0x7  }
0x4b: {  	[tilespmem:v2+s24+$0x0] =	vst.idx.add.f32.msk $0xffff, v1  }
0x4c: {  	v2 =	vld [tilespmem:$0xE0];
	_ =	sdelay $0x7  }
0x4d: {  	[tilespmem:v2+s24+$0x0] =	vst.idx.add.f32.msk $0xffff, v1  }
0x4e: {  	v2 =	vld [tilespmem:$0xF0];
	_ =	sdelay $0x4  }
0x4f: {  	s31 =	sadd.s32 $0x2, s28  }
0x50: {  	p1 =	slt.u32 s31, s7  }
0x51: {  	s30 =	sadd.s32 @p1 s29, s14  }
0x52: {  	s1 =	simm.s32 @p1 $0x0;
	s2 =	simm.s32 @p1 $0x200;
	s30 =	sadd.s32 @p1 $0x40, s30;
	[tilespmem:v2+s24+$0x0] =	vst.idx.add.f32.msk $0xffff, v1  }
0x53: {  	[tilespmem:s2], [sflag:$0x1] =	stream.linear.gather @p1 [hbm4b:s30+s1], $0x100, $0x38;
	[tilespmem:$0x1E400] =	vst v63  }
0x54: {  	s1 =	simm.s32 @p1 $0x1  }
0x55: {  	_ =	swait.ge @p1 [sflag:s1], $0x100  }
0x56: {  	[sflag:s1] =	ssyncset.done @p1 $0x0  }
0x57: {  	[sflag:s1] =	ssyncadd.s32 @p1 $0xFFFFFF00;
	s1 =	simm.s32 @p1 $0x4  }
0x58: {  	_ =	swait.ge @p1 [sflag:s1], $0x4000  }
0x59: {  	[sflag:s1] =	ssyncset.done @p1 $0x0  }
0x5a: {  	s30 =	simm.s32 @p1 $0x400;
	[sflag:s1] =	ssyncadd.s32 @p1 $0xFFFFC000;
	s1 =	simm.s32 @p1 $0x80  }
0x5b: {  	[tilespmem:s30], [sflag:$0x2] =	stream.indirect.gather @p1 [hbm4b:s0+s1], $0x80, s2, s1, $0xb8;
	[tilespmem:$0x1E400] =	vst v63  }
0x5c: {  	s1 =	simm.s32 @!p1 $0x4  }
0x5d: {  	_ =	swait.ge @!p1 [sflag:s1], $0x4000  }
0x5e: {  	[sflag:s1] =	ssyncset.done @!p1 $0x0  }
0x5f: {  	[sflag:s1] =	ssyncadd.s32 @!p1 $0xFFFFC000  }
0x60: {  	_ =	swait.ge [sflag:s25], $0x4000  }
0x61: {  	[sflag:s25] =	ssyncset.done $0x0  }
0x62: {  	s2 =	rddreg [dreg:$0x5];
	[sflag:s25] =	ssyncadd.s32 $0xFFFFC000  }
0x63: {  	[spmem:s3] =	stream.indirect.scatter.add.f32 [tilespmem:s22], [sflag:$0x5], $0x80, s2, s20, $0xb8;
	[tilespmem:$0x1E400] =	vst v63  }
0x64: {  	v2 =	vld [tilespmem:$0x180];
	_ =	sdelay $0x7  }
0x65: {  	[tilespmem:v2+s24+$0x0] =	vst.idx.add.f32.msk $0xffff, v1  }
0x66: {  	v2 =	vld [tilespmem:$0x190];
	_ =	sdelay $0x7  }
0x67: {  	[tilespmem:v2+s24+$0x0] =	vst.idx.add.f32.msk $0xffff, v1  }
0x68: {  	v2 =	vld [tilespmem:$0x1A0];
	_ =	sdelay $0x7  }
0x69: {  	[tilespmem:v2+s24+$0x0] =	vst.idx.add.f32.msk $0xffff, v1  }
0x6a: {  	v2 =	vld [tilespmem:$0x1B0];
	_ =	sdelay $0x7  }
0x6b: {  	[tilespmem:v2+s24+$0x0] =	vst.idx.add.f32.msk $0xffff, v1  }
0x6c: {  	v2 =	vld [tilespmem:$0x1C0];
	_ =	sdelay $0x7  }
0x6d: {  	[tilespmem:v2+s24+$0x0] =	vst.idx.add.f32.msk $0xffff, v1  }
0x6e: {  	v2 =	vld [tilespmem:$0x1D0];
	_ =	sdelay $0x7  }
0x6f: {  	[tilespmem:v2+s24+$0x0] =	vst.idx.add.f32.msk $0xffff, v1  }
0x70: {  	v2 =	vld [tilespmem:$0x1E0];
	_ =	sdelay $0x7  }
0x71: {  	[tilespmem:v2+s24+$0x0] =	vst.idx.add.f32.msk $0xffff, v1  }
0x72: {  	v2 =	vld [tilespmem:$0x1F0];
	_ =	sdelay $0x4  }
0x73: {  	s30 =	sadd.s32 $0x3, s28  }
0x74: {  	p2 =	slt.u32 s30, s7  }
0x75: {  	s1 =	sadd.s32 @p2 s29, s14  }
0x76: {  	s5 =	simm.s32 @p2 $0x300;
	s1 =	sadd.s32 @p2 $0x60, s1;
	s2 =	simm.s32 @p2 $0x0;
	[tilespmem:v2+s24+$0x0] =	vst.idx.add.f32.msk $0xffff, v1  }
0x77: {  	[tilespmem:s5], [sflag:$0x1] =	stream.linear.gather @p2 [hbm4b:s1+s2], $0x100, $0x38;
	[tilespmem:$0x1E400] =	vst v63  }
0x78: {  	s1 =	simm.s32 @p2 $0x1  }
0x79: {  	_ =	swait.ge @p2 [sflag:s1], $0x100  }
0x7a: {  	[sflag:s1] =	ssyncset.done @p2 $0x0  }
0x7b: {  	[sflag:s1] =	ssyncadd.s32 @p2 $0xFFFFFF00;
	s1 =	simm.s32 @p2 $0x5  }
0x7c: {  	_ =	swait.ge @p2 [sflag:s1], $0x4000  }
0x7d: {  	[sflag:s1] =	ssyncset.done @p2 $0x0  }
0x7e: {  	s2 =	simm.s32 @p2 $0x4400;
	[sflag:s1] =	ssyncadd.s32 @p2 $0xFFFFC000;
	s1 =	simm.s32 @p2 $0x80  }
0x7f: {  	[tilespmem:s2], [sflag:$0x3] =	stream.indirect.gather @p2 [hbm4b:s0+s1], $0x80, s5, s1, $0xb8;
	[tilespmem:$0x1E400] =	vst v63  }
0x80: {  	s1 =	simm.s32 @!p2 $0x5  }
0x81: {  	_ =	swait.ge @!p2 [sflag:s1], $0x4000  }
0x82: {  	p1 =	sge.u32 s31, s7;
	[sflag:s1] =	ssyncset.done @!p2 $0x0  }
0x83: {  	[sflag:s1] =	ssyncadd.s32 @!p2 $0xFFFFC000;
	s1 =	simm.s32 @!p1 $0x2  }
0x84: {  	_ =	swait.ge @!p1 [sflag:s1], $0x4000  }
0x85: {  	s2 =	simm.s32 @!p1 $0x280;
	[sflag:s1] =	ssyncset.done @!p1 $0x0  }
0x86: {  	s5 =	simm.s32 @!p1 $0x400;
	[sflag:s1] =	ssyncadd.s32 @!p1 $0xFFFFC000;
	s1 =	simm.s32 @!p1 $0x80  }
0x87: {  	[spmem:s3] =	stream.indirect.scatter.add.f32 @!p1 [tilespmem:s5], [sflag:$0x4], $0x80, s2, s1, $0xb8;
	[tilespmem:$0x1E400] =	vst v63  }
0x88: {  	v2 =	vld @!p1 [tilespmem:$0x280];
	_ =	sdelay $0x6  }
0x89: {  	v3 =	vimm.f32 @!p1 $1.000000000e+00;
	s1 =	simm.s32 @!p1 $0x8400  }
0x8a: {  	[tilespmem:v2+s1+$0x0] =	vst.idx.add.f32.msk @!p1 $0xffff, v3  }
0x8b: {  	v2 =	vld @!p1 [tilespmem:$0x290];
	_ =	sdelay $0x7  }
0x8c: {  	[tilespmem:v2+s1+$0x0] =	vst.idx.add.f32.msk @!p1 $0xffff, v3  }
0x8d: {  	v2 =	vld @!p1 [tilespmem:$0x2A0];
	_ =	sdelay $0x7  }
0x8e: {  	[tilespmem:v2+s1+$0x0] =	vst.idx.add.f32.msk @!p1 $0xffff, v3  }
0x8f: {  	v2 =	vld @!p1 [tilespmem:$0x2B0];
	_ =	sdelay $0x7  }
0x90: {  	[tilespmem:v2+s1+$0x0] =	vst.idx.add.f32.msk @!p1 $0xffff, v3  }
0x91: {  	v2 =	vld @!p1 [tilespmem:$0x2C0];
	_ =	sdelay $0x7  }
0x92: {  	[tilespmem:v2+s1+$0x0] =	vst.idx.add.f32.msk @!p1 $0xffff, v3  }
0x93: {  	v2 =	vld @!p1 [tilespmem:$0x2D0];
	_ =	sdelay $0x7  }
0x94: {  	[tilespmem:v2+s1+$0x0] =	vst.idx.add.f32.msk @!p1 $0xffff, v3  }
0x95: {  	v2 =	vld @!p1 [tilespmem:$0x2E0];
	_ =	sdelay $0x7  }
0x96: {  	[tilespmem:v2+s1+$0x0] =	vst.idx.add.f32.msk @!p1 $0xffff, v3  }
0x97: {  	v2 =	vld @!p1 [tilespmem:$0x2F0];
	_ =	sdelay $0x4  }
0x98: {  	s5 =	rddreg [dreg:$0x6]  }
0x99: {  	p2 =	sge.u32 s28, s5  }
0x9a: {  	s2 =	sadd.s32 @!p2 s29, s14  }
0x9b: {  	[tilespmem:v2+s1+$0x0] =	vst.idx.add.f32.msk @!p1 $0xffff, v3;
	s1 =	sadd.s32 @!p2 $0x80, s2;
	s2 =	simm.s32 @!p2 $0x0  }
0x9c: {  	[tilespmem:s2], [sflag:$0x1] =	stream.linear.gather @!p2 [hbm4b:s1+s2], $0x100, $0x38;
	[tilespmem:$0x1E400] =	vst v63  }
0x9d: {  	s1 =	simm.s32 @!p2 $0x1  }
0x9e: {  	_ =	swait.ge @!p2 [sflag:s1], $0x100  }
0x9f: {  	[sflag:s1] =	ssyncset.done @!p2 $0x0  }
0xa0: {  	[sflag:s1] =	ssyncadd.s32 @!p2 $0xFFFFFF00;
	s1 =	simm.s32 @!p1 $0x4  }
0xa1: {  	_ =	swait.ge @!p1 [sflag:s1], $0x4000  }
0xa2: {  	s5 =	simm.s32 @!p2 $0x400;
	[sflag:s1] =	ssyncset.done @!p1 $0x0  }
0xa3: {  	[sflag:s1] =	ssyncadd.s32 @!p1 $0xFFFFC000;
	s1 =	simm.s32 @!p2 $0x80;
	p1 =	sge.u32 s30, s7  }
0xa4: {  	[tilespmem:s5], [sflag:$0x2] =	stream.indirect.gather @!p2 [hbm4b:s0+s1], $0x80, s2, s1, $0xb8;
	[tilespmem:$0x1E400] =	vst v63  }
0xa5: {  	s1 =	simm.s32 @!p1 $0x3  }
0xa6: {  	_ =	swait.ge @!p1 [sflag:s1], $0x4000  }
0xa7: {  	s2 =	simm.s32 @!p1 $0x380;
	[sflag:s1] =	ssyncset.done @!p1 $0x0  }
0xa8: {  	s5 =	simm.s32 @!p1 $0x4400;
	[sflag:s1] =	ssyncadd.s32 @!p1 $0xFFFFC000;
	s1 =	simm.s32 @!p1 $0x80  }
0xa9: {  	[spmem:s3] =	stream.indirect.scatter.add.f32 @!p1 [tilespmem:s5], [sflag:$0x5], $0x80, s2, s1, $0xb8;
	[tilespmem:$0x1E400] =	vst v63  }
0xaa: {  	v2 =	vld @!p1 [tilespmem:$0x380];
	_ =	sdelay $0x6  }
0xab: {  	v3 =	vimm.f32 @!p1 $1.000000000e+00;
	s1 =	simm.s32 @!p1 $0x8400  }
0xac: {  	[tilespmem:v2+s1+$0x0] =	vst.idx.add.f32.msk @!p1 $0xffff, v3  }
0xad: {  	v2 =	vld @!p1 [tilespmem:$0x390];
	_ =	sdelay $0x7  }
0xae: {  	[tilespmem:v2+s1+$0x0] =	vst.idx.add.f32.msk @!p1 $0xffff, v3  }
0xaf: {  	v2 =	vld @!p1 [tilespmem:$0x3A0];
	_ =	sdelay $0x7  }
0xb0: {  	[tilespmem:v2+s1+$0x0] =	vst.idx.add.f32.msk @!p1 $0xffff, v3  }
0xb1: {  	v2 =	vld @!p1 [tilespmem:$0x3B0];
	_ =	sdelay $0x7  }
0xb2: {  	[tilespmem:v2+s1+$0x0] =	vst.idx.add.f32.msk @!p1 $0xffff, v3  }
0xb3: {  	v2 =	vld @!p1 [tilespmem:$0x3C0];
	_ =	sdelay $0x7  }
0xb4: {  	[tilespmem:v2+s1+$0x0] =	vst.idx.add.f32.msk @!p1 $0xffff, v3  }
0xb5: {  	v2 =	vld @!p1 [tilespmem:$0x3D0];
	_ =	sdelay $0x7  }
0xb6: {  	[tilespmem:v2+s1+$0x0] =	vst.idx.add.f32.msk @!p1 $0xffff, v3  }
0xb7: {  	v2 =	vld @!p1 [tilespmem:$0x3E0];
	_ =	sdelay $0x7  }
0xb8: {  	[tilespmem:v2+s1+$0x0] =	vst.idx.add.f32.msk @!p1 $0xffff, v3  }
0xb9: {  	v2 =	vld @!p1 [tilespmem:$0x3F0];
	_ =	sdelay $0x4  }
0xba: {  	s31 =	rddreg [dreg:$0x7]  }
0xbb: {  	p2 =	sge.u32 s28, s31  }
0xbc: {  	s2 =	sadd.s32 @!p2 s29, s14;
	s29 =	sadd.s32 $0x80, s29  }
0xbd: {  	[tilespmem:v2+s1+$0x0] =	vst.idx.add.f32.msk @!p1 $0xffff, v3;
	p1 =	sne.s32 s29, $0xA00  }
.Ltmp1:
0xbe: {  	_ = 	snop;
	(pc) =	sbr.rel @p1 .LBB2_4-.Ltmp1, $4  }
0xbf: {  	_ = 	snop  }
0xc0: {  	s28 =	sadd.s32 $0x4, s28  }
0xc1: {  	s5 =	simm.s32 @!p2 $0x100;
	s1 =	sadd.s32 @!p2 $0xA0, s2;
	s2 =	simm.s32 @!p2 $0x0  }
0xc2: {  	[tilespmem:s5], [sflag:$0x1] =	stream.linear.gather @!p2 [hbm4b:s1+s2], $0x100, $0x38;
	[tilespmem:$0x1E400] =	vst v63  }
0xc3: {  	[bflag:$0x0] =	sbarrier.arrive $0xFFFF;
	s1 =	sadd.s32 @p0 $0x25080, s11;
	s2 =	simm.s32 @p0 $0x1FC6  }
0xc4: {  	[hbm:s1], [sflag:s2] =	dma.local @p0 [spmem:s15], $0x2080  }
0xc5: {  	s1 =	simm.s32 @p0 $0x6  }
0xc6: {  	_ =	swait.ge @p0 [sflag:s1], $0x2080  }
0xc7: {  	[sflag:s1] =	ssyncset.done @p0 $0x0  }
0xc8: {  	[sflag:s1] =	ssyncadd.s32 @p0 $0xFFFFDF80;
	s1 =	sadd.s32 @!p0 s4, s11  }
0xc9: {  	[hbm:s1], [sflag:s16] =	dma.local @!p0 [spmem:s17], $0x2780  }
0xca: {  	s1 =	simm.s32 @!p0 $0x6  }
0xcb: {  	s26 =	sadd.s32 $0x1, s26;
	_ =	swait.ge @!p0 [sflag:s1], $0x2780  }
0xcc: {  	p1 =	sne.s32 s26, s13;
	[sflag:s1] =	ssyncset.done @!p0 $0x0  }
.Ltmp2:
0xcd: {  	s31 =	simm.s32 $0x0;
	[sflag:s1] =	ssyncadd.s32 @!p0 $0xFFFFD880;
	(pc) =	sbr.rel @p1 .LBB2_1-.Ltmp2, $4  }
0xce: {  	[hbm4b:s12+s31] =	stream.linear.scatter [tilespmem:s24], [sflag:$0x6], $0x2710, $0x38;
	[tilespmem:$0x1E400] =	vst v63  }
0xcf: {  	_ =	swait.ge [sflag:s18], $0x2710  }
0xd0: {  	[sflag:s18] =	ssyncset.done $0x0  }
0xd1: {  	[sflag:s18] =	ssyncadd.s32 $0xFFFFD8F0  }
0xd2: {  	_ =	sfence.sel $0x180000  }
0xd3: {  	[bflag:$0x0] =	sbarrier.arrive $0xFFFF  }
0xd4: {  	_ =	strace $0x90000047  }
0xd5: {  	s0 =	stileid.u32;
	[bflag:$0x2] =	sbarrier.arrive $0xFFFF  }
0xd6: {  	p0 =	sne.s32 s0, $0x0;
	s0 =	rddreg [dreg:$0x4]  }
0xd7: {  	s0 =	sadd.s32 @!p0 $0x100000, s0  }
0xd8: {  	[sflag:s0] =	ssyncadd.tile.s32 @!p0 $0x1;
	_ =	shalt  }
.Lfunc_end2:
_tile_overlayer_lowered:
.L_overlay_start_2:
0xd9: {  	(tag) =	ssettag $0x2  }
0xda: {  	s0 =	rddreg [dreg:$0x0];
	s2 =	stileid.u32  }
0xdb: {  	s1 =	rddreg [dreg:$0x1];
	p0 =	sne.s32 s2, $0x0  }
0xdc: {  	s3 =	rddreg [dreg:$0x2];
	[bflag:$0x3] =	sbarrier.arrive $0xFFFF;
	s2 =	simm.s32 @!p0 $0x1C06  }
0xdd: {  	[timem:s3], [sflag:s2] =	dma.local @!p0 [hbm:s0], s1  }
0xde: {  	s0 =	simm.s32 @!p0 $0x6  }
0xdf: {  	_ =	swait.ge @!p0 [sflag:s0], s1  }
0xe0: {  	s1 =	ssub.s32 @!p0 $0x0, s1;
	[sflag:s0] =	ssyncset.done @!p0 $0x0  }
0xe1: {  	[sflag:s0] =	ssyncadd.s32 @!p0 s1  }
0xe2: {  	[bflag:$0x3] =	sbarrier.arrive $0xFFFF  }
0xe3: {  	_ =	shalt  }

// kernel: kernel.9.cloned.1.call-start
scs
__scs_entry_jumppad:
0x0: {  	(pc) =	sbr.rel $0x88, $3  }
0x1: {  	(tag) =	ssettag $0x0;
	lr =	simm.s32 $0x1  }
0x2: {  	[smem:$0x3F97] =	sst lr;
	_ =	strace $0xD0000000  }
0x3: {  	_ = 	snop  }
0x4: {  	_ = 	snop  }
0x5: {  	_ = 	snop  }
0x6: {  	_ = 	snop  }
0x7: {  	_ = 	snop  }
__scs_overlays_trampoline_lowered:
0x8: {  	[smem:$0x3FA6] =	sst s0  }
0x9: {  	[smem:$0x3FA7] =	sst s1  }
0xa: {  	[smem:$0x3FA8] =	sst s2  }
0xb: {  	[smem:$0x3FA9] =	sst s3  }
0xc: {  	[smem:$0x3FAA] =	sst s4  }
0xd: {  	[smem:$0x3FAB] =	sst s5  }
0xe: {  	[smem:$0x3FAC] =	sst s6  }
0xf: {  	[smem:$0x3FAD] =	sst s7  }
0x10: {  	[smem:$0x3FAE] =	sst s8  }
0x11: {  	[smem:$0x3FAF] =	sst s9;
	s0 =	simm.s32 @!p0 $0x0  }
0x12: {  	s1 =	sld [smem:$0x3F95];
	s0 =	simm.s32 @p0 $0x1  }
0x13: {  	[smem:$0x3FB0] =	sst s0;
	s0 =	simm.s32 @!p1 $0x0  }
0x14: {  	s2 =	sld [smem:$0x3F94];
	s0 =	simm.s32 @p1 $0x1  }
0x15: {  	[smem:$0x3FB1] =	sst s0;
	s0 =	simm.s32 @!p2 $0x0  }
0x16: {  	s3 =	sld [smem:$0x3FDB];
	s0 =	simm.s32 @p2 $0x1  }
0x17: {  	s4 =	simm.s32 $0x1BF5;
	[smem:$0x3FB3] =	sst s0  }
0x18: {  	s0 =	sld [smem:$0x3F96];
	_ =	swait.ge [sflag:s4], $0x0  }
0x19: {  	s7 =	sld [smem:$0x3F97]  }
0x1a: {  	s8 =	sadd.s32 $0xFFFFE003, lr  }
0x1b: {  	s9 =	sadd.s32 $0xFFFFFEF7, lr;
	s5 =	simm.s32 $0xFFFFFFFF;
	p2 =	slt.u32 s8, $0xFFFFF086  }
0x1c: {  	p1 =	slt.u32 s9, $0xF7A;
	s5 =	simm.s32 @!p2 $0x0  }
0x1d: {  	s5 =	simm.s32 @p1 $0x1;
	p0 =	seq.s32 s7, s2  }
0x1e: {  	s7 =	smul.u32 @!p0 $0xF7A, s2;
	p2 =	seq.s32 @!p0 s5, $0x0  }
0x1f: {  	s9 =	smul.u32 $0xF7A, s1;
	s8 =	simm.s32 @!p0 $0x1BF5;
	p2 =	por !p2, p0  }
0x20: {  	[sflag:s8] =	ssyncset.s32 @!p0 $0xFFFFF086;
	s6 =	sadd.s32 @!p0 s3, s7;
	s7 =	simm.s32 @!p0 $0x108  }
0x21: {  	s3 =	sadd.s32 s3, s9;
	s6 =	sadd.s32 @!p0 $0x88, s6;
	s7 =	simm.s32 @p2 $0x1082  }
0x22: {  	[simem:s7], [sflag:s8] =	dma.local @!p0 [hbm:s6], $0xF7A  }
0x23: {  	s9 =	sor.u32 $0xD0000000, s2;
	s6 =	simm.s32 $0x108;
	_ =	swait.ge @!p0 [sflag:s8], $0x0  }
0x24: {  	s3 =	sadd.s32 $0x88, s3;
	s6 =	simm.s32 @!p1 $0x1082;
	[sflag:s4] =	ssyncset.s32 $0xFFFFF086  }
0x25: {  	[simem:s6], [sflag:s4] =	dma.local [hbm:s3], $0xF7A  }
0x26: {  	[smem:$0x3F97] =	sst s1;
	(tag) =	ssettag s2;
	_ =	strace s9  }
0x27: {  	s1 =	sld [smem:$0x3FA7]  }
0x28: {  	s2 =	sld [smem:$0x3FA8]  }
0x29: {  	s4 =	sld [smem:$0x3FAA]  }
0x2a: {  	p0 =	seq.s32 s5, $0x0;
	s5 =	sld [smem:$0x3FAB]  }
0x2b: {  	s6 =	sld [smem:$0x3FAC]  }
0x2c: {  	s7 =	sld [smem:$0x3FAD]  }
0x2d: {  	s3 =	simm.s32 $0x108;
	s8 =	sld [smem:$0x3FAE]  }
0x2e: {  	s3 =	simm.s32 @!p0 $0x1082;
	s9 =	sld [smem:$0x3FAF]  }
0x2f: {  	lr =	sadd.s32 s0, s3;
	s0 =	sld [smem:$0x3FA6]  }
0x30: {  	s3 =	sld [smem:$0x3FA9]  }
0x31: {  	[smem:$0x3FB2] =	sst s10  }
0x32: {  	s10 =	sld [smem:$0x3FB0];
	_ =	sdelay $0x3  }
0x33: {  	p0 =	seq.s32 s10, $0x1;
	s10 =	sld [smem:$0x3FB2];
	_ =	sdelay $0x3  }
0x34: {  	[smem:$0x3FB2] =	sst s10  }
0x35: {  	s10 =	sld [smem:$0x3FB1];
	_ =	sdelay $0x3  }
0x36: {  	p1 =	seq.s32 s10, $0x1;
	s10 =	sld [smem:$0x3FB2];
	_ =	sdelay $0x3  }
0x37: {  	[smem:$0x3FB2] =	sst s10  }
0x38: {  	s10 =	sld [smem:$0x3FB3]  }
0x39: {  	_ = 	snop;
	(pc) =	sbr.ind lr, $3  }
0x3a: {  	_ = 	snop  }
0x3b: {  	_ = 	snop  }
0x3c: {  	p2 =	seq.s32 s10, $0x1;
	s10 =	sld [smem:$0x3FB2]  }
0x3d: {  	_ =	shalt  }
0x3e: {  	_ =	shalt  }
0x3f: {  	_ =	shalt  }
0x40: {  	_ =	shalt  }
0x41: {  	_ =	shalt  }
0x42: {  	_ =	shalt  }
0x43: {  	_ =	shalt  }
0x44: {  	_ =	shalt  }
0x45: {  	_ =	shalt  }
0x46: {  	_ =	shalt  }
0x47: {  	_ =	shalt  }
0x48: {  	_ =	shalt  }
0x49: {  	_ =	shalt  }
0x4a: {  	_ =	shalt  }
0x4b: {  	_ =	shalt  }
0x4c: {  	_ =	shalt  }
0x4d: {  	_ =	shalt  }
0x4e: {  	_ =	shalt  }
0x4f: {  	_ =	shalt  }
0x50: {  	_ =	shalt  }
0x51: {  	_ =	shalt  }
0x52: {  	_ =	shalt  }
0x53: {  	_ =	shalt  }
0x54: {  	_ =	shalt  }
0x55: {  	_ =	shalt  }
0x56: {  	_ =	shalt  }
0x57: {  	_ =	shalt  }
0x58: {  	_ =	shalt  }
0x59: {  	_ =	shalt  }
0x5a: {  	_ =	shalt  }
0x5b: {  	_ =	shalt  }
0x5c: {  	_ =	shalt  }
0x5d: {  	_ =	shalt  }
0x5e: {  	_ =	shalt  }
0x5f: {  	_ =	shalt  }
0x60: {  	_ =	shalt  }
0x61: {  	_ =	shalt  }
0x62: {  	_ =	shalt  }
0x63: {  	_ =	shalt  }
0x64: {  	_ =	shalt  }
0x65: {  	_ =	shalt  }
0x66: {  	_ =	shalt  }
0x67: {  	_ =	shalt  }
0x68: {  	_ =	shalt  }
0x69: {  	_ =	shalt  }
0x6a: {  	_ =	shalt  }
0x6b: {  	_ =	shalt  }
0x6c: {  	_ =	shalt  }
0x6d: {  	_ =	shalt  }
0x6e: {  	_ =	shalt  }
0x6f: {  	_ =	shalt  }
0x70: {  	_ =	shalt  }
0x71: {  	_ =	shalt  }
0x72: {  	_ =	shalt  }
0x73: {  	_ =	shalt  }
0x74: {  	_ =	shalt  }
0x75: {  	_ =	shalt  }
0x76: {  	_ =	shalt  }
0x77: {  	_ =	shalt  }
0x78: {  	_ =	shalt  }
0x79: {  	_ =	shalt  }
0x7a: {  	_ =	shalt  }
0x7b: {  	_ =	shalt  }
0x7c: {  	_ =	shalt  }
0x7d: {  	_ =	shalt  }
0x7e: {  	_ =	shalt  }
0x7f: {  	_ =	shalt  }
0x80: {  	_ =	shalt  }
0x81: {  	_ =	shalt  }
0x82: {  	_ =	shalt  }
0x83: {  	_ =	shalt  }
0x84: {  	_ =	shalt  }
0x85: {  	_ =	shalt  }
0x86: {  	_ =	shalt  }
0x87: {  	_ =	shalt  }
.Lfunc_end0:
.L_simem_size_0:
called_computation.1_lowered:
.L_overlay_start_0:
0x88: {  	s2 =	sld [smem:$0x3FD9]  }
0x89: {  	s3 =	sld [smem:$0x3FFE];
	_ =	sdelay $0x1  }
0x8a: {  	s1 =	srdreg.scid  }
0x8b: {  	s0 =	sand.u32 $0x1, s1  }
0x8c: {  	s17 =	sshll.u32 s0, $0xA;
	s2 =	sadd.s32 s3, s2  }
0x8d: {  	s2 =	sadd.s32 s2, s17  }
0x8e: {  	[smem:$0x3FBE] =	sst s2  }
0x8f: {  	_ = 	snop  }
0x90: {  	s2 =	sld [smem:$0x3FD0];
	(tm) =	ssettm $0x1  }
0x91: {  	s18 =	sld [smem:$0x3FFB];
	_ =	sdelay $0x3  }
0x92: {  	_ =	strace s18  }
0x93: {  	s3 =	sld [smem:$0x3FFC];
	_ =	sdelay $0x3  }
0x94: {  	_ =	strace s3  }
0x95: {  	s3 =	sld [smem:$0x3FFD];
	_ =	sdelay $0x3  }
0x96: {  	_ =	strace s3  }
0x97: {  	_ =	strace $0x8FFFFFFF  }
0x98: {  	s19 =	sld [smem:$0x3FDB];
	_ =	sdelay $0x1  }
0x99: {  	s4 =	simm.s32 $_scs_section_size  }
0x9a: {  	s5 =	simm.s32 $_size__tile_overlayer_lowered;
	s6 =	simm.s32 $_tile_overlayer_lowered  }
0x9b: {  	s22 =	simm.s32 $0x1BFF;
	s21 =	sshll.u32 s6, $0x1;
	s3 =	sadd.s32 s4, s19  }
0x9c: {  	s7 =	simm.s32 $0x0;
	s20 =	sshll.u32 s5, $0x1;
	s5 =	sadd.s32 s21, s3  }
0x9d: {  	[timem:s7], [sflag:s22] =	dma.local [hbm:s5], s20  }
0x9e: {  	_ =	swait.ge [sflag:s22], s20  }
0x9f: {  	s4 =	ssub.s32 $0x0, s20;
	[sflag:s22] =	ssyncset.done $0x0  }
0xa0: {  	[sflag:s22] =	ssyncadd.s32 s4;
	_ =	sdelay $0x1  }
0xa1: {  	s23 =	simm.s32 $0x1B8B  }
0xa2: {  	_ =	swait.ge [sflag:s23], $0x1  }
0xa3: {  	[sflag:s23] =	ssyncset.done $0x0  }
0xa4: {  	s25 =	simm.s32 $0x1B8E;
	s24 =	sld [smem:$0x3FFE];
	[sflag:s23] =	ssyncadd.s32 $0xFFFFFFFF  }
0xa5: {  	s26 =	simm.s32 $execute0_lowered;
	[smem:$0x3FD2] =	sst s25  }
0xa6: {  	s5 =	sshll.u32 s26, $0x1;
	_ =	strace $0x80000049;
	[dreg:$0x1] =	wrdreg $0xFFFFFFFF  }
0xa7: {  	s28 =	simm.s32 $_size_execute0_lowered;
	s3 =	sadd.s32 s3, s5;
	[dreg:$0x0] =	wrdreg $0x0  }
0xa8: {  	s5 =	sshll.u32 s28, $0x1;
	[dreg:$0x2] =	wrdreg s3  }
0xa9: {  	[dreg:$0x3] =	wrdreg s5  }
0xaa: {  	[dreg:$0x4] =	wrdreg $0xC0  }
0xab: {  	_ =	task [dreg:s7], $0x5FFFF  }
0xac: {  	[dreg:$0x1] =	wrdreg $0xFFFFFFFF  }
0xad: {  	[dreg:$0x0] =	wrdreg $0x60  }
0xae: {  	[dreg:$0x2] =	wrdreg s24  }
0xaf: {  	[dreg:$0x3] =	wrdreg s2  }
0xb0: {  	[dreg:$0x4] =	wrdreg $0x84000  }
0xb1: {  	[dreg:$0x5] =	wrdreg $0x9  }
0xb2: {  	_ =	task.clear_ibuf [dreg:s7], $0x6FFFF;
	_ =	strace $0x90000049  }
0xb3: {  	s29 =	simm.s32 $0x9;
	_ =	strace $0x8000004B  }
0xb4: {  	_ =	swait.ge [sflag:s29], $0x1  }
0xb5: {  	[sflag:s29] =	ssyncadd.s32 $0xFFFFFFFF  }
0xb6: {  	_ =	strace $0x9000004B  }
0xb7: {  	_ =	sfence  }
0xb8: {  	s30 =	sld [smem:$0x0];
	_ =	sdelay $0x2  }
0xb9: {  	s31 =	sshll.u32 s1, $0xD;
	s1 =	sshrl.u32 s1, $0x2  }
0xba: {  	s3 =	sand.u32 $0x4000, s31;
	s1 =	sadd.s32 s1, s30  }
0xbb: {  	s0 =	sor.u32 s3, s0;
	s1 =	sshll.u32 s1, $0x11  }
0xbc: {  	s0 =	sor.u32 s1, s0  }
0xbd: {  	s0 =	sadd.s32 $0x8F2B, s0  }
0xbe: {  	[sflag:s0] =	ssyncadd.remote.s32 $0x1  }
0xbf: {  	_ =	sfence.sel $0xFFFF  }
0xc0: {  	[dreg:$0x0] =	wrdreg $0xFFFFFFFF;
	(pc) =	sbr.abs _section_cstart, $3  }
0xc1: {  	[dreg:$0x1] =	wrdreg $0xFFFFFFFF  }
0xc2: {  	_ =	task.clear_ibuf [dreg:s7], $0x2FFFF;
	_ =	strace $0x9FFFFFFF  }
0xc3: {  	(tm) =	ssettm $0x7FFFFFFF  }
tec
execute0_lowered:
.L_overlay_start_1:
0x0: {  	(tag) =	ssettag $0x1  }
0x1: {  	s16 =	rddreg [dreg:$0x0]  }
0x2: {  	s17 =	rddreg [dreg:$0x1]  }
0x3: {  	s2 =	rddreg [dreg:$0x2];
	s3 =	simm.s32 $0x0  }
0x4: {  	s0 =	stileid.u32;
	s4 =	srdreg.scid;
	s23 =	simm.s32 $0x100  }
0x5: {  	s24 =	simm.s32 $0x80;
	s25 =	simm.s32 $0x400;
	s28 =	simm.s32 $0x5  }
0x6: {  	[smem:$0x7FF] =	sst s3;
	s6 =	smul.u32 $0x2780, s0;
	s7 =	sand.u32 $0x1, s4  }
0x7: {  	s4 =	sadd.s32 $0x2B600, s16;
	s5 =	sadd.s32 $0x52800, s16;
	s9 =	smul.u32 $0x9C, s0  }
0x8: {  	s19 =	smin.u32 s0, $0x4;
	s29 =	smul.u32 $0x4F000, s0;
	p0 =	slt.u32 s0, $0x4  }
0x9: {  	s20 =	sadd.s32 $0x128400, s2;
	s22 =	smul.u32 $0x1380, s0;
	s31 =	sadd.s32 $0xCF880, s16  }
0xa: {  	p1 =	seq.s32 s0, $0xF;
	_ =	strace $0x8000004A;
	s8 =	ssub.s32 $0x2, s7  }
0xb: {  	[dreg:$0x5] =	wrdreg s31;
	s15 =	sadd.s32 s6, s16;
	s26 =	sshrl.u32 s8, $0x1  }
0xc: {  	s9 =	sadd.s32 s19, s9;
	s6 =	simm.s32 $0x9D;
	s30 =	sshrl.u32 s29, $0x2  }
0xd: {  	s19 =	sshll.u32 s19, $0x5;
	s18 =	ssub.s32 s8, s26;
	s6 =	simm.s32 @!p0 $0x9C  }
0xe: {  	p0 =	seq.s32 s7, $0x1;
	s21 =	sadd.s32 s30, s2;
	s7 =	sadd.s32 $0x4400, s15  }
0xf: {  	s9 =	sshll.u32 s9, $0x5;
	s8 =	sadd.s32 $0x29480, s16;
	s1 =	sadd.s32 $0xAA800, s15  }
0x10: {  	s15 =	sadd.s32 $0xD1A00, s15;
	s16 =	sadd.s32 $0xF6A80, s16;
	s26 =	simm.s32 $0x1  }
.Ltmp0:
0x11: {  	s9 =	sadd.s32 s17, s9;
	s11 =	sadd.s32 $0xFFFFFFFC, s6;
	(pc) =	sbr.rel .LBB2_1-.Ltmp0, $4  }
0x12: {  	s12 =	sadd.s32 $0xFFFFFFFB, s6;
	[dreg:$0x4] =	wrdreg s1;
	s17 =	sadd.s32 s22, s17  }
0x13: {  	s22 =	sshll.u32 @!p1 s0, $0x6;
	s21 =	sshrl.u32 @!p1 s21, $0x3;
	s19 =	sadd.s32 s19, s17  }
0x14: {  	s10 =	sadd.s32 $0x20, s9;
	s17 =	smax.u32 s18, $0x1;
	s18 =	sadd.s32 $0xA0, s19  }
0x15: {  	s19 =	sshrl.u32 @p1 s20, $0x3;
	s20 =	sor.u32 @!p1 $0x1C06, s22;
	s22 =	simm.s32 $0x6  }
.LBB2_15:
0x16: {  	[bflag:$0x0] =	sbarrier.arrive $0xFFFF;
	s0 =	simm.s32 @p1 $0x1FC6  }
0x17: {  	[hbm:s16], [sflag:s0] =	dma.local @p1 [spmem:s19], $0x2080  }
0x18: {  	s0 =	simm.s32 @p1 $0x6  }
0x19: {  	_ =	swait.ge @p1 [sflag:s0], $0x2080  }
0x1a: {  	[sflag:s0] =	ssyncset.done @p1 $0x0  }
0x1b: {  	[sflag:s0] =	ssyncadd.s32 @p1 $0xFFFFDF80;
	s0 =	simm.s32 @!p1 $0x6  }
0x1c: {  	[hbm:s15], [sflag:s20] =	dma.local @!p1 [spmem:s21], $0x2780  }
0x1d: {  	_ =	swait.ge @!p1 [sflag:s0], $0x2780  }
0x1e: {  	[sflag:s0] =	ssyncset.done @!p1 $0x0  }
0x1f: {  	[sflag:s0] =	ssyncadd.s32 @!p1 $0xFFFFD880  }
.LBB2_16:
0x20: {  	s3 =	sadd.s32 $0x1, s3  }
0x21: {  	p2 =	sne.s32 s3, s17  }
.Ltmp1:
0x22: {  	_ = 	snop;
	(pc) =	sbr.rel @!p2 .LBB2_17-.Ltmp1, $1  }
0x23: {  	_ =	sdelay $0x3  }
.LBB2_1:
.Ltmp2:
0x24: {  	(pc) =	sbr.rel @!p0 .LBB2_2-.Ltmp2, $1  }
0x25: {  	_ =	sdelay $0x3  }
0x26: {  	s0 =	simm.s32 @p1 $0x1FC6  }
0x27: {  	[spmem:s19], [sflag:s0] =	dma.local @p1 [hbm:s8], $0x2080  }
0x28: {  	s0 =	simm.s32 @p1 $0x6  }
0x29: {  	_ =	swait.ge @p1 [sflag:s0], $0x2080  }
0x2a: {  	[sflag:s0] =	ssyncset.done @p1 $0x0  }
0x2b: {  	[sflag:s0] =	ssyncadd.s32 @p1 $0xFFFFDF80;
	s0 =	simm.s32 @!p1 $0x6  }
0x2c: {  	[spmem:s21], [sflag:s20] =	dma.local @!p1 [hbm:s7], $0x2780  }
0x2d: {  	_ =	swait.ge @!p1 [sflag:s0], $0x2780  }
0x2e: {  	[sflag:s0] =	ssyncset.done @!p1 $0x0  }
0x2f: {  	[sflag:s0] =	ssyncadd.s32 @!p1 $0xFFFFD880  }
0x30: {  	s29 =	simm.s32 $0x0;
	[bflag:$0x0] =	sbarrier.arrive $0xFFFF  }
0x31: {  	[tilespmem:s29], [sflag:$0x6] =	stream.linear.gather [hbm4b:s9+s29], $0x100, $0x38;
	[tilespmem:$0x1BC80] =	vst v63  }
0x32: {  	_ =	swait.ge [sflag:s22], $0x100  }
0x33: {  	[sflag:s22] =	ssyncset.done $0x0  }
0x34: {  	[sflag:s22] =	ssyncadd.s32 $0xFFFFFF00  }
0x35: {  	[tilespmem:s23], [sflag:$0x6] =	stream.linear.gather [hbm4b:s10+s29], $0x100, $0x38;
	[tilespmem:$0x1BC80] =	vst v63  }
.Ltmp3:
0x36: {  	_ = 	snop;
	(pc) =	sbr.rel .LBB2_10-.Ltmp3, $4  }
0x37: {  	_ =	swait.ge [sflag:s22], $0x100  }
0x38: {  	[sflag:s22] =	ssyncset.done $0x0  }
0x39: {  	s30 =	smov.u32 s18;
	[sflag:s22] =	ssyncadd.s32 $0xFFFFFF00  }
0x3a: {  	[tilespmem:s25], [sflag:$0x2] =	stream.indirect.gather [hbm4b:s5+s24], $0x80, s29, s24, $0xb8;
	[tilespmem:$0x1BC80] =	vst v63  }
.LBB2_11:
0x3b: {  	_ =	swait.ge [sflag:s26], $0x100  }
0x3c: {  	[sflag:s26] =	ssyncset.done $0x0  }
0x3d: {  	[sflag:s26] =	ssyncadd.s32 $0xFFFFFF00  }
.LBB2_13:
0x3e: {  	_ =	swait.ge [sflag:s28], $0x4000  }
0x3f: {  	[sflag:s28] =	ssyncset.done $0x0  }
0x40: {  	[sflag:s28] =	ssyncadd.s32 $0xFFFFC000  }
.LBB2_14:
0x41: {  	p3 =	sge.u32 s31, s6;
	p4 =	sge.u32 s29, s6  }
0x42: {  	s0 =	simm.s32 @!p3 $0x80;
	s1 =	simm.s32 @!p3 $0x100;
	s13 =	simm.s32 @!p3 $0x4400  }
0x43: {  	[tilespmem:s13], [sflag:$0x3] =	stream.indirect.gather @!p3 [hbm4b:s5+s0], $0x80, s1, s0, $0xb8;
	[tilespmem:$0x1BC80] =	vst v63  }
0x44: {  	s1 =	simm.s32 @!p4 $0x2  }
0x45: {  	_ =	swait.ge @!p4 [sflag:s1], $0x4000  }
0x46: {  	[sflag:s1] =	ssyncset.done @!p4 $0x0  }
0x47: {  	s14 =	simm.s32 @!p4 $0x400;
	[sflag:s1] =	ssyncadd.s32 @!p4 $0xFFFFC000;
	s1 =	simm.s32 @!p4 $0x80  }
0x48: {  	[spmem:s2] =	stream.indirect.scatter.add.f32 @!p4 [tilespmem:s14], [sflag:$0x4], $0x80, s1, s1, $0xb8;
	[tilespmem:$0x1BC80] =	vst v63  }
0x49: {  	s14 =	sadd.s32 $0x2, s29  }
0x4a: {  	p2 =	sge.u32 s14, s6  }
0x4b: {  	s1 =	sadd.s32 @!p2 $0xFFFFFFA0, s30;
	s14 =	simm.s32 @!p2 $0x0;
	s31 =	simm.s32 @!p2 $0x200  }
0x4c: {  	[tilespmem:s31], [sflag:$0x1] =	stream.linear.gather @!p2 [hbm4b:s1+s14], $0x100, $0x38;
	[tilespmem:$0x1BC80] =	vst v63  }
0x4d: {  	s1 =	simm.s32 @!p2 $0x1  }
0x4e: {  	_ =	swait.ge @!p2 [sflag:s1], $0x100  }
0x4f: {  	[sflag:s1] =	ssyncset.done @!p2 $0x0  }
0x50: {  	[sflag:s1] =	ssyncadd.s32 @!p2 $0xFFFFFF00;
	s1 =	simm.s32 @!p4 $0x4  }
0x51: {  	_ =	swait.ge @!p4 [sflag:s1], $0x4000  }
0x52: {  	[sflag:s1] =	ssyncset.done @!p4 $0x0  }
0x53: {  	s14 =	simm.s32 @!p2 $0x400;
	[sflag:s1] =	ssyncadd.s32 @!p4 $0xFFFFC000;
	s1 =	simm.s32 @!p2 $0x80  }
0x54: {  	[tilespmem:s14], [sflag:$0x2] =	stream.indirect.gather @!p2 [hbm4b:s5+s1], $0x80, s31, s1, $0xb8;
	[tilespmem:$0x1BC80] =	vst v63  }
0x55: {  	s31 =	simm.s32 @!p3 $0x3  }
0x56: {  	_ =	swait.ge @!p3 [sflag:s31], $0x4000  }
0x57: {  	[sflag:s31] =	ssyncset.done @!p3 $0x0  }
0x58: {  	[sflag:s31] =	ssyncadd.s32 @!p3 $0xFFFFC000;
	s31 =	simm.s32 @!p3 $0x180  }
0x59: {  	[spmem:s2] =	stream.indirect.scatter.add.f32 @!p3 [tilespmem:s13], [sflag:$0x5], $0x80, s31, s0, $0xb8;
	[tilespmem:$0x1BC80] =	vst v63  }
0x5a: {  	s31 =	sadd.s32 $0x3, s29  }
0x5b: {  	p4 =	sge.u32 s31, s6  }
0x5c: {  	s0 =	sadd.s32 @!p4 $0xFFFFFFC0, s30;
	s13 =	simm.s32 @!p4 $0x0;
	s31 =	simm.s32 @!p4 $0x300  }
0x5d: {  	[tilespmem:s31], [sflag:$0x1] =	stream.linear.gather @!p4 [hbm4b:s0+s13], $0x100, $0x38;
	[tilespmem:$0x1BC80] =	vst v63  }
0x5e: {  	s0 =	simm.s32 @!p4 $0x1  }
0x5f: {  	_ =	swait.ge @!p4 [sflag:s0], $0x100  }
0x60: {  	[sflag:s0] =	ssyncset.done @!p4 $0x0  }
0x61: {  	[sflag:s0] =	ssyncadd.s32 @!p4 $0xFFFFFF00;
	s0 =	simm.s32 @!p3 $0x5  }
0x62: {  	_ =	swait.ge @!p3 [sflag:s0], $0x4000  }
0x63: {  	[sflag:s0] =	ssyncset.done @!p3 $0x0  }
0x64: {  	s13 =	simm.s32 @!p4 $0x4400;
	[sflag:s0] =	ssyncadd.s32 @!p3 $0xFFFFC000;
	s0 =	simm.s32 @!p4 $0x80  }
0x65: {  	[tilespmem:s13], [sflag:$0x3] =	stream.indirect.gather @!p4 [hbm4b:s5+s0], $0x80, s31, s0, $0xb8;
	[tilespmem:$0x1BC80] =	vst v63  }
0x66: {  	s31 =	simm.s32 @!p2 $0x2  }
0x67: {  	_ =	swait.ge @!p2 [sflag:s31], $0x4000  }
0x68: {  	[sflag:s31] =	ssyncset.done @!p2 $0x0  }
0x69: {  	p3 =	sge.u32 s29, s11;
	[sflag:s31] =	ssyncadd.s32 @!p2 $0xFFFFC000;
	s31 =	simm.s32 @!p2 $0x280  }
0x6a: {  	[spmem:s2] =	stream.indirect.scatter.add.f32 @!p2 [tilespmem:s14], [sflag:$0x4], $0x80, s31, s1, $0xb8;
	[tilespmem:$0x1BC80] =	vst v63  }
0x6b: {  	s1 =	sadd.s32 @!p3 $0xFFFFFFE0, s30;
	s14 =	simm.s32 @!p3 $0x0  }
0x6c: {  	[tilespmem:s14], [sflag:$0x1] =	stream.linear.gather @!p3 [hbm4b:s1+s14], $0x100, $0x38;
	[tilespmem:$0x1BC80] =	vst v63  }
0x6d: {  	s1 =	simm.s32 @!p3 $0x1  }
0x6e: {  	_ =	swait.ge @!p3 [sflag:s1], $0x100  }
0x6f: {  	[sflag:s1] =	ssyncset.done @!p3 $0x0  }
0x70: {  	[sflag:s1] =	ssyncadd.s32 @!p3 $0xFFFFFF00;
	s1 =	simm.s32 @!p2 $0x4  }
0x71: {  	_ =	swait.ge @!p2 [sflag:s1], $0x4000  }
0x72: {  	[sflag:s1] =	ssyncset.done @!p2 $0x0  }
0x73: {  	s31 =	simm.s32 @!p3 $0x400;
	[sflag:s1] =	ssyncadd.s32 @!p2 $0xFFFFC000;
	s1 =	simm.s32 @!p3 $0x80  }
0x74: {  	[tilespmem:s31], [sflag:$0x2] =	stream.indirect.gather @!p3 [hbm4b:s5+s1], $0x80, s14, s1, $0xb8;
	[tilespmem:$0x1BC80] =	vst v63  }
0x75: {  	s1 =	simm.s32 @!p4 $0x3  }
0x76: {  	_ =	swait.ge @!p4 [sflag:s1], $0x4000  }
0x77: {  	[sflag:s1] =	ssyncset.done @!p4 $0x0  }
0x78: {  	p2 =	sge.u32 s29, s12;
	[sflag:s1] =	ssyncadd.s32 @!p4 $0xFFFFC000;
	s1 =	simm.s32 @!p4 $0x380  }
0x79: {  	[spmem:s2] =	stream.indirect.scatter.add.f32 @!p4 [tilespmem:s13], [sflag:$0x5], $0x80, s1, s0, $0xb8;
	[tilespmem:$0x1BC80] =	vst v63  }
0x7a: {  	s29 =	sadd.s32 $0x4, s29;
	s0 =	simm.s32 @!p2 $0x0;
	s1 =	simm.s32 @!p2 $0x100  }
0x7b: {  	[tilespmem:s1], [sflag:$0x1] =	stream.linear.gather @!p2 [hbm4b:s30+s0], $0x100, $0x38;
	[tilespmem:$0x1BC80] =	vst v63  }
0x7c: {  	p2 =	sne.s32 s29, $0xA0  }
.Ltmp4:
0x7d: {  	_ = 	snop;
	(pc) =	sbr.rel @!p2 .LBB2_15-.Ltmp4, $2  }
0x7e: {  	_ =	sdelay $0x2  }
0x7f: {  	s30 =	sadd.s32 $0x80, s30  }
.LBB2_10:
0x80: {  	p2 =	seq.s32 s29, $0x0;
	s31 =	sadd.s32 $0x1, s29  }
0x81: {  	p3 =	sge.u32 @!p2 s31, s6  }
0x82: {  	p3 =	por p2, p3  }
.Ltmp5:
0x83: {  	_ = 	snop;
	(pc) =	sbr.rel @!p3 .LBB2_11-.Ltmp5, $1  }
0x84: {  	_ =	sdelay $0x3  }
.Ltmp6:
0x85: {  	(pc) =	sbr.rel @!p2 .LBB2_13-.Ltmp6, $4  }
.Ltmp7:
0x86: {  	(pc) =	sbr.rel @p2 .LBB2_14-.Ltmp7, $4  }
0x87: {  	_ = 	snop  }
0x88: {  	_ = 	snop  }
0x89: {  	_ = 	snop  }
0x8a: {  	_ = 	snop  }
.LBB2_2:
0x8b: {  	s29 =	simm.s32 @p1 $0x1FC6  }
0x8c: {  	[spmem:s19], [sflag:s29] =	dma.local @p1 [hbm:s8], $0x2080  }
0x8d: {  	s29 =	simm.s32 @p1 $0x6  }
0x8e: {  	_ =	swait.ge @p1 [sflag:s29], $0x2080  }
0x8f: {  	[sflag:s29] =	ssyncset.done @p1 $0x0  }
0x90: {  	[sflag:s29] =	ssyncadd.s32 @p1 $0xFFFFDF80;
	s29 =	simm.s32 @!p1 $0x6  }
0x91: {  	[spmem:s21], [sflag:s20] =	dma.local @!p1 [hbm:s7], $0x2780  }
0x92: {  	_ =	swait.ge @!p1 [sflag:s29], $0x2780  }
0x93: {  	[sflag:s29] =	ssyncset.done @!p1 $0x0  }
0x94: {  	[sflag:s29] =	ssyncadd.s32 @!p1 $0xFFFFD880  }
0x95: {  	s29 =	simm.s32 $0x0;
	[bflag:$0x0] =	sbarrier.arrive $0xFFFF  }
0x96: {  	[tilespmem:s29], [sflag:$0x6] =	stream.linear.gather [hbm4b:s9+s29], $0x100, $0x38;
	[tilespmem:$0x1BC80] =	vst v63  }
0x97: {  	_ =	swait.ge [sflag:s22], $0x100  }
0x98: {  	[sflag:s22] =	ssyncset.done $0x0  }
0x99: {  	[sflag:s22] =	ssyncadd.s32 $0xFFFFFF00  }
0x9a: {  	[tilespmem:s23], [sflag:$0x6] =	stream.linear.gather [hbm4b:s10+s29], $0x100, $0x38;
	[tilespmem:$0x1BC80] =	vst v63  }
.Ltmp8:
0x9b: {  	_ = 	snop;
	(pc) =	sbr.rel .LBB2_3-.Ltmp8, $4  }
0x9c: {  	_ =	swait.ge [sflag:s22], $0x100  }
0x9d: {  	[sflag:s22] =	ssyncset.done $0x0  }
0x9e: {  	s30 =	smov.u32 s18;
	[sflag:s22] =	ssyncadd.s32 $0xFFFFFF00  }
0x9f: {  	[tilespmem:s25], [sflag:$0x2] =	stream.indirect.gather [hbm4b:s4+s24], $0x80, s29, s24, $0xb8;
	[tilespmem:$0x1BC80] =	vst v63  }
.LBB2_4:
0xa0: {  	_ =	swait.ge [sflag:s26], $0x100  }
0xa1: {  	[sflag:s26] =	ssyncset.done $0x0  }
0xa2: {  	[sflag:s26] =	ssyncadd.s32 $0xFFFFFF00  }
.LBB2_6:
0xa3: {  	_ =	swait.ge [sflag:s28], $0x4000  }
0xa4: {  	[sflag:s28] =	ssyncset.done $0x0  }
0xa5: {  	[sflag:s28] =	ssyncadd.s32 $0xFFFFC000  }
.LBB2_7:
0xa6: {  	p3 =	sge.u32 s31, s6;
	p4 =	sge.u32 s29, s6  }
0xa7: {  	s31 =	simm.s32 @!p3 $0x80;
	s0 =	simm.s32 @!p3 $0x100;
	s1 =	simm.s32 @!p3 $0x4400  }
0xa8: {  	[tilespmem:s1], [sflag:$0x3] =	stream.indirect.gather @!p3 [hbm4b:s4+s31], $0x80, s0, s31, $0xb8;
	[tilespmem:$0x1BC80] =	vst v63  }
0xa9: {  	s0 =	simm.s32 @!p4 $0x2  }
0xaa: {  	_ =	swait.ge @!p4 [sflag:s0], $0x4000  }
0xab: {  	s14 =	sadd.s32 $0x2, s29;
	s13 =	simm.s32 @!p4 $0x400;
	[sflag:s0] =	ssyncset.done @!p4 $0x0  }
0xac: {  	p2 =	sge.u32 s14, s6;
	[sflag:s0] =	ssyncadd.s32 @!p4 $0xFFFFC000;
	s0 =	simm.s32 @!p4 $0x80  }
0xad: {  	[spmem:s2] =	stream.indirect.scatter.add.f32 @!p4 [tilespmem:s13], [sflag:$0x4], $0x80, s0, s0, $0xb8;
	[tilespmem:$0x1BC80] =	vst v63  }
0xae: {  	s14 =	simm.s32 @!p2 $0x200;
	s0 =	sadd.s32 @!p2 $0xFFFFFFA0, s30;
	s13 =	simm.s32 @!p2 $0x0  }
0xaf: {  	[tilespmem:s14], [sflag:$0x1] =	stream.linear.gather @!p2 [hbm4b:s0+s13], $0x100, $0x38;
	[tilespmem:$0x1BC80] =	vst v63  }
0xb0: {  	s0 =	simm.s32 @!p2 $0x1  }
0xb1: {  	_ =	swait.ge @!p2 [sflag:s0], $0x100  }
0xb2: {  	[sflag:s0] =	ssyncset.done @!p2 $0x0  }
0xb3: {  	[sflag:s0] =	ssyncadd.s32 @!p2 $0xFFFFFF00;
	s0 =	simm.s32 @!p4 $0x4  }
0xb4: {  	_ =	swait.ge @!p4 [sflag:s0], $0x4000  }
0xb5: {  	[sflag:s0] =	ssyncset.done @!p4 $0x0  }
0xb6: {  	s13 =	simm.s32 @!p2 $0x400;
	[sflag:s0] =	ssyncadd.s32 @!p4 $0xFFFFC000;
	s0 =	simm.s32 @!p2 $0x80  }
0xb7: {  	[tilespmem:s13], [sflag:$0x2] =	stream.indirect.gather @!p2 [hbm4b:s4+s0], $0x80, s14, s0, $0xb8;
	[tilespmem:$0x1BC80] =	vst v63  }
0xb8: {  	s14 =	simm.s32 @!p3 $0x3  }
0xb9: {  	_ =	swait.ge @!p3 [sflag:s14], $0x4000  }
0xba: {  	[sflag:s14] =	ssyncset.done @!p3 $0x0  }
0xbb: {  	[sflag:s14] =	ssyncadd.s32 @!p3 $0xFFFFC000;
	s14 =	simm.s32 @!p3 $0x180  }
0xbc: {  	[spmem:s2] =	stream.indirect.scatter.add.f32 @!p3 [tilespmem:s1], [sflag:$0x5], $0x80, s14, s31, $0xb8;
	[tilespmem:$0x1BC80] =	vst v63  }
0xbd: {  	s31 =	sadd.s32 $0x3, s29  }
0xbe: {  	p4 =	sge.u32 s31, s6  }
0xbf: {  	s1 =	sadd.s32 @!p4 $0xFFFFFFC0, s30;
	s14 =	simm.s32 @!p4 $0x0;
	s31 =	simm.s32 @!p4 $0x300  }
0xc0: {  	[tilespmem:s31], [sflag:$0x1] =	stream.linear.gather @!p4 [hbm4b:s1+s14], $0x100, $0x38;
	[tilespmem:$0x1BC80] =	vst v63  }
0xc1: {  	s1 =	simm.s32 @!p4 $0x1  }
0xc2: {  	_ =	swait.ge @!p4 [sflag:s1], $0x100  }
0xc3: {  	[sflag:s1] =	ssyncset.done @!p4 $0x0  }
0xc4: {  	[sflag:s1] =	ssyncadd.s32 @!p4 $0xFFFFFF00;
	s1 =	simm.s32 @!p3 $0x5  }
0xc5: {  	_ =	swait.ge @!p3 [sflag:s1], $0x4000  }
0xc6: {  	[sflag:s1] =	ssyncset.done @!p3 $0x0  }
0xc7: {  	s14 =	simm.s32 @!p4 $0x4400;
	[sflag:s1] =	ssyncadd.s32 @!p3 $0xFFFFC000;
	s1 =	simm.s32 @!p4 $0x80  }
0xc8: {  	[tilespmem:s14], [sflag:$0x3] =	stream.indirect.gather @!p4 [hbm4b:s4+s1], $0x80, s31, s1, $0xb8;
	[tilespmem:$0x1BC80] =	vst v63  }
0xc9: {  	s31 =	simm.s32 @!p2 $0x2  }
0xca: {  	_ =	swait.ge @!p2 [sflag:s31], $0x4000  }
0xcb: {  	[sflag:s31] =	ssyncset.done @!p2 $0x0  }
0xcc: {  	p3 =	sge.u32 s29, s11;
	[sflag:s31] =	ssyncadd.s32 @!p2 $0xFFFFC000;
	s31 =	simm.s32 @!p2 $0x280  }
0xcd: {  	[spmem:s2] =	stream.indirect.scatter.add.f32 @!p2 [tilespmem:s13], [sflag:$0x4], $0x80, s31, s0, $0xb8;
	[tilespmem:$0x1BC80] =	vst v63  }
0xce: {  	s0 =	sadd.s32 @!p3 $0xFFFFFFE0, s30;
	s13 =	simm.s32 @!p3 $0x0  }
0xcf: {  	[tilespmem:s13], [sflag:$0x1] =	stream.linear.gather @!p3 [hbm4b:s0+s13], $0x100, $0x38;
	[tilespmem:$0x1BC80] =	vst v63  }
0xd0: {  	s0 =	simm.s32 @!p3 $0x1  }
0xd1: {  	_ =	swait.ge @!p3 [sflag:s0], $0x100  }
0xd2: {  	[sflag:s0] =	ssyncset.done @!p3 $0x0  }
0xd3: {  	[sflag:s0] =	ssyncadd.s32 @!p3 $0xFFFFFF00;
	s0 =	simm.s32 @!p2 $0x4  }
0xd4: {  	_ =	swait.ge @!p2 [sflag:s0], $0x4000  }
0xd5: {  	[sflag:s0] =	ssyncset.done @!p2 $0x0  }
0xd6: {  	s31 =	simm.s32 @!p3 $0x400;
	[sflag:s0] =	ssyncadd.s32 @!p2 $0xFFFFC000;
	s0 =	simm.s32 @!p3 $0x80  }
0xd7: {  	[tilespmem:s31], [sflag:$0x2] =	stream.indirect.gather @!p3 [hbm4b:s4+s0], $0x80, s13, s0, $0xb8;
	[tilespmem:$0x1BC80] =	vst v63  }
0xd8: {  	s0 =	simm.s32 @!p4 $0x3  }
0xd9: {  	_ =	swait.ge @!p4 [sflag:s0], $0x4000  }
0xda: {  	[sflag:s0] =	ssyncset.done @!p4 $0x0  }
0xdb: {  	p2 =	sge.u32 s29, s12;
	[sflag:s0] =	ssyncadd.s32 @!p4 $0xFFFFC000;
	s0 =	simm.s32 @!p4 $0x380  }
0xdc: {  	[spmem:s2] =	stream.indirect.scatter.add.f32 @!p4 [tilespmem:s14], [sflag:$0x5], $0x80, s0, s1, $0xb8;
	[tilespmem:$0x1BC80] =	vst v63  }
0xdd: {  	s29 =	sadd.s32 $0x4, s29;
	s0 =	simm.s32 @!p2 $0x0;
	s1 =	simm.s32 @!p2 $0x100  }
0xde: {  	[tilespmem:s1], [sflag:$0x1] =	stream.linear.gather @!p2 [hbm4b:s30+s0], $0x100, $0x38;
	[tilespmem:$0x1BC80] =	vst v63  }
0xdf: {  	p2 =	sne.s32 s29, $0xA0  }
.Ltmp9:
0xe0: {  	_ = 	snop;
	(pc) =	sbr.rel @!p2 .LBB2_8-.Ltmp9, $2  }
0xe1: {  	_ =	sdelay $0x2  }
0xe2: {  	s30 =	sadd.s32 $0x80, s30  }
.LBB2_3:
0xe3: {  	p2 =	seq.s32 s29, $0x0;
	s31 =	sadd.s32 $0x1, s29  }
0xe4: {  	p3 =	sge.u32 @!p2 s31, s6  }
0xe5: {  	p3 =	por p2, p3  }
.Ltmp10:
0xe6: {  	_ = 	snop;
	(pc) =	sbr.rel @!p3 .LBB2_4-.Ltmp10, $1  }
0xe7: {  	_ =	sdelay $0x3  }
.Ltmp11:
0xe8: {  	(pc) =	sbr.rel @!p2 .LBB2_6-.Ltmp11, $4  }
.Ltmp12:
0xe9: {  	(pc) =	sbr.rel @p2 .LBB2_7-.Ltmp12, $4  }
0xea: {  	_ = 	snop  }
0xeb: {  	_ = 	snop  }
0xec: {  	_ = 	snop  }
0xed: {  	_ = 	snop  }
.LBB2_8:
0xee: {  	[bflag:$0x0] =	sbarrier.arrive $0xFFFF  }
0xef: {  	s0 =	simm.s32 @p1 $0x1FC6;
	s1 =	rddreg [dreg:$0x5]  }
0xf0: {  	[hbm:s1], [sflag:s0] =	dma.local @p1 [spmem:s19], $0x2080  }
0xf1: {  	s0 =	simm.s32 @p1 $0x6  }
0xf2: {  	_ =	swait.ge @p1 [sflag:s0], $0x2080  }
0xf3: {  	[sflag:s0] =	ssyncset.done @p1 $0x0  }
0xf4: {  	[sflag:s0] =	ssyncadd.s32 @p1 $0xFFFFDF80;
	s0 =	rddreg [dreg:$0x4]  }
0xf5: {  	[hbm:s0], [sflag:s20] =	dma.local @!p1 [spmem:s21], $0x2780  }
.Ltmp13:
0xf6: {  	_ = 	snop;
	(pc) =	sbr.rel .LBB2_16-.Ltmp13, $4  }
0xf7: {  	s0 =	simm.s32 @!p1 $0x6  }
0xf8: {  	_ =	swait.ge @!p1 [sflag:s0], $0x2780  }
0xf9: {  	[sflag:s0] =	ssyncset.done @!p1 $0x0  }
0xfa: {  	[sflag:s0] =	ssyncadd.s32 @!p1 $0xFFFFD880  }
.LBB2_17:
0xfb: {  	_ =	sfence.sel $0x180000  }
0xfc: {  	[bflag:$0x0] =	sbarrier.arrive $0xFFFF  }
0xfd: {  	_ =	strace $0x9000004A  }
0xfe: {  	s0 =	stileid.u32;
	[bflag:$0x2] =	sbarrier.arrive $0xFFFF  }
0xff: {  	p0 =	sne.s32 s0, $0x0;
	s0 =	rddreg [dreg:$0x3]  }
0x100: {  	s0 =	sadd.s32 @!p0 $0x100000, s0  }
0x101: {  	[sflag:s0] =	ssyncadd.tile.s32 @!p0 $0x1;
	_ =	shalt  }
.Lfunc_end2:
_tile_overlayer_lowered:
.L_overlay_start_2:
0x102: {  	(tag) =	ssettag $0x2  }
0x103: {  	s0 =	rddreg [dreg:$0x0];
	s2 =	stileid.u32  }
0x104: {  	s1 =	rddreg [dreg:$0x1];
	p0 =	sne.s32 s2, $0x0  }
0x105: {  	s3 =	rddreg [dreg:$0x2];
	[bflag:$0x3] =	sbarrier.arrive $0xFFFF;
	s2 =	simm.s32 @!p0 $0x1C06  }
0x106: {  	[timem:s3], [sflag:s2] =	dma.local @!p0 [hbm:s0], s1  }
0x107: {  	s0 =	simm.s32 @!p0 $0x6  }
0x108: {  	_ =	swait.ge @!p0 [sflag:s0], s1  }
0x109: {  	s1 =	ssub.s32 @!p0 $0x0, s1;
	[sflag:s0] =	ssyncset.done @!p0 $0x0  }
0x10a: {  	[sflag:s0] =	ssyncadd.s32 @!p0 s1  }
0x10b: {  	[bflag:$0x3] =	sbarrier.arrive $0xFFFF  }
0x10c: {  	_ =	shalt  }

</sc_bundles>
